<compile_context>
chip_gen: v7x
topology: tpu7x:2x2x1
jax: 0.10.2.dev20260603
libtpu: 0.0.44.dev20260713+nightly
codegen_flags: <defaults>
</compile_context>

<pallas_src>
import functools

import jax
import jax.numpy as jnp
from jax import lax
from jax.experimental import pallas as pl
from jax.experimental.pallas import tpu as pltpu
from jax.experimental.pallas import tpu_sc as plsc

B_G, N_G, F_IN = 10, 1000, 128
E_EDGES = 320000
H1_DIM, H2_DIM, OUT_DIM = 64, 32, 16
NODES = B_G * N_G

NC, NS = 2, 16
CHUNK = 128
NCHUNK = 160
E_PAD = NS * NCHUNK * CHUNK
ACC_ROWS = 10240
RPT = ACC_ROWS // NS

K_GRP = 5
NGRP = NCHUNK // K_GRP
E_ROWS = E_EDGES // CHUNK
PAD_ROWS = NS * NCHUNK


def _make_segsum(d: int):
    dh = d // 2
    mesh = plsc.VectorSubcoreMesh(core_axis_name="c", subcore_axis_name="s")

    @functools.partial(
        pl.kernel,
        out_type=pltpu.HBM((NC * ACC_ROWS, dh), jnp.float32),
        mesh=mesh,
        compiler_params=pltpu.CompilerParams(use_tc_tiling_on_sc=False),
        scratch_types=[
            pltpu.VMEM((NCHUNK, CHUNK), jnp.int32),
            pltpu.VMEM((NCHUNK, CHUNK), jnp.int32),
            pltpu.VMEM((2, K_GRP, CHUNK, dh), jnp.float32),
            pltpu.VMEM_SHARED((ACC_ROWS, dh), jnp.float32),
            pltpu.VMEM_SHARED((ACC_ROWS, dh), jnp.float32),
            pltpu.SemaphoreType.DMA((2,)),
            pltpu.SemaphoreType.DMA((2,)),
        ],
    )
    def seg(src_hbm, dst_hbm, p_hbm, zero_hbm, out_hbm,
            src_v, dst_v, rows_v, acc, ptab, gsem, ssem):
        cid = lax.axis_index("c")
        sid = lax.axis_index("s")
        pltpu.sync_copy(src_hbm.at[pl.ds(sid * NCHUNK, NCHUNK)], src_v)
        pltpu.sync_copy(dst_hbm.at[pl.ds(sid * NCHUNK, NCHUNK)], dst_v)
        pltpu.sync_copy(p_hbm.at[pl.ds(cid * ACC_ROWS + sid * RPT, RPT)],
                        ptab.at[pl.ds(sid * RPT, RPT)])
        pltpu.sync_copy(zero_hbm, acc.at[pl.ds(sid * RPT, RPT)])
        plsc.subcore_barrier()

        def gathers(h, g):
            for b in range(K_GRP):
                pltpu.async_copy(ptab.at[src_v.at[g * K_GRP + b]],
                                 rows_v.at[h, b], gsem.at[h])

        def drain_gathers(h, g):
            for b in range(K_GRP):
                pltpu.make_async_copy(ptab.at[src_v.at[g * K_GRP + b]],
                                      rows_v.at[h, b], gsem.at[h]).wait()

        def scatters(h, g):
            for b in range(K_GRP):
                pltpu.async_copy(rows_v.at[h, b],
                                 acc.at[dst_v.at[g * K_GRP + b]],
                                 ssem.at[h], add=True)

        def drain_scatters(h, g):
            for b in range(K_GRP):
                pltpu.make_async_copy(rows_v.at[h, b],
                                      acc.at[dst_v.at[g * K_GRP + b]],
                                      ssem.at[h]).wait()

        gathers(0, 0)

        def body(t, carry):
            g = 2 * t
            gathers(1, g + 1)
            drain_gathers(0, g)
            scatters(0, g)
            drain_scatters(0, g)

            @pl.when(g + 2 < NGRP)
            def _():
                gathers(0, g + 2)
            drain_gathers(1, g + 1)
            scatters(1, g + 1)
            drain_scatters(1, g + 1)
            return carry

        lax.fori_loop(0, NGRP // 2, body, 0)
        plsc.subcore_barrier()
        pltpu.sync_copy(acc.at[pl.ds(sid * RPT, RPT)],
                        out_hbm.at[pl.ds(cid * ACC_ROWS + sid * RPT, RPT)])

    return seg


_segsum_h1 = _make_segsum(H1_DIM)

E_HALF_ROWS = PAD_ROWS // NC
NCHUNK2 = E_HALF_ROWS // NS
NGRP2 = NCHUNK2 // K_GRP


def _make_segsum_edges(d: int):
    mesh = plsc.VectorSubcoreMesh(core_axis_name="c", subcore_axis_name="s")

    @functools.partial(
        pl.kernel,
        out_type=[pltpu.HBM((ACC_ROWS, d), jnp.float32),
                  pltpu.HBM((ACC_ROWS, d), jnp.float32)],
        mesh=mesh,
        compiler_params=pltpu.CompilerParams(use_tc_tiling_on_sc=False),
        scratch_types=[
            pltpu.VMEM((NCHUNK2, CHUNK), jnp.int32),
            pltpu.VMEM((NCHUNK2, CHUNK), jnp.int32),
            pltpu.VMEM((2, K_GRP, CHUNK, d), jnp.float32),
            pltpu.VMEM_SHARED((ACC_ROWS, d), jnp.float32),
            pltpu.VMEM_SHARED((ACC_ROWS, d), jnp.float32),
            pltpu.SemaphoreType.DMA((2,)),
            pltpu.SemaphoreType.DMA((2,)),
        ],
    )
    def seg(src_hbm, dst_hbm, p_hbm, zero_hbm, out0_hbm, out1_hbm,
            src_v, dst_v, rows_v, acc, ptab, gsem, ssem):
        cid = lax.axis_index("c")
        sid = lax.axis_index("s")
        base = cid * E_HALF_ROWS + sid * NCHUNK2
        pltpu.sync_copy(src_hbm.at[pl.ds(base, NCHUNK2)], src_v)
        pltpu.sync_copy(dst_hbm.at[pl.ds(base, NCHUNK2)], dst_v)
        pltpu.sync_copy(p_hbm.at[pl.ds(sid * RPT, RPT)],
                        ptab.at[pl.ds(sid * RPT, RPT)])
        pltpu.sync_copy(zero_hbm, acc.at[pl.ds(sid * RPT, RPT)])
        plsc.subcore_barrier()

        def gathers(h, g):
            for b in range(K_GRP):
                pltpu.async_copy(ptab.at[src_v.at[g * K_GRP + b]],
                                 rows_v.at[h, b], gsem.at[h])

        def drain_gathers(h, g):
            for b in range(K_GRP):
                pltpu.make_async_copy(ptab.at[src_v.at[g * K_GRP + b]],
                                      rows_v.at[h, b], gsem.at[h]).wait()

        def scatters(h, g):
            for b in range(K_GRP):
                pltpu.async_copy(rows_v.at[h, b],
                                 acc.at[dst_v.at[g * K_GRP + b]],
                                 ssem.at[h], add=True)

        def drain_scatters(h, g):
            for b in range(K_GRP):
                pltpu.make_async_copy(rows_v.at[h, b],
                                      acc.at[dst_v.at[g * K_GRP + b]],
                                      ssem.at[h]).wait()

        gathers(0, 0)

        def body(t, carry):
            g = 2 * t
            gathers(1, g + 1)
            drain_gathers(0, g)
            scatters(0, g)
            drain_scatters(0, g)

            @pl.when(g + 2 < NGRP2)
            def _():
                gathers(0, g + 2)
            drain_gathers(1, g + 1)
            scatters(1, g + 1)
            drain_scatters(1, g + 1)
            return carry

        lax.fori_loop(0, NGRP2 // 2, body, 0)
        plsc.subcore_barrier()

        @pl.when(cid == 0)
        def _():
            pltpu.sync_copy(acc.at[pl.ds(sid * RPT, RPT)],
                            out0_hbm.at[pl.ds(sid * RPT, RPT)])

        @pl.when(cid == 1)
        def _():
            pltpu.sync_copy(acc.at[pl.ds(sid * RPT, RPT)],
                            out1_hbm.at[pl.ds(sid * RPT, RPT)])

    return seg


_segsum_h2 = _make_segsum_edges(H2_DIM)


def _tc_project(h, w, ei):
    dh = w.shape[1] // 2

    def body(h_ref, wa_ref, wb_ref, ei_ref, o_ref, src_ref, dst_ref):
        o_ref[0:NODES, :] = jnp.dot(h_ref[...], wa_ref[...],
                                    preferred_element_type=jnp.float32)
        o_ref[pl.ds(ACC_ROWS, NODES), :] = jnp.dot(
            h_ref[...], wb_ref[...], preferred_element_type=jnp.float32)
        tail = PAD_ROWS - (E_ROWS - E_ROWS % 8)
        src_ref[pl.ds(PAD_ROWS - tail, tail), :] = jnp.zeros(
            (tail, CHUNK), jnp.int32)
        dst_ref[pl.ds(PAD_ROWS - tail, tail), :] = jnp.full(
            (tail, CHUNK), NODES, jnp.int32)
        src_ref[0:E_ROWS, :] = ei_ref[0, :].reshape(E_ROWS, CHUNK)
        dst_ref[0:E_ROWS, :] = ei_ref[1, :].reshape(E_ROWS, CHUNK)

    return pl.pallas_call(
        body,
        out_shape=[
            jax.ShapeDtypeStruct((NC * ACC_ROWS, dh), jnp.float32),
            jax.ShapeDtypeStruct((PAD_ROWS, CHUNK), jnp.int32),
            jax.ShapeDtypeStruct((PAD_ROWS, CHUNK), jnp.int32),
        ],
    )(h, w[:, :dh], w[:, dh:], ei)


def _tc_mid(p, parts, m, b1, w1b, b1b, w2a):
    def body(p_ref, pa_ref, m_ref, b1_ref, w1b_ref, b1b_ref, w2a_ref, o_ref):
        q0 = p_ref[0:NODES, :] + pa_ref[0:NODES, :]
        q1 = p_ref[pl.ds(ACC_ROWS, NODES), :] + pa_ref[pl.ds(ACC_ROWS, NODES), :]
        t = jnp.concatenate([q0, q1], axis=1) + b1_ref[...]
        t = jnp.maximum(t, 0.0)
        hh = jnp.dot(t, w1b_ref[...], preferred_element_type=jnp.float32)
        hh = (hh + b1b_ref[...]) * m_ref[...]
        o_ref[0:NODES, :] = jnp.dot(hh, w2a_ref[...],
                                    preferred_element_type=jnp.float32)

    return pl.pallas_call(
        body,
        out_shape=jax.ShapeDtypeStruct((ACC_ROWS, w2a.shape[1]), jnp.float32),
    )(p, parts, m, b1, w1b, b1b, w2a)


def _tc_final(p, pa0, pa1, m, b2, w2b, b2b, wf, bf):
    def body(p_ref, pa0_ref, pa1_ref, m_ref, b2_ref, w2b_ref, b2b_ref,
             wf_ref, bf_ref, o_ref):
        t = p_ref[...] + pa0_ref[...] + pa1_ref[...] + b2_ref[...]
        t = jnp.maximum(t, 0.0)
        h = jnp.dot(t, w2b_ref[...], preferred_element_type=jnp.float32)
        h = (h + b2b_ref[...]) * m_ref[...]
        pooled = jnp.max(h, axis=0, keepdims=True)
        o_ref[...] = (jnp.dot(pooled, wf_ref[...],
                              preferred_element_type=jnp.float32)
                      + bf_ref[...])[None]

    return pl.pallas_call(
        body,
        grid=(B_G,),
        in_specs=[
            pl.BlockSpec((N_G, H2_DIM), lambda i: (i, 0)),
            pl.BlockSpec((N_G, H2_DIM), lambda i: (i, 0)),
            pl.BlockSpec((N_G, H2_DIM), lambda i: (i, 0)),
            pl.BlockSpec((N_G, 1), lambda i: (i, 0)),
            pl.BlockSpec((1, H2_DIM), lambda i: (0, 0)),
            pl.BlockSpec((H2_DIM, H2_DIM), lambda i: (0, 0)),
            pl.BlockSpec((1, H2_DIM), lambda i: (0, 0)),
            pl.BlockSpec((H2_DIM, OUT_DIM), lambda i: (0, 0)),
            pl.BlockSpec((1, OUT_DIM), lambda i: (0, 0)),
        ],
        out_specs=pl.BlockSpec((1, 1, OUT_DIM), lambda i: (i, 0, 0)),
        out_shape=jax.ShapeDtypeStruct((B_G, 1, OUT_DIM), jnp.float32),
    )(p, pa0, pa1, m, b2, w2b, b2b, wf, bf).reshape(B_G, OUT_DIM)


def kernel(x, edge_index, mask, W1a, b1a, W1b, b1b, W2a, b2a, W2b, b2b, Wf, bf):
    h = x.reshape(NODES, F_IN)
    m = mask.reshape(NODES, 1)
    ei = edge_index.astype(jnp.int32)

    p1, src, dst = _tc_project(h, W1a, ei)
    zeros1 = jnp.zeros((RPT, H1_DIM // 2), jnp.float32)
    parts1 = _segsum_h1(src, dst, p1, zeros1)
    p2 = _tc_mid(p1, parts1, m, b1a.reshape(1, H1_DIM), W1b,
                 b1b.reshape(1, H1_DIM), W2a)

    zeros2 = jnp.zeros((RPT, H2_DIM), jnp.float32)
    parts2a, parts2b = _segsum_h2(src, dst, p2, zeros2)
    out = _tc_final(p2, parts2a, parts2b,
                    m, b2a.reshape(1, H2_DIM), W2b,
                    b2b.reshape(1, H2_DIM), Wf, bf.reshape(1, OUT_DIM))
    return out

# --- scband reference (transcript-rebuilt; emitter-appended) ---
"""Pipeline reference for scband-gin-65240553226750 (READ-ONLY COPY).

The authoritative reference and input builder live on the scoring server;
editing this copy changes nothing except your own understanding.
"""

import jax, jax.numpy as jnp
import numpy as np

B, N, F_DIM = 10, 1000, 128
E = 320000
H1, H2, OUT = 64, 32, 16
NUM_NODES = B * N


def setup_inputs(seed: int = 0) -> dict:
    key = jax.random.key(seed)
    ks = jax.random.split(key, 16)
    x = jax.random.normal(ks[0], (B, N, F_DIM), dtype=jnp.float32)
    edge_index = jax.random.randint(ks[1], (2, E), 0, NUM_NODES, dtype=jnp.int64)
    mask = jnp.ones((B, N, 1), dtype=jnp.float32)
    # GIN layer 1 MLP: Linear(128, 64), ReLU, Linear(64, 64)
    W1a = jax.random.normal(ks[2], (F_DIM, H1), dtype=jnp.float32) * 0.05
    b1a = jnp.zeros((H1,), dtype=jnp.float32)
    W1b = jax.random.normal(ks[3], (H1, H1), dtype=jnp.float32) * 0.05
    b1b = jnp.zeros((H1,), dtype=jnp.float32)
    # GIN layer 2 MLP: Linear(64, 32), ReLU, Linear(32, 32)
    W2a = jax.random.normal(ks[4], (H1, H2), dtype=jnp.float32) * 0.05
    b2a = jnp.zeros((H2,), dtype=jnp.float32)
    W2b = jax.random.normal(ks[5], (H2, H2), dtype=jnp.float32) * 0.05
    b2b = jnp.zeros((H2,), dtype=jnp.float32)
    # final fc: Linear(32, 16) (dropout is identity at inference)
    Wf = jax.random.normal(ks[6], (H2, OUT), dtype=jnp.float32) * 0.05
    bf = jnp.zeros((OUT,), dtype=jnp.float32)
    return {"x": x, "edge_index": edge_index, "mask": mask,
            "W1a": W1a, "b1a": b1a, "W1b": W1b, "b1b": b1b,
            "W2a": W2a, "b2a": b2a, "W2b": W2b, "b2b": b2b,
            "Wf": Wf, "bf": bf}


def reference(x, edge_index, mask, W1a, b1a, W1b, b1b, W2a, b2a, W2b, b2b, Wf, bf):
    eps = 0.0  # learn_eps=False, eps=0
    h = x.reshape(NUM_NODES, F_DIM)
    m = mask.reshape(NUM_NODES, 1)
    src = edge_index[0]
    dst = edge_index[1]
    # GIN layer 1: copy_src + sum aggregation, (1+eps)*h + neigh, MLP
    neigh = jax.ops.segment_sum(h[src], dst, num_segments=NUM_NODES)
    h = (1.0 + eps) * h + neigh
    h = jnp.maximum(h @ W1a + b1a, 0.0) @ W1b + b1b
    h = h * m
    # GIN layer 2
    neigh = jax.ops.segment_sum(h[src], dst, num_segments=NUM_NODES)
    h = (1.0 + eps) * h + neigh
    h = jnp.maximum(h @ W2a + b2a, 0.0) @ W2b + b2b
    h = h * m
    # readout: reshape to (B, N, -1), max over nodes, squeeze, fc
    hb = h.reshape(B, N, H2)
    pooled = jnp.max(hb, axis=1)
    pooled = jnp.squeeze(pooled)
    out = pooled @ Wf + bf
    return out

if __name__ == "__main__":
    import jax
    _d = setup_inputs()
    print(jax.jit(kernel)(*tuple(_d.values())))

</pallas_src>

<mosaic_0001>
#map = affine_map<(d0, d1) -> (0, 0)>
module attributes {stable_mosaic.version = 14 : i64} {
  func.func @seg(%arg0: i32, %arg1: i32, %arg2: memref<2560x128xi32, #tpu.memory_space<hbm>>, %arg3: memref<2560x128xi32, #tpu.memory_space<hbm>>, %arg4: memref<20480x32xf32, #tpu.memory_space<hbm>>, %arg5: memref<640x32xf32, #tpu.memory_space<hbm>>, %arg6: memref<20480x32xf32, #tpu.memory_space<hbm>>, %arg7: memref<160x128xi32, #tpu.memory_space<vmem>>, %arg8: memref<160x128xi32, #tpu.memory_space<vmem>>, %arg9: memref<2x5x128x32xf32, #tpu.memory_space<vmem>>, %arg10: memref<10240x32xf32, #tpu.memory_space<vmem_shared>>, %arg11: memref<10240x32xf32, #tpu.memory_space<vmem_shared>>, %arg12: memref<2x!tpu.dma_semaphore, #tpu.memory_space<semaphore_mem>>, %arg13: memref<2x!tpu.dma_semaphore, #tpu.memory_space<semaphore_mem>>) attributes {dimension_semantics = [#tpu.dimension_semantics<core_parallel>, #tpu.dimension_semantics<subcore_parallel>], iteration_bounds = array<i64: 2, 16>, scalar_prefetch = 0 : i64, scratch_operands = 7 : i64, tpu.core_type = #tpu.core_type<sc_vector_subcore>, window_params = [{transform_indices = #map}, {transform_indices = #map}, {transform_indices = #map}, {transform_indices = #map}, {transform_indices = #map}]} {
    %mul3A = arith.constant 160 : i32
    %mul3A_0 = arith.muli %arg1, %mul3A : i32
    "tpu.region"() ({
      %run_scoped3A = tpu.sem_alloc : memref<!tpu.dma_semaphore, #tpu.memory_space<semaphore_mem>>
      %dma_start3A_103 = arith.constant 0 : i32
      %dma_start3A_104 = tpu.memref_slice %arg2[%mul3A_0, %dma_start3A_103] : memref<2560x128xi32, #tpu.memory_space<hbm>> -> memref<160x128xi32, #tpu.memory_space<hbm>>
      %dma_start3A_105 = arith.constant 0 : i32
      %dma_start3A_106 = tpu.memref_slice %arg2[%mul3A_0, %dma_start3A_105] : memref<2560x128xi32, #tpu.memory_space<hbm>> -> memref<160x128xi32, #tpu.memory_space<hbm>>
      tpu.enqueue_dma source(%dma_start3A_106 : memref<160x128xi32, #tpu.memory_space<hbm>>) target(%arg7 : memref<160x128xi32, #tpu.memory_space<vmem>>) target_semaphore(%run_scoped3A : memref<!tpu.dma_semaphore, #tpu.memory_space<semaphore_mem>>)
      %dma_wait3A = arith.constant 0 : i32
      %dma_wait3A_107 = tpu.memref_slice %arg2[%mul3A_0, %dma_wait3A] : memref<2560x128xi32, #tpu.memory_space<hbm>> -> memref<160x128xi32, #tpu.memory_space<hbm>>
      %dma_wait3A_108 = arith.constant 0 : i32
      %dma_wait3A_109 = tpu.memref_slice %arg2[%mul3A_0, %dma_wait3A_108] : memref<2560x128xi32, #tpu.memory_space<hbm>> -> memref<160x128xi32, #tpu.memory_space<hbm>>
      tpu.wait_dma2 semaphore(%run_scoped3A : memref<!tpu.dma_semaphore, #tpu.memory_space<semaphore_mem>>) src(%dma_wait3A_109 : memref<160x128xi32, #tpu.memory_space<hbm>>) dst(%arg7 : memref<160x128xi32, #tpu.memory_space<vmem>>)
      tpu.yield
    }) : () -> ()
    %mul3A_1 = arith.constant 160 : i32
    %mul3A_2 = arith.muli %arg1, %mul3A_1 : i32
    "tpu.region"() ({
      %run_scoped3A = tpu.sem_alloc : memref<!tpu.dma_semaphore, #tpu.memory_space<semaphore_mem>>
      %dma_start3A_103 = arith.constant 0 : i32
      %dma_start3A_104 = tpu.memref_slice %arg3[%mul3A_2, %dma_start3A_103] : memref<2560x128xi32, #tpu.memory_space<hbm>> -> memref<160x128xi32, #tpu.memory_space<hbm>>
      %dma_start3A_105 = arith.constant 0 : i32
      %dma_start3A_106 = tpu.memref_slice %arg3[%mul3A_2, %dma_start3A_105] : memref<2560x128xi32, #tpu.memory_space<hbm>> -> memref<160x128xi32, #tpu.memory_space<hbm>>
      tpu.enqueue_dma source(%dma_start3A_106 : memref<160x128xi32, #tpu.memory_space<hbm>>) target(%arg8 : memref<160x128xi32, #tpu.memory_space<vmem>>) target_semaphore(%run_scoped3A : memref<!tpu.dma_semaphore, #tpu.memory_space<semaphore_mem>>)
      %dma_wait3A = arith.constant 0 : i32
      %dma_wait3A_107 = tpu.memref_slice %arg3[%mul3A_2, %dma_wait3A] : memref<2560x128xi32, #tpu.memory_space<hbm>> -> memref<160x128xi32, #tpu.memory_space<hbm>>
      %dma_wait3A_108 = arith.constant 0 : i32
      %dma_wait3A_109 = tpu.memref_slice %arg3[%mul3A_2, %dma_wait3A_108] : memref<2560x128xi32, #tpu.memory_space<hbm>> -> memref<160x128xi32, #tpu.memory_space<hbm>>
      tpu.wait_dma2 semaphore(%run_scoped3A : memref<!tpu.dma_semaphore, #tpu.memory_space<semaphore_mem>>) src(%dma_wait3A_109 : memref<160x128xi32, #tpu.memory_space<hbm>>) dst(%arg8 : memref<160x128xi32, #tpu.memory_space<vmem>>)
      tpu.yield
    }) : () -> ()
    %mul3A_3 = arith.constant 10240 : i32
    %mul3A_4 = arith.muli %arg0, %mul3A_3 : i32
    %mul3A_5 = arith.constant 640 : i32
    %mul3A_6 = arith.muli %arg1, %mul3A_5 : i32
    %add3A = arith.addi %mul3A_4, %mul3A_6 : i32
    %mul3A_7 = arith.constant 640 : i32
    %mul3A_8 = arith.muli %arg1, %mul3A_7 : i32
    "tpu.region"() ({
      %run_scoped3A = tpu.sem_alloc : memref<!tpu.dma_semaphore, #tpu.memory_space<semaphore_mem>>
      %dma_start3A_103 = arith.constant 0 : i32
      %dma_start3A_104 = tpu.memref_slice %arg11[%mul3A_8, %dma_start3A_103] : memref<10240x32xf32, #tpu.memory_space<vmem_shared>> -> memref<640x32xf32, #tpu.memory_space<vmem_shared>>
      %dma_start3A_105 = arith.constant 0 : i32
      %dma_start3A_106 = tpu.memref_slice %arg4[%add3A, %dma_start3A_105] : memref<20480x32xf32, #tpu.memory_space<hbm>> -> memref<640x32xf32, #tpu.memory_space<hbm>>
      tpu.enqueue_dma source(%dma_start3A_106 : memref<640x32xf32, #tpu.memory_space<hbm>>) target(%dma_start3A_104 : memref<640x32xf32, #tpu.memory_space<vmem_shared>>) target_semaphore(%run_scoped3A : memref<!tpu.dma_semaphore, #tpu.memory_space<semaphore_mem>>)
      %dma_wait3A = arith.constant 0 : i32
      %dma_wait3A_107 = tpu.memref_slice %arg11[%mul3A_8, %dma_wait3A] : memref<10240x32xf32, #tpu.memory_space<vmem_shared>> -> memref<640x32xf32, #tpu.memory_space<vmem_shared>>
      %dma_wait3A_108 = arith.constant 0 : i32
      %dma_wait3A_109 = tpu.memref_slice %arg4[%add3A, %dma_wait3A_108] : memref<20480x32xf32, #tpu.memory_space<hbm>> -> memref<640x32xf32, #tpu.memory_space<hbm>>
      tpu.wait_dma2 semaphore(%run_scoped3A : memref<!tpu.dma_semaphore, #tpu.memory_space<semaphore_mem>>) src(%dma_wait3A_109 : memref<640x32xf32, #tpu.memory_space<hbm>>) dst(%dma_wait3A_107 : memref<640x32xf32, #tpu.memory_space<vmem_shared>>)
      tpu.yield
    }) : () -> ()
    %mul3A_9 = arith.constant 640 : i32
    %mul3A_10 = arith.muli %arg1, %mul3A_9 : i32
    "tpu.region"() ({
      %run_scoped3A = tpu.sem_alloc : memref<!tpu.dma_semaphore, #tpu.memory_space<semaphore_mem>>
      %dma_start3A_103 = arith.constant 0 : i32
      %dma_start3A_104 = tpu.memref_slice %arg10[%mul3A_10, %dma_start3A_103] : memref<10240x32xf32, #tpu.memory_space<vmem_shared>> -> memref<640x32xf32, #tpu.memory_space<vmem_shared>>
      tpu.enqueue_dma source(%arg5 : memref<640x32xf32, #tpu.memory_space<hbm>>) target(%dma_start3A_104 : memref<640x32xf32, #tpu.memory_space<vmem_shared>>) target_semaphore(%run_scoped3A : memref<!tpu.dma_semaphore, #tpu.memory_space<semaphore_mem>>)
      %dma_wait3A = arith.constant 0 : i32
      %dma_wait3A_105 = tpu.memref_slice %arg10[%mul3A_10, %dma_wait3A] : memref<10240x32xf32, #tpu.memory_space<vmem_shared>> -> memref<640x32xf32, #tpu.memory_space<vmem_shared>>
      tpu.wait_dma2 semaphore(%run_scoped3A : memref<!tpu.dma_semaphore, #tpu.memory_space<semaphore_mem>>) src(%arg5 : memref<640x32xf32, #tpu.memory_space<hbm>>) dst(%dma_wait3A_105 : memref<640x32xf32, #tpu.memory_space<vmem_shared>>)
      tpu.yield
    }) : () -> ()
    %barrier3A = arith.constant 0 : index
    tpu.barrier barrier_id(%barrier3A)
    %dma_start3A = arith.constant 0 : i32
    %dma_start3A_11 = arith.constant 0 : i32
    %dma_start3A_12 = arith.constant 0 : i32
    %dma_start3A_13 = arith.constant 0 : i32
    %dma_start3A_14 = arith.constant 0 : i32
    %dma_start3A_15 = arith.constant 0 : i32
    %dma_start3A_16 = tpu.memref_slice %arg9[%dma_start3A_11, %dma_start3A_12, %dma_start3A_14, %dma_start3A_15] : memref<2x5x128x32xf32, #tpu.memory_space<vmem>> -> memref<1x1x128x32xf32, #tpu.memory_space<vmem>>
    %dma_start3A_17 = tpu.memref_squeeze %dma_start3A_16 : memref<1x1x128x32xf32, #tpu.memory_space<vmem>> -> memref<128x32xf32, #tpu.memory_space<vmem>>
    %dma_start3A_18 = arith.constant 0 : i32
    %dma_start3A_19 = tpu.memref_slice %arg7[%dma_start3A, %dma_start3A_18] : memref<160x128xi32, #tpu.memory_space<vmem>> -> memref<1x128xi32, #tpu.memory_space<vmem>>
    %dma_start3A_20 = tpu.memref_squeeze %dma_start3A_19 : memref<1x128xi32, #tpu.memory_space<vmem>> -> memref<128xi32, #tpu.memory_space<vmem>>
    %dma_start3A_21 = arith.constant 0 : i32
    %dma_start3A_22 = arith.constant 0 : i32
    %dma_start3A_23 = tpu.memref_slice %arg11[%dma_start3A_21, %dma_start3A_22] : memref<10240x32xf32, #tpu.memory_space<vmem_shared>> -> memref<10240x32xf32, #tpu.memory_space<vmem_shared>>
    %dma_start3A_24 = tpu.memref_slice %arg12[%dma_start3A_13] : memref<2x!tpu.dma_semaphore, #tpu.memory_space<semaphore_mem>> -> memref<1x!tpu.dma_semaphore, #tpu.memory_space<semaphore_mem>>
    %dma_start3A_25 = tpu.memref_squeeze %dma_start3A_24 : memref<1x!tpu.dma_semaphore, #tpu.memory_space<semaphore_mem>> -> memref<!tpu.dma_semaphore, #tpu.memory_space<semaphore_mem>>
    tpu.enqueue_indirect_dma source(%dma_start3A_23 : memref<10240x32xf32, #tpu.memory_space<vmem_shared>>) target(%dma_start3A_17 : memref<128x32xf32, #tpu.memory_space<vmem>>) offsets(%dma_start3A_20 : memref<128xi32, #tpu.memory_space<vmem>>) semaphore(%dma_start3A_25 : memref<!tpu.dma_semaphore, #tpu.memory_space<semaphore_mem>>)
    %dma_start3A_26 = arith.constant 1 : i32
    %dma_start3A_27 = arith.constant 0 : i32
    %dma_start3A_28 = arith.constant 1 : i32
    %dma_start3A_29 = arith.constant 0 : i32
    %dma_start3A_30 = arith.constant 0 : i32
    %dma_start3A_31 = arith.constant 0 : i32
    %dma_start3A_32 = tpu.memref_slice %arg9[%dma_start3A_27, %dma_start3A_28, %dma_start3A_30, %dma_start3A_31] : memref<2x5x128x32xf32, #tpu.memory_space<vmem>> -> memref<1x1x128x32xf32, #tpu.memory_space<vmem>>
    %dma_start3A_33 = tpu.memref_squeeze %dma_start3A_32 : memref<1x1x128x32xf32, #tpu.memory_space<vmem>> -> memref<128x32xf32, #tpu.memory_space<vmem>>
    %dma_start3A_34 = arith.constant 0 : i32
    %dma_start3A_35 = tpu.memref_slice %arg7[%dma_start3A_26, %dma_start3A_34] : memref<160x128xi32, #tpu.memory_space<vmem>> -> memref<1x128xi32, #tpu.memory_space<vmem>>
    %dma_start3A_36 = tpu.memref_squeeze %dma_start3A_35 : memref<1x128xi32, #tpu.memory_space<vmem>> -> memref<128xi32, #tpu.memory_space<vmem>>
    %dma_start3A_37 = arith.constant 0 : i32
    %dma_start3A_38 = arith.constant 0 : i32
    %dma_start3A_39 = tpu.memref_slice %arg11[%dma_start3A_37, %dma_start3A_38] : memref<10240x32xf32, #tpu.memory_space<vmem_shared>> -> memref<10240x32xf32, #tpu.memory_space<vmem_shared>>
    %dma_start3A_40 = tpu.memref_slice %arg12[%dma_start3A_29] : memref<2x!tpu.dma_semaphore, #tpu.memory_space<semaphore_mem>> -> memref<1x!tpu.dma_semaphore, #tpu.memory_space<semaphore_mem>>
    %dma_start3A_41 = tpu.memref_squeeze %dma_start3A_40 : memref<1x!tpu.dma_semaphore, #tpu.memory_space<semaphore_mem>> -> memref<!tpu.dma_semaphore, #tpu.memory_space<semaphore_mem>>
    tpu.enqueue_indirect_dma source(%dma_start3A_39 : memref<10240x32xf32, #tpu.memory_space<vmem_shared>>) target(%dma_start3A_33 : memref<128x32xf32, #tpu.memory_space<vmem>>) offsets(%dma_start3A_36 : memref<128xi32, #tpu.memory_space<vmem>>) semaphore(%dma_start3A_41 : memref<!tpu.dma_semaphore, #tpu.memory_space<semaphore_mem>>)
    %dma_start3A_42 = arith.constant 2 : i32
    %dma_start3A_43 = arith.constant 0 : i32
    %dma_start3A_44 = arith.constant 2 : i32
    %dma_start3A_45 = arith.constant 0 : i32
    %dma_start3A_46 = arith.constant 0 : i32
    %dma_start3A_47 = arith.constant 0 : i32
    %dma_start3A_48 = tpu.memref_slice %arg9[%dma_start3A_43, %dma_start3A_44, %dma_start3A_46, %dma_start3A_47] : memref<2x5x128x32xf32, #tpu.memory_space<vmem>> -> memref<1x1x128x32xf32, #tpu.memory_space<vmem>>
    %dma_start3A_49 = tpu.memref_squeeze %dma_start3A_48 : memref<1x1x128x32xf32, #tpu.memory_space<vmem>> -> memref<128x32xf32, #tpu.memory_space<vmem>>
    %dma_start3A_50 = arith.constant 0 : i32
    %dma_start3A_51 = tpu.memref_slice %arg7[%dma_start3A_42, %dma_start3A_50] : memref<160x128xi32, #tpu.memory_space<vmem>> -> memref<1x128xi32, #tpu.memory_space<vmem>>
    %dma_start3A_52 = tpu.memref_squeeze %dma_start3A_51 : memref<1x128xi32, #tpu.memory_space<vmem>> -> memref<128xi32, #tpu.memory_space<vmem>>
    %dma_start3A_53 = arith.constant 0 : i32
    %dma_start3A_54 = arith.constant 0 : i32
    %dma_start3A_55 = tpu.memref_slice %arg11[%dma_start3A_53, %dma_start3A_54] : memref<10240x32xf32, #tpu.memory_space<vmem_shared>> -> memref<10240x32xf32, #tpu.memory_space<vmem_shared>>
    %dma_start3A_56 = tpu.memref_slice %arg12[%dma_start3A_45] : memref<2x!tpu.dma_semaphore, #tpu.memory_space<semaphore_mem>> -> memref<1x!tpu.dma_semaphore, #tpu.memory_space<semaphore_mem>>
    %dma_start3A_57 = tpu.memref_squeeze %dma_start3A_56 : memref<1x!tpu.dma_semaphore, #tpu.memory_space<semaphore_mem>> -> memref<!tpu.dma_semaphore, #tpu.memory_space<semaphore_mem>>
    tpu.enqueue_indirect_dma source(%dma_start3A_55 : memref<10240x32xf32, #tpu.memory_space<vmem_shared>>) target(%dma_start3A_49 : memref<128x32xf32, #tpu.memory_space<vmem>>) offsets(%dma_start3A_52 : memref<128xi32, #tpu.memory_space<vmem>>) semaphore(%dma_start3A_57 : memref<!tpu.dma_semaphore, #tpu.memory_space<semaphore_mem>>)
    %dma_start3A_58 = arith.constant 3 : i32
    %dma_start3A_59 = arith.constant 0 : i32
    %dma_start3A_60 = arith.constant 3 : i32
    %dma_start3A_61 = arith.constant 0 : i32
    %dma_start3A_62 = arith.constant 0 : i32
    %dma_start3A_63 = arith.constant 0 : i32
    %dma_start3A_64 = tpu.memref_slice %arg9[%dma_start3A_59, %dma_start3A_60, %dma_start3A_62, %dma_start3A_63] : memref<2x5x128x32xf32, #tpu.memory_space<vmem>> -> memref<1x1x128x32xf32, #tpu.memory_space<vmem>>
    %dma_start3A_65 = tpu.memref_squeeze %dma_start3A_64 : memref<1x1x128x32xf32, #tpu.memory_space<vmem>> -> memref<128x32xf32, #tpu.memory_space<vmem>>
    %dma_start3A_66 = arith.constant 0 : i32
    %dma_start3A_67 = tpu.memref_slice %arg7[%dma_start3A_58, %dma_start3A_66] : memref<160x128xi32, #tpu.memory_space<vmem>> -> memref<1x128xi32, #tpu.memory_space<vmem>>
    %dma_start3A_68 = tpu.memref_squeeze %dma_start3A_67 : memref<1x128xi32, #tpu.memory_space<vmem>> -> memref<128xi32, #tpu.memory_space<vmem>>
    %dma_start3A_69 = arith.constant 0 : i32
    %dma_start3A_70 = arith.constant 0 : i32
    %dma_start3A_71 = tpu.memref_slice %arg11[%dma_start3A_69, %dma_start3A_70] : memref<10240x32xf32, #tpu.memory_space<vmem_shared>> -> memref<10240x32xf32, #tpu.memory_space<vmem_shared>>
    %dma_start3A_72 = tpu.memref_slice %arg12[%dma_start3A_61] : memref<2x!tpu.dma_semaphore, #tpu.memory_space<semaphore_mem>> -> memref<1x!tpu.dma_semaphore, #tpu.memory_space<semaphore_mem>>
    %dma_start3A_73 = tpu.memref_squeeze %dma_start3A_72 : memref<1x!tpu.dma_semaphore, #tpu.memory_space<semaphore_mem>> -> memref<!tpu.dma_semaphore, #tpu.memory_space<semaphore_mem>>
    tpu.enqueue_indirect_dma source(%dma_start3A_71 : memref<10240x32xf32, #tpu.memory_space<vmem_shared>>) target(%dma_start3A_65 : memref<128x32xf32, #tpu.memory_space<vmem>>) offsets(%dma_start3A_68 : memref<128xi32, #tpu.memory_space<vmem>>) semaphore(%dma_start3A_73 : memref<!tpu.dma_semaphore, #tpu.memory_space<semaphore_mem>>)
    %dma_start3A_74 = arith.constant 4 : i32
    %dma_start3A_75 = arith.constant 0 : i32
    %dma_start3A_76 = arith.constant 4 : i32
    %dma_start3A_77 = arith.constant 0 : i32
    %dma_start3A_78 = arith.constant 0 : i32
    %dma_start3A_79 = arith.constant 0 : i32
    %dma_start3A_80 = tpu.memref_slice %arg9[%dma_start3A_75, %dma_start3A_76, %dma_start3A_78, %dma_start3A_79] : memref<2x5x128x32xf32, #tpu.memory_space<vmem>> -> memref<1x1x128x32xf32, #tpu.memory_space<vmem>>
    %dma_start3A_81 = tpu.memref_squeeze %dma_start3A_80 : memref<1x1x128x32xf32, #tpu.memory_space<vmem>> -> memref<128x32xf32, #tpu.memory_space<vmem>>
    %dma_start3A_82 = arith.constant 0 : i32
    %dma_start3A_83 = tpu.memref_slice %arg7[%dma_start3A_74, %dma_start3A_82] : memref<160x128xi32, #tpu.memory_space<vmem>> -> memref<1x128xi32, #tpu.memory_space<vmem>>
    %dma_start3A_84 = tpu.memref_squeeze %dma_start3A_83 : memref<1x128xi32, #tpu.memory_space<vmem>> -> memref<128xi32, #tpu.memory_space<vmem>>
    %dma_start3A_85 = arith.constant 0 : i32
    %dma_start3A_86 = arith.constant 0 : i32
    %dma_start3A_87 = tpu.memref_slice %arg11[%dma_start3A_85, %dma_start3A_86] : memref<10240x32xf32, #tpu.memory_space<vmem_shared>> -> memref<10240x32xf32, #tpu.memory_space<vmem_shared>>
    %dma_start3A_88 = tpu.memref_slice %arg12[%dma_start3A_77] : memref<2x!tpu.dma_semaphore, #tpu.memory_space<semaphore_mem>> -> memref<1x!tpu.dma_semaphore, #tpu.memory_space<semaphore_mem>>
    %dma_start3A_89 = tpu.memref_squeeze %dma_start3A_88 : memref<1x!tpu.dma_semaphore, #tpu.memory_space<semaphore_mem>> -> memref<!tpu.dma_semaphore, #tpu.memory_space<semaphore_mem>>
    tpu.enqueue_indirect_dma source(%dma_start3A_87 : memref<10240x32xf32, #tpu.memory_space<vmem_shared>>) target(%dma_start3A_81 : memref<128x32xf32, #tpu.memory_space<vmem>>) offsets(%dma_start3A_84 : memref<128xi32, #tpu.memory_space<vmem>>) semaphore(%dma_start3A_89 : memref<!tpu.dma_semaphore, #tpu.memory_space<semaphore_mem>>)
    %scan3A = arith.constant 0 : i32
    %scan3A_90 = arith.constant 0 : i32
    %scan3A_91 = arith.constant 16 : i32
    %scan3A_92 = arith.addi %scan3A_90, %scan3A_91 : i32
    %scan3A_93 = arith.constant 1 : i32
    scf.for %scan3A_103 = %scan3A_90 to %scan3A_92 step %scan3A_93  : i32 {
      %mul3A_104 = arith.constant 2 : i32
      %mul3A_105 = arith.muli %mul3A_104, %scan3A_103 : i32
      %add3A_106 = arith.constant 1 : i32
      %add3A_107 = arith.addi %mul3A_105, %add3A_106 : i32
      %mul3A_108 = arith.constant 5 : i32
      %mul3A_109 = arith.muli %add3A_107, %mul3A_108 : i32
      %add3A_110 = arith.constant 0 : i32
      %add3A_111 = arith.addi %mul3A_109, %add3A_110 : i32
      %dma_start3A_112 = arith.constant 1 : i32
      %dma_start3A_113 = arith.constant 0 : i32
      %dma_start3A_114 = arith.constant 1 : i32
      %dma_start3A_115 = arith.constant 0 : i32
      %dma_start3A_116 = arith.constant 0 : i32
      %dma_start3A_117 = tpu.memref_slice %arg9[%dma_start3A_112, %dma_start3A_113, %dma_start3A_115, %dma_start3A_116] : memref<2x5x128x32xf32, #tpu.memory_space<vmem>> -> memref<1x1x128x32xf32, #tpu.memory_space<vmem>>
      %dma_start3A_118 = tpu.memref_squeeze %dma_start3A_117 : memref<1x1x128x32xf32, #tpu.memory_space<vmem>> -> memref<128x32xf32, #tpu.memory_space<vmem>>
      %dma_start3A_119 = arith.constant 0 : i32
      %dma_start3A_120 = tpu.memref_slice %arg7[%add3A_111, %dma_start3A_119] : memref<160x128xi32, #tpu.memory_space<vmem>> -> memref<1x128xi32, #tpu.memory_space<vmem>>
      %dma_start3A_121 = tpu.memref_squeeze %dma_start3A_120 : memref<1x128xi32, #tpu.memory_space<vmem>> -> memref<128xi32, #tpu.memory_space<vmem>>
      %dma_start3A_122 = arith.constant 0 : i32
      %dma_start3A_123 = arith.constant 0 : i32
      %dma_start3A_124 = tpu.memref_slice %arg11[%dma_start3A_122, %dma_start3A_123] : memref<10240x32xf32, #tpu.memory_space<vmem_shared>> -> memref<10240x32xf32, #tpu.memory_space<vmem_shared>>
      %dma_start3A_125 = tpu.memref_slice %arg12[%dma_start3A_114] : memref<2x!tpu.dma_semaphore, #tpu.memory_space<semaphore_mem>> -> memref<1x!tpu.dma_semaphore, #tpu.memory_space<semaphore_mem>>
      %dma_start3A_126 = tpu.memref_squeeze %dma_start3A_125 : memref<1x!tpu.dma_semaphore, #tpu.memory_space<semaphore_mem>> -> memref<!tpu.dma_semaphore, #tpu.memory_space<semaphore_mem>>
      tpu.enqueue_indirect_dma source(%dma_start3A_124 : memref<10240x32xf32, #tpu.memory_space<vmem_shared>>) target(%dma_start3A_118 : memref<128x32xf32, #tpu.memory_space<vmem>>) offsets(%dma_start3A_121 : memref<128xi32, #tpu.memory_space<vmem>>) semaphore(%dma_start3A_126 : memref<!tpu.dma_semaphore, #tpu.memory_space<semaphore_mem>>)
      %mul3A_127 = arith.constant 5 : i32
      %mul3A_128 = arith.muli %add3A_107, %mul3A_127 : i32
      %add3A_129 = arith.constant 1 : i32
      %add3A_130 = arith.addi %mul3A_128, %add3A_129 : i32
      %dma_start3A_131 = arith.constant 1 : i32
      %dma_start3A_132 = arith.constant 1 : i32
      %dma_start3A_133 = arith.constant 1 : i32
      %dma_start3A_134 = arith.constant 0 : i32
      %dma_start3A_135 = arith.constant 0 : i32
      %dma_start3A_136 = tpu.memref_slice %arg9[%dma_start3A_131, %dma_start3A_132, %dma_start3A_134, %dma_start3A_135] : memref<2x5x128x32xf32, #tpu.memory_space<vmem>> -> memref<1x1x128x32xf32, #tpu.memory_space<vmem>>
      %dma_start3A_137 = tpu.memref_squeeze %dma_start3A_136 : memref<1x1x128x32xf32, #tpu.memory_space<vmem>> -> memref<128x32xf32, #tpu.memory_space<vmem>>
      %dma_start3A_138 = arith.constant 0 : i32
      %dma_start3A_139 = tpu.memref_slice %arg7[%add3A_130, %dma_start3A_138] : memref<160x128xi32, #tpu.memory_space<vmem>> -> memref<1x128xi32, #tpu.memory_space<vmem>>
      %dma_start3A_140 = tpu.memref_squeeze %dma_start3A_139 : memref<1x128xi32, #tpu.memory_space<vmem>> -> memref<128xi32, #tpu.memory_space<vmem>>
      %dma_start3A_141 = arith.constant 0 : i32
      %dma_start3A_142 = arith.constant 0 : i32
      %dma_start3A_143 = tpu.memref_slice %arg11[%dma_start3A_141, %dma_start3A_142] : memref<10240x32xf32, #tpu.memory_space<vmem_shared>> -> memref<10240x32xf32, #tpu.memory_space<vmem_shared>>
      %dma_start3A_144 = tpu.memref_slice %arg12[%dma_start3A_133] : memref<2x!tpu.dma_semaphore, #tpu.memory_space<semaphore_mem>> -> memref<1x!tpu.dma_semaphore, #tpu.memory_space<semaphore_mem>>
      %dma_start3A_145 = tpu.memref_squeeze %dma_start3A_144 : memref<1x!tpu.dma_semaphore, #tpu.memory_space<semaphore_mem>> -> memref<!tpu.dma_semaphore, #tpu.memory_space<semaphore_mem>>
      tpu.enqueue_indirect_dma source(%dma_start3A_143 : memref<10240x32xf32, #tpu.memory_space<vmem_shared>>) target(%dma_start3A_137 : memref<128x32xf32, #tpu.memory_space<vmem>>) offsets(%dma_start3A_140 : memref<128xi32, #tpu.memory_space<vmem>>) semaphore(%dma_start3A_145 : memref<!tpu.dma_semaphore, #tpu.memory_space<semaphore_mem>>)
      %mul3A_146 = arith.constant 5 : i32
      %mul3A_147 = arith.muli %add3A_107, %mul3A_146 : i32
      %add3A_148 = arith.constant 2 : i32
      %add3A_149 = arith.addi %mul3A_147, %add3A_148 : i32
      %dma_start3A_150 = arith.constant 1 : i32
      %dma_start3A_151 = arith.constant 2 : i32
      %dma_start3A_152 = arith.constant 1 : i32
      %dma_start3A_153 = arith.constant 0 : i32
      %dma_start3A_154 = arith.constant 0 : i32
      %dma_start3A_155 = tpu.memref_slice %arg9[%dma_start3A_150, %dma_start3A_151, %dma_start3A_153, %dma_start3A_154] : memref<2x5x128x32xf32, #tpu.memory_space<vmem>> -> memref<1x1x128x32xf32, #tpu.memory_space<vmem>>
      %dma_start3A_156 = tpu.memref_squeeze %dma_start3A_155 : memref<1x1x128x32xf32, #tpu.memory_space<vmem>> -> memref<128x32xf32, #tpu.memory_space<vmem>>
      %dma_start3A_157 = arith.constant 0 : i32
      %dma_start3A_158 = tpu.memref_slice %arg7[%add3A_149, %dma_start3A_157] : memref<160x128xi32, #tpu.memory_space<vmem>> -> memref<1x128xi32, #tpu.memory_space<vmem>>
      %dma_start3A_159 = tpu.memref_squeeze %dma_start3A_158 : memref<1x128xi32, #tpu.memory_space<vmem>> -> memref<128xi32, #tpu.memory_space<vmem>>
      %dma_start3A_160 = arith.constant 0 : i32
      %dma_start3A_161 = arith.constant 0 : i32
      %dma_start3A_162 = tpu.memref_slice %arg11[%dma_start3A_160, %dma_start3A_161] : memref<10240x32xf32, #tpu.memory_space<vmem_shared>> -> memref<10240x32xf32, #tpu.memory_space<vmem_shared>>
      %dma_start3A_163 = tpu.memref_slice %arg12[%dma_start3A_152] : memref<2x!tpu.dma_semaphore, #tpu.memory_space<semaphore_mem>> -> memref<1x!tpu.dma_semaphore, #tpu.memory_space<semaphore_mem>>
      %dma_start3A_164 = tpu.memref_squeeze %dma_start3A_163 : memref<1x!tpu.dma_semaphore, #tpu.memory_space<semaphore_mem>> -> memref<!tpu.dma_semaphore, #tpu.memory_space<semaphore_mem>>
      tpu.enqueue_indirect_dma source(%dma_start3A_162 : memref<10240x32xf32, #tpu.memory_space<vmem_shared>>) target(%dma_start3A_156 : memref<128x32xf32, #tpu.memory_space<vmem>>) offsets(%dma_start3A_159 : memref<128xi32, #tpu.memory_space<vmem>>) semaphore(%dma_start3A_164 : memref<!tpu.dma_semaphore, #tpu.memory_space<semaphore_mem>>)
      %mul3A_165 = arith.constant 5 : i32
      %mul3A_166 = arith.muli %add3A_107, %mul3A_165 : i32
      %add3A_167 = arith.constant 3 : i32
      %add3A_168 = arith.addi %mul3A_166, %add3A_167 : i32
      %dma_start3A_169 = arith.constant 1 : i32
      %dma_start3A_170 = arith.constant 3 : i32
      %dma_start3A_171 = arith.constant 1 : i32
      %dma_start3A_172 = arith.constant 0 : i32
      %dma_start3A_173 = arith.constant 0 : i32
      %dma_start3A_174 = tpu.memref_slice %arg9[%dma_start3A_169, %dma_start3A_170, %dma_start3A_172, %dma_start3A_173] : memref<2x5x128x32xf32, #tpu.memory_space<vmem>> -> memref<1x1x128x32xf32, #tpu.memory_space<vmem>>
      %dma_start3A_175 = tpu.memref_squeeze %dma_start3A_174 : memref<1x1x128x32xf32, #tpu.memory_space<vmem>> -> memref<128x32xf32, #tpu.memory_space<vmem>>
      %dma_start3A_176 = arith.constant 0 : i32
      %dma_start3A_177 = tpu.memref_slice %arg7[%add3A_168, %dma_start3A_176] : memref<160x128xi32, #tpu.memory_space<vmem>> -> memref<1x128xi32, #tpu.memory_space<vmem>>
      %dma_start3A_178 = tpu.memref_squeeze %dma_start3A_177 : memref<1x128xi32, #tpu.memory_space<vmem>> -> memref<128xi32, #tpu.memory_space<vmem>>
      %dma_start3A_179 = arith.constant 0 : i32
      %dma_start3A_180 = arith.constant 0 : i32
      %dma_start3A_181 = tpu.memref_slice %arg11[%dma_start3A_179, %dma_start3A_180] : memref<10240x32xf32, #tpu.memory_space<vmem_shared>> -> memref<10240x32xf32, #tpu.memory_space<vmem_shared>>
      %dma_start3A_182 = tpu.memref_slice %arg12[%dma_start3A_171] : memref<2x!tpu.dma_semaphore, #tpu.memory_space<semaphore_mem>> -> memref<1x!tpu.dma_semaphore, #tpu.memory_space<semaphore_mem>>
      %dma_start3A_183 = tpu.memref_squeeze %dma_start3A_182 : memref<1x!tpu.dma_semaphore, #tpu.memory_space<semaphore_mem>> -> memref<!tpu.dma_semaphore, #tpu.memory_space<semaphore_mem>>
      tpu.enqueue_indirect_dma source(%dma_start3A_181 : memref<10240x32xf32, #tpu.memory_space<vmem_shared>>) target(%dma_start3A_175 : memref<128x32xf32, #tpu.memory_space<vmem>>) offsets(%dma_start3A_178 : memref<128xi32, #tpu.memory_space<vmem>>) semaphore(%dma_start3A_183 : memref<!tpu.dma_semaphore, #tpu.memory_space<semaphore_mem>>)
      %mul3A_184 = arith.constant 5 : i32
      %mul3A_185 = arith.muli %add3A_107, %mul3A_184 : i32
      %add3A_186 = arith.constant 4 : i32
      %add3A_187 = arith.addi %mul3A_185, %add3A_186 : i32
      %dma_start3A_188 = arith.constant 1 : i32
      %dma_start3A_189 = arith.constant 4 : i32
      %dma_start3A_190 = arith.constant 1 : i32
      %dma_start3A_191 = arith.constant 0 : i32
      %dma_start3A_192 = arith.constant 0 : i32
      %dma_start3A_193 = tpu.memref_slice %arg9[%dma_start3A_188, %dma_start3A_189, %dma_start3A_191, %dma_start3A_192] : memref<2x5x128x32xf32, #tpu.memory_space<vmem>> -> memref<1x1x128x32xf32, #tpu.memory_space<vmem>>
      %dma_start3A_194 = tpu.memref_squeeze %dma_start3A_193 : memref<1x1x128x32xf32, #tpu.memory_space<vmem>> -> memref<128x32xf32, #tpu.memory_space<vmem>>
      %dma_start3A_195 = arith.constant 0 : i32
      %dma_start3A_196 = tpu.memref_slice %arg7[%add3A_187, %dma_start3A_195] : memref<160x128xi32, #tpu.memory_space<vmem>> -> memref<1x128xi32, #tpu.memory_space<vmem>>
      %dma_start3A_197 = tpu.memref_squeeze %dma_start3A_196 : memref<1x128xi32, #tpu.memory_space<vmem>> -> memref<128xi32, #tpu.memory_space<vmem>>
      %dma_start3A_198 = arith.constant 0 : i32
      %dma_start3A_199 = arith.constant 0 : i32
      %dma_start3A_200 = tpu.memref_slice %arg11[%dma_start3A_198, %dma_start3A_199] : memref<10240x32xf32, #tpu.memory_space<vmem_shared>> -> memref<10240x32xf32, #tpu.memory_space<vmem_shared>>
      %dma_start3A_201 = tpu.memref_slice %arg12[%dma_start3A_190] : memref<2x!tpu.dma_semaphore, #tpu.memory_space<semaphore_mem>> -> memref<1x!tpu.dma_semaphore, #tpu.memory_space<semaphore_mem>>
      %dma_start3A_202 = tpu.memref_squeeze %dma_start3A_201 : memref<1x!tpu.dma_semaphore, #tpu.memory_space<semaphore_mem>> -> memref<!tpu.dma_semaphore, #tpu.memory_space<semaphore_mem>>
      tpu.enqueue_indirect_dma source(%dma_start3A_200 : memref<10240x32xf32, #tpu.memory_space<vmem_shared>>) target(%dma_start3A_194 : memref<128x32xf32, #tpu.memory_space<vmem>>) offsets(%dma_start3A_197 : memref<128xi32, #tpu.memory_space<vmem>>) semaphore(%dma_start3A_202 : memref<!tpu.dma_semaphore, #tpu.memory_space<semaphore_mem>>)
      %mul3A_203 = arith.constant 5 : i32
      %mul3A_204 = arith.muli %mul3A_105, %mul3A_203 : i32
      %add3A_205 = arith.constant 0 : i32
      %add3A_206 = arith.addi %mul3A_204, %add3A_205 : i32
      %dma_wait3A = arith.constant 0 : i32
      %dma_wait3A_207 = arith.constant 0 : i32
      %dma_wait3A_208 = arith.constant 0 : i32
      %dma_wait3A_209 = arith.constant 0 : i32
      %dma_wait3A_210 = arith.constant 0 : i32
      %dma_wait3A_211 = tpu.memref_slice %arg9[%dma_wait3A, %dma_wait3A_207, %dma_wait3A_209, %dma_wait3A_210] : memref<2x5x128x32xf32, #tpu.memory_space<vmem>> -> memref<1x1x128x32xf32, #tpu.memory_space<vmem>>
      %dma_wait3A_212 = tpu.memref_squeeze %dma_wait3A_211 : memref<1x1x128x32xf32, #tpu.memory_space<vmem>> -> memref<128x32xf32, #tpu.memory_space<vmem>>
      %dma_wait3A_213 = arith.constant 0 : i32
      %dma_wait3A_214 = tpu.memref_slice %arg7[%add3A_206, %dma_wait3A_213] : memref<160x128xi32, #tpu.memory_space<vmem>> -> memref<1x128xi32, #tpu.memory_space<vmem>>
      %dma_wait3A_215 = tpu.memref_squeeze %dma_wait3A_214 : memref<1x128xi32, #tpu.memory_space<vmem>> -> memref<128xi32, #tpu.memory_space<vmem>>
      %dma_wait3A_216 = arith.constant 0 : i32
      %dma_wait3A_217 = arith.constant 0 : i32
      %dma_wait3A_218 = tpu.memref_slice %arg11[%dma_wait3A_216, %dma_wait3A_217] : memref<10240x32xf32, #tpu.memory_space<vmem_shared>> -> memref<10240x32xf32, #tpu.memory_space<vmem_shared>>
      %dma_wait3A_219 = tpu.memref_slice %arg12[%dma_wait3A_208] : memref<2x!tpu.dma_semaphore, #tpu.memory_space<semaphore_mem>> -> memref<1x!tpu.dma_semaphore, #tpu.memory_space<semaphore_mem>>
      %dma_wait3A_220 = tpu.memref_squeeze %dma_wait3A_219 : memref<1x!tpu.dma_semaphore, #tpu.memory_space<semaphore_mem>> -> memref<!tpu.dma_semaphore, #tpu.memory_space<semaphore_mem>>
      tpu.wait_indirect_dma semaphore(%dma_wait3A_220 : memref<!tpu.dma_semaphore, #tpu.memory_space<semaphore_mem>>) src(%dma_wait3A_218 : memref<10240x32xf32, #tpu.memory_space<vmem_shared>>) dst(%dma_wait3A_212 : memref<128x32xf32, #tpu.memory_space<vmem>>)
      %mul3A_221 = arith.constant 5 : i32
      %mul3A_222 = arith.muli %mul3A_105, %mul3A_221 : i32
      %add3A_223 = arith.constant 1 : i32
      %add3A_224 = arith.addi %mul3A_222, %add3A_223 : i32
      %dma_wait3A_225 = arith.constant 0 : i32
      %dma_wait3A_226 = arith.constant 1 : i32
      %dma_wait3A_227 = arith.constant 0 : i32
      %dma_wait3A_228 = arith.constant 0 : i32
      %dma_wait3A_229 = arith.constant 0 : i32
      %dma_wait3A_230 = tpu.memref_slice %arg9[%dma_wait3A_225, %dma_wait3A_226, %dma_wait3A_228, %dma_wait3A_229] : memref<2x5x128x32xf32, #tpu.memory_space<vmem>> -> memref<1x1x128x32xf32, #tpu.memory_space<vmem>>
      %dma_wait3A_231 = tpu.memref_squeeze %dma_wait3A_230 : memref<1x1x128x32xf32, #tpu.memory_space<vmem>> -> memref<128x32xf32, #tpu.memory_space<vmem>>
      %dma_wait3A_232 = arith.constant 0 : i32
      %dma_wait3A_233 = tpu.memref_slice %arg7[%add3A_224, %dma_wait3A_232] : memref<160x128xi32, #tpu.memory_space<vmem>> -> memref<1x128xi32, #tpu.memory_space<vmem>>
      %dma_wait3A_234 = tpu.memref_squeeze %dma_wait3A_233 : memref<1x128xi32, #tpu.memory_space<vmem>> -> memref<128xi32, #tpu.memory_space<vmem>>
      %dma_wait3A_235 = arith.constant 0 : i32
      %dma_wait3A_236 = arith.constant 0 : i32
      %dma_wait3A_237 = tpu.memref_slice %arg11[%dma_wait3A_235, %dma_wait3A_236] : memref<10240x32xf32, #tpu.memory_space<vmem_shared>> -> memref<10240x32xf32, #tpu.memory_space<vmem_shared>>
      %dma_wait3A_238 = tpu.memref_slice %arg12[%dma_wait3A_227] : memref<2x!tpu.dma_semaphore, #tpu.memory_space<semaphore_mem>> -> memref<1x!tpu.dma_semaphore, #tpu.memory_space<semaphore_mem>>
      %dma_wait3A_239 = tpu.memref_squeeze %dma_wait3A_238 : memref<1x!tpu.dma_semaphore, #tpu.memory_space<semaphore_mem>> -> memref<!tpu.dma_semaphore, #tpu.memory_space<semaphore_mem>>
      tpu.wait_indirect_dma semaphore(%dma_wait3A_239 : memref<!tpu.dma_semaphore, #tpu.memory_space<semaphore_mem>>) src(%dma_wait3A_237 : memref<10240x32xf32, #tpu.memory_space<vmem_shared>>) dst(%dma_wait3A_231 : memref<128x32xf32, #tpu.memory_space<vmem>>)
      %mul3A_240 = arith.constant 5 : i32
      %mul3A_241 = arith.muli %mul3A_105, %mul3A_240 : i32
      %add3A_242 = arith.constant 2 : i32
      %add3A_243 = arith.addi %mul3A_241, %add3A_242 : i32
      %dma_wait3A_244 = arith.constant 0 : i32
      %dma_wait3A_245 = arith.constant 2 : i32
      %dma_wait3A_246 = arith.constant 0 : i32
      %dma_wait3A_247 = arith.constant 0 : i32
      %dma_wait3A_248 = arith.constant 0 : i32
      %dma_wait3A_249 = tpu.memref_slice %arg9[%dma_wait3A_244, %dma_wait3A_245, %dma_wait3A_247, %dma_wait3A_248] : memref<2x5x128x32xf32, #tpu.memory_space<vmem>> -> memref<1x1x128x32xf32, #tpu.memory_space<vmem>>
      %dma_wait3A_250 = tpu.memref_squeeze %dma_wait3A_249 : memref<1x1x128x32xf32, #tpu.memory_space<vmem>> -> memref<128x32xf32, #tpu.memory_space<vmem>>
      %dma_wait3A_251 = arith.constant 0 : i32
      %dma_wait3A_252 = tpu.memref_slice %arg7[%add3A_243, %dma_wait3A_251] : memref<160x128xi32, #tpu.memory_space<vmem>> -> memref<1x128xi32, #tpu.memory_space<vmem>>
      %dma_wait3A_253 = tpu.memref_squeeze %dma_wait3A_252 : memref<1x128xi32, #tpu.memory_space<vmem>> -> memref<128xi32, #tpu.memory_space<vmem>>
      %dma_wait3A_254 = arith.constant 0 : i32
      %dma_wait3A_255 = arith.constant 0 : i32
      %dma_wait3A_256 = tpu.memref_slice %arg11[%dma_wait3A_254, %dma_wait3A_255] : memref<10240x32xf32, #tpu.memory_space<vmem_shared>> -> memref<10240x32xf32, #tpu.memory_space<vmem_shared>>
      %dma_wait3A_257 = tpu.memref_slice %arg12[%dma_wait3A_246] : memref<2x!tpu.dma_semaphore, #tpu.memory_space<semaphore_mem>> -> memref<1x!tpu.dma_semaphore, #tpu.memory_space<semaphore_mem>>
      %dma_wait3A_258 = tpu.memref_squeeze %dma_wait3A_257 : memref<1x!tpu.dma_semaphore, #tpu.memory_space<semaphore_mem>> -> memref<!tpu.dma_semaphore, #tpu.memory_space<semaphore_mem>>
      tpu.wait_indirect_dma semaphore(%dma_wait3A_258 : memref<!tpu.dma_semaphore, #tpu.memory_space<semaphore_mem>>) src(%dma_wait3A_256 : memref<10240x32xf32, #tpu.memory_space<vmem_shared>>) dst(%dma_wait3A_250 : memref<128x32xf32, #tpu.memory_space<vmem>>)
      %mul3A_259 = arith.constant 5 : i32
      %mul3A_260 = arith.muli %mul3A_105, %mul3A_259 : i32
      %add3A_261 = arith.constant 3 : i32
      %add3A_262 = arith.addi %mul3A_260, %add3A_261 : i32
      %dma_wait3A_263 = arith.constant 0 : i32
      %dma_wait3A_264 = arith.constant 3 : i32
      %dma_wait3A_265 = arith.constant 0 : i32
      %dma_wait3A_266 = arith.constant 0 : i32
      %dma_wait3A_267 = arith.constant 0 : i32
      %dma_wait3A_268 = tpu.memref_slice %arg9[%dma_wait3A_263, %dma_wait3A_264, %dma_wait3A_266, %dma_wait3A_267] : memref<2x5x128x32xf32, #tpu.memory_space<vmem>> -> memref<1x1x128x32xf32, #tpu.memory_space<vmem>>
      %dma_wait3A_269 = tpu.memref_squeeze %dma_wait3A_268 : memref<1x1x128x32xf32, #tpu.memory_space<vmem>> -> memref<128x32xf32, #tpu.memory_space<vmem>>
      %dma_wait3A_270 = arith.constant 0 : i32
      %dma_wait3A_271 = tpu.memref_slice %arg7[%add3A_262, %dma_wait3A_270] : memref<160x128xi32, #tpu.memory_space<vmem>> -> memref<1x128xi32, #tpu.memory_space<vmem>>
      %dma_wait3A_272 = tpu.memref_squeeze %dma_wait3A_271 : memref<1x128xi32, #tpu.memory_space<vmem>> -> memref<128xi32, #tpu.memory_space<vmem>>
      %dma_wait3A_273 = arith.constant 0 : i32
      %dma_wait3A_274 = arith.constant 0 : i32
      %dma_wait3A_275 = tpu.memref_slice %arg11[%dma_wait3A_273, %dma_wait3A_274] : memref<10240x32xf32, #tpu.memory_space<vmem_shared>> -> memref<10240x32xf32, #tpu.memory_space<vmem_shared>>
      %dma_wait3A_276 = tpu.memref_slice %arg12[%dma_wait3A_265] : memref<2x!tpu.dma_semaphore, #tpu.memory_space<semaphore_mem>> -> memref<1x!tpu.dma_semaphore, #tpu.memory_space<semaphore_mem>>
      %dma_wait3A_277 = tpu.memref_squeeze %dma_wait3A_276 : memref<1x!tpu.dma_semaphore, #tpu.memory_space<semaphore_mem>> -> memref<!tpu.dma_semaphore, #tpu.memory_space<semaphore_mem>>
      tpu.wait_indirect_dma semaphore(%dma_wait3A_277 : memref<!tpu.dma_semaphore, #tpu.memory_space<semaphore_mem>>) src(%dma_wait3A_275 : memref<10240x32xf32, #tpu.memory_space<vmem_shared>>) dst(%dma_wait3A_269 : memref<128x32xf32, #tpu.memory_space<vmem>>)
      %mul3A_278 = arith.constant 5 : i32
      %mul3A_279 = arith.muli %mul3A_105, %mul3A_278 : i32
      %add3A_280 = arith.constant 4 : i32
      %add3A_281 = arith.addi %mul3A_279, %add3A_280 : i32
      %dma_wait3A_282 = arith.constant 0 : i32
      %dma_wait3A_283 = arith.constant 4 : i32
      %dma_wait3A_284 = arith.constant 0 : i32
      %dma_wait3A_285 = arith.constant 0 : i32
      %dma_wait3A_286 = arith.constant 0 : i32
      %dma_wait3A_287 = tpu.memref_slice %arg9[%dma_wait3A_282, %dma_wait3A_283, %dma_wait3A_285, %dma_wait3A_286] : memref<2x5x128x32xf32, #tpu.memory_space<vmem>> -> memref<1x1x128x32xf32, #tpu.memory_space<vmem>>
      %dma_wait3A_288 = tpu.memref_squeeze %dma_wait3A_287 : memref<1x1x128x32xf32, #tpu.memory_space<vmem>> -> memref<128x32xf32, #tpu.memory_space<vmem>>
      %dma_wait3A_289 = arith.constant 0 : i32
      %dma_wait3A_290 = tpu.memref_slice %arg7[%add3A_281, %dma_wait3A_289] : memref<160x128xi32, #tpu.memory_space<vmem>> -> memref<1x128xi32, #tpu.memory_space<vmem>>
      %dma_wait3A_291 = tpu.memref_squeeze %dma_wait3A_290 : memref<1x128xi32, #tpu.memory_space<vmem>> -> memref<128xi32, #tpu.memory_space<vmem>>
      %dma_wait3A_292 = arith.constant 0 : i32
      %dma_wait3A_293 = arith.constant 0 : i32
      %dma_wait3A_294 = tpu.memref_slice %arg11[%dma_wait3A_292, %dma_wait3A_293] : memref<10240x32xf32, #tpu.memory_space<vmem_shared>> -> memref<10240x32xf32, #tpu.memory_space<vmem_shared>>
      %dma_wait3A_295 = tpu.memref_slice %arg12[%dma_wait3A_284] : memref<2x!tpu.dma_semaphore, #tpu.memory_space<semaphore_mem>> -> memref<1x!tpu.dma_semaphore, #tpu.memory_space<semaphore_mem>>
      %dma_wait3A_296 = tpu.memref_squeeze %dma_wait3A_295 : memref<1x!tpu.dma_semaphore, #tpu.memory_space<semaphore_mem>> -> memref<!tpu.dma_semaphore, #tpu.memory_space<semaphore_mem>>
      tpu.wait_indirect_dma semaphore(%dma_wait3A_296 : memref<!tpu.dma_semaphore, #tpu.memory_space<semaphore_mem>>) src(%dma_wait3A_294 : memref<10240x32xf32, #tpu.memory_space<vmem_shared>>) dst(%dma_wait3A_288 : memref<128x32xf32, #tpu.memory_space<vmem>>)
      %mul3A_297 = arith.constant 5 : i32
      %mul3A_298 = arith.muli %mul3A_105, %mul3A_297 : i32
      %add3A_299 = arith.constant 0 : i32
      %add3A_300 = arith.addi %mul3A_298, %add3A_299 : i32
      %dma_start3A_301 = arith.constant 0 : i32
      %dma_start3A_302 = arith.constant 0 : i32
      %dma_start3A_303 = arith.constant 0 : i32
      %dma_start3A_304 = arith.constant 0 : i32
      %dma_start3A_305 = arith.constant 0 : i32
      %dma_start3A_306 = tpu.memref_slice %arg9[%dma_start3A_301, %dma_start3A_302, %dma_start3A_304, %dma_start3A_305] : memref<2x5x128x32xf32, #tpu.memory_space<vmem>> -> memref<1x1x128x32xf32, #tpu.memory_space<vmem>>
      %dma_start3A_307 = tpu.memref_squeeze %dma_start3A_306 : memref<1x1x128x32xf32, #tpu.memory_space<vmem>> -> memref<128x32xf32, #tpu.memory_space<vmem>>
      %dma_start3A_308 = arith.constant 0 : i32
      %dma_start3A_309 = tpu.memref_slice %arg8[%add3A_300, %dma_start3A_308] : memref<160x128xi32, #tpu.memory_space<vmem>> -> memref<1x128xi32, #tpu.memory_space<vmem>>
      %dma_start3A_310 = tpu.memref_squeeze %dma_start3A_309 : memref<1x128xi32, #tpu.memory_space<vmem>> -> memref<128xi32, #tpu.memory_space<vmem>>
      %dma_start3A_311 = arith.constant 0 : i32
      %dma_start3A_312 = arith.constant 0 : i32
      %dma_start3A_313 = tpu.memref_slice %arg10[%dma_start3A_311, %dma_start3A_312] : memref<10240x32xf32, #tpu.memory_space<vmem_shared>> -> memref<10240x32xf32, #tpu.memory_space<vmem_shared>>
      %dma_start3A_314 = tpu.memref_slice %arg13[%dma_start3A_303] : memref<2x!tpu.dma_semaphore, #tpu.memory_space<semaphore_mem>> -> memref<1x!tpu.dma_semaphore, #tpu.memory_space<semaphore_mem>>
      %dma_start3A_315 = tpu.memref_squeeze %dma_start3A_314 : memref<1x!tpu.dma_semaphore, #tpu.memory_space<semaphore_mem>> -> memref<!tpu.dma_semaphore, #tpu.memory_space<semaphore_mem>>
      tpu.enqueue_indirect_dma source(%dma_start3A_307 : memref<128x32xf32, #tpu.memory_space<vmem>>) target(%dma_start3A_313 : memref<10240x32xf32, #tpu.memory_space<vmem_shared>>) offsets(%dma_start3A_310 : memref<128xi32, #tpu.memory_space<vmem>>) semaphore(%dma_start3A_315 : memref<!tpu.dma_semaphore, #tpu.memory_space<semaphore_mem>>) {add = true}
      %mul3A_316 = arith.constant 5 : i32
      %mul3A_317 = arith.muli %mul3A_105, %mul3A_316 : i32
      %add3A_318 = arith.constant 1 : i32
      %add3A_319 = arith.addi %mul3A_317, %add3A_318 : i32
      %dma_start3A_320 = arith.constant 0 : i32
      %dma_start3A_321 = arith.constant 1 : i32
      %dma_start3A_322 = arith.constant 0 : i32
      %dma_start3A_323 = arith.constant 0 : i32
      %dma_start3A_324 = arith.constant 0 : i32
      %dma_start3A_325 = tpu.memref_slice %arg9[%dma_start3A_320, %dma_start3A_321, %dma_start3A_323, %dma_start3A_324] : memref<2x5x128x32xf32, #tpu.memory_space<vmem>> -> memref<1x1x128x32xf32, #tpu.memory_space<vmem>>
      %dma_start3A_326 = tpu.memref_squeeze %dma_start3A_325 : memref<1x1x128x32xf32, #tpu.memory_space<vmem>> -> memref<128x32xf32, #tpu.memory_space<vmem>>
      %dma_start3A_327 = arith.constant 0 : i32
      %dma_start3A_328 = tpu.memref_slice %arg8[%add3A_319, %dma_start3A_327] : memref<160x128xi32, #tpu.memory_space<vmem>> -> memref<1x128xi32, #tpu.memory_space<vmem>>
      %dma_start3A_329 = tpu.memref_squeeze %dma_start3A_328 : memref<1x128xi32, #tpu.memory_space<vmem>> -> memref<128xi32, #tpu.memory_space<vmem>>
      %dma_start3A_330 = arith.constant 0 : i32
      %dma_start3A_331 = arith.constant 0 : i32
      %dma_start3A_332 = tpu.memref_slice %arg10[%dma_start3A_330, %dma_start3A_331] : memref<10240x32xf32, #tpu.memory_space<vmem_shared>> -> memref<10240x32xf32, #tpu.memory_space<vmem_shared>>
      %dma_start3A_333 = tpu.memref_slice %arg13[%dma_start3A_322] : memref<2x!tpu.dma_semaphore, #tpu.memory_space<semaphore_mem>> -> memref<1x!tpu.dma_semaphore, #tpu.memory_space<semaphore_mem>>
      %dma_start3A_334 = tpu.memref_squeeze %dma_start3A_333 : memref<1x!tpu.dma_semaphore, #tpu.memory_space<semaphore_mem>> -> memref<!tpu.dma_semaphore, #tpu.memory_space<semaphore_mem>>
      tpu.enqueue_indirect_dma source(%dma_start3A_326 : memref<128x32xf32, #tpu.memory_space<vmem>>) target(%dma_start3A_332 : memref<10240x32xf32, #tpu.memory_space<vmem_shared>>) offsets(%dma_start3A_329 : memref<128xi32, #tpu.memory_space<vmem>>) semaphore(%dma_start3A_334 : memref<!tpu.dma_semaphore, #tpu.memory_space<semaphore_mem>>) {add = true}
      %mul3A_335 = arith.constant 5 : i32
      %mul3A_336 = arith.muli %mul3A_105, %mul3A_335 : i32
      %add3A_337 = arith.constant 2 : i32
      %add3A_338 = arith.addi %mul3A_336, %add3A_337 : i32
      %dma_start3A_339 = arith.constant 0 : i32
      %dma_start3A_340 = arith.constant 2 : i32
      %dma_start3A_341 = arith.constant 0 : i32
      %dma_start3A_342 = arith.constant 0 : i32
      %dma_start3A_343 = arith.constant 0 : i32
      %dma_start3A_344 = tpu.memref_slice %arg9[%dma_start3A_339, %dma_start3A_340, %dma_start3A_342, %dma_start3A_343] : memref<2x5x128x32xf32, #tpu.memory_space<vmem>> -> memref<1x1x128x32xf32, #tpu.memory_space<vmem>>
      %dma_start3A_345 = tpu.memref_squeeze %dma_start3A_344 : memref<1x1x128x32xf32, #tpu.memory_space<vmem>> -> memref<128x32xf32, #tpu.memory_space<vmem>>
      %dma_start3A_346 = arith.constant 0 : i32
      %dma_start3A_347 = tpu.memref_slice %arg8[%add3A_338, %dma_start3A_346] : memref<160x128xi32, #tpu.memory_space<vmem>> -> memref<1x128xi32, #tpu.memory_space<vmem>>
      %dma_start3A_348 = tpu.memref_squeeze %dma_start3A_347 : memref<1x128xi32, #tpu.memory_space<vmem>> -> memref<128xi32, #tpu.memory_space<vmem>>
      %dma_start3A_349 = arith.constant 0 : i32
      %dma_start3A_350 = arith.constant 0 : i32
      %dma_start3A_351 = tpu.memref_slice %arg10[%dma_start3A_349, %dma_start3A_350] : memref<10240x32xf32, #tpu.memory_space<vmem_shared>> -> memref<10240x32xf32, #tpu.memory_space<vmem_shared>>
      %dma_start3A_352 = tpu.memref_slice %arg13[%dma_start3A_341] : memref<2x!tpu.dma_semaphore, #tpu.memory_space<semaphore_mem>> -> memref<1x!tpu.dma_semaphore, #tpu.memory_space<semaphore_mem>>
      %dma_start3A_353 = tpu.memref_squeeze %dma_start3A_352 : memref<1x!tpu.dma_semaphore, #tpu.memory_space<semaphore_mem>> -> memref<!tpu.dma_semaphore, #tpu.memory_space<semaphore_mem>>
      tpu.enqueue_indirect_dma source(%dma_start3A_345 : memref<128x32xf32, #tpu.memory_space<vmem>>) target(%dma_start3A_351 : memref<10240x32xf32, #tpu.memory_space<vmem_shared>>) offsets(%dma_start3A_348 : memref<128xi32, #tpu.memory_space<vmem>>) semaphore(%dma_start3A_353 : memref<!tpu.dma_semaphore, #tpu.memory_space<semaphore_mem>>) {add = true}
      %mul3A_354 = arith.constant 5 : i32
      %mul3A_355 = arith.muli %mul3A_105, %mul3A_354 : i32
      %add3A_356 = arith.constant 3 : i32
      %add3A_357 = arith.addi %mul3A_355, %add3A_356 : i32
      %dma_start3A_358 = arith.constant 0 : i32
      %dma_start3A_359 = arith.constant 3 : i32
      %dma_start3A_360 = arith.constant 0 : i32
      %dma_start3A_361 = arith.constant 0 : i32
      %dma_start3A_362 = arith.constant 0 : i32
      %dma_start3A_363 = tpu.memref_slice %arg9[%dma_start3A_358, %dma_start3A_359, %dma_start3A_361, %dma_start3A_362] : memref<2x5x128x32xf32, #tpu.memory_space<vmem>> -> memref<1x1x128x32xf32, #tpu.memory_space<vmem>>
      %dma_start3A_364 = tpu.memref_squeeze %dma_start3A_363 : memref<1x1x128x32xf32, #tpu.memory_space<vmem>> -> memref<128x32xf32, #tpu.memory_space<vmem>>
      %dma_start3A_365 = arith.constant 0 : i32
      %dma_start3A_366 = tpu.memref_slice %arg8[%add3A_357, %dma_start3A_365] : memref<160x128xi32, #tpu.memory_space<vmem>> -> memref<1x128xi32, #tpu.memory_space<vmem>>
      %dma_start3A_367 = tpu.memref_squeeze %dma_start3A_366 : memref<1x128xi32, #tpu.memory_space<vmem>> -> memref<128xi32, #tpu.memory_space<vmem>>
      %dma_start3A_368 = arith.constant 0 : i32
      %dma_start3A_369 = arith.constant 0 : i32
      %dma_start3A_370 = tpu.memref_slice %arg10[%dma_start3A_368, %dma_start3A_369] : memref<10240x32xf32, #tpu.memory_space<vmem_shared>> -> memref<10240x32xf32, #tpu.memory_space<vmem_shared>>
      %dma_start3A_371 = tpu.memref_slice %arg13[%dma_start3A_360] : memref<2x!tpu.dma_semaphore, #tpu.memory_space<semaphore_mem>> -> memref<1x!tpu.dma_semaphore, #tpu.memory_space<semaphore_mem>>
      %dma_start3A_372 = tpu.memref_squeeze %dma_start3A_371 : memref<1x!tpu.dma_semaphore, #tpu.memory_space<semaphore_mem>> -> memref<!tpu.dma_semaphore, #tpu.memory_space<semaphore_mem>>
      tpu.enqueue_indirect_dma source(%dma_start3A_364 : memref<128x32xf32, #tpu.memory_space<vmem>>) target(%dma_start3A_370 : memref<10240x32xf32, #tpu.memory_space<vmem_shared>>) offsets(%dma_start3A_367 : memref<128xi32, #tpu.memory_space<vmem>>) semaphore(%dma_start3A_372 : memref<!tpu.dma_semaphore, #tpu.memory_space<semaphore_mem>>) {add = true}
      %mul3A_373 = arith.constant 5 : i32
      %mul3A_374 = arith.muli %mul3A_105, %mul3A_373 : i32
      %add3A_375 = arith.constant 4 : i32
      %add3A_376 = arith.addi %mul3A_374, %add3A_375 : i32
      %dma_start3A_377 = arith.constant 0 : i32
      %dma_start3A_378 = arith.constant 4 : i32
      %dma_start3A_379 = arith.constant 0 : i32
      %dma_start3A_380 = arith.constant 0 : i32
      %dma_start3A_381 = arith.constant 0 : i32
      %dma_start3A_382 = tpu.memref_slice %arg9[%dma_start3A_377, %dma_start3A_378, %dma_start3A_380, %dma_start3A_381] : memref<2x5x128x32xf32, #tpu.memory_space<vmem>> -> memref<1x1x128x32xf32, #tpu.memory_space<vmem>>
      %dma_start3A_383 = tpu.memref_squeeze %dma_start3A_382 : memref<1x1x128x32xf32, #tpu.memory_space<vmem>> -> memref<128x32xf32, #tpu.memory_space<vmem>>
      %dma_start3A_384 = arith.constant 0 : i32
      %dma_start3A_385 = tpu.memref_slice %arg8[%add3A_376, %dma_start3A_384] : memref<160x128xi32, #tpu.memory_space<vmem>> -> memref<1x128xi32, #tpu.memory_space<vmem>>
      %dma_start3A_386 = tpu.memref_squeeze %dma_start3A_385 : memref<1x128xi32, #tpu.memory_space<vmem>> -> memref<128xi32, #tpu.memory_space<vmem>>
      %dma_start3A_387 = arith.constant 0 : i32
      %dma_start3A_388 = arith.constant 0 : i32
      %dma_start3A_389 = tpu.memref_slice %arg10[%dma_start3A_387, %dma_start3A_388] : memref<10240x32xf32, #tpu.memory_space<vmem_shared>> -> memref<10240x32xf32, #tpu.memory_space<vmem_shared>>
      %dma_start3A_390 = tpu.memref_slice %arg13[%dma_start3A_379] : memref<2x!tpu.dma_semaphore, #tpu.memory_space<semaphore_mem>> -> memref<1x!tpu.dma_semaphore, #tpu.memory_space<semaphore_mem>>
      %dma_start3A_391 = tpu.memref_squeeze %dma_start3A_390 : memref<1x!tpu.dma_semaphore, #tpu.memory_space<semaphore_mem>> -> memref<!tpu.dma_semaphore, #tpu.memory_space<semaphore_mem>>
      tpu.enqueue_indirect_dma source(%dma_start3A_383 : memref<128x32xf32, #tpu.memory_space<vmem>>) target(%dma_start3A_389 : memref<10240x32xf32, #tpu.memory_space<vmem_shared>>) offsets(%dma_start3A_386 : memref<128xi32, #tpu.memory_space<vmem>>) semaphore(%dma_start3A_391 : memref<!tpu.dma_semaphore, #tpu.memory_space<semaphore_mem>>) {add = true}
      %mul3A_392 = arith.constant 5 : i32
      %mul3A_393 = arith.muli %mul3A_105, %mul3A_392 : i32
      %add3A_394 = arith.constant 0 : i32
      %add3A_395 = arith.addi %mul3A_393, %add3A_394 : i32
      %dma_wait3A_396 = arith.constant 0 : i32
      %dma_wait3A_397 = arith.constant 0 : i32
      %dma_wait3A_398 = arith.constant 0 : i32
      %dma_wait3A_399 = arith.constant 0 : i32
      %dma_wait3A_400 = arith.constant 0 : i32
      %dma_wait3A_401 = tpu.memref_slice %arg9[%dma_wait3A_396, %dma_wait3A_397, %dma_wait3A_399, %dma_wait3A_400] : memref<2x5x128x32xf32, #tpu.memory_space<vmem>> -> memref<1x1x128x32xf32, #tpu.memory_space<vmem>>
      %dma_wait3A_402 = tpu.memref_squeeze %dma_wait3A_401 : memref<1x1x128x32xf32, #tpu.memory_space<vmem>> -> memref<128x32xf32, #tpu.memory_space<vmem>>
      %dma_wait3A_403 = arith.constant 0 : i32
      %dma_wait3A_404 = tpu.memref_slice %arg8[%add3A_395, %dma_wait3A_403] : memref<160x128xi32, #tpu.memory_space<vmem>> -> memref<1x128xi32, #tpu.memory_space<vmem>>
      %dma_wait3A_405 = tpu.memref_squeeze %dma_wait3A_404 : memref<1x128xi32, #tpu.memory_space<vmem>> -> memref<128xi32, #tpu.memory_space<vmem>>
      %dma_wait3A_406 = arith.constant 0 : i32
      %dma_wait3A_407 = arith.constant 0 : i32
      %dma_wait3A_408 = tpu.memref_slice %arg10[%dma_wait3A_406, %dma_wait3A_407] : memref<10240x32xf32, #tpu.memory_space<vmem_shared>> -> memref<10240x32xf32, #tpu.memory_space<vmem_shared>>
      %dma_wait3A_409 = tpu.memref_slice %arg13[%dma_wait3A_398] : memref<2x!tpu.dma_semaphore, #tpu.memory_space<semaphore_mem>> -> memref<1x!tpu.dma_semaphore, #tpu.memory_space<semaphore_mem>>
      %dma_wait3A_410 = tpu.memref_squeeze %dma_wait3A_409 : memref<1x!tpu.dma_semaphore, #tpu.memory_space<semaphore_mem>> -> memref<!tpu.dma_semaphore, #tpu.memory_space<semaphore_mem>>
      tpu.wait_indirect_dma semaphore(%dma_wait3A_410 : memref<!tpu.dma_semaphore, #tpu.memory_space<semaphore_mem>>) src(%dma_wait3A_402 : memref<128x32xf32, #tpu.memory_space<vmem>>) dst(%dma_wait3A_408 : memref<10240x32xf32, #tpu.memory_space<vmem_shared>>)
      %mul3A_411 = arith.constant 5 : i32
      %mul3A_412 = arith.muli %mul3A_105, %mul3A_411 : i32
      %add3A_413 = arith.constant 1 : i32
      %add3A_414 = arith.addi %mul3A_412, %add3A_413 : i32
      %dma_wait3A_415 = arith.constant 0 : i32
      %dma_wait3A_416 = arith.constant 1 : i32
      %dma_wait3A_417 = arith.constant 0 : i32
      %dma_wait3A_418 = arith.constant 0 : i32
      %dma_wait3A_419 = arith.constant 0 : i32
      %dma_wait3A_420 = tpu.memref_slice %arg9[%dma_wait3A_415, %dma_wait3A_416, %dma_wait3A_418, %dma_wait3A_419] : memref<2x5x128x32xf32, #tpu.memory_space<vmem>> -> memref<1x1x128x32xf32, #tpu.memory_space<vmem>>
      %dma_wait3A_421 = tpu.memref_squeeze %dma_wait3A_420 : memref<1x1x128x32xf32, #tpu.memory_space<vmem>> -> memref<128x32xf32, #tpu.memory_space<vmem>>
      %dma_wait3A_422 = arith.constant 0 : i32
      %dma_wait3A_423 = tpu.memref_slice %arg8[%add3A_414, %dma_wait3A_422] : memref<160x128xi32, #tpu.memory_space<vmem>> -> memref<1x128xi32, #tpu.memory_space<vmem>>
      %dma_wait3A_424 = tpu.memref_squeeze %dma_wait3A_423 : memref<1x128xi32, #tpu.memory_space<vmem>> -> memref<128xi32, #tpu.memory_space<vmem>>
      %dma_wait3A_425 = arith.constant 0 : i32
      %dma_wait3A_426 = arith.constant 0 : i32
      %dma_wait3A_427 = tpu.memref_slice %arg10[%dma_wait3A_425, %dma_wait3A_426] : memref<10240x32xf32, #tpu.memory_space<vmem_shared>> -> memref<10240x32xf32, #tpu.memory_space<vmem_shared>>
      %dma_wait3A_428 = tpu.memref_slice %arg13[%dma_wait3A_417] : memref<2x!tpu.dma_semaphore, #tpu.memory_space<semaphore_mem>> -> memref<1x!tpu.dma_semaphore, #tpu.memory_space<semaphore_mem>>
      %dma_wait3A_429 = tpu.memref_squeeze %dma_wait3A_428 : memref<1x!tpu.dma_semaphore, #tpu.memory_space<semaphore_mem>> -> memref<!tpu.dma_semaphore, #tpu.memory_space<semaphore_mem>>
      tpu.wait_indirect_dma semaphore(%dma_wait3A_429 : memref<!tpu.dma_semaphore, #tpu.memory_space<semaphore_mem>>) src(%dma_wait3A_421 : memref<128x32xf32, #tpu.memory_space<vmem>>) dst(%dma_wait3A_427 : memref<10240x32xf32, #tpu.memory_space<vmem_shared>>)
      %mul3A_430 = arith.constant 5 : i32
      %mul3A_431 = arith.muli %mul3A_105, %mul3A_430 : i32
      %add3A_432 = arith.constant 2 : i32
      %add3A_433 = arith.addi %mul3A_431, %add3A_432 : i32
      %dma_wait3A_434 = arith.constant 0 : i32
      %dma_wait3A_435 = arith.constant 2 : i32
      %dma_wait3A_436 = arith.constant 0 : i32
      %dma_wait3A_437 = arith.constant 0 : i32
      %dma_wait3A_438 = arith.constant 0 : i32
      %dma_wait3A_439 = tpu.memref_slice %arg9[%dma_wait3A_434, %dma_wait3A_435, %dma_wait3A_437, %dma_wait3A_438] : memref<2x5x128x32xf32, #tpu.memory_space<vmem>> -> memref<1x1x128x32xf32, #tpu.memory_space<vmem>>
      %dma_wait3A_440 = tpu.memref_squeeze %dma_wait3A_439 : memref<1x1x128x32xf32, #tpu.memory_space<vmem>> -> memref<128x32xf32, #tpu.memory_space<vmem>>
      %dma_wait3A_441 = arith.constant 0 : i32
      %dma_wait3A_442 = tpu.memref_slice %arg8[%add3A_433, %dma_wait3A_441] : memref<160x128xi32, #tpu.memory_space<vmem>> -> memref<1x128xi32, #tpu.memory_space<vmem>>
      %dma_wait3A_443 = tpu.memref_squeeze %dma_wait3A_442 : memref<1x128xi32, #tpu.memory_space<vmem>> -> memref<128xi32, #tpu.memory_space<vmem>>
      %dma_wait3A_444 = arith.constant 0 : i32
      %dma_wait3A_445 = arith.constant 0 : i32
      %dma_wait3A_446 = tpu.memref_slice %arg10[%dma_wait3A_444, %dma_wait3A_445] : memref<10240x32xf32, #tpu.memory_space<vmem_shared>> -> memref<10240x32xf32, #tpu.memory_space<vmem_shared>>
      %dma_wait3A_447 = tpu.memref_slice %arg13[%dma_wait3A_436] : memref<2x!tpu.dma_semaphore, #tpu.memory_space<semaphore_mem>> -> memref<1x!tpu.dma_semaphore, #tpu.memory_space<semaphore_mem>>
      %dma_wait3A_448 = tpu.memref_squeeze %dma_wait3A_447 : memref<1x!tpu.dma_semaphore, #tpu.memory_space<semaphore_mem>> -> memref<!tpu.dma_semaphore, #tpu.memory_space<semaphore_mem>>
      tpu.wait_indirect_dma semaphore(%dma_wait3A_448 : memref<!tpu.dma_semaphore, #tpu.memory_space<semaphore_mem>>) src(%dma_wait3A_440 : memref<128x32xf32, #tpu.memory_space<vmem>>) dst(%dma_wait3A_446 : memref<10240x32xf32, #tpu.memory_space<vmem_shared>>)
      %mul3A_449 = arith.constant 5 : i32
      %mul3A_450 = arith.muli %mul3A_105, %mul3A_449 : i32
      %add3A_451 = arith.constant 3 : i32
      %add3A_452 = arith.addi %mul3A_450, %add3A_451 : i32
      %dma_wait3A_453 = arith.constant 0 : i32
      %dma_wait3A_454 = arith.constant 3 : i32
      %dma_wait3A_455 = arith.constant 0 : i32
      %dma_wait3A_456 = arith.constant 0 : i32
      %dma_wait3A_457 = arith.constant 0 : i32
      %dma_wait3A_458 = tpu.memref_slice %arg9[%dma_wait3A_453, %dma_wait3A_454, %dma_wait3A_456, %dma_wait3A_457] : memref<2x5x128x32xf32, #tpu.memory_space<vmem>> -> memref<1x1x128x32xf32, #tpu.memory_space<vmem>>
      %dma_wait3A_459 = tpu.memref_squeeze %dma_wait3A_458 : memref<1x1x128x32xf32, #tpu.memory_space<vmem>> -> memref<128x32xf32, #tpu.memory_space<vmem>>
      %dma_wait3A_460 = arith.constant 0 : i32
      %dma_wait3A_461 = tpu.memref_slice %arg8[%add3A_452, %dma_wait3A_460] : memref<160x128xi32, #tpu.memory_space<vmem>> -> memref<1x128xi32, #tpu.memory_space<vmem>>
      %dma_wait3A_462 = tpu.memref_squeeze %dma_wait3A_461 : memref<1x128xi32, #tpu.memory_space<vmem>> -> memref<128xi32, #tpu.memory_space<vmem>>
      %dma_wait3A_463 = arith.constant 0 : i32
      %dma_wait3A_464 = arith.constant 0 : i32
      %dma_wait3A_465 = tpu.memref_slice %arg10[%dma_wait3A_463, %dma_wait3A_464] : memref<10240x32xf32, #tpu.memory_space<vmem_shared>> -> memref<10240x32xf32, #tpu.memory_space<vmem_shared>>
      %dma_wait3A_466 = tpu.memref_slice %arg13[%dma_wait3A_455] : memref<2x!tpu.dma_semaphore, #tpu.memory_space<semaphore_mem>> -> memref<1x!tpu.dma_semaphore, #tpu.memory_space<semaphore_mem>>
      %dma_wait3A_467 = tpu.memref_squeeze %dma_wait3A_466 : memref<1x!tpu.dma_semaphore, #tpu.memory_space<semaphore_mem>> -> memref<!tpu.dma_semaphore, #tpu.memory_space<semaphore_mem>>
      tpu.wait_indirect_dma semaphore(%dma_wait3A_467 : memref<!tpu.dma_semaphore, #tpu.memory_space<semaphore_mem>>) src(%dma_wait3A_459 : memref<128x32xf32, #tpu.memory_space<vmem>>) dst(%dma_wait3A_465 : memref<10240x32xf32, #tpu.memory_space<vmem_shared>>)
      %mul3A_468 = arith.constant 5 : i32
      %mul3A_469 = arith.muli %mul3A_105, %mul3A_468 : i32
      %add3A_470 = arith.constant 4 : i32
      %add3A_471 = arith.addi %mul3A_469, %add3A_470 : i32
      %dma_wait3A_472 = arith.constant 0 : i32
      %dma_wait3A_473 = arith.constant 4 : i32
      %dma_wait3A_474 = arith.constant 0 : i32
      %dma_wait3A_475 = arith.constant 0 : i32
      %dma_wait3A_476 = arith.constant 0 : i32
      %dma_wait3A_477 = tpu.memref_slice %arg9[%dma_wait3A_472, %dma_wait3A_473, %dma_wait3A_475, %dma_wait3A_476] : memref<2x5x128x32xf32, #tpu.memory_space<vmem>> -> memref<1x1x128x32xf32, #tpu.memory_space<vmem>>
      %dma_wait3A_478 = tpu.memref_squeeze %dma_wait3A_477 : memref<1x1x128x32xf32, #tpu.memory_space<vmem>> -> memref<128x32xf32, #tpu.memory_space<vmem>>
      %dma_wait3A_479 = arith.constant 0 : i32
      %dma_wait3A_480 = tpu.memref_slice %arg8[%add3A_471, %dma_wait3A_479] : memref<160x128xi32, #tpu.memory_space<vmem>> -> memref<1x128xi32, #tpu.memory_space<vmem>>
      %dma_wait3A_481 = tpu.memref_squeeze %dma_wait3A_480 : memref<1x128xi32, #tpu.memory_space<vmem>> -> memref<128xi32, #tpu.memory_space<vmem>>
      %dma_wait3A_482 = arith.constant 0 : i32
      %dma_wait3A_483 = arith.constant 0 : i32
      %dma_wait3A_484 = tpu.memref_slice %arg10[%dma_wait3A_482, %dma_wait3A_483] : memref<10240x32xf32, #tpu.memory_space<vmem_shared>> -> memref<10240x32xf32, #tpu.memory_space<vmem_shared>>
      %dma_wait3A_485 = tpu.memref_slice %arg13[%dma_wait3A_474] : memref<2x!tpu.dma_semaphore, #tpu.memory_space<semaphore_mem>> -> memref<1x!tpu.dma_semaphore, #tpu.memory_space<semaphore_mem>>
      %dma_wait3A_486 = tpu.memref_squeeze %dma_wait3A_485 : memref<1x!tpu.dma_semaphore, #tpu.memory_space<semaphore_mem>> -> memref<!tpu.dma_semaphore, #tpu.memory_space<semaphore_mem>>
      tpu.wait_indirect_dma semaphore(%dma_wait3A_486 : memref<!tpu.dma_semaphore, #tpu.memory_space<semaphore_mem>>) src(%dma_wait3A_478 : memref<128x32xf32, #tpu.memory_space<vmem>>) dst(%dma_wait3A_484 : memref<10240x32xf32, #tpu.memory_space<vmem_shared>>)
      %add3A_487 = arith.constant 2 : i32
      %add3A_488 = arith.addi %mul3A_105, %add3A_487 : i32
      %lt3A = arith.constant 32 : i32
      %lt3A_489 = arith.cmpi slt, %add3A_488, %lt3A : i32
      %convert_element_type3A = arith.extui %lt3A_489 : i1 to i32
      %cond3A = arith.constant 0 : i32
      %cond3A_490 = arith.cmpi ne, %convert_element_type3A, %cond3A : i32
      scf.if %cond3A_490 {
        %add3A_782 = arith.constant 2 : i32
        %add3A_783 = arith.addi %mul3A_105, %add3A_782 : i32
        %mul3A_784 = arith.constant 5 : i32
        %mul3A_785 = arith.muli %add3A_783, %mul3A_784 : i32
        %add3A_786 = arith.constant 0 : i32
        %add3A_787 = arith.addi %mul3A_785, %add3A_786 : i32
        %dma_start3A_788 = arith.constant 0 : i32
        %dma_start3A_789 = arith.constant 0 : i32
        %dma_start3A_790 = arith.constant 0 : i32
        %dma_start3A_791 = arith.constant 0 : i32
        %dma_start3A_792 = arith.constant 0 : i32
        %dma_start3A_793 = tpu.memref_slice %arg9[%dma_start3A_788, %dma_start3A_789, %dma_start3A_791, %dma_start3A_792] : memref<2x5x128x32xf32, #tpu.memory_space<vmem>> -> memref<1x1x128x32xf32, #tpu.memory_space<vmem>>
        %dma_start3A_794 = tpu.memref_squeeze %dma_start3A_793 : memref<1x1x128x32xf32, #tpu.memory_space<vmem>> -> memref<128x32xf32, #tpu.memory_space<vmem>>
        %dma_start3A_795 = arith.constant 0 : i32
        %dma_start3A_796 = tpu.memref_slice %arg7[%add3A_787, %dma_start3A_795] : memref<160x128xi32, #tpu.memory_space<vmem>> -> memref<1x128xi32, #tpu.memory_space<vmem>>
        %dma_start3A_797 = tpu.memref_squeeze %dma_start3A_796 : memref<1x128xi32, #tpu.memory_space<vmem>> -> memref<128xi32, #tpu.memory_space<vmem>>
        %dma_start3A_798 = arith.constant 0 : i32
        %dma_start3A_799 = arith.constant 0 : i32
        %dma_start3A_800 = tpu.memref_slice %arg11[%dma_start3A_798, %dma_start3A_799] : memref<10240x32xf32, #tpu.memory_space<vmem_shared>> -> memref<10240x32xf32, #tpu.memory_space<vmem_shared>>
        %dma_start3A_801 = tpu.memref_slice %arg12[%dma_start3A_790] : memref<2x!tpu.dma_semaphore, #tpu.memory_space<semaphore_mem>> -> memref<1x!tpu.dma_semaphore, #tpu.memory_space<semaphore_mem>>
        %dma_start3A_802 = tpu.memref_squeeze %dma_start3A_801 : memref<1x!tpu.dma_semaphore, #tpu.memory_space<semaphore_mem>> -> memref<!tpu.dma_semaphore, #tpu.memory_space<semaphore_mem>>
        tpu.enqueue_indirect_dma source(%dma_start3A_800 : memref<10240x32xf32, #tpu.memory_space<vmem_shared>>) target(%dma_start3A_794 : memref<128x32xf32, #tpu.memory_space<vmem>>) offsets(%dma_start3A_797 : memref<128xi32, #tpu.memory_space<vmem>>) semaphore(%dma_start3A_802 : memref<!tpu.dma_semaphore, #tpu.memory_space<semaphore_mem>>)
        %mul3A_803 = arith.constant 5 : i32
        %mul3A_804 = arith.muli %add3A_783, %mul3A_803 : i32
        %add3A_805 = arith.constant 1 : i32
        %add3A_806 = arith.addi %mul3A_804, %add3A_805 : i32
        %dma_start3A_807 = arith.constant 0 : i32
        %dma_start3A_808 = arith.constant 1 : i32
        %dma_start3A_809 = arith.constant 0 : i32
        %dma_start3A_810 = arith.constant 0 : i32
        %dma_start3A_811 = arith.constant 0 : i32
        %dma_start3A_812 = tpu.memref_slice %arg9[%dma_start3A_807, %dma_start3A_808, %dma_start3A_810, %dma_start3A_811] : memref<2x5x128x32xf32, #tpu.memory_space<vmem>> -> memref<1x1x128x32xf32, #tpu.memory_space<vmem>>
        %dma_start3A_813 = tpu.memref_squeeze %dma_start3A_812 : memref<1x1x128x32xf32, #tpu.memory_space<vmem>> -> memref<128x32xf32, #tpu.memory_space<vmem>>
        %dma_start3A_814 = arith.constant 0 : i32
        %dma_start3A_815 = tpu.memref_slice %arg7[%add3A_806, %dma_start3A_814] : memref<160x128xi32, #tpu.memory_space<vmem>> -> memref<1x128xi32, #tpu.memory_space<vmem>>
        %dma_start3A_816 = tpu.memref_squeeze %dma_start3A_815 : memref<1x128xi32, #tpu.memory_space<vmem>> -> memref<128xi32, #tpu.memory_space<vmem>>
        %dma_start3A_817 = arith.constant 0 : i32
        %dma_start3A_818 = arith.constant 0 : i32
        %dma_start3A_819 = tpu.memref_slice %arg11[%dma_start3A_817, %dma_start3A_818] : memref<10240x32xf32, #tpu.memory_space<vmem_shared>> -> memref<10240x32xf32, #tpu.memory_space<vmem_shared>>
        %dma_start3A_820 = tpu.memref_slice %arg12[%dma_start3A_809] : memref<2x!tpu.dma_semaphore, #tpu.memory_space<semaphore_mem>> -> memref<1x!tpu.dma_semaphore, #tpu.memory_space<semaphore_mem>>
        %dma_start3A_821 = tpu.memref_squeeze %dma_start3A_820 : memref<1x!tpu.dma_semaphore, #tpu.memory_space<semaphore_mem>> -> memref<!tpu.dma_semaphore, #tpu.memory_space<semaphore_mem>>
        tpu.enqueue_indirect_dma source(%dma_start3A_819 : memref<10240x32xf32, #tpu.memory_space<vmem_shared>>) target(%dma_start3A_813 : memref<128x32xf32, #tpu.memory_space<vmem>>) offsets(%dma_start3A_816 : memref<128xi32, #tpu.memory_space<vmem>>) semaphore(%dma_start3A_821 : memref<!tpu.dma_semaphore, #tpu.memory_space<semaphore_mem>>)
        %mul3A_822 = arith.constant 5 : i32
        %mul3A_823 = arith.muli %add3A_783, %mul3A_822 : i32
        %add3A_824 = arith.constant 2 : i32
        %add3A_825 = arith.addi %mul3A_823, %add3A_824 : i32
        %dma_start3A_826 = arith.constant 0 : i32
        %dma_start3A_827 = arith.constant 2 : i32
        %dma_start3A_828 = arith.constant 0 : i32
        %dma_start3A_829 = arith.constant 0 : i32
        %dma_start3A_830 = arith.constant 0 : i32
        %dma_start3A_831 = tpu.memref_slice %arg9[%dma_start3A_826, %dma_start3A_827, %dma_start3A_829, %dma_start3A_830] : memref<2x5x128x32xf32, #tpu.memory_space<vmem>> -> memref<1x1x128x32xf32, #tpu.memory_space<vmem>>
        %dma_start3A_832 = tpu.memref_squeeze %dma_start3A_831 : memref<1x1x128x32xf32, #tpu.memory_space<vmem>> -> memref<128x32xf32, #tpu.memory_space<vmem>>
        %dma_start3A_833 = arith.constant 0 : i32
        %dma_start3A_834 = tpu.memref_slice %arg7[%add3A_825, %dma_start3A_833] : memref<160x128xi32, #tpu.memory_space<vmem>> -> memref<1x128xi32, #tpu.memory_space<vmem>>
        %dma_start3A_835 = tpu.memref_squeeze %dma_start3A_834 : memref<1x128xi32, #tpu.memory_space<vmem>> -> memref<128xi32, #tpu.memory_space<vmem>>
        %dma_start3A_836 = arith.constant 0 : i32
        %dma_start3A_837 = arith.constant 0 : i32
        %dma_start3A_838 = tpu.memref_slice %arg11[%dma_start3A_836, %dma_start3A_837] : memref<10240x32xf32, #tpu.memory_space<vmem_shared>> -> memref<10240x32xf32, #tpu.memory_space<vmem_shared>>
        %dma_start3A_839 = tpu.memref_slice %arg12[%dma_start3A_828] : memref<2x!tpu.dma_semaphore, #tpu.memory_space<semaphore_mem>> -> memref<1x!tpu.dma_semaphore, #tpu.memory_space<semaphore_mem>>
        %dma_start3A_840 = tpu.memref_squeeze %dma_start3A_839 : memref<1x!tpu.dma_semaphore, #tpu.memory_space<semaphore_mem>> -> memref<!tpu.dma_semaphore, #tpu.memory_space<semaphore_mem>>
        tpu.enqueue_indirect_dma source(%dma_start3A_838 : memref<10240x32xf32, #tpu.memory_space<vmem_shared>>) target(%dma_start3A_832 : memref<128x32xf32, #tpu.memory_space<vmem>>) offsets(%dma_start3A_835 : memref<128xi32, #tpu.memory_space<vmem>>) semaphore(%dma_start3A_840 : memref<!tpu.dma_semaphore, #tpu.memory_space<semaphore_mem>>)
        %mul3A_841 = arith.constant 5 : i32
        %mul3A_842 = arith.muli %add3A_783, %mul3A_841 : i32
        %add3A_843 = arith.constant 3 : i32
        %add3A_844 = arith.addi %mul3A_842, %add3A_843 : i32
        %dma_start3A_845 = arith.constant 0 : i32
        %dma_start3A_846 = arith.constant 3 : i32
        %dma_start3A_847 = arith.constant 0 : i32
        %dma_start3A_848 = arith.constant 0 : i32
        %dma_start3A_849 = arith.constant 0 : i32
        %dma_start3A_850 = tpu.memref_slice %arg9[%dma_start3A_845, %dma_start3A_846, %dma_start3A_848, %dma_start3A_849] : memref<2x5x128x32xf32, #tpu.memory_space<vmem>> -> memref<1x1x128x32xf32, #tpu.memory_space<vmem>>
        %dma_start3A_851 = tpu.memref_squeeze %dma_start3A_850 : memref<1x1x128x32xf32, #tpu.memory_space<vmem>> -> memref<128x32xf32, #tpu.memory_space<vmem>>
        %dma_start3A_852 = arith.constant 0 : i32
        %dma_start3A_853 = tpu.memref_slice %arg7[%add3A_844, %dma_start3A_852] : memref<160x128xi32, #tpu.memory_space<vmem>> -> memref<1x128xi32, #tpu.memory_space<vmem>>
        %dma_start3A_854 = tpu.memref_squeeze %dma_start3A_853 : memref<1x128xi32, #tpu.memory_space<vmem>> -> memref<128xi32, #tpu.memory_space<vmem>>
        %dma_start3A_855 = arith.constant 0 : i32
        %dma_start3A_856 = arith.constant 0 : i32
        %dma_start3A_857 = tpu.memref_slice %arg11[%dma_start3A_855, %dma_start3A_856] : memref<10240x32xf32, #tpu.memory_space<vmem_shared>> -> memref<10240x32xf32, #tpu.memory_space<vmem_shared>>
        %dma_start3A_858 = tpu.memref_slice %arg12[%dma_start3A_847] : memref<2x!tpu.dma_semaphore, #tpu.memory_space<semaphore_mem>> -> memref<1x!tpu.dma_semaphore, #tpu.memory_space<semaphore_mem>>
        %dma_start3A_859 = tpu.memref_squeeze %dma_start3A_858 : memref<1x!tpu.dma_semaphore, #tpu.memory_space<semaphore_mem>> -> memref<!tpu.dma_semaphore, #tpu.memory_space<semaphore_mem>>
        tpu.enqueue_indirect_dma source(%dma_start3A_857 : memref<10240x32xf32, #tpu.memory_space<vmem_shared>>) target(%dma_start3A_851 : memref<128x32xf32, #tpu.memory_space<vmem>>) offsets(%dma_start3A_854 : memref<128xi32, #tpu.memory_space<vmem>>) semaphore(%dma_start3A_859 : memref<!tpu.dma_semaphore, #tpu.memory_space<semaphore_mem>>)
        %mul3A_860 = arith.constant 5 : i32
        %mul3A_861 = arith.muli %add3A_783, %mul3A_860 : i32
        %add3A_862 = arith.constant 4 : i32
        %add3A_863 = arith.addi %mul3A_861, %add3A_862 : i32
        %dma_start3A_864 = arith.constant 0 : i32
        %dma_start3A_865 = arith.constant 4 : i32
        %dma_start3A_866 = arith.constant 0 : i32
        %dma_start3A_867 = arith.constant 0 : i32
        %dma_start3A_868 = arith.constant 0 : i32
        %dma_start3A_869 = tpu.memref_slice %arg9[%dma_start3A_864, %dma_start3A_865, %dma_start3A_867, %dma_start3A_868] : memref<2x5x128x32xf32, #tpu.memory_space<vmem>> -> memref<1x1x128x32xf32, #tpu.memory_space<vmem>>
        %dma_start3A_870 = tpu.memref_squeeze %dma_start3A_869 : memref<1x1x128x32xf32, #tpu.memory_space<vmem>> -> memref<128x32xf32, #tpu.memory_space<vmem>>
        %dma_start3A_871 = arith.constant 0 : i32
        %dma_start3A_872 = tpu.memref_slice %arg7[%add3A_863, %dma_start3A_871] : memref<160x128xi32, #tpu.memory_space<vmem>> -> memref<1x128xi32, #tpu.memory_space<vmem>>
        %dma_start3A_873 = tpu.memref_squeeze %dma_start3A_872 : memref<1x128xi32, #tpu.memory_space<vmem>> -> memref<128xi32, #tpu.memory_space<vmem>>
        %dma_start3A_874 = arith.constant 0 : i32
        %dma_start3A_875 = arith.constant 0 : i32
        %dma_start3A_876 = tpu.memref_slice %arg11[%dma_start3A_874, %dma_start3A_875] : memref<10240x32xf32, #tpu.memory_space<vmem_shared>> -> memref<10240x32xf32, #tpu.memory_space<vmem_shared>>
        %dma_start3A_877 = tpu.memref_slice %arg12[%dma_start3A_866] : memref<2x!tpu.dma_semaphore, #tpu.memory_space<semaphore_mem>> -> memref<1x!tpu.dma_semaphore, #tpu.memory_space<semaphore_mem>>
        %dma_start3A_878 = tpu.memref_squeeze %dma_start3A_877 : memref<1x!tpu.dma_semaphore, #tpu.memory_space<semaphore_mem>> -> memref<!tpu.dma_semaphore, #tpu.memory_space<semaphore_mem>>
        tpu.enqueue_indirect_dma source(%dma_start3A_876 : memref<10240x32xf32, #tpu.memory_space<vmem_shared>>) target(%dma_start3A_870 : memref<128x32xf32, #tpu.memory_space<vmem>>) offsets(%dma_start3A_873 : memref<128xi32, #tpu.memory_space<vmem>>) semaphore(%dma_start3A_878 : memref<!tpu.dma_semaphore, #tpu.memory_space<semaphore_mem>>)
      } else {
      }
      %add3A_491 = arith.constant 1 : i32
      %add3A_492 = arith.addi %mul3A_105, %add3A_491 : i32
      %mul3A_493 = arith.constant 5 : i32
      %mul3A_494 = arith.muli %add3A_492, %mul3A_493 : i32
      %add3A_495 = arith.constant 0 : i32
      %add3A_496 = arith.addi %mul3A_494, %add3A_495 : i32
      %dma_wait3A_497 = arith.constant 1 : i32
      %dma_wait3A_498 = arith.constant 0 : i32
      %dma_wait3A_499 = arith.constant 1 : i32
      %dma_wait3A_500 = arith.constant 0 : i32
      %dma_wait3A_501 = arith.constant 0 : i32
      %dma_wait3A_502 = tpu.memref_slice %arg9[%dma_wait3A_497, %dma_wait3A_498, %dma_wait3A_500, %dma_wait3A_501] : memref<2x5x128x32xf32, #tpu.memory_space<vmem>> -> memref<1x1x128x32xf32, #tpu.memory_space<vmem>>
      %dma_wait3A_503 = tpu.memref_squeeze %dma_wait3A_502 : memref<1x1x128x32xf32, #tpu.memory_space<vmem>> -> memref<128x32xf32, #tpu.memory_space<vmem>>
      %dma_wait3A_504 = arith.constant 0 : i32
      %dma_wait3A_505 = tpu.memref_slice %arg7[%add3A_496, %dma_wait3A_504] : memref<160x128xi32, #tpu.memory_space<vmem>> -> memref<1x128xi32, #tpu.memory_space<vmem>>
      %dma_wait3A_506 = tpu.memref_squeeze %dma_wait3A_505 : memref<1x128xi32, #tpu.memory_space<vmem>> -> memref<128xi32, #tpu.memory_space<vmem>>
      %dma_wait3A_507 = arith.constant 0 : i32
      %dma_wait3A_508 = arith.constant 0 : i32
      %dma_wait3A_509 = tpu.memref_slice %arg11[%dma_wait3A_507, %dma_wait3A_508] : memref<10240x32xf32, #tpu.memory_space<vmem_shared>> -> memref<10240x32xf32, #tpu.memory_space<vmem_shared>>
      %dma_wait3A_510 = tpu.memref_slice %arg12[%dma_wait3A_499] : memref<2x!tpu.dma_semaphore, #tpu.memory_space<semaphore_mem>> -> memref<1x!tpu.dma_semaphore, #tpu.memory_space<semaphore_mem>>
      %dma_wait3A_511 = tpu.memref_squeeze %dma_wait3A_510 : memref<1x!tpu.dma_semaphore, #tpu.memory_space<semaphore_mem>> -> memref<!tpu.dma_semaphore, #tpu.memory_space<semaphore_mem>>
      tpu.wait_indirect_dma semaphore(%dma_wait3A_511 : memref<!tpu.dma_semaphore, #tpu.memory_space<semaphore_mem>>) src(%dma_wait3A_509 : memref<10240x32xf32, #tpu.memory_space<vmem_shared>>) dst(%dma_wait3A_503 : memref<128x32xf32, #tpu.memory_space<vmem>>)
      %mul3A_512 = arith.constant 5 : i32
      %mul3A_513 = arith.muli %add3A_492, %mul3A_512 : i32
      %add3A_514 = arith.constant 1 : i32
      %add3A_515 = arith.addi %mul3A_513, %add3A_514 : i32
      %dma_wait3A_516 = arith.constant 1 : i32
      %dma_wait3A_517 = arith.constant 1 : i32
      %dma_wait3A_518 = arith.constant 1 : i32
      %dma_wait3A_519 = arith.constant 0 : i32
      %dma_wait3A_520 = arith.constant 0 : i32
      %dma_wait3A_521 = tpu.memref_slice %arg9[%dma_wait3A_516, %dma_wait3A_517, %dma_wait3A_519, %dma_wait3A_520] : memref<2x5x128x32xf32, #tpu.memory_space<vmem>> -> memref<1x1x128x32xf32, #tpu.memory_space<vmem>>
      %dma_wait3A_522 = tpu.memref_squeeze %dma_wait3A_521 : memref<1x1x128x32xf32, #tpu.memory_space<vmem>> -> memref<128x32xf32, #tpu.memory_space<vmem>>
      %dma_wait3A_523 = arith.constant 0 : i32
      %dma_wait3A_524 = tpu.memref_slice %arg7[%add3A_515, %dma_wait3A_523] : memref<160x128xi32, #tpu.memory_space<vmem>> -> memref<1x128xi32, #tpu.memory_space<vmem>>
      %dma_wait3A_525 = tpu.memref_squeeze %dma_wait3A_524 : memref<1x128xi32, #tpu.memory_space<vmem>> -> memref<128xi32, #tpu.memory_space<vmem>>
      %dma_wait3A_526 = arith.constant 0 : i32
      %dma_wait3A_527 = arith.constant 0 : i32
      %dma_wait3A_528 = tpu.memref_slice %arg11[%dma_wait3A_526, %dma_wait3A_527] : memref<10240x32xf32, #tpu.memory_space<vmem_shared>> -> memref<10240x32xf32, #tpu.memory_space<vmem_shared>>
      %dma_wait3A_529 = tpu.memref_slice %arg12[%dma_wait3A_518] : memref<2x!tpu.dma_semaphore, #tpu.memory_space<semaphore_mem>> -> memref<1x!tpu.dma_semaphore, #tpu.memory_space<semaphore_mem>>
      %dma_wait3A_530 = tpu.memref_squeeze %dma_wait3A_529 : memref<1x!tpu.dma_semaphore, #tpu.memory_space<semaphore_mem>> -> memref<!tpu.dma_semaphore, #tpu.memory_space<semaphore_mem>>
      tpu.wait_indirect_dma semaphore(%dma_wait3A_530 : memref<!tpu.dma_semaphore, #tpu.memory_space<semaphore_mem>>) src(%dma_wait3A_528 : memref<10240x32xf32, #tpu.memory_space<vmem_shared>>) dst(%dma_wait3A_522 : memref<128x32xf32, #tpu.memory_space<vmem>>)
      %mul3A_531 = arith.constant 5 : i32
      %mul3A_532 = arith.muli %add3A_492, %mul3A_531 : i32
      %add3A_533 = arith.constant 2 : i32
      %add3A_534 = arith.addi %mul3A_532, %add3A_533 : i32
      %dma_wait3A_535 = arith.constant 1 : i32
      %dma_wait3A_536 = arith.constant 2 : i32
      %dma_wait3A_537 = arith.constant 1 : i32
      %dma_wait3A_538 = arith.constant 0 : i32
      %dma_wait3A_539 = arith.constant 0 : i32
      %dma_wait3A_540 = tpu.memref_slice %arg9[%dma_wait3A_535, %dma_wait3A_536, %dma_wait3A_538, %dma_wait3A_539] : memref<2x5x128x32xf32, #tpu.memory_space<vmem>> -> memref<1x1x128x32xf32, #tpu.memory_space<vmem>>
      %dma_wait3A_541 = tpu.memref_squeeze %dma_wait3A_540 : memref<1x1x128x32xf32, #tpu.memory_space<vmem>> -> memref<128x32xf32, #tpu.memory_space<vmem>>
      %dma_wait3A_542 = arith.constant 0 : i32
      %dma_wait3A_543 = tpu.memref_slice %arg7[%add3A_534, %dma_wait3A_542] : memref<160x128xi32, #tpu.memory_space<vmem>> -> memref<1x128xi32, #tpu.memory_space<vmem>>
      %dma_wait3A_544 = tpu.memref_squeeze %dma_wait3A_543 : memref<1x128xi32, #tpu.memory_space<vmem>> -> memref<128xi32, #tpu.memory_space<vmem>>
      %dma_wait3A_545 = arith.constant 0 : i32
      %dma_wait3A_546 = arith.constant 0 : i32
      %dma_wait3A_547 = tpu.memref_slice %arg11[%dma_wait3A_545, %dma_wait3A_546] : memref<10240x32xf32, #tpu.memory_space<vmem_shared>> -> memref<10240x32xf32, #tpu.memory_space<vmem_shared>>
      %dma_wait3A_548 = tpu.memref_slice %arg12[%dma_wait3A_537] : memref<2x!tpu.dma_semaphore, #tpu.memory_space<semaphore_mem>> -> memref<1x!tpu.dma_semaphore, #tpu.memory_space<semaphore_mem>>
      %dma_wait3A_549 = tpu.memref_squeeze %dma_wait3A_548 : memref<1x!tpu.dma_semaphore, #tpu.memory_space<semaphore_mem>> -> memref<!tpu.dma_semaphore, #tpu.memory_space<semaphore_mem>>
      tpu.wait_indirect_dma semaphore(%dma_wait3A_549 : memref<!tpu.dma_semaphore, #tpu.memory_space<semaphore_mem>>) src(%dma_wait3A_547 : memref<10240x32xf32, #tpu.memory_space<vmem_shared>>) dst(%dma_wait3A_541 : memref<128x32xf32, #tpu.memory_space<vmem>>)
      %mul3A_550 = arith.constant 5 : i32
      %mul3A_551 = arith.muli %add3A_492, %mul3A_550 : i32
      %add3A_552 = arith.constant 3 : i32
      %add3A_553 = arith.addi %mul3A_551, %add3A_552 : i32
      %dma_wait3A_554 = arith.constant 1 : i32
      %dma_wait3A_555 = arith.constant 3 : i32
      %dma_wait3A_556 = arith.constant 1 : i32
      %dma_wait3A_557 = arith.constant 0 : i32
      %dma_wait3A_558 = arith.constant 0 : i32
      %dma_wait3A_559 = tpu.memref_slice %arg9[%dma_wait3A_554, %dma_wait3A_555, %dma_wait3A_557, %dma_wait3A_558] : memref<2x5x128x32xf32, #tpu.memory_space<vmem>> -> memref<1x1x128x32xf32, #tpu.memory_space<vmem>>
      %dma_wait3A_560 = tpu.memref_squeeze %dma_wait3A_559 : memref<1x1x128x32xf32, #tpu.memory_space<vmem>> -> memref<128x32xf32, #tpu.memory_space<vmem>>
      %dma_wait3A_561 = arith.constant 0 : i32
      %dma_wait3A_562 = tpu.memref_slice %arg7[%add3A_553, %dma_wait3A_561] : memref<160x128xi32, #tpu.memory_space<vmem>> -> memref<1x128xi32, #tpu.memory_space<vmem>>
      %dma_wait3A_563 = tpu.memref_squeeze %dma_wait3A_562 : memref<1x128xi32, #tpu.memory_space<vmem>> -> memref<128xi32, #tpu.memory_space<vmem>>
      %dma_wait3A_564 = arith.constant 0 : i32
      %dma_wait3A_565 = arith.constant 0 : i32
      %dma_wait3A_566 = tpu.memref_slice %arg11[%dma_wait3A_564, %dma_wait3A_565] : memref<10240x32xf32, #tpu.memory_space<vmem_shared>> -> memref<10240x32xf32, #tpu.memory_space<vmem_shared>>
      %dma_wait3A_567 = tpu.memref_slice %arg12[%dma_wait3A_556] : memref<2x!tpu.dma_semaphore, #tpu.memory_space<semaphore_mem>> -> memref<1x!tpu.dma_semaphore, #tpu.memory_space<semaphore_mem>>
      %dma_wait3A_568 = tpu.memref_squeeze %dma_wait3A_567 : memref<1x!tpu.dma_semaphore, #tpu.memory_space<semaphore_mem>> -> memref<!tpu.dma_semaphore, #tpu.memory_space<semaphore_mem>>
      tpu.wait_indirect_dma semaphore(%dma_wait3A_568 : memref<!tpu.dma_semaphore, #tpu.memory_space<semaphore_mem>>) src(%dma_wait3A_566 : memref<10240x32xf32, #tpu.memory_space<vmem_shared>>) dst(%dma_wait3A_560 : memref<128x32xf32, #tpu.memory_space<vmem>>)
      %mul3A_569 = arith.constant 5 : i32
      %mul3A_570 = arith.muli %add3A_492, %mul3A_569 : i32
      %add3A_571 = arith.constant 4 : i32
      %add3A_572 = arith.addi %mul3A_570, %add3A_571 : i32
      %dma_wait3A_573 = arith.constant 1 : i32
      %dma_wait3A_574 = arith.constant 4 : i32
      %dma_wait3A_575 = arith.constant 1 : i32
      %dma_wait3A_576 = arith.constant 0 : i32
      %dma_wait3A_577 = arith.constant 0 : i32
      %dma_wait3A_578 = tpu.memref_slice %arg9[%dma_wait3A_573, %dma_wait3A_574, %dma_wait3A_576, %dma_wait3A_577] : memref<2x5x128x32xf32, #tpu.memory_space<vmem>> -> memref<1x1x128x32xf32, #tpu.memory_space<vmem>>
      %dma_wait3A_579 = tpu.memref_squeeze %dma_wait3A_578 : memref<1x1x128x32xf32, #tpu.memory_space<vmem>> -> memref<128x32xf32, #tpu.memory_space<vmem>>
      %dma_wait3A_580 = arith.constant 0 : i32
      %dma_wait3A_581 = tpu.memref_slice %arg7[%add3A_572, %dma_wait3A_580] : memref<160x128xi32, #tpu.memory_space<vmem>> -> memref<1x128xi32, #tpu.memory_space<vmem>>
      %dma_wait3A_582 = tpu.memref_squeeze %dma_wait3A_581 : memref<1x128xi32, #tpu.memory_space<vmem>> -> memref<128xi32, #tpu.memory_space<vmem>>
      %dma_wait3A_583 = arith.constant 0 : i32
      %dma_wait3A_584 = arith.constant 0 : i32
      %dma_wait3A_585 = tpu.memref_slice %arg11[%dma_wait3A_583, %dma_wait3A_584] : memref<10240x32xf32, #tpu.memory_space<vmem_shared>> -> memref<10240x32xf32, #tpu.memory_space<vmem_shared>>
      %dma_wait3A_586 = tpu.memref_slice %arg12[%dma_wait3A_575] : memref<2x!tpu.dma_semaphore, #tpu.memory_space<semaphore_mem>> -> memref<1x!tpu.dma_semaphore, #tpu.memory_space<semaphore_mem>>
      %dma_wait3A_587 = tpu.memref_squeeze %dma_wait3A_586 : memref<1x!tpu.dma_semaphore, #tpu.memory_space<semaphore_mem>> -> memref<!tpu.dma_semaphore, #tpu.memory_space<semaphore_mem>>
      tpu.wait_indirect_dma semaphore(%dma_wait3A_587 : memref<!tpu.dma_semaphore, #tpu.memory_space<semaphore_mem>>) src(%dma_wait3A_585 : memref<10240x32xf32, #tpu.memory_space<vmem_shared>>) dst(%dma_wait3A_579 : memref<128x32xf32, #tpu.memory_space<vmem>>)
      %add3A_588 = arith.constant 1 : i32
      %add3A_589 = arith.addi %mul3A_105, %add3A_588 : i32
      %mul3A_590 = arith.constant 5 : i32
      %mul3A_591 = arith.muli %add3A_589, %mul3A_590 : i32
      %add3A_592 = arith.constant 0 : i32
      %add3A_593 = arith.addi %mul3A_591, %add3A_592 : i32
      %dma_start3A_594 = arith.constant 1 : i32
      %dma_start3A_595 = arith.constant 0 : i32
      %dma_start3A_596 = arith.constant 1 : i32
      %dma_start3A_597 = arith.constant 0 : i32
      %dma_start3A_598 = arith.constant 0 : i32
      %dma_start3A_599 = tpu.memref_slice %arg9[%dma_start3A_594, %dma_start3A_595, %dma_start3A_597, %dma_start3A_598] : memref<2x5x128x32xf32, #tpu.memory_space<vmem>> -> memref<1x1x128x32xf32, #tpu.memory_space<vmem>>
      %dma_start3A_600 = tpu.memref_squeeze %dma_start3A_599 : memref<1x1x128x32xf32, #tpu.memory_space<vmem>> -> memref<128x32xf32, #tpu.memory_space<vmem>>
      %dma_start3A_601 = arith.constant 0 : i32
      %dma_start3A_602 = tpu.memref_slice %arg8[%add3A_593, %dma_start3A_601] : memref<160x128xi32, #tpu.memory_space<vmem>> -> memref<1x128xi32, #tpu.memory_space<vmem>>
      %dma_start3A_603 = tpu.memref_squeeze %dma_start3A_602 : memref<1x128xi32, #tpu.memory_space<vmem>> -> memref<128xi32, #tpu.memory_space<vmem>>
      %dma_start3A_604 = arith.constant 0 : i32
      %dma_start3A_605 = arith.constant 0 : i32
      %dma_start3A_606 = tpu.memref_slice %arg10[%dma_start3A_604, %dma_start3A_605] : memref<10240x32xf32, #tpu.memory_space<vmem_shared>> -> memref<10240x32xf32, #tpu.memory_space<vmem_shared>>
      %dma_start3A_607 = tpu.memref_slice %arg13[%dma_start3A_596] : memref<2x!tpu.dma_semaphore, #tpu.memory_space<semaphore_mem>> -> memref<1x!tpu.dma_semaphore, #tpu.memory_space<semaphore_mem>>
      %dma_start3A_608 = tpu.memref_squeeze %dma_start3A_607 : memref<1x!tpu.dma_semaphore, #tpu.memory_space<semaphore_mem>> -> memref<!tpu.dma_semaphore, #tpu.memory_space<semaphore_mem>>
      tpu.enqueue_indirect_dma source(%dma_start3A_600 : memref<128x32xf32, #tpu.memory_space<vmem>>) target(%dma_start3A_606 : memref<10240x32xf32, #tpu.memory_space<vmem_shared>>) offsets(%dma_start3A_603 : memref<128xi32, #tpu.memory_space<vmem>>) semaphore(%dma_start3A_608 : memref<!tpu.dma_semaphore, #tpu.memory_space<semaphore_mem>>) {add = true}
      %mul3A_609 = arith.constant 5 : i32
      %mul3A_610 = arith.muli %add3A_589, %mul3A_609 : i32
      %add3A_611 = arith.constant 1 : i32
      %add3A_612 = arith.addi %mul3A_610, %add3A_611 : i32
      %dma_start3A_613 = arith.constant 1 : i32
      %dma_start3A_614 = arith.constant 1 : i32
      %dma_start3A_615 = arith.constant 1 : i32
      %dma_start3A_616 = arith.constant 0 : i32
      %dma_start3A_617 = arith.constant 0 : i32
      %dma_start3A_618 = tpu.memref_slice %arg9[%dma_start3A_613, %dma_start3A_614, %dma_start3A_616, %dma_start3A_617] : memref<2x5x128x32xf32, #tpu.memory_space<vmem>> -> memref<1x1x128x32xf32, #tpu.memory_space<vmem>>
      %dma_start3A_619 = tpu.memref_squeeze %dma_start3A_618 : memref<1x1x128x32xf32, #tpu.memory_space<vmem>> -> memref<128x32xf32, #tpu.memory_space<vmem>>
      %dma_start3A_620 = arith.constant 0 : i32
      %dma_start3A_621 = tpu.memref_slice %arg8[%add3A_612, %dma_start3A_620] : memref<160x128xi32, #tpu.memory_space<vmem>> -> memref<1x128xi32, #tpu.memory_space<vmem>>
      %dma_start3A_622 = tpu.memref_squeeze %dma_start3A_621 : memref<1x128xi32, #tpu.memory_space<vmem>> -> memref<128xi32, #tpu.memory_space<vmem>>
      %dma_start3A_623 = arith.constant 0 : i32
      %dma_start3A_624 = arith.constant 0 : i32
      %dma_start3A_625 = tpu.memref_slice %arg10[%dma_start3A_623, %dma_start3A_624] : memref<10240x32xf32, #tpu.memory_space<vmem_shared>> -> memref<10240x32xf32, #tpu.memory_space<vmem_shared>>
      %dma_start3A_626 = tpu.memref_slice %arg13[%dma_start3A_615] : memref<2x!tpu.dma_semaphore, #tpu.memory_space<semaphore_mem>> -> memref<1x!tpu.dma_semaphore, #tpu.memory_space<semaphore_mem>>
      %dma_start3A_627 = tpu.memref_squeeze %dma_start3A_626 : memref<1x!tpu.dma_semaphore, #tpu.memory_space<semaphore_mem>> -> memref<!tpu.dma_semaphore, #tpu.memory_space<semaphore_mem>>
      tpu.enqueue_indirect_dma source(%dma_start3A_619 : memref<128x32xf32, #tpu.memory_space<vmem>>) target(%dma_start3A_625 : memref<10240x32xf32, #tpu.memory_space<vmem_shared>>) offsets(%dma_start3A_622 : memref<128xi32, #tpu.memory_space<vmem>>) semaphore(%dma_start3A_627 : memref<!tpu.dma_semaphore, #tpu.memory_space<semaphore_mem>>) {add = true}
      %mul3A_628 = arith.constant 5 : i32
      %mul3A_629 = arith.muli %add3A_589, %mul3A_628 : i32
      %add3A_630 = arith.constant 2 : i32
      %add3A_631 = arith.addi %mul3A_629, %add3A_630 : i32
      %dma_start3A_632 = arith.constant 1 : i32
      %dma_start3A_633 = arith.constant 2 : i32
      %dma_start3A_634 = arith.constant 1 : i32
      %dma_start3A_635 = arith.constant 0 : i32
      %dma_start3A_636 = arith.constant 0 : i32
      %dma_start3A_637 = tpu.memref_slice %arg9[%dma_start3A_632, %dma_start3A_633, %dma_start3A_635, %dma_start3A_636] : memref<2x5x128x32xf32, #tpu.memory_space<vmem>> -> memref<1x1x128x32xf32, #tpu.memory_space<vmem>>
      %dma_start3A_638 = tpu.memref_squeeze %dma_start3A_637 : memref<1x1x128x32xf32, #tpu.memory_space<vmem>> -> memref<128x32xf32, #tpu.memory_space<vmem>>
      %dma_start3A_639 = arith.constant 0 : i32
      %dma_start3A_640 = tpu.memref_slice %arg8[%add3A_631, %dma_start3A_639] : memref<160x128xi32, #tpu.memory_space<vmem>> -> memref<1x128xi32, #tpu.memory_space<vmem>>
      %dma_start3A_641 = tpu.memref_squeeze %dma_start3A_640 : memref<1x128xi32, #tpu.memory_space<vmem>> -> memref<128xi32, #tpu.memory_space<vmem>>
      %dma_start3A_642 = arith.constant 0 : i32
      %dma_start3A_643 = arith.constant 0 : i32
      %dma_start3A_644 = tpu.memref_slice %arg10[%dma_start3A_642, %dma_start3A_643] : memref<10240x32xf32, #tpu.memory_space<vmem_shared>> -> memref<10240x32xf32, #tpu.memory_space<vmem_shared>>
      %dma_start3A_645 = tpu.memref_slice %arg13[%dma_start3A_634] : memref<2x!tpu.dma_semaphore, #tpu.memory_space<semaphore_mem>> -> memref<1x!tpu.dma_semaphore, #tpu.memory_space<semaphore_mem>>
      %dma_start3A_646 = tpu.memref_squeeze %dma_start3A_645 : memref<1x!tpu.dma_semaphore, #tpu.memory_space<semaphore_mem>> -> memref<!tpu.dma_semaphore, #tpu.memory_space<semaphore_mem>>
      tpu.enqueue_indirect_dma source(%dma_start3A_638 : memref<128x32xf32, #tpu.memory_space<vmem>>) target(%dma_start3A_644 : memref<10240x32xf32, #tpu.memory_space<vmem_shared>>) offsets(%dma_start3A_641 : memref<128xi32, #tpu.memory_space<vmem>>) semaphore(%dma_start3A_646 : memref<!tpu.dma_semaphore, #tpu.memory_space<semaphore_mem>>) {add = true}
      %mul3A_647 = arith.constant 5 : i32
      %mul3A_648 = arith.muli %add3A_589, %mul3A_647 : i32
      %add3A_649 = arith.constant 3 : i32
      %add3A_650 = arith.addi %mul3A_648, %add3A_649 : i32
      %dma_start3A_651 = arith.constant 1 : i32
      %dma_start3A_652 = arith.constant 3 : i32
      %dma_start3A_653 = arith.constant 1 : i32
      %dma_start3A_654 = arith.constant 0 : i32
      %dma_start3A_655 = arith.constant 0 : i32
      %dma_start3A_656 = tpu.memref_slice %arg9[%dma_start3A_651, %dma_start3A_652, %dma_start3A_654, %dma_start3A_655] : memref<2x5x128x32xf32, #tpu.memory_space<vmem>> -> memref<1x1x128x32xf32, #tpu.memory_space<vmem>>
      %dma_start3A_657 = tpu.memref_squeeze %dma_start3A_656 : memref<1x1x128x32xf32, #tpu.memory_space<vmem>> -> memref<128x32xf32, #tpu.memory_space<vmem>>
      %dma_start3A_658 = arith.constant 0 : i32
      %dma_start3A_659 = tpu.memref_slice %arg8[%add3A_650, %dma_start3A_658] : memref<160x128xi32, #tpu.memory_space<vmem>> -> memref<1x128xi32, #tpu.memory_space<vmem>>
      %dma_start3A_660 = tpu.memref_squeeze %dma_start3A_659 : memref<1x128xi32, #tpu.memory_space<vmem>> -> memref<128xi32, #tpu.memory_space<vmem>>
      %dma_start3A_661 = arith.constant 0 : i32
      %dma_start3A_662 = arith.constant 0 : i32
      %dma_start3A_663 = tpu.memref_slice %arg10[%dma_start3A_661, %dma_start3A_662] : memref<10240x32xf32, #tpu.memory_space<vmem_shared>> -> memref<10240x32xf32, #tpu.memory_space<vmem_shared>>
      %dma_start3A_664 = tpu.memref_slice %arg13[%dma_start3A_653] : memref<2x!tpu.dma_semaphore, #tpu.memory_space<semaphore_mem>> -> memref<1x!tpu.dma_semaphore, #tpu.memory_space<semaphore_mem>>
      %dma_start3A_665 = tpu.memref_squeeze %dma_start3A_664 : memref<1x!tpu.dma_semaphore, #tpu.memory_space<semaphore_mem>> -> memref<!tpu.dma_semaphore, #tpu.memory_space<semaphore_mem>>
      tpu.enqueue_indirect_dma source(%dma_start3A_657 : memref<128x32xf32, #tpu.memory_space<vmem>>) target(%dma_start3A_663 : memref<10240x32xf32, #tpu.memory_space<vmem_shared>>) offsets(%dma_start3A_660 : memref<128xi32, #tpu.memory_space<vmem>>) semaphore(%dma_start3A_665 : memref<!tpu.dma_semaphore, #tpu.memory_space<semaphore_mem>>) {add = true}
      %mul3A_666 = arith.constant 5 : i32
      %mul3A_667 = arith.muli %add3A_589, %mul3A_666 : i32
      %add3A_668 = arith.constant 4 : i32
      %add3A_669 = arith.addi %mul3A_667, %add3A_668 : i32
      %dma_start3A_670 = arith.constant 1 : i32
      %dma_start3A_671 = arith.constant 4 : i32
      %dma_start3A_672 = arith.constant 1 : i32
      %dma_start3A_673 = arith.constant 0 : i32
      %dma_start3A_674 = arith.constant 0 : i32
      %dma_start3A_675 = tpu.memref_slice %arg9[%dma_start3A_670, %dma_start3A_671, %dma_start3A_673, %dma_start3A_674] : memref<2x5x128x32xf32, #tpu.memory_space<vmem>> -> memref<1x1x128x32xf32, #tpu.memory_space<vmem>>
      %dma_start3A_676 = tpu.memref_squeeze %dma_start3A_675 : memref<1x1x128x32xf32, #tpu.memory_space<vmem>> -> memref<128x32xf32, #tpu.memory_space<vmem>>
      %dma_start3A_677 = arith.constant 0 : i32
      %dma_start3A_678 = tpu.memref_slice %arg8[%add3A_669, %dma_start3A_677] : memref<160x128xi32, #tpu.memory_space<vmem>> -> memref<1x128xi32, #tpu.memory_space<vmem>>
      %dma_start3A_679 = tpu.memref_squeeze %dma_start3A_678 : memref<1x128xi32, #tpu.memory_space<vmem>> -> memref<128xi32, #tpu.memory_space<vmem>>
      %dma_start3A_680 = arith.constant 0 : i32
      %dma_start3A_681 = arith.constant 0 : i32
      %dma_start3A_682 = tpu.memref_slice %arg10[%dma_start3A_680, %dma_start3A_681] : memref<10240x32xf32, #tpu.memory_space<vmem_shared>> -> memref<10240x32xf32, #tpu.memory_space<vmem_shared>>
      %dma_start3A_683 = tpu.memref_slice %arg13[%dma_start3A_672] : memref<2x!tpu.dma_semaphore, #tpu.memory_space<semaphore_mem>> -> memref<1x!tpu.dma_semaphore, #tpu.memory_space<semaphore_mem>>
      %dma_start3A_684 = tpu.memref_squeeze %dma_start3A_683 : memref<1x!tpu.dma_semaphore, #tpu.memory_space<semaphore_mem>> -> memref<!tpu.dma_semaphore, #tpu.memory_space<semaphore_mem>>
      tpu.enqueue_indirect_dma source(%dma_start3A_676 : memref<128x32xf32, #tpu.memory_space<vmem>>) target(%dma_start3A_682 : memref<10240x32xf32, #tpu.memory_space<vmem_shared>>) offsets(%dma_start3A_679 : memref<128xi32, #tpu.memory_space<vmem>>) semaphore(%dma_start3A_684 : memref<!tpu.dma_semaphore, #tpu.memory_space<semaphore_mem>>) {add = true}
      %add3A_685 = arith.constant 1 : i32
      %add3A_686 = arith.addi %mul3A_105, %add3A_685 : i32
      %mul3A_687 = arith.constant 5 : i32
      %mul3A_688 = arith.muli %add3A_686, %mul3A_687 : i32
      %add3A_689 = arith.constant 0 : i32
      %add3A_690 = arith.addi %mul3A_688, %add3A_689 : i32
      %dma_wait3A_691 = arith.constant 1 : i32
      %dma_wait3A_692 = arith.constant 0 : i32
      %dma_wait3A_693 = arith.constant 1 : i32
      %dma_wait3A_694 = arith.constant 0 : i32
      %dma_wait3A_695 = arith.constant 0 : i32
      %dma_wait3A_696 = tpu.memref_slice %arg9[%dma_wait3A_691, %dma_wait3A_692, %dma_wait3A_694, %dma_wait3A_695] : memref<2x5x128x32xf32, #tpu.memory_space<vmem>> -> memref<1x1x128x32xf32, #tpu.memory_space<vmem>>
      %dma_wait3A_697 = tpu.memref_squeeze %dma_wait3A_696 : memref<1x1x128x32xf32, #tpu.memory_space<vmem>> -> memref<128x32xf32, #tpu.memory_space<vmem>>
      %dma_wait3A_698 = arith.constant 0 : i32
      %dma_wait3A_699 = tpu.memref_slice %arg8[%add3A_690, %dma_wait3A_698] : memref<160x128xi32, #tpu.memory_space<vmem>> -> memref<1x128xi32, #tpu.memory_space<vmem>>
      %dma_wait3A_700 = tpu.memref_squeeze %dma_wait3A_699 : memref<1x128xi32, #tpu.memory_space<vmem>> -> memref<128xi32, #tpu.memory_space<vmem>>
      %dma_wait3A_701 = arith.constant 0 : i32
      %dma_wait3A_702 = arith.constant 0 : i32
      %dma_wait3A_703 = tpu.memref_slice %arg10[%dma_wait3A_701, %dma_wait3A_702] : memref<10240x32xf32, #tpu.memory_space<vmem_shared>> -> memref<10240x32xf32, #tpu.memory_space<vmem_shared>>
      %dma_wait3A_704 = tpu.memref_slice %arg13[%dma_wait3A_693] : memref<2x!tpu.dma_semaphore, #tpu.memory_space<semaphore_mem>> -> memref<1x!tpu.dma_semaphore, #tpu.memory_space<semaphore_mem>>
      %dma_wait3A_705 = tpu.memref_squeeze %dma_wait3A_704 : memref<1x!tpu.dma_semaphore, #tpu.memory_space<semaphore_mem>> -> memref<!tpu.dma_semaphore, #tpu.memory_space<semaphore_mem>>
      tpu.wait_indirect_dma semaphore(%dma_wait3A_705 : memref<!tpu.dma_semaphore, #tpu.memory_space<semaphore_mem>>) src(%dma_wait3A_697 : memref<128x32xf32, #tpu.memory_space<vmem>>) dst(%dma_wait3A_703 : memref<10240x32xf32, #tpu.memory_space<vmem_shared>>)
      %mul3A_706 = arith.constant 5 : i32
      %mul3A_707 = arith.muli %add3A_686, %mul3A_706 : i32
      %add3A_708 = arith.constant 1 : i32
      %add3A_709 = arith.addi %mul3A_707, %add3A_708 : i32
      %dma_wait3A_710 = arith.constant 1 : i32
      %dma_wait3A_711 = arith.constant 1 : i32
      %dma_wait3A_712 = arith.constant 1 : i32
      %dma_wait3A_713 = arith.constant 0 : i32
      %dma_wait3A_714 = arith.constant 0 : i32
      %dma_wait3A_715 = tpu.memref_slice %arg9[%dma_wait3A_710, %dma_wait3A_711, %dma_wait3A_713, %dma_wait3A_714] : memref<2x5x128x32xf32, #tpu.memory_space<vmem>> -> memref<1x1x128x32xf32, #tpu.memory_space<vmem>>
      %dma_wait3A_716 = tpu.memref_squeeze %dma_wait3A_715 : memref<1x1x128x32xf32, #tpu.memory_space<vmem>> -> memref<128x32xf32, #tpu.memory_space<vmem>>
      %dma_wait3A_717 = arith.constant 0 : i32
      %dma_wait3A_718 = tpu.memref_slice %arg8[%add3A_709, %dma_wait3A_717] : memref<160x128xi32, #tpu.memory_space<vmem>> -> memref<1x128xi32, #tpu.memory_space<vmem>>
      %dma_wait3A_719 = tpu.memref_squeeze %dma_wait3A_718 : memref<1x128xi32, #tpu.memory_space<vmem>> -> memref<128xi32, #tpu.memory_space<vmem>>
      %dma_wait3A_720 = arith.constant 0 : i32
      %dma_wait3A_721 = arith.constant 0 : i32
      %dma_wait3A_722 = tpu.memref_slice %arg10[%dma_wait3A_720, %dma_wait3A_721] : memref<10240x32xf32, #tpu.memory_space<vmem_shared>> -> memref<10240x32xf32, #tpu.memory_space<vmem_shared>>
      %dma_wait3A_723 = tpu.memref_slice %arg13[%dma_wait3A_712] : memref<2x!tpu.dma_semaphore, #tpu.memory_space<semaphore_mem>> -> memref<1x!tpu.dma_semaphore, #tpu.memory_space<semaphore_mem>>
      %dma_wait3A_724 = tpu.memref_squeeze %dma_wait3A_723 : memref<1x!tpu.dma_semaphore, #tpu.memory_space<semaphore_mem>> -> memref<!tpu.dma_semaphore, #tpu.memory_space<semaphore_mem>>
      tpu.wait_indirect_dma semaphore(%dma_wait3A_724 : memref<!tpu.dma_semaphore, #tpu.memory_space<semaphore_mem>>) src(%dma_wait3A_716 : memref<128x32xf32, #tpu.memory_space<vmem>>) dst(%dma_wait3A_722 : memref<10240x32xf32, #tpu.memory_space<vmem_shared>>)
      %mul3A_725 = arith.constant 5 : i32
      %mul3A_726 = arith.muli %add3A_686, %mul3A_725 : i32
      %add3A_727 = arith.constant 2 : i32
      %add3A_728 = arith.addi %mul3A_726, %add3A_727 : i32
      %dma_wait3A_729 = arith.constant 1 : i32
      %dma_wait3A_730 = arith.constant 2 : i32
      %dma_wait3A_731 = arith.constant 1 : i32
      %dma_wait3A_732 = arith.constant 0 : i32
      %dma_wait3A_733 = arith.constant 0 : i32
      %dma_wait3A_734 = tpu.memref_slice %arg9[%dma_wait3A_729, %dma_wait3A_730, %dma_wait3A_732, %dma_wait3A_733] : memref<2x5x128x32xf32, #tpu.memory_space<vmem>> -> memref<1x1x128x32xf32, #tpu.memory_space<vmem>>
      %dma_wait3A_735 = tpu.memref_squeeze %dma_wait3A_734 : memref<1x1x128x32xf32, #tpu.memory_space<vmem>> -> memref<128x32xf32, #tpu.memory_space<vmem>>
      %dma_wait3A_736 = arith.constant 0 : i32
      %dma_wait3A_737 = tpu.memref_slice %arg8[%add3A_728, %dma_wait3A_736] : memref<160x128xi32, #tpu.memory_space<vmem>> -> memref<1x128xi32, #tpu.memory_space<vmem>>
      %dma_wait3A_738 = tpu.memref_squeeze %dma_wait3A_737 : memref<1x128xi32, #tpu.memory_space<vmem>> -> memref<128xi32, #tpu.memory_space<vmem>>
      %dma_wait3A_739 = arith.constant 0 : i32
      %dma_wait3A_740 = arith.constant 0 : i32
      %dma_wait3A_741 = tpu.memref_slice %arg10[%dma_wait3A_739, %dma_wait3A_740] : memref<10240x32xf32, #tpu.memory_space<vmem_shared>> -> memref<10240x32xf32, #tpu.memory_space<vmem_shared>>
      %dma_wait3A_742 = tpu.memref_slice %arg13[%dma_wait3A_731] : memref<2x!tpu.dma_semaphore, #tpu.memory_space<semaphore_mem>> -> memref<1x!tpu.dma_semaphore, #tpu.memory_space<semaphore_mem>>
      %dma_wait3A_743 = tpu.memref_squeeze %dma_wait3A_742 : memref<1x!tpu.dma_semaphore, #tpu.memory_space<semaphore_mem>> -> memref<!tpu.dma_semaphore, #tpu.memory_space<semaphore_mem>>
      tpu.wait_indirect_dma semaphore(%dma_wait3A_743 : memref<!tpu.dma_semaphore, #tpu.memory_space<semaphore_mem>>) src(%dma_wait3A_735 : memref<128x32xf32, #tpu.memory_space<vmem>>) dst(%dma_wait3A_741 : memref<10240x32xf32, #tpu.memory_space<vmem_shared>>)
      %mul3A_744 = arith.constant 5 : i32
      %mul3A_745 = arith.muli %add3A_686, %mul3A_744 : i32
      %add3A_746 = arith.constant 3 : i32
      %add3A_747 = arith.addi %mul3A_745, %add3A_746 : i32
      %dma_wait3A_748 = arith.constant 1 : i32
      %dma_wait3A_749 = arith.constant 3 : i32
      %dma_wait3A_750 = arith.constant 1 : i32
      %dma_wait3A_751 = arith.constant 0 : i32
      %dma_wait3A_752 = arith.constant 0 : i32
      %dma_wait3A_753 = tpu.memref_slice %arg9[%dma_wait3A_748, %dma_wait3A_749, %dma_wait3A_751, %dma_wait3A_752] : memref<2x5x128x32xf32, #tpu.memory_space<vmem>> -> memref<1x1x128x32xf32, #tpu.memory_space<vmem>>
      %dma_wait3A_754 = tpu.memref_squeeze %dma_wait3A_753 : memref<1x1x128x32xf32, #tpu.memory_space<vmem>> -> memref<128x32xf32, #tpu.memory_space<vmem>>
      %dma_wait3A_755 = arith.constant 0 : i32
      %dma_wait3A_756 = tpu.memref_slice %arg8[%add3A_747, %dma_wait3A_755] : memref<160x128xi32, #tpu.memory_space<vmem>> -> memref<1x128xi32, #tpu.memory_space<vmem>>
      %dma_wait3A_757 = tpu.memref_squeeze %dma_wait3A_756 : memref<1x128xi32, #tpu.memory_space<vmem>> -> memref<128xi32, #tpu.memory_space<vmem>>
      %dma_wait3A_758 = arith.constant 0 : i32
      %dma_wait3A_759 = arith.constant 0 : i32
      %dma_wait3A_760 = tpu.memref_slice %arg10[%dma_wait3A_758, %dma_wait3A_759] : memref<10240x32xf32, #tpu.memory_space<vmem_shared>> -> memref<10240x32xf32, #tpu.memory_space<vmem_shared>>
      %dma_wait3A_761 = tpu.memref_slice %arg13[%dma_wait3A_750] : memref<2x!tpu.dma_semaphore, #tpu.memory_space<semaphore_mem>> -> memref<1x!tpu.dma_semaphore, #tpu.memory_space<semaphore_mem>>
      %dma_wait3A_762 = tpu.memref_squeeze %dma_wait3A_761 : memref<1x!tpu.dma_semaphore, #tpu.memory_space<semaphore_mem>> -> memref<!tpu.dma_semaphore, #tpu.memory_space<semaphore_mem>>
      tpu.wait_indirect_dma semaphore(%dma_wait3A_762 : memref<!tpu.dma_semaphore, #tpu.memory_space<semaphore_mem>>) src(%dma_wait3A_754 : memref<128x32xf32, #tpu.memory_space<vmem>>) dst(%dma_wait3A_760 : memref<10240x32xf32, #tpu.memory_space<vmem_shared>>)
      %mul3A_763 = arith.constant 5 : i32
      %mul3A_764 = arith.muli %add3A_686, %mul3A_763 : i32
      %add3A_765 = arith.constant 4 : i32
      %add3A_766 = arith.addi %mul3A_764, %add3A_765 : i32
      %dma_wait3A_767 = arith.constant 1 : i32
      %dma_wait3A_768 = arith.constant 4 : i32
      %dma_wait3A_769 = arith.constant 1 : i32
      %dma_wait3A_770 = arith.constant 0 : i32
      %dma_wait3A_771 = arith.constant 0 : i32
      %dma_wait3A_772 = tpu.memref_slice %arg9[%dma_wait3A_767, %dma_wait3A_768, %dma_wait3A_770, %dma_wait3A_771] : memref<2x5x128x32xf32, #tpu.memory_space<vmem>> -> memref<1x1x128x32xf32, #tpu.memory_space<vmem>>
      %dma_wait3A_773 = tpu.memref_squeeze %dma_wait3A_772 : memref<1x1x128x32xf32, #tpu.memory_space<vmem>> -> memref<128x32xf32, #tpu.memory_space<vmem>>
      %dma_wait3A_774 = arith.constant 0 : i32
      %dma_wait3A_775 = tpu.memref_slice %arg8[%add3A_766, %dma_wait3A_774] : memref<160x128xi32, #tpu.memory_space<vmem>> -> memref<1x128xi32, #tpu.memory_space<vmem>>
      %dma_wait3A_776 = tpu.memref_squeeze %dma_wait3A_775 : memref<1x128xi32, #tpu.memory_space<vmem>> -> memref<128xi32, #tpu.memory_space<vmem>>
      %dma_wait3A_777 = arith.constant 0 : i32
      %dma_wait3A_778 = arith.constant 0 : i32
      %dma_wait3A_779 = tpu.memref_slice %arg10[%dma_wait3A_777, %dma_wait3A_778] : memref<10240x32xf32, #tpu.memory_space<vmem_shared>> -> memref<10240x32xf32, #tpu.memory_space<vmem_shared>>
      %dma_wait3A_780 = tpu.memref_slice %arg13[%dma_wait3A_769] : memref<2x!tpu.dma_semaphore, #tpu.memory_space<semaphore_mem>> -> memref<1x!tpu.dma_semaphore, #tpu.memory_space<semaphore_mem>>
      %dma_wait3A_781 = tpu.memref_squeeze %dma_wait3A_780 : memref<1x!tpu.dma_semaphore, #tpu.memory_space<semaphore_mem>> -> memref<!tpu.dma_semaphore, #tpu.memory_space<semaphore_mem>>
      tpu.wait_indirect_dma semaphore(%dma_wait3A_781 : memref<!tpu.dma_semaphore, #tpu.memory_space<semaphore_mem>>) src(%dma_wait3A_773 : memref<128x32xf32, #tpu.memory_space<vmem>>) dst(%dma_wait3A_779 : memref<10240x32xf32, #tpu.memory_space<vmem_shared>>)
    }
    %scan3A_94 = arith.constant 16 : i32
    %barrier3A_95 = arith.constant 0 : index
    tpu.barrier barrier_id(%barrier3A_95)
    %mul3A_96 = arith.constant 640 : i32
    %mul3A_97 = arith.muli %arg1, %mul3A_96 : i32
    %mul3A_98 = arith.constant 10240 : i32
    %mul3A_99 = arith.muli %arg0, %mul3A_98 : i32
    %mul3A_100 = arith.constant 640 : i32
    %mul3A_101 = arith.muli %arg1, %mul3A_100 : i32
    %add3A_102 = arith.addi %mul3A_99, %mul3A_101 : i32
    "tpu.region"() ({
      %run_scoped3A = tpu.sem_alloc : memref<!tpu.dma_semaphore, #tpu.memory_space<semaphore_mem>>
      %dma_start3A_103 = arith.constant 0 : i32
      %dma_start3A_104 = tpu.memref_slice %arg6[%add3A_102, %dma_start3A_103] : memref<20480x32xf32, #tpu.memory_space<hbm>> -> memref<640x32xf32, #tpu.memory_space<hbm>>
      %dma_start3A_105 = arith.constant 0 : i32
      %dma_start3A_106 = tpu.memref_slice %arg10[%mul3A_97, %dma_start3A_105] : memref<10240x32xf32, #tpu.memory_space<vmem_shared>> -> memref<640x32xf32, #tpu.memory_space<vmem_shared>>
      tpu.enqueue_dma source(%dma_start3A_106 : memref<640x32xf32, #tpu.memory_space<vmem_shared>>) target(%dma_start3A_104 : memref<640x32xf32, #tpu.memory_space<hbm>>) target_semaphore(%run_scoped3A : memref<!tpu.dma_semaphore, #tpu.memory_space<semaphore_mem>>)
      %dma_wait3A = arith.constant 0 : i32
      %dma_wait3A_107 = tpu.memref_slice %arg6[%add3A_102, %dma_wait3A] : memref<20480x32xf32, #tpu.memory_space<hbm>> -> memref<640x32xf32, #tpu.memory_space<hbm>>
      %dma_wait3A_108 = arith.constant 0 : i32
      %dma_wait3A_109 = tpu.memref_slice %arg10[%mul3A_97, %dma_wait3A_108] : memref<10240x32xf32, #tpu.memory_space<vmem_shared>> -> memref<640x32xf32, #tpu.memory_space<vmem_shared>>
      tpu.wait_dma2 semaphore(%run_scoped3A : memref<!tpu.dma_semaphore, #tpu.memory_space<semaphore_mem>>) src(%dma_wait3A_109 : memref<640x32xf32, #tpu.memory_space<vmem_shared>>) dst(%dma_wait3A_107 : memref<640x32xf32, #tpu.memory_space<hbm>>)
      tpu.yield
    }) : () -> ()
    return
  }
}

#map = affine_map<(d0, d1) -> (0, 0)>
module attributes {stable_mosaic.version = 14 : i64} {
  func.func @seg(%arg0: i32, %arg1: i32, %arg2: memref<2560x128xi32, #tpu.memory_space<hbm>>, %arg3: memref<2560x128xi32, #tpu.memory_space<hbm>>, %arg4: memref<10240x32xf32, #tpu.memory_space<hbm>>, %arg5: memref<640x32xf32, #tpu.memory_space<hbm>>, %arg6: memref<10240x32xf32, #tpu.memory_space<hbm>>, %arg7: memref<10240x32xf32, #tpu.memory_space<hbm>>, %arg8: memref<80x128xi32, #tpu.memory_space<vmem>>, %arg9: memref<80x128xi32, #tpu.memory_space<vmem>>, %arg10: memref<2x5x128x32xf32, #tpu.memory_space<vmem>>, %arg11: memref<10240x32xf32, #tpu.memory_space<vmem_shared>>, %arg12: memref<10240x32xf32, #tpu.memory_space<vmem_shared>>, %arg13: memref<2x!tpu.dma_semaphore, #tpu.memory_space<semaphore_mem>>, %arg14: memref<2x!tpu.dma_semaphore, #tpu.memory_space<semaphore_mem>>) attributes {dimension_semantics = [#tpu.dimension_semantics<core_parallel>, #tpu.dimension_semantics<subcore_parallel>], iteration_bounds = array<i64: 2, 16>, scalar_prefetch = 0 : i64, scratch_operands = 7 : i64, tpu.core_type = #tpu.core_type<sc_vector_subcore>, window_params = [{transform_indices = #map}, {transform_indices = #map}, {transform_indices = #map}, {transform_indices = #map}, {transform_indices = #map}, {transform_indices = #map}]} {
    %mul3A = arith.constant 1280 : i32
    %mul3A_0 = arith.muli %arg0, %mul3A : i32
    %mul3A_1 = arith.constant 80 : i32
    %mul3A_2 = arith.muli %arg1, %mul3A_1 : i32
    %add3A = arith.addi %mul3A_0, %mul3A_2 : i32
    "tpu.region"() ({
      %run_scoped3A = tpu.sem_alloc : memref<!tpu.dma_semaphore, #tpu.memory_space<semaphore_mem>>
      %dma_start3A_101 = arith.constant 0 : i32
      %dma_start3A_102 = tpu.memref_slice %arg2[%add3A, %dma_start3A_101] : memref<2560x128xi32, #tpu.memory_space<hbm>> -> memref<80x128xi32, #tpu.memory_space<hbm>>
      %dma_start3A_103 = arith.constant 0 : i32
      %dma_start3A_104 = tpu.memref_slice %arg2[%add3A, %dma_start3A_103] : memref<2560x128xi32, #tpu.memory_space<hbm>> -> memref<80x128xi32, #tpu.memory_space<hbm>>
      tpu.enqueue_dma source(%dma_start3A_104 : memref<80x128xi32, #tpu.memory_space<hbm>>) target(%arg8 : memref<80x128xi32, #tpu.memory_space<vmem>>) target_semaphore(%run_scoped3A : memref<!tpu.dma_semaphore, #tpu.memory_space<semaphore_mem>>)
      %dma_wait3A = arith.constant 0 : i32
      %dma_wait3A_105 = tpu.memref_slice %arg2[%add3A, %dma_wait3A] : memref<2560x128xi32, #tpu.memory_space<hbm>> -> memref<80x128xi32, #tpu.memory_space<hbm>>
      %dma_wait3A_106 = arith.constant 0 : i32
      %dma_wait3A_107 = tpu.memref_slice %arg2[%add3A, %dma_wait3A_106] : memref<2560x128xi32, #tpu.memory_space<hbm>> -> memref<80x128xi32, #tpu.memory_space<hbm>>
      tpu.wait_dma2 semaphore(%run_scoped3A : memref<!tpu.dma_semaphore, #tpu.memory_space<semaphore_mem>>) src(%dma_wait3A_107 : memref<80x128xi32, #tpu.memory_space<hbm>>) dst(%arg8 : memref<80x128xi32, #tpu.memory_space<vmem>>)
      tpu.yield
    }) : () -> ()
    "tpu.region"() ({
      %run_scoped3A = tpu.sem_alloc : memref<!tpu.dma_semaphore, #tpu.memory_space<semaphore_mem>>
      %dma_start3A_101 = arith.constant 0 : i32
      %dma_start3A_102 = tpu.memref_slice %arg3[%add3A, %dma_start3A_101] : memref<2560x128xi32, #tpu.memory_space<hbm>> -> memref<80x128xi32, #tpu.memory_space<hbm>>
      %dma_start3A_103 = arith.constant 0 : i32
      %dma_start3A_104 = tpu.memref_slice %arg3[%add3A, %dma_start3A_103] : memref<2560x128xi32, #tpu.memory_space<hbm>> -> memref<80x128xi32, #tpu.memory_space<hbm>>
      tpu.enqueue_dma source(%dma_start3A_104 : memref<80x128xi32, #tpu.memory_space<hbm>>) target(%arg9 : memref<80x128xi32, #tpu.memory_space<vmem>>) target_semaphore(%run_scoped3A : memref<!tpu.dma_semaphore, #tpu.memory_space<semaphore_mem>>)
      %dma_wait3A = arith.constant 0 : i32
      %dma_wait3A_105 = tpu.memref_slice %arg3[%add3A, %dma_wait3A] : memref<2560x128xi32, #tpu.memory_space<hbm>> -> memref<80x128xi32, #tpu.memory_space<hbm>>
      %dma_wait3A_106 = arith.constant 0 : i32
      %dma_wait3A_107 = tpu.memref_slice %arg3[%add3A, %dma_wait3A_106] : memref<2560x128xi32, #tpu.memory_space<hbm>> -> memref<80x128xi32, #tpu.memory_space<hbm>>
      tpu.wait_dma2 semaphore(%run_scoped3A : memref<!tpu.dma_semaphore, #tpu.memory_space<semaphore_mem>>) src(%dma_wait3A_107 : memref<80x128xi32, #tpu.memory_space<hbm>>) dst(%arg9 : memref<80x128xi32, #tpu.memory_space<vmem>>)
      tpu.yield
    }) : () -> ()
    %mul3A_3 = arith.constant 640 : i32
    %mul3A_4 = arith.muli %arg1, %mul3A_3 : i32
    %mul3A_5 = arith.constant 640 : i32
    %mul3A_6 = arith.muli %arg1, %mul3A_5 : i32
    "tpu.region"() ({
      %run_scoped3A = tpu.sem_alloc : memref<!tpu.dma_semaphore, #tpu.memory_space<semaphore_mem>>
      %dma_start3A_101 = arith.constant 0 : i32
      %dma_start3A_102 = tpu.memref_slice %arg12[%mul3A_6, %dma_start3A_101] : memref<10240x32xf32, #tpu.memory_space<vmem_shared>> -> memref<640x32xf32, #tpu.memory_space<vmem_shared>>
      %dma_start3A_103 = arith.constant 0 : i32
      %dma_start3A_104 = tpu.memref_slice %arg4[%mul3A_4, %dma_start3A_103] : memref<10240x32xf32, #tpu.memory_space<hbm>> -> memref<640x32xf32, #tpu.memory_space<hbm>>
      tpu.enqueue_dma source(%dma_start3A_104 : memref<640x32xf32, #tpu.memory_space<hbm>>) target(%dma_start3A_102 : memref<640x32xf32, #tpu.memory_space<vmem_shared>>) target_semaphore(%run_scoped3A : memref<!tpu.dma_semaphore, #tpu.memory_space<semaphore_mem>>)
      %dma_wait3A = arith.constant 0 : i32
      %dma_wait3A_105 = tpu.memref_slice %arg12[%mul3A_6, %dma_wait3A] : memref<10240x32xf32, #tpu.memory_space<vmem_shared>> -> memref<640x32xf32, #tpu.memory_space<vmem_shared>>
      %dma_wait3A_106 = arith.constant 0 : i32
      %dma_wait3A_107 = tpu.memref_slice %arg4[%mul3A_4, %dma_wait3A_106] : memref<10240x32xf32, #tpu.memory_space<hbm>> -> memref<640x32xf32, #tpu.memory_space<hbm>>
      tpu.wait_dma2 semaphore(%run_scoped3A : memref<!tpu.dma_semaphore, #tpu.memory_space<semaphore_mem>>) src(%dma_wait3A_107 : memref<640x32xf32, #tpu.memory_space<hbm>>) dst(%dma_wait3A_105 : memref<640x32xf32, #tpu.memory_space<vmem_shared>>)
      tpu.yield
    }) : () -> ()
    %mul3A_7 = arith.constant 640 : i32
    %mul3A_8 = arith.muli %arg1, %mul3A_7 : i32
    "tpu.region"() ({
      %run_scoped3A = tpu.sem_alloc : memref<!tpu.dma_semaphore, #tpu.memory_space<semaphore_mem>>
      %dma_start3A_101 = arith.constant 0 : i32
      %dma_start3A_102 = tpu.memref_slice %arg11[%mul3A_8, %dma_start3A_101] : memref<10240x32xf32, #tpu.memory_space<vmem_shared>> -> memref<640x32xf32, #tpu.memory_space<vmem_shared>>
      tpu.enqueue_dma source(%arg5 : memref<640x32xf32, #tpu.memory_space<hbm>>) target(%dma_start3A_102 : memref<640x32xf32, #tpu.memory_space<vmem_shared>>) target_semaphore(%run_scoped3A : memref<!tpu.dma_semaphore, #tpu.memory_space<semaphore_mem>>)
      %dma_wait3A = arith.constant 0 : i32
      %dma_wait3A_103 = tpu.memref_slice %arg11[%mul3A_8, %dma_wait3A] : memref<10240x32xf32, #tpu.memory_space<vmem_shared>> -> memref<640x32xf32, #tpu.memory_space<vmem_shared>>
      tpu.wait_dma2 semaphore(%run_scoped3A : memref<!tpu.dma_semaphore, #tpu.memory_space<semaphore_mem>>) src(%arg5 : memref<640x32xf32, #tpu.memory_space<hbm>>) dst(%dma_wait3A_103 : memref<640x32xf32, #tpu.memory_space<vmem_shared>>)
      tpu.yield
    }) : () -> ()
    %barrier3A = arith.constant 0 : index
    tpu.barrier barrier_id(%barrier3A)
    %dma_start3A = arith.constant 0 : i32
    %dma_start3A_9 = arith.constant 0 : i32
    %dma_start3A_10 = arith.constant 0 : i32
    %dma_start3A_11 = arith.constant 0 : i32
    %dma_start3A_12 = arith.constant 0 : i32
    %dma_start3A_13 = arith.constant 0 : i32
    %dma_start3A_14 = tpu.memref_slice %arg10[%dma_start3A_9, %dma_start3A_10, %dma_start3A_12, %dma_start3A_13] : memref<2x5x128x32xf32, #tpu.memory_space<vmem>> -> memref<1x1x128x32xf32, #tpu.memory_space<vmem>>
    %dma_start3A_15 = tpu.memref_squeeze %dma_start3A_14 : memref<1x1x128x32xf32, #tpu.memory_space<vmem>> -> memref<128x32xf32, #tpu.memory_space<vmem>>
    %dma_start3A_16 = arith.constant 0 : i32
    %dma_start3A_17 = tpu.memref_slice %arg8[%dma_start3A, %dma_start3A_16] : memref<80x128xi32, #tpu.memory_space<vmem>> -> memref<1x128xi32, #tpu.memory_space<vmem>>
    %dma_start3A_18 = tpu.memref_squeeze %dma_start3A_17 : memref<1x128xi32, #tpu.memory_space<vmem>> -> memref<128xi32, #tpu.memory_space<vmem>>
    %dma_start3A_19 = arith.constant 0 : i32
    %dma_start3A_20 = arith.constant 0 : i32
    %dma_start3A_21 = tpu.memref_slice %arg12[%dma_start3A_19, %dma_start3A_20] : memref<10240x32xf32, #tpu.memory_space<vmem_shared>> -> memref<10240x32xf32, #tpu.memory_space<vmem_shared>>
    %dma_start3A_22 = tpu.memref_slice %arg13[%dma_start3A_11] : memref<2x!tpu.dma_semaphore, #tpu.memory_space<semaphore_mem>> -> memref<1x!tpu.dma_semaphore, #tpu.memory_space<semaphore_mem>>
    %dma_start3A_23 = tpu.memref_squeeze %dma_start3A_22 : memref<1x!tpu.dma_semaphore, #tpu.memory_space<semaphore_mem>> -> memref<!tpu.dma_semaphore, #tpu.memory_space<semaphore_mem>>
    tpu.enqueue_indirect_dma source(%dma_start3A_21 : memref<10240x32xf32, #tpu.memory_space<vmem_shared>>) target(%dma_start3A_15 : memref<128x32xf32, #tpu.memory_space<vmem>>) offsets(%dma_start3A_18 : memref<128xi32, #tpu.memory_space<vmem>>) semaphore(%dma_start3A_23 : memref<!tpu.dma_semaphore, #tpu.memory_space<semaphore_mem>>)
    %dma_start3A_24 = arith.constant 1 : i32
    %dma_start3A_25 = arith.constant 0 : i32
    %dma_start3A_26 = arith.constant 1 : i32
    %dma_start3A_27 = arith.constant 0 : i32
    %dma_start3A_28 = arith.constant 0 : i32
    %dma_start3A_29 = arith.constant 0 : i32
    %dma_start3A_30 = tpu.memref_slice %arg10[%dma_start3A_25, %dma_start3A_26, %dma_start3A_28, %dma_start3A_29] : memref<2x5x128x32xf32, #tpu.memory_space<vmem>> -> memref<1x1x128x32xf32, #tpu.memory_space<vmem>>
    %dma_start3A_31 = tpu.memref_squeeze %dma_start3A_30 : memref<1x1x128x32xf32, #tpu.memory_space<vmem>> -> memref<128x32xf32, #tpu.memory_space<vmem>>
    %dma_start3A_32 = arith.constant 0 : i32
    %dma_start3A_33 = tpu.memref_slice %arg8[%dma_start3A_24, %dma_start3A_32] : memref<80x128xi32, #tpu.memory_space<vmem>> -> memref<1x128xi32, #tpu.memory_space<vmem>>
    %dma_start3A_34 = tpu.memref_squeeze %dma_start3A_33 : memref<1x128xi32, #tpu.memory_space<vmem>> -> memref<128xi32, #tpu.memory_space<vmem>>
    %dma_start3A_35 = arith.constant 0 : i32
    %dma_start3A_36 = arith.constant 0 : i32
    %dma_start3A_37 = tpu.memref_slice %arg12[%dma_start3A_35, %dma_start3A_36] : memref<10240x32xf32, #tpu.memory_space<vmem_shared>> -> memref<10240x32xf32, #tpu.memory_space<vmem_shared>>
    %dma_start3A_38 = tpu.memref_slice %arg13[%dma_start3A_27] : memref<2x!tpu.dma_semaphore, #tpu.memory_space<semaphore_mem>> -> memref<1x!tpu.dma_semaphore, #tpu.memory_space<semaphore_mem>>
    %dma_start3A_39 = tpu.memref_squeeze %dma_start3A_38 : memref<1x!tpu.dma_semaphore, #tpu.memory_space<semaphore_mem>> -> memref<!tpu.dma_semaphore, #tpu.memory_space<semaphore_mem>>
    tpu.enqueue_indirect_dma source(%dma_start3A_37 : memref<10240x32xf32, #tpu.memory_space<vmem_shared>>) target(%dma_start3A_31 : memref<128x32xf32, #tpu.memory_space<vmem>>) offsets(%dma_start3A_34 : memref<128xi32, #tpu.memory_space<vmem>>) semaphore(%dma_start3A_39 : memref<!tpu.dma_semaphore, #tpu.memory_space<semaphore_mem>>)
    %dma_start3A_40 = arith.constant 2 : i32
    %dma_start3A_41 = arith.constant 0 : i32
    %dma_start3A_42 = arith.constant 2 : i32
    %dma_start3A_43 = arith.constant 0 : i32
    %dma_start3A_44 = arith.constant 0 : i32
    %dma_start3A_45 = arith.constant 0 : i32
    %dma_start3A_46 = tpu.memref_slice %arg10[%dma_start3A_41, %dma_start3A_42, %dma_start3A_44, %dma_start3A_45] : memref<2x5x128x32xf32, #tpu.memory_space<vmem>> -> memref<1x1x128x32xf32, #tpu.memory_space<vmem>>
    %dma_start3A_47 = tpu.memref_squeeze %dma_start3A_46 : memref<1x1x128x32xf32, #tpu.memory_space<vmem>> -> memref<128x32xf32, #tpu.memory_space<vmem>>
    %dma_start3A_48 = arith.constant 0 : i32
    %dma_start3A_49 = tpu.memref_slice %arg8[%dma_start3A_40, %dma_start3A_48] : memref<80x128xi32, #tpu.memory_space<vmem>> -> memref<1x128xi32, #tpu.memory_space<vmem>>
    %dma_start3A_50 = tpu.memref_squeeze %dma_start3A_49 : memref<1x128xi32, #tpu.memory_space<vmem>> -> memref<128xi32, #tpu.memory_space<vmem>>
    %dma_start3A_51 = arith.constant 0 : i32
    %dma_start3A_52 = arith.constant 0 : i32
    %dma_start3A_53 = tpu.memref_slice %arg12[%dma_start3A_51, %dma_start3A_52] : memref<10240x32xf32, #tpu.memory_space<vmem_shared>> -> memref<10240x32xf32, #tpu.memory_space<vmem_shared>>
    %dma_start3A_54 = tpu.memref_slice %arg13[%dma_start3A_43] : memref<2x!tpu.dma_semaphore, #tpu.memory_space<semaphore_mem>> -> memref<1x!tpu.dma_semaphore, #tpu.memory_space<semaphore_mem>>
    %dma_start3A_55 = tpu.memref_squeeze %dma_start3A_54 : memref<1x!tpu.dma_semaphore, #tpu.memory_space<semaphore_mem>> -> memref<!tpu.dma_semaphore, #tpu.memory_space<semaphore_mem>>
    tpu.enqueue_indirect_dma source(%dma_start3A_53 : memref<10240x32xf32, #tpu.memory_space<vmem_shared>>) target(%dma_start3A_47 : memref<128x32xf32, #tpu.memory_space<vmem>>) offsets(%dma_start3A_50 : memref<128xi32, #tpu.memory_space<vmem>>) semaphore(%dma_start3A_55 : memref<!tpu.dma_semaphore, #tpu.memory_space<semaphore_mem>>)
    %dma_start3A_56 = arith.constant 3 : i32
    %dma_start3A_57 = arith.constant 0 : i32
    %dma_start3A_58 = arith.constant 3 : i32
    %dma_start3A_59 = arith.constant 0 : i32
    %dma_start3A_60 = arith.constant 0 : i32
    %dma_start3A_61 = arith.constant 0 : i32
    %dma_start3A_62 = tpu.memref_slice %arg10[%dma_start3A_57, %dma_start3A_58, %dma_start3A_60, %dma_start3A_61] : memref<2x5x128x32xf32, #tpu.memory_space<vmem>> -> memref<1x1x128x32xf32, #tpu.memory_space<vmem>>
    %dma_start3A_63 = tpu.memref_squeeze %dma_start3A_62 : memref<1x1x128x32xf32, #tpu.memory_space<vmem>> -> memref<128x32xf32, #tpu.memory_space<vmem>>
    %dma_start3A_64 = arith.constant 0 : i32
    %dma_start3A_65 = tpu.memref_slice %arg8[%dma_start3A_56, %dma_start3A_64] : memref<80x128xi32, #tpu.memory_space<vmem>> -> memref<1x128xi32, #tpu.memory_space<vmem>>
    %dma_start3A_66 = tpu.memref_squeeze %dma_start3A_65 : memref<1x128xi32, #tpu.memory_space<vmem>> -> memref<128xi32, #tpu.memory_space<vmem>>
    %dma_start3A_67 = arith.constant 0 : i32
    %dma_start3A_68 = arith.constant 0 : i32
    %dma_start3A_69 = tpu.memref_slice %arg12[%dma_start3A_67, %dma_start3A_68] : memref<10240x32xf32, #tpu.memory_space<vmem_shared>> -> memref<10240x32xf32, #tpu.memory_space<vmem_shared>>
    %dma_start3A_70 = tpu.memref_slice %arg13[%dma_start3A_59] : memref<2x!tpu.dma_semaphore, #tpu.memory_space<semaphore_mem>> -> memref<1x!tpu.dma_semaphore, #tpu.memory_space<semaphore_mem>>
    %dma_start3A_71 = tpu.memref_squeeze %dma_start3A_70 : memref<1x!tpu.dma_semaphore, #tpu.memory_space<semaphore_mem>> -> memref<!tpu.dma_semaphore, #tpu.memory_space<semaphore_mem>>
    tpu.enqueue_indirect_dma source(%dma_start3A_69 : memref<10240x32xf32, #tpu.memory_space<vmem_shared>>) target(%dma_start3A_63 : memref<128x32xf32, #tpu.memory_space<vmem>>) offsets(%dma_start3A_66 : memref<128xi32, #tpu.memory_space<vmem>>) semaphore(%dma_start3A_71 : memref<!tpu.dma_semaphore, #tpu.memory_space<semaphore_mem>>)
    %dma_start3A_72 = arith.constant 4 : i32
    %dma_start3A_73 = arith.constant 0 : i32
    %dma_start3A_74 = arith.constant 4 : i32
    %dma_start3A_75 = arith.constant 0 : i32
    %dma_start3A_76 = arith.constant 0 : i32
    %dma_start3A_77 = arith.constant 0 : i32
    %dma_start3A_78 = tpu.memref_slice %arg10[%dma_start3A_73, %dma_start3A_74, %dma_start3A_76, %dma_start3A_77] : memref<2x5x128x32xf32, #tpu.memory_space<vmem>> -> memref<1x1x128x32xf32, #tpu.memory_space<vmem>>
    %dma_start3A_79 = tpu.memref_squeeze %dma_start3A_78 : memref<1x1x128x32xf32, #tpu.memory_space<vmem>> -> memref<128x32xf32, #tpu.memory_space<vmem>>
    %dma_start3A_80 = arith.constant 0 : i32
    %dma_start3A_81 = tpu.memref_slice %arg8[%dma_start3A_72, %dma_start3A_80] : memref<80x128xi32, #tpu.memory_space<vmem>> -> memref<1x128xi32, #tpu.memory_space<vmem>>
    %dma_start3A_82 = tpu.memref_squeeze %dma_start3A_81 : memref<1x128xi32, #tpu.memory_space<vmem>> -> memref<128xi32, #tpu.memory_space<vmem>>
    %dma_start3A_83 = arith.constant 0 : i32
    %dma_start3A_84 = arith.constant 0 : i32
    %dma_start3A_85 = tpu.memref_slice %arg12[%dma_start3A_83, %dma_start3A_84] : memref<10240x32xf32, #tpu.memory_space<vmem_shared>> -> memref<10240x32xf32, #tpu.memory_space<vmem_shared>>
    %dma_start3A_86 = tpu.memref_slice %arg13[%dma_start3A_75] : memref<2x!tpu.dma_semaphore, #tpu.memory_space<semaphore_mem>> -> memref<1x!tpu.dma_semaphore, #tpu.memory_space<semaphore_mem>>
    %dma_start3A_87 = tpu.memref_squeeze %dma_start3A_86 : memref<1x!tpu.dma_semaphore, #tpu.memory_space<semaphore_mem>> -> memref<!tpu.dma_semaphore, #tpu.memory_space<semaphore_mem>>
    tpu.enqueue_indirect_dma source(%dma_start3A_85 : memref<10240x32xf32, #tpu.memory_space<vmem_shared>>) target(%dma_start3A_79 : memref<128x32xf32, #tpu.memory_space<vmem>>) offsets(%dma_start3A_82 : memref<128xi32, #tpu.memory_space<vmem>>) semaphore(%dma_start3A_87 : memref<!tpu.dma_semaphore, #tpu.memory_space<semaphore_mem>>)
    %scan3A = arith.constant 0 : i32
    %scan3A_88 = arith.constant 0 : i32
    %scan3A_89 = arith.constant 8 : i32
    %scan3A_90 = arith.addi %scan3A_88, %scan3A_89 : i32
    %scan3A_91 = arith.constant 1 : i32
    scf.for %scan3A_101 = %scan3A_88 to %scan3A_90 step %scan3A_91  : i32 {
      %mul3A_102 = arith.constant 2 : i32
      %mul3A_103 = arith.muli %mul3A_102, %scan3A_101 : i32
      %add3A_104 = arith.constant 1 : i32
      %add3A_105 = arith.addi %mul3A_103, %add3A_104 : i32
      %mul3A_106 = arith.constant 5 : i32
      %mul3A_107 = arith.muli %add3A_105, %mul3A_106 : i32
      %add3A_108 = arith.constant 0 : i32
      %add3A_109 = arith.addi %mul3A_107, %add3A_108 : i32
      %dma_start3A_110 = arith.constant 1 : i32
      %dma_start3A_111 = arith.constant 0 : i32
      %dma_start3A_112 = arith.constant 1 : i32
      %dma_start3A_113 = arith.constant 0 : i32
      %dma_start3A_114 = arith.constant 0 : i32
      %dma_start3A_115 = tpu.memref_slice %arg10[%dma_start3A_110, %dma_start3A_111, %dma_start3A_113, %dma_start3A_114] : memref<2x5x128x32xf32, #tpu.memory_space<vmem>> -> memref<1x1x128x32xf32, #tpu.memory_space<vmem>>
      %dma_start3A_116 = tpu.memref_squeeze %dma_start3A_115 : memref<1x1x128x32xf32, #tpu.memory_space<vmem>> -> memref<128x32xf32, #tpu.memory_space<vmem>>
      %dma_start3A_117 = arith.constant 0 : i32
      %dma_start3A_118 = tpu.memref_slice %arg8[%add3A_109, %dma_start3A_117] : memref<80x128xi32, #tpu.memory_space<vmem>> -> memref<1x128xi32, #tpu.memory_space<vmem>>
      %dma_start3A_119 = tpu.memref_squeeze %dma_start3A_118 : memref<1x128xi32, #tpu.memory_space<vmem>> -> memref<128xi32, #tpu.memory_space<vmem>>
      %dma_start3A_120 = arith.constant 0 : i32
      %dma_start3A_121 = arith.constant 0 : i32
      %dma_start3A_122 = tpu.memref_slice %arg12[%dma_start3A_120, %dma_start3A_121] : memref<10240x32xf32, #tpu.memory_space<vmem_shared>> -> memref<10240x32xf32, #tpu.memory_space<vmem_shared>>
      %dma_start3A_123 = tpu.memref_slice %arg13[%dma_start3A_112] : memref<2x!tpu.dma_semaphore, #tpu.memory_space<semaphore_mem>> -> memref<1x!tpu.dma_semaphore, #tpu.memory_space<semaphore_mem>>
      %dma_start3A_124 = tpu.memref_squeeze %dma_start3A_123 : memref<1x!tpu.dma_semaphore, #tpu.memory_space<semaphore_mem>> -> memref<!tpu.dma_semaphore, #tpu.memory_space<semaphore_mem>>
      tpu.enqueue_indirect_dma source(%dma_start3A_122 : memref<10240x32xf32, #tpu.memory_space<vmem_shared>>) target(%dma_start3A_116 : memref<128x32xf32, #tpu.memory_space<vmem>>) offsets(%dma_start3A_119 : memref<128xi32, #tpu.memory_space<vmem>>) semaphore(%dma_start3A_124 : memref<!tpu.dma_semaphore, #tpu.memory_space<semaphore_mem>>)
      %mul3A_125 = arith.constant 5 : i32
      %mul3A_126 = arith.muli %add3A_105, %mul3A_125 : i32
      %add3A_127 = arith.constant 1 : i32
      %add3A_128 = arith.addi %mul3A_126, %add3A_127 : i32
      %dma_start3A_129 = arith.constant 1 : i32
      %dma_start3A_130 = arith.constant 1 : i32
      %dma_start3A_131 = arith.constant 1 : i32
      %dma_start3A_132 = arith.constant 0 : i32
      %dma_start3A_133 = arith.constant 0 : i32
      %dma_start3A_134 = tpu.memref_slice %arg10[%dma_start3A_129, %dma_start3A_130, %dma_start3A_132, %dma_start3A_133] : memref<2x5x128x32xf32, #tpu.memory_space<vmem>> -> memref<1x1x128x32xf32, #tpu.memory_space<vmem>>
      %dma_start3A_135 = tpu.memref_squeeze %dma_start3A_134 : memref<1x1x128x32xf32, #tpu.memory_space<vmem>> -> memref<128x32xf32, #tpu.memory_space<vmem>>
      %dma_start3A_136 = arith.constant 0 : i32
      %dma_start3A_137 = tpu.memref_slice %arg8[%add3A_128, %dma_start3A_136] : memref<80x128xi32, #tpu.memory_space<vmem>> -> memref<1x128xi32, #tpu.memory_space<vmem>>
      %dma_start3A_138 = tpu.memref_squeeze %dma_start3A_137 : memref<1x128xi32, #tpu.memory_space<vmem>> -> memref<128xi32, #tpu.memory_space<vmem>>
      %dma_start3A_139 = arith.constant 0 : i32
      %dma_start3A_140 = arith.constant 0 : i32
      %dma_start3A_141 = tpu.memref_slice %arg12[%dma_start3A_139, %dma_start3A_140] : memref<10240x32xf32, #tpu.memory_space<vmem_shared>> -> memref<10240x32xf32, #tpu.memory_space<vmem_shared>>
      %dma_start3A_142 = tpu.memref_slice %arg13[%dma_start3A_131] : memref<2x!tpu.dma_semaphore, #tpu.memory_space<semaphore_mem>> -> memref<1x!tpu.dma_semaphore, #tpu.memory_space<semaphore_mem>>
      %dma_start3A_143 = tpu.memref_squeeze %dma_start3A_142 : memref<1x!tpu.dma_semaphore, #tpu.memory_space<semaphore_mem>> -> memref<!tpu.dma_semaphore, #tpu.memory_space<semaphore_mem>>
      tpu.enqueue_indirect_dma source(%dma_start3A_141 : memref<10240x32xf32, #tpu.memory_space<vmem_shared>>) target(%dma_start3A_135 : memref<128x32xf32, #tpu.memory_space<vmem>>) offsets(%dma_start3A_138 : memref<128xi32, #tpu.memory_space<vmem>>) semaphore(%dma_start3A_143 : memref<!tpu.dma_semaphore, #tpu.memory_space<semaphore_mem>>)
      %mul3A_144 = arith.constant 5 : i32
      %mul3A_145 = arith.muli %add3A_105, %mul3A_144 : i32
      %add3A_146 = arith.constant 2 : i32
      %add3A_147 = arith.addi %mul3A_145, %add3A_146 : i32
      %dma_start3A_148 = arith.constant 1 : i32
      %dma_start3A_149 = arith.constant 2 : i32
      %dma_start3A_150 = arith.constant 1 : i32
      %dma_start3A_151 = arith.constant 0 : i32
      %dma_start3A_152 = arith.constant 0 : i32
      %dma_start3A_153 = tpu.memref_slice %arg10[%dma_start3A_148, %dma_start3A_149, %dma_start3A_151, %dma_start3A_152] : memref<2x5x128x32xf32, #tpu.memory_space<vmem>> -> memref<1x1x128x32xf32, #tpu.memory_space<vmem>>
      %dma_start3A_154 = tpu.memref_squeeze %dma_start3A_153 : memref<1x1x128x32xf32, #tpu.memory_space<vmem>> -> memref<128x32xf32, #tpu.memory_space<vmem>>
      %dma_start3A_155 = arith.constant 0 : i32
      %dma_start3A_156 = tpu.memref_slice %arg8[%add3A_147, %dma_start3A_155] : memref<80x128xi32, #tpu.memory_space<vmem>> -> memref<1x128xi32, #tpu.memory_space<vmem>>
      %dma_start3A_157 = tpu.memref_squeeze %dma_start3A_156 : memref<1x128xi32, #tpu.memory_space<vmem>> -> memref<128xi32, #tpu.memory_space<vmem>>
      %dma_start3A_158 = arith.constant 0 : i32
      %dma_start3A_159 = arith.constant 0 : i32
      %dma_start3A_160 = tpu.memref_slice %arg12[%dma_start3A_158, %dma_start3A_159] : memref<10240x32xf32, #tpu.memory_space<vmem_shared>> -> memref<10240x32xf32, #tpu.memory_space<vmem_shared>>
      %dma_start3A_161 = tpu.memref_slice %arg13[%dma_start3A_150] : memref<2x!tpu.dma_semaphore, #tpu.memory_space<semaphore_mem>> -> memref<1x!tpu.dma_semaphore, #tpu.memory_space<semaphore_mem>>
      %dma_start3A_162 = tpu.memref_squeeze %dma_start3A_161 : memref<1x!tpu.dma_semaphore, #tpu.memory_space<semaphore_mem>> -> memref<!tpu.dma_semaphore, #tpu.memory_space<semaphore_mem>>
      tpu.enqueue_indirect_dma source(%dma_start3A_160 : memref<10240x32xf32, #tpu.memory_space<vmem_shared>>) target(%dma_start3A_154 : memref<128x32xf32, #tpu.memory_space<vmem>>) offsets(%dma_start3A_157 : memref<128xi32, #tpu.memory_space<vmem>>) semaphore(%dma_start3A_162 : memref<!tpu.dma_semaphore, #tpu.memory_space<semaphore_mem>>)
      %mul3A_163 = arith.constant 5 : i32
      %mul3A_164 = arith.muli %add3A_105, %mul3A_163 : i32
      %add3A_165 = arith.constant 3 : i32
      %add3A_166 = arith.addi %mul3A_164, %add3A_165 : i32
      %dma_start3A_167 = arith.constant 1 : i32
      %dma_start3A_168 = arith.constant 3 : i32
      %dma_start3A_169 = arith.constant 1 : i32
      %dma_start3A_170 = arith.constant 0 : i32
      %dma_start3A_171 = arith.constant 0 : i32
      %dma_start3A_172 = tpu.memref_slice %arg10[%dma_start3A_167, %dma_start3A_168, %dma_start3A_170, %dma_start3A_171] : memref<2x5x128x32xf32, #tpu.memory_space<vmem>> -> memref<1x1x128x32xf32, #tpu.memory_space<vmem>>
      %dma_start3A_173 = tpu.memref_squeeze %dma_start3A_172 : memref<1x1x128x32xf32, #tpu.memory_space<vmem>> -> memref<128x32xf32, #tpu.memory_space<vmem>>
      %dma_start3A_174 = arith.constant 0 : i32
      %dma_start3A_175 = tpu.memref_slice %arg8[%add3A_166, %dma_start3A_174] : memref<80x128xi32, #tpu.memory_space<vmem>> -> memref<1x128xi32, #tpu.memory_space<vmem>>
      %dma_start3A_176 = tpu.memref_squeeze %dma_start3A_175 : memref<1x128xi32, #tpu.memory_space<vmem>> -> memref<128xi32, #tpu.memory_space<vmem>>
      %dma_start3A_177 = arith.constant 0 : i32
      %dma_start3A_178 = arith.constant 0 : i32
      %dma_start3A_179 = tpu.memref_slice %arg12[%dma_start3A_177, %dma_start3A_178] : memref<10240x32xf32, #tpu.memory_space<vmem_shared>> -> memref<10240x32xf32, #tpu.memory_space<vmem_shared>>
      %dma_start3A_180 = tpu.memref_slice %arg13[%dma_start3A_169] : memref<2x!tpu.dma_semaphore, #tpu.memory_space<semaphore_mem>> -> memref<1x!tpu.dma_semaphore, #tpu.memory_space<semaphore_mem>>
      %dma_start3A_181 = tpu.memref_squeeze %dma_start3A_180 : memref<1x!tpu.dma_semaphore, #tpu.memory_space<semaphore_mem>> -> memref<!tpu.dma_semaphore, #tpu.memory_space<semaphore_mem>>
      tpu.enqueue_indirect_dma source(%dma_start3A_179 : memref<10240x32xf32, #tpu.memory_space<vmem_shared>>) target(%dma_start3A_173 : memref<128x32xf32, #tpu.memory_space<vmem>>) offsets(%dma_start3A_176 : memref<128xi32, #tpu.memory_space<vmem>>) semaphore(%dma_start3A_181 : memref<!tpu.dma_semaphore, #tpu.memory_space<semaphore_mem>>)
      %mul3A_182 = arith.constant 5 : i32
      %mul3A_183 = arith.muli %add3A_105, %mul3A_182 : i32
      %add3A_184 = arith.constant 4 : i32
      %add3A_185 = arith.addi %mul3A_183, %add3A_184 : i32
      %dma_start3A_186 = arith.constant 1 : i32
      %dma_start3A_187 = arith.constant 4 : i32
      %dma_start3A_188 = arith.constant 1 : i32
      %dma_start3A_189 = arith.constant 0 : i32
      %dma_start3A_190 = arith.constant 0 : i32
      %dma_start3A_191 = tpu.memref_slice %arg10[%dma_start3A_186, %dma_start3A_187, %dma_start3A_189, %dma_start3A_190] : memref<2x5x128x32xf32, #tpu.memory_space<vmem>> -> memref<1x1x128x32xf32, #tpu.memory_space<vmem>>
      %dma_start3A_192 = tpu.memref_squeeze %dma_start3A_191 : memref<1x1x128x32xf32, #tpu.memory_space<vmem>> -> memref<128x32xf32, #tpu.memory_space<vmem>>
      %dma_start3A_193 = arith.constant 0 : i32
      %dma_start3A_194 = tpu.memref_slice %arg8[%add3A_185, %dma_start3A_193] : memref<80x128xi32, #tpu.memory_space<vmem>> -> memref<1x128xi32, #tpu.memory_space<vmem>>
      %dma_start3A_195 = tpu.memref_squeeze %dma_start3A_194 : memref<1x128xi32, #tpu.memory_space<vmem>> -> memref<128xi32, #tpu.memory_space<vmem>>
      %dma_start3A_196 = arith.constant 0 : i32
      %dma_start3A_197 = arith.constant 0 : i32
      %dma_start3A_198 = tpu.memref_slice %arg12[%dma_start3A_196, %dma_start3A_197] : memref<10240x32xf32, #tpu.memory_space<vmem_shared>> -> memref<10240x32xf32, #tpu.memory_space<vmem_shared>>
      %dma_start3A_199 = tpu.memref_slice %arg13[%dma_start3A_188] : memref<2x!tpu.dma_semaphore, #tpu.memory_space<semaphore_mem>> -> memref<1x!tpu.dma_semaphore, #tpu.memory_space<semaphore_mem>>
      %dma_start3A_200 = tpu.memref_squeeze %dma_start3A_199 : memref<1x!tpu.dma_semaphore, #tpu.memory_space<semaphore_mem>> -> memref<!tpu.dma_semaphore, #tpu.memory_space<semaphore_mem>>
      tpu.enqueue_indirect_dma source(%dma_start3A_198 : memref<10240x32xf32, #tpu.memory_space<vmem_shared>>) target(%dma_start3A_192 : memref<128x32xf32, #tpu.memory_space<vmem>>) offsets(%dma_start3A_195 : memref<128xi32, #tpu.memory_space<vmem>>) semaphore(%dma_start3A_200 : memref<!tpu.dma_semaphore, #tpu.memory_space<semaphore_mem>>)
      %mul3A_201 = arith.constant 5 : i32
      %mul3A_202 = arith.muli %mul3A_103, %mul3A_201 : i32
      %add3A_203 = arith.constant 0 : i32
      %add3A_204 = arith.addi %mul3A_202, %add3A_203 : i32
      %dma_wait3A = arith.constant 0 : i32
      %dma_wait3A_205 = arith.constant 0 : i32
      %dma_wait3A_206 = arith.constant 0 : i32
      %dma_wait3A_207 = arith.constant 0 : i32
      %dma_wait3A_208 = arith.constant 0 : i32
      %dma_wait3A_209 = tpu.memref_slice %arg10[%dma_wait3A, %dma_wait3A_205, %dma_wait3A_207, %dma_wait3A_208] : memref<2x5x128x32xf32, #tpu.memory_space<vmem>> -> memref<1x1x128x32xf32, #tpu.memory_space<vmem>>
      %dma_wait3A_210 = tpu.memref_squeeze %dma_wait3A_209 : memref<1x1x128x32xf32, #tpu.memory_space<vmem>> -> memref<128x32xf32, #tpu.memory_space<vmem>>
      %dma_wait3A_211 = arith.constant 0 : i32
      %dma_wait3A_212 = tpu.memref_slice %arg8[%add3A_204, %dma_wait3A_211] : memref<80x128xi32, #tpu.memory_space<vmem>> -> memref<1x128xi32, #tpu.memory_space<vmem>>
      %dma_wait3A_213 = tpu.memref_squeeze %dma_wait3A_212 : memref<1x128xi32, #tpu.memory_space<vmem>> -> memref<128xi32, #tpu.memory_space<vmem>>
      %dma_wait3A_214 = arith.constant 0 : i32
      %dma_wait3A_215 = arith.constant 0 : i32
      %dma_wait3A_216 = tpu.memref_slice %arg12[%dma_wait3A_214, %dma_wait3A_215] : memref<10240x32xf32, #tpu.memory_space<vmem_shared>> -> memref<10240x32xf32, #tpu.memory_space<vmem_shared>>
      %dma_wait3A_217 = tpu.memref_slice %arg13[%dma_wait3A_206] : memref<2x!tpu.dma_semaphore, #tpu.memory_space<semaphore_mem>> -> memref<1x!tpu.dma_semaphore, #tpu.memory_space<semaphore_mem>>
      %dma_wait3A_218 = tpu.memref_squeeze %dma_wait3A_217 : memref<1x!tpu.dma_semaphore, #tpu.memory_space<semaphore_mem>> -> memref<!tpu.dma_semaphore, #tpu.memory_space<semaphore_mem>>
      tpu.wait_indirect_dma semaphore(%dma_wait3A_218 : memref<!tpu.dma_semaphore, #tpu.memory_space<semaphore_mem>>) src(%dma_wait3A_216 : memref<10240x32xf32, #tpu.memory_space<vmem_shared>>) dst(%dma_wait3A_210 : memref<128x32xf32, #tpu.memory_space<vmem>>)
      %mul3A_219 = arith.constant 5 : i32
      %mul3A_220 = arith.muli %mul3A_103, %mul3A_219 : i32
      %add3A_221 = arith.constant 1 : i32
      %add3A_222 = arith.addi %mul3A_220, %add3A_221 : i32
      %dma_wait3A_223 = arith.constant 0 : i32
      %dma_wait3A_224 = arith.constant 1 : i32
      %dma_wait3A_225 = arith.constant 0 : i32
      %dma_wait3A_226 = arith.constant 0 : i32
      %dma_wait3A_227 = arith.constant 0 : i32
      %dma_wait3A_228 = tpu.memref_slice %arg10[%dma_wait3A_223, %dma_wait3A_224, %dma_wait3A_226, %dma_wait3A_227] : memref<2x5x128x32xf32, #tpu.memory_space<vmem>> -> memref<1x1x128x32xf32, #tpu.memory_space<vmem>>
      %dma_wait3A_229 = tpu.memref_squeeze %dma_wait3A_228 : memref<1x1x128x32xf32, #tpu.memory_space<vmem>> -> memref<128x32xf32, #tpu.memory_space<vmem>>
      %dma_wait3A_230 = arith.constant 0 : i32
      %dma_wait3A_231 = tpu.memref_slice %arg8[%add3A_222, %dma_wait3A_230] : memref<80x128xi32, #tpu.memory_space<vmem>> -> memref<1x128xi32, #tpu.memory_space<vmem>>
      %dma_wait3A_232 = tpu.memref_squeeze %dma_wait3A_231 : memref<1x128xi32, #tpu.memory_space<vmem>> -> memref<128xi32, #tpu.memory_space<vmem>>
      %dma_wait3A_233 = arith.constant 0 : i32
      %dma_wait3A_234 = arith.constant 0 : i32
      %dma_wait3A_235 = tpu.memref_slice %arg12[%dma_wait3A_233, %dma_wait3A_234] : memref<10240x32xf32, #tpu.memory_space<vmem_shared>> -> memref<10240x32xf32, #tpu.memory_space<vmem_shared>>
      %dma_wait3A_236 = tpu.memref_slice %arg13[%dma_wait3A_225] : memref<2x!tpu.dma_semaphore, #tpu.memory_space<semaphore_mem>> -> memref<1x!tpu.dma_semaphore, #tpu.memory_space<semaphore_mem>>
      %dma_wait3A_237 = tpu.memref_squeeze %dma_wait3A_236 : memref<1x!tpu.dma_semaphore, #tpu.memory_space<semaphore_mem>> -> memref<!tpu.dma_semaphore, #tpu.memory_space<semaphore_mem>>
      tpu.wait_indirect_dma semaphore(%dma_wait3A_237 : memref<!tpu.dma_semaphore, #tpu.memory_space<semaphore_mem>>) src(%dma_wait3A_235 : memref<10240x32xf32, #tpu.memory_space<vmem_shared>>) dst(%dma_wait3A_229 : memref<128x32xf32, #tpu.memory_space<vmem>>)
      %mul3A_238 = arith.constant 5 : i32
      %mul3A_239 = arith.muli %mul3A_103, %mul3A_238 : i32
      %add3A_240 = arith.constant 2 : i32
      %add3A_241 = arith.addi %mul3A_239, %add3A_240 : i32
      %dma_wait3A_242 = arith.constant 0 : i32
      %dma_wait3A_243 = arith.constant 2 : i32
      %dma_wait3A_244 = arith.constant 0 : i32
      %dma_wait3A_245 = arith.constant 0 : i32
      %dma_wait3A_246 = arith.constant 0 : i32
      %dma_wait3A_247 = tpu.memref_slice %arg10[%dma_wait3A_242, %dma_wait3A_243, %dma_wait3A_245, %dma_wait3A_246] : memref<2x5x128x32xf32, #tpu.memory_space<vmem>> -> memref<1x1x128x32xf32, #tpu.memory_space<vmem>>
      %dma_wait3A_248 = tpu.memref_squeeze %dma_wait3A_247 : memref<1x1x128x32xf32, #tpu.memory_space<vmem>> -> memref<128x32xf32, #tpu.memory_space<vmem>>
      %dma_wait3A_249 = arith.constant 0 : i32
      %dma_wait3A_250 = tpu.memref_slice %arg8[%add3A_241, %dma_wait3A_249] : memref<80x128xi32, #tpu.memory_space<vmem>> -> memref<1x128xi32, #tpu.memory_space<vmem>>
      %dma_wait3A_251 = tpu.memref_squeeze %dma_wait3A_250 : memref<1x128xi32, #tpu.memory_space<vmem>> -> memref<128xi32, #tpu.memory_space<vmem>>
      %dma_wait3A_252 = arith.constant 0 : i32
      %dma_wait3A_253 = arith.constant 0 : i32
      %dma_wait3A_254 = tpu.memref_slice %arg12[%dma_wait3A_252, %dma_wait3A_253] : memref<10240x32xf32, #tpu.memory_space<vmem_shared>> -> memref<10240x32xf32, #tpu.memory_space<vmem_shared>>
      %dma_wait3A_255 = tpu.memref_slice %arg13[%dma_wait3A_244] : memref<2x!tpu.dma_semaphore, #tpu.memory_space<semaphore_mem>> -> memref<1x!tpu.dma_semaphore, #tpu.memory_space<semaphore_mem>>
      %dma_wait3A_256 = tpu.memref_squeeze %dma_wait3A_255 : memref<1x!tpu.dma_semaphore, #tpu.memory_space<semaphore_mem>> -> memref<!tpu.dma_semaphore, #tpu.memory_space<semaphore_mem>>
      tpu.wait_indirect_dma semaphore(%dma_wait3A_256 : memref<!tpu.dma_semaphore, #tpu.memory_space<semaphore_mem>>) src(%dma_wait3A_254 : memref<10240x32xf32, #tpu.memory_space<vmem_shared>>) dst(%dma_wait3A_248 : memref<128x32xf32, #tpu.memory_space<vmem>>)
      %mul3A_257 = arith.constant 5 : i32
      %mul3A_258 = arith.muli %mul3A_103, %mul3A_257 : i32
      %add3A_259 = arith.constant 3 : i32
      %add3A_260 = arith.addi %mul3A_258, %add3A_259 : i32
      %dma_wait3A_261 = arith.constant 0 : i32
      %dma_wait3A_262 = arith.constant 3 : i32
      %dma_wait3A_263 = arith.constant 0 : i32
      %dma_wait3A_264 = arith.constant 0 : i32
      %dma_wait3A_265 = arith.constant 0 : i32
      %dma_wait3A_266 = tpu.memref_slice %arg10[%dma_wait3A_261, %dma_wait3A_262, %dma_wait3A_264, %dma_wait3A_265] : memref<2x5x128x32xf32, #tpu.memory_space<vmem>> -> memref<1x1x128x32xf32, #tpu.memory_space<vmem>>
      %dma_wait3A_267 = tpu.memref_squeeze %dma_wait3A_266 : memref<1x1x128x32xf32, #tpu.memory_space<vmem>> -> memref<128x32xf32, #tpu.memory_space<vmem>>
      %dma_wait3A_268 = arith.constant 0 : i32
      %dma_wait3A_269 = tpu.memref_slice %arg8[%add3A_260, %dma_wait3A_268] : memref<80x128xi32, #tpu.memory_space<vmem>> -> memref<1x128xi32, #tpu.memory_space<vmem>>
      %dma_wait3A_270 = tpu.memref_squeeze %dma_wait3A_269 : memref<1x128xi32, #tpu.memory_space<vmem>> -> memref<128xi32, #tpu.memory_space<vmem>>
      %dma_wait3A_271 = arith.constant 0 : i32
      %dma_wait3A_272 = arith.constant 0 : i32
      %dma_wait3A_273 = tpu.memref_slice %arg12[%dma_wait3A_271, %dma_wait3A_272] : memref<10240x32xf32, #tpu.memory_space<vmem_shared>> -> memref<10240x32xf32, #tpu.memory_space<vmem_shared>>
      %dma_wait3A_274 = tpu.memref_slice %arg13[%dma_wait3A_263] : memref<2x!tpu.dma_semaphore, #tpu.memory_space<semaphore_mem>> -> memref<1x!tpu.dma_semaphore, #tpu.memory_space<semaphore_mem>>
      %dma_wait3A_275 = tpu.memref_squeeze %dma_wait3A_274 : memref<1x!tpu.dma_semaphore, #tpu.memory_space<semaphore_mem>> -> memref<!tpu.dma_semaphore, #tpu.memory_space<semaphore_mem>>
      tpu.wait_indirect_dma semaphore(%dma_wait3A_275 : memref<!tpu.dma_semaphore, #tpu.memory_space<semaphore_mem>>) src(%dma_wait3A_273 : memref<10240x32xf32, #tpu.memory_space<vmem_shared>>) dst(%dma_wait3A_267 : memref<128x32xf32, #tpu.memory_space<vmem>>)
      %mul3A_276 = arith.constant 5 : i32
      %mul3A_277 = arith.muli %mul3A_103, %mul3A_276 : i32
      %add3A_278 = arith.constant 4 : i32
      %add3A_279 = arith.addi %mul3A_277, %add3A_278 : i32
      %dma_wait3A_280 = arith.constant 0 : i32
      %dma_wait3A_281 = arith.constant 4 : i32
      %dma_wait3A_282 = arith.constant 0 : i32
      %dma_wait3A_283 = arith.constant 0 : i32
      %dma_wait3A_284 = arith.constant 0 : i32
      %dma_wait3A_285 = tpu.memref_slice %arg10[%dma_wait3A_280, %dma_wait3A_281, %dma_wait3A_283, %dma_wait3A_284] : memref<2x5x128x32xf32, #tpu.memory_space<vmem>> -> memref<1x1x128x32xf32, #tpu.memory_space<vmem>>
      %dma_wait3A_286 = tpu.memref_squeeze %dma_wait3A_285 : memref<1x1x128x32xf32, #tpu.memory_space<vmem>> -> memref<128x32xf32, #tpu.memory_space<vmem>>
      %dma_wait3A_287 = arith.constant 0 : i32
      %dma_wait3A_288 = tpu.memref_slice %arg8[%add3A_279, %dma_wait3A_287] : memref<80x128xi32, #tpu.memory_space<vmem>> -> memref<1x128xi32, #tpu.memory_space<vmem>>
      %dma_wait3A_289 = tpu.memref_squeeze %dma_wait3A_288 : memref<1x128xi32, #tpu.memory_space<vmem>> -> memref<128xi32, #tpu.memory_space<vmem>>
      %dma_wait3A_290 = arith.constant 0 : i32
      %dma_wait3A_291 = arith.constant 0 : i32
      %dma_wait3A_292 = tpu.memref_slice %arg12[%dma_wait3A_290, %dma_wait3A_291] : memref<10240x32xf32, #tpu.memory_space<vmem_shared>> -> memref<10240x32xf32, #tpu.memory_space<vmem_shared>>
      %dma_wait3A_293 = tpu.memref_slice %arg13[%dma_wait3A_282] : memref<2x!tpu.dma_semaphore, #tpu.memory_space<semaphore_mem>> -> memref<1x!tpu.dma_semaphore, #tpu.memory_space<semaphore_mem>>
      %dma_wait3A_294 = tpu.memref_squeeze %dma_wait3A_293 : memref<1x!tpu.dma_semaphore, #tpu.memory_space<semaphore_mem>> -> memref<!tpu.dma_semaphore, #tpu.memory_space<semaphore_mem>>
      tpu.wait_indirect_dma semaphore(%dma_wait3A_294 : memref<!tpu.dma_semaphore, #tpu.memory_space<semaphore_mem>>) src(%dma_wait3A_292 : memref<10240x32xf32, #tpu.memory_space<vmem_shared>>) dst(%dma_wait3A_286 : memref<128x32xf32, #tpu.memory_space<vmem>>)
      %mul3A_295 = arith.constant 5 : i32
      %mul3A_296 = arith.muli %mul3A_103, %mul3A_295 : i32
      %add3A_297 = arith.constant 0 : i32
      %add3A_298 = arith.addi %mul3A_296, %add3A_297 : i32
      %dma_start3A_299 = arith.constant 0 : i32
      %dma_start3A_300 = arith.constant 0 : i32
      %dma_start3A_301 = arith.constant 0 : i32
      %dma_start3A_302 = arith.constant 0 : i32
      %dma_start3A_303 = arith.constant 0 : i32
      %dma_start3A_304 = tpu.memref_slice %arg10[%dma_start3A_299, %dma_start3A_300, %dma_start3A_302, %dma_start3A_303] : memref<2x5x128x32xf32, #tpu.memory_space<vmem>> -> memref<1x1x128x32xf32, #tpu.memory_space<vmem>>
      %dma_start3A_305 = tpu.memref_squeeze %dma_start3A_304 : memref<1x1x128x32xf32, #tpu.memory_space<vmem>> -> memref<128x32xf32, #tpu.memory_space<vmem>>
      %dma_start3A_306 = arith.constant 0 : i32
      %dma_start3A_307 = tpu.memref_slice %arg9[%add3A_298, %dma_start3A_306] : memref<80x128xi32, #tpu.memory_space<vmem>> -> memref<1x128xi32, #tpu.memory_space<vmem>>
      %dma_start3A_308 = tpu.memref_squeeze %dma_start3A_307 : memref<1x128xi32, #tpu.memory_space<vmem>> -> memref<128xi32, #tpu.memory_space<vmem>>
      %dma_start3A_309 = arith.constant 0 : i32
      %dma_start3A_310 = arith.constant 0 : i32
      %dma_start3A_311 = tpu.memref_slice %arg11[%dma_start3A_309, %dma_start3A_310] : memref<10240x32xf32, #tpu.memory_space<vmem_shared>> -> memref<10240x32xf32, #tpu.memory_space<vmem_shared>>
      %dma_start3A_312 = tpu.memref_slice %arg14[%dma_start3A_301] : memref<2x!tpu.dma_semaphore, #tpu.memory_space<semaphore_mem>> -> memref<1x!tpu.dma_semaphore, #tpu.memory_space<semaphore_mem>>
      %dma_start3A_313 = tpu.memref_squeeze %dma_start3A_312 : memref<1x!tpu.dma_semaphore, #tpu.memory_space<semaphore_mem>> -> memref<!tpu.dma_semaphore, #tpu.memory_space<semaphore_mem>>
      tpu.enqueue_indirect_dma source(%dma_start3A_305 : memref<128x32xf32, #tpu.memory_space<vmem>>) target(%dma_start3A_311 : memref<10240x32xf32, #tpu.memory_space<vmem_shared>>) offsets(%dma_start3A_308 : memref<128xi32, #tpu.memory_space<vmem>>) semaphore(%dma_start3A_313 : memref<!tpu.dma_semaphore, #tpu.memory_space<semaphore_mem>>) {add = true}
      %mul3A_314 = arith.constant 5 : i32
      %mul3A_315 = arith.muli %mul3A_103, %mul3A_314 : i32
      %add3A_316 = arith.constant 1 : i32
      %add3A_317 = arith.addi %mul3A_315, %add3A_316 : i32
      %dma_start3A_318 = arith.constant 0 : i32
      %dma_start3A_319 = arith.constant 1 : i32
      %dma_start3A_320 = arith.constant 0 : i32
      %dma_start3A_321 = arith.constant 0 : i32
      %dma_start3A_322 = arith.constant 0 : i32
      %dma_start3A_323 = tpu.memref_slice %arg10[%dma_start3A_318, %dma_start3A_319, %dma_start3A_321, %dma_start3A_322] : memref<2x5x128x32xf32, #tpu.memory_space<vmem>> -> memref<1x1x128x32xf32, #tpu.memory_space<vmem>>
      %dma_start3A_324 = tpu.memref_squeeze %dma_start3A_323 : memref<1x1x128x32xf32, #tpu.memory_space<vmem>> -> memref<128x32xf32, #tpu.memory_space<vmem>>
      %dma_start3A_325 = arith.constant 0 : i32
      %dma_start3A_326 = tpu.memref_slice %arg9[%add3A_317, %dma_start3A_325] : memref<80x128xi32, #tpu.memory_space<vmem>> -> memref<1x128xi32, #tpu.memory_space<vmem>>
      %dma_start3A_327 = tpu.memref_squeeze %dma_start3A_326 : memref<1x128xi32, #tpu.memory_space<vmem>> -> memref<128xi32, #tpu.memory_space<vmem>>
      %dma_start3A_328 = arith.constant 0 : i32
      %dma_start3A_329 = arith.constant 0 : i32
      %dma_start3A_330 = tpu.memref_slice %arg11[%dma_start3A_328, %dma_start3A_329] : memref<10240x32xf32, #tpu.memory_space<vmem_shared>> -> memref<10240x32xf32, #tpu.memory_space<vmem_shared>>
      %dma_start3A_331 = tpu.memref_slice %arg14[%dma_start3A_320] : memref<2x!tpu.dma_semaphore, #tpu.memory_space<semaphore_mem>> -> memref<1x!tpu.dma_semaphore, #tpu.memory_space<semaphore_mem>>
      %dma_start3A_332 = tpu.memref_squeeze %dma_start3A_331 : memref<1x!tpu.dma_semaphore, #tpu.memory_space<semaphore_mem>> -> memref<!tpu.dma_semaphore, #tpu.memory_space<semaphore_mem>>
      tpu.enqueue_indirect_dma source(%dma_start3A_324 : memref<128x32xf32, #tpu.memory_space<vmem>>) target(%dma_start3A_330 : memref<10240x32xf32, #tpu.memory_space<vmem_shared>>) offsets(%dma_start3A_327 : memref<128xi32, #tpu.memory_space<vmem>>) semaphore(%dma_start3A_332 : memref<!tpu.dma_semaphore, #tpu.memory_space<semaphore_mem>>) {add = true}
      %mul3A_333 = arith.constant 5 : i32
      %mul3A_334 = arith.muli %mul3A_103, %mul3A_333 : i32
      %add3A_335 = arith.constant 2 : i32
      %add3A_336 = arith.addi %mul3A_334, %add3A_335 : i32
      %dma_start3A_337 = arith.constant 0 : i32
      %dma_start3A_338 = arith.constant 2 : i32
      %dma_start3A_339 = arith.constant 0 : i32
      %dma_start3A_340 = arith.constant 0 : i32
      %dma_start3A_341 = arith.constant 0 : i32
      %dma_start3A_342 = tpu.memref_slice %arg10[%dma_start3A_337, %dma_start3A_338, %dma_start3A_340, %dma_start3A_341] : memref<2x5x128x32xf32, #tpu.memory_space<vmem>> -> memref<1x1x128x32xf32, #tpu.memory_space<vmem>>
      %dma_start3A_343 = tpu.memref_squeeze %dma_start3A_342 : memref<1x1x128x32xf32, #tpu.memory_space<vmem>> -> memref<128x32xf32, #tpu.memory_space<vmem>>
      %dma_start3A_344 = arith.constant 0 : i32
      %dma_start3A_345 = tpu.memref_slice %arg9[%add3A_336, %dma_start3A_344] : memref<80x128xi32, #tpu.memory_space<vmem>> -> memref<1x128xi32, #tpu.memory_space<vmem>>
      %dma_start3A_346 = tpu.memref_squeeze %dma_start3A_345 : memref<1x128xi32, #tpu.memory_space<vmem>> -> memref<128xi32, #tpu.memory_space<vmem>>
      %dma_start3A_347 = arith.constant 0 : i32
      %dma_start3A_348 = arith.constant 0 : i32
      %dma_start3A_349 = tpu.memref_slice %arg11[%dma_start3A_347, %dma_start3A_348] : memref<10240x32xf32, #tpu.memory_space<vmem_shared>> -> memref<10240x32xf32, #tpu.memory_space<vmem_shared>>
      %dma_start3A_350 = tpu.memref_slice %arg14[%dma_start3A_339] : memref<2x!tpu.dma_semaphore, #tpu.memory_space<semaphore_mem>> -> memref<1x!tpu.dma_semaphore, #tpu.memory_space<semaphore_mem>>
      %dma_start3A_351 = tpu.memref_squeeze %dma_start3A_350 : memref<1x!tpu.dma_semaphore, #tpu.memory_space<semaphore_mem>> -> memref<!tpu.dma_semaphore, #tpu.memory_space<semaphore_mem>>
      tpu.enqueue_indirect_dma source(%dma_start3A_343 : memref<128x32xf32, #tpu.memory_space<vmem>>) target(%dma_start3A_349 : memref<10240x32xf32, #tpu.memory_space<vmem_shared>>) offsets(%dma_start3A_346 : memref<128xi32, #tpu.memory_space<vmem>>) semaphore(%dma_start3A_351 : memref<!tpu.dma_semaphore, #tpu.memory_space<semaphore_mem>>) {add = true}
      %mul3A_352 = arith.constant 5 : i32
      %mul3A_353 = arith.muli %mul3A_103, %mul3A_352 : i32
      %add3A_354 = arith.constant 3 : i32
      %add3A_355 = arith.addi %mul3A_353, %add3A_354 : i32
      %dma_start3A_356 = arith.constant 0 : i32
      %dma_start3A_357 = arith.constant 3 : i32
      %dma_start3A_358 = arith.constant 0 : i32
      %dma_start3A_359 = arith.constant 0 : i32
      %dma_start3A_360 = arith.constant 0 : i32
      %dma_start3A_361 = tpu.memref_slice %arg10[%dma_start3A_356, %dma_start3A_357, %dma_start3A_359, %dma_start3A_360] : memref<2x5x128x32xf32, #tpu.memory_space<vmem>> -> memref<1x1x128x32xf32, #tpu.memory_space<vmem>>
      %dma_start3A_362 = tpu.memref_squeeze %dma_start3A_361 : memref<1x1x128x32xf32, #tpu.memory_space<vmem>> -> memref<128x32xf32, #tpu.memory_space<vmem>>
      %dma_start3A_363 = arith.constant 0 : i32
      %dma_start3A_364 = tpu.memref_slice %arg9[%add3A_355, %dma_start3A_363] : memref<80x128xi32, #tpu.memory_space<vmem>> -> memref<1x128xi32, #tpu.memory_space<vmem>>
      %dma_start3A_365 = tpu.memref_squeeze %dma_start3A_364 : memref<1x128xi32, #tpu.memory_space<vmem>> -> memref<128xi32, #tpu.memory_space<vmem>>
      %dma_start3A_366 = arith.constant 0 : i32
      %dma_start3A_367 = arith.constant 0 : i32
      %dma_start3A_368 = tpu.memref_slice %arg11[%dma_start3A_366, %dma_start3A_367] : memref<10240x32xf32, #tpu.memory_space<vmem_shared>> -> memref<10240x32xf32, #tpu.memory_space<vmem_shared>>
      %dma_start3A_369 = tpu.memref_slice %arg14[%dma_start3A_358] : memref<2x!tpu.dma_semaphore, #tpu.memory_space<semaphore_mem>> -> memref<1x!tpu.dma_semaphore, #tpu.memory_space<semaphore_mem>>
      %dma_start3A_370 = tpu.memref_squeeze %dma_start3A_369 : memref<1x!tpu.dma_semaphore, #tpu.memory_space<semaphore_mem>> -> memref<!tpu.dma_semaphore, #tpu.memory_space<semaphore_mem>>
      tpu.enqueue_indirect_dma source(%dma_start3A_362 : memref<128x32xf32, #tpu.memory_space<vmem>>) target(%dma_start3A_368 : memref<10240x32xf32, #tpu.memory_space<vmem_shared>>) offsets(%dma_start3A_365 : memref<128xi32, #tpu.memory_space<vmem>>) semaphore(%dma_start3A_370 : memref<!tpu.dma_semaphore, #tpu.memory_space<semaphore_mem>>) {add = true}
      %mul3A_371 = arith.constant 5 : i32
      %mul3A_372 = arith.muli %mul3A_103, %mul3A_371 : i32
      %add3A_373 = arith.constant 4 : i32
      %add3A_374 = arith.addi %mul3A_372, %add3A_373 : i32
      %dma_start3A_375 = arith.constant 0 : i32
      %dma_start3A_376 = arith.constant 4 : i32
      %dma_start3A_377 = arith.constant 0 : i32
      %dma_start3A_378 = arith.constant 0 : i32
      %dma_start3A_379 = arith.constant 0 : i32
      %dma_start3A_380 = tpu.memref_slice %arg10[%dma_start3A_375, %dma_start3A_376, %dma_start3A_378, %dma_start3A_379] : memref<2x5x128x32xf32, #tpu.memory_space<vmem>> -> memref<1x1x128x32xf32, #tpu.memory_space<vmem>>
      %dma_start3A_381 = tpu.memref_squeeze %dma_start3A_380 : memref<1x1x128x32xf32, #tpu.memory_space<vmem>> -> memref<128x32xf32, #tpu.memory_space<vmem>>
      %dma_start3A_382 = arith.constant 0 : i32
      %dma_start3A_383 = tpu.memref_slice %arg9[%add3A_374, %dma_start3A_382] : memref<80x128xi32, #tpu.memory_space<vmem>> -> memref<1x128xi32, #tpu.memory_space<vmem>>
      %dma_start3A_384 = tpu.memref_squeeze %dma_start3A_383 : memref<1x128xi32, #tpu.memory_space<vmem>> -> memref<128xi32, #tpu.memory_space<vmem>>
      %dma_start3A_385 = arith.constant 0 : i32
      %dma_start3A_386 = arith.constant 0 : i32
      %dma_start3A_387 = tpu.memref_slice %arg11[%dma_start3A_385, %dma_start3A_386] : memref<10240x32xf32, #tpu.memory_space<vmem_shared>> -> memref<10240x32xf32, #tpu.memory_space<vmem_shared>>
      %dma_start3A_388 = tpu.memref_slice %arg14[%dma_start3A_377] : memref<2x!tpu.dma_semaphore, #tpu.memory_space<semaphore_mem>> -> memref<1x!tpu.dma_semaphore, #tpu.memory_space<semaphore_mem>>
      %dma_start3A_389 = tpu.memref_squeeze %dma_start3A_388 : memref<1x!tpu.dma_semaphore, #tpu.memory_space<semaphore_mem>> -> memref<!tpu.dma_semaphore, #tpu.memory_space<semaphore_mem>>
      tpu.enqueue_indirect_dma source(%dma_start3A_381 : memref<128x32xf32, #tpu.memory_space<vmem>>) target(%dma_start3A_387 : memref<10240x32xf32, #tpu.memory_space<vmem_shared>>) offsets(%dma_start3A_384 : memref<128xi32, #tpu.memory_space<vmem>>) semaphore(%dma_start3A_389 : memref<!tpu.dma_semaphore, #tpu.memory_space<semaphore_mem>>) {add = true}
      %mul3A_390 = arith.constant 5 : i32
      %mul3A_391 = arith.muli %mul3A_103, %mul3A_390 : i32
      %add3A_392 = arith.constant 0 : i32
      %add3A_393 = arith.addi %mul3A_391, %add3A_392 : i32
      %dma_wait3A_394 = arith.constant 0 : i32
      %dma_wait3A_395 = arith.constant 0 : i32
      %dma_wait3A_396 = arith.constant 0 : i32
      %dma_wait3A_397 = arith.constant 0 : i32
      %dma_wait3A_398 = arith.constant 0 : i32
      %dma_wait3A_399 = tpu.memref_slice %arg10[%dma_wait3A_394, %dma_wait3A_395, %dma_wait3A_397, %dma_wait3A_398] : memref<2x5x128x32xf32, #tpu.memory_space<vmem>> -> memref<1x1x128x32xf32, #tpu.memory_space<vmem>>
      %dma_wait3A_400 = tpu.memref_squeeze %dma_wait3A_399 : memref<1x1x128x32xf32, #tpu.memory_space<vmem>> -> memref<128x32xf32, #tpu.memory_space<vmem>>
      %dma_wait3A_401 = arith.constant 0 : i32
      %dma_wait3A_402 = tpu.memref_slice %arg9[%add3A_393, %dma_wait3A_401] : memref<80x128xi32, #tpu.memory_space<vmem>> -> memref<1x128xi32, #tpu.memory_space<vmem>>
      %dma_wait3A_403 = tpu.memref_squeeze %dma_wait3A_402 : memref<1x128xi32, #tpu.memory_space<vmem>> -> memref<128xi32, #tpu.memory_space<vmem>>
      %dma_wait3A_404 = arith.constant 0 : i32
      %dma_wait3A_405 = arith.constant 0 : i32
      %dma_wait3A_406 = tpu.memref_slice %arg11[%dma_wait3A_404, %dma_wait3A_405] : memref<10240x32xf32, #tpu.memory_space<vmem_shared>> -> memref<10240x32xf32, #tpu.memory_space<vmem_shared>>
      %dma_wait3A_407 = tpu.memref_slice %arg14[%dma_wait3A_396] : memref<2x!tpu.dma_semaphore, #tpu.memory_space<semaphore_mem>> -> memref<1x!tpu.dma_semaphore, #tpu.memory_space<semaphore_mem>>
      %dma_wait3A_408 = tpu.memref_squeeze %dma_wait3A_407 : memref<1x!tpu.dma_semaphore, #tpu.memory_space<semaphore_mem>> -> memref<!tpu.dma_semaphore, #tpu.memory_space<semaphore_mem>>
      tpu.wait_indirect_dma semaphore(%dma_wait3A_408 : memref<!tpu.dma_semaphore, #tpu.memory_space<semaphore_mem>>) src(%dma_wait3A_400 : memref<128x32xf32, #tpu.memory_space<vmem>>) dst(%dma_wait3A_406 : memref<10240x32xf32, #tpu.memory_space<vmem_shared>>)
      %mul3A_409 = arith.constant 5 : i32
      %mul3A_410 = arith.muli %mul3A_103, %mul3A_409 : i32
      %add3A_411 = arith.constant 1 : i32
      %add3A_412 = arith.addi %mul3A_410, %add3A_411 : i32
      %dma_wait3A_413 = arith.constant 0 : i32
      %dma_wait3A_414 = arith.constant 1 : i32
      %dma_wait3A_415 = arith.constant 0 : i32
      %dma_wait3A_416 = arith.constant 0 : i32
      %dma_wait3A_417 = arith.constant 0 : i32
      %dma_wait3A_418 = tpu.memref_slice %arg10[%dma_wait3A_413, %dma_wait3A_414, %dma_wait3A_416, %dma_wait3A_417] : memref<2x5x128x32xf32, #tpu.memory_space<vmem>> -> memref<1x1x128x32xf32, #tpu.memory_space<vmem>>
      %dma_wait3A_419 = tpu.memref_squeeze %dma_wait3A_418 : memref<1x1x128x32xf32, #tpu.memory_space<vmem>> -> memref<128x32xf32, #tpu.memory_space<vmem>>
      %dma_wait3A_420 = arith.constant 0 : i32
      %dma_wait3A_421 = tpu.memref_slice %arg9[%add3A_412, %dma_wait3A_420] : memref<80x128xi32, #tpu.memory_space<vmem>> -> memref<1x128xi32, #tpu.memory_space<vmem>>
      %dma_wait3A_422 = tpu.memref_squeeze %dma_wait3A_421 : memref<1x128xi32, #tpu.memory_space<vmem>> -> memref<128xi32, #tpu.memory_space<vmem>>
      %dma_wait3A_423 = arith.constant 0 : i32
      %dma_wait3A_424 = arith.constant 0 : i32
      %dma_wait3A_425 = tpu.memref_slice %arg11[%dma_wait3A_423, %dma_wait3A_424] : memref<10240x32xf32, #tpu.memory_space<vmem_shared>> -> memref<10240x32xf32, #tpu.memory_space<vmem_shared>>
      %dma_wait3A_426 = tpu.memref_slice %arg14[%dma_wait3A_415] : memref<2x!tpu.dma_semaphore, #tpu.memory_space<semaphore_mem>> -> memref<1x!tpu.dma_semaphore, #tpu.memory_space<semaphore_mem>>
      %dma_wait3A_427 = tpu.memref_squeeze %dma_wait3A_426 : memref<1x!tpu.dma_semaphore, #tpu.memory_space<semaphore_mem>> -> memref<!tpu.dma_semaphore, #tpu.memory_space<semaphore_mem>>
      tpu.wait_indirect_dma semaphore(%dma_wait3A_427 : memref<!tpu.dma_semaphore, #tpu.memory_space<semaphore_mem>>) src(%dma_wait3A_419 : memref<128x32xf32, #tpu.memory_space<vmem>>) dst(%dma_wait3A_425 : memref<10240x32xf32, #tpu.memory_space<vmem_shared>>)
      %mul3A_428 = arith.constant 5 : i32
      %mul3A_429 = arith.muli %mul3A_103, %mul3A_428 : i32
      %add3A_430 = arith.constant 2 : i32
      %add3A_431 = arith.addi %mul3A_429, %add3A_430 : i32
      %dma_wait3A_432 = arith.constant 0 : i32
      %dma_wait3A_433 = arith.constant 2 : i32
      %dma_wait3A_434 = arith.constant 0 : i32
      %dma_wait3A_435 = arith.constant 0 : i32
      %dma_wait3A_436 = arith.constant 0 : i32
      %dma_wait3A_437 = tpu.memref_slice %arg10[%dma_wait3A_432, %dma_wait3A_433, %dma_wait3A_435, %dma_wait3A_436] : memref<2x5x128x32xf32, #tpu.memory_space<vmem>> -> memref<1x1x128x32xf32, #tpu.memory_space<vmem>>
      %dma_wait3A_438 = tpu.memref_squeeze %dma_wait3A_437 : memref<1x1x128x32xf32, #tpu.memory_space<vmem>> -> memref<128x32xf32, #tpu.memory_space<vmem>>
      %dma_wait3A_439 = arith.constant 0 : i32
      %dma_wait3A_440 = tpu.memref_slice %arg9[%add3A_431, %dma_wait3A_439] : memref<80x128xi32, #tpu.memory_space<vmem>> -> memref<1x128xi32, #tpu.memory_space<vmem>>
      %dma_wait3A_441 = tpu.memref_squeeze %dma_wait3A_440 : memref<1x128xi32, #tpu.memory_space<vmem>> -> memref<128xi32, #tpu.memory_space<vmem>>
      %dma_wait3A_442 = arith.constant 0 : i32
      %dma_wait3A_443 = arith.constant 0 : i32
      %dma_wait3A_444 = tpu.memref_slice %arg11[%dma_wait3A_442, %dma_wait3A_443] : memref<10240x32xf32, #tpu.memory_space<vmem_shared>> -> memref<10240x32xf32, #tpu.memory_space<vmem_shared>>
      %dma_wait3A_445 = tpu.memref_slice %arg14[%dma_wait3A_434] : memref<2x!tpu.dma_semaphore, #tpu.memory_space<semaphore_mem>> -> memref<1x!tpu.dma_semaphore, #tpu.memory_space<semaphore_mem>>
      %dma_wait3A_446 = tpu.memref_squeeze %dma_wait3A_445 : memref<1x!tpu.dma_semaphore, #tpu.memory_space<semaphore_mem>> -> memref<!tpu.dma_semaphore, #tpu.memory_space<semaphore_mem>>
      tpu.wait_indirect_dma semaphore(%dma_wait3A_446 : memref<!tpu.dma_semaphore, #tpu.memory_space<semaphore_mem>>) src(%dma_wait3A_438 : memref<128x32xf32, #tpu.memory_space<vmem>>) dst(%dma_wait3A_444 : memref<10240x32xf32, #tpu.memory_space<vmem_shared>>)
      %mul3A_447 = arith.constant 5 : i32
      %mul3A_448 = arith.muli %mul3A_103, %mul3A_447 : i32
      %add3A_449 = arith.constant 3 : i32
      %add3A_450 = arith.addi %mul3A_448, %add3A_449 : i32
      %dma_wait3A_451 = arith.constant 0 : i32
      %dma_wait3A_452 = arith.constant 3 : i32
      %dma_wait3A_453 = arith.constant 0 : i32
      %dma_wait3A_454 = arith.constant 0 : i32
      %dma_wait3A_455 = arith.constant 0 : i32
      %dma_wait3A_456 = tpu.memref_slice %arg10[%dma_wait3A_451, %dma_wait3A_452, %dma_wait3A_454, %dma_wait3A_455] : memref<2x5x128x32xf32, #tpu.memory_space<vmem>> -> memref<1x1x128x32xf32, #tpu.memory_space<vmem>>
      %dma_wait3A_457 = tpu.memref_squeeze %dma_wait3A_456 : memref<1x1x128x32xf32, #tpu.memory_space<vmem>> -> memref<128x32xf32, #tpu.memory_space<vmem>>
      %dma_wait3A_458 = arith.constant 0 : i32
      %dma_wait3A_459 = tpu.memref_slice %arg9[%add3A_450, %dma_wait3A_458] : memref<80x128xi32, #tpu.memory_space<vmem>> -> memref<1x128xi32, #tpu.memory_space<vmem>>
      %dma_wait3A_460 = tpu.memref_squeeze %dma_wait3A_459 : memref<1x128xi32, #tpu.memory_space<vmem>> -> memref<128xi32, #tpu.memory_space<vmem>>
      %dma_wait3A_461 = arith.constant 0 : i32
      %dma_wait3A_462 = arith.constant 0 : i32
      %dma_wait3A_463 = tpu.memref_slice %arg11[%dma_wait3A_461, %dma_wait3A_462] : memref<10240x32xf32, #tpu.memory_space<vmem_shared>> -> memref<10240x32xf32, #tpu.memory_space<vmem_shared>>
      %dma_wait3A_464 = tpu.memref_slice %arg14[%dma_wait3A_453] : memref<2x!tpu.dma_semaphore, #tpu.memory_space<semaphore_mem>> -> memref<1x!tpu.dma_semaphore, #tpu.memory_space<semaphore_mem>>
      %dma_wait3A_465 = tpu.memref_squeeze %dma_wait3A_464 : memref<1x!tpu.dma_semaphore, #tpu.memory_space<semaphore_mem>> -> memref<!tpu.dma_semaphore, #tpu.memory_space<semaphore_mem>>
      tpu.wait_indirect_dma semaphore(%dma_wait3A_465 : memref<!tpu.dma_semaphore, #tpu.memory_space<semaphore_mem>>) src(%dma_wait3A_457 : memref<128x32xf32, #tpu.memory_space<vmem>>) dst(%dma_wait3A_463 : memref<10240x32xf32, #tpu.memory_space<vmem_shared>>)
      %mul3A_466 = arith.constant 5 : i32
      %mul3A_467 = arith.muli %mul3A_103, %mul3A_466 : i32
      %add3A_468 = arith.constant 4 : i32
      %add3A_469 = arith.addi %mul3A_467, %add3A_468 : i32
      %dma_wait3A_470 = arith.constant 0 : i32
      %dma_wait3A_471 = arith.constant 4 : i32
      %dma_wait3A_472 = arith.constant 0 : i32
      %dma_wait3A_473 = arith.constant 0 : i32
      %dma_wait3A_474 = arith.constant 0 : i32
      %dma_wait3A_475 = tpu.memref_slice %arg10[%dma_wait3A_470, %dma_wait3A_471, %dma_wait3A_473, %dma_wait3A_474] : memref<2x5x128x32xf32, #tpu.memory_space<vmem>> -> memref<1x1x128x32xf32, #tpu.memory_space<vmem>>
      %dma_wait3A_476 = tpu.memref_squeeze %dma_wait3A_475 : memref<1x1x128x32xf32, #tpu.memory_space<vmem>> -> memref<128x32xf32, #tpu.memory_space<vmem>>
      %dma_wait3A_477 = arith.constant 0 : i32
      %dma_wait3A_478 = tpu.memref_slice %arg9[%add3A_469, %dma_wait3A_477] : memref<80x128xi32, #tpu.memory_space<vmem>> -> memref<1x128xi32, #tpu.memory_space<vmem>>
      %dma_wait3A_479 = tpu.memref_squeeze %dma_wait3A_478 : memref<1x128xi32, #tpu.memory_space<vmem>> -> memref<128xi32, #tpu.memory_space<vmem>>
      %dma_wait3A_480 = arith.constant 0 : i32
      %dma_wait3A_481 = arith.constant 0 : i32
      %dma_wait3A_482 = tpu.memref_slice %arg11[%dma_wait3A_480, %dma_wait3A_481] : memref<10240x32xf32, #tpu.memory_space<vmem_shared>> -> memref<10240x32xf32, #tpu.memory_space<vmem_shared>>
      %dma_wait3A_483 = tpu.memref_slice %arg14[%dma_wait3A_472] : memref<2x!tpu.dma_semaphore, #tpu.memory_space<semaphore_mem>> -> memref<1x!tpu.dma_semaphore, #tpu.memory_space<semaphore_mem>>
      %dma_wait3A_484 = tpu.memref_squeeze %dma_wait3A_483 : memref<1x!tpu.dma_semaphore, #tpu.memory_space<semaphore_mem>> -> memref<!tpu.dma_semaphore, #tpu.memory_space<semaphore_mem>>
      tpu.wait_indirect_dma semaphore(%dma_wait3A_484 : memref<!tpu.dma_semaphore, #tpu.memory_space<semaphore_mem>>) src(%dma_wait3A_476 : memref<128x32xf32, #tpu.memory_space<vmem>>) dst(%dma_wait3A_482 : memref<10240x32xf32, #tpu.memory_space<vmem_shared>>)
      %add3A_485 = arith.constant 2 : i32
      %add3A_486 = arith.addi %mul3A_103, %add3A_485 : i32
      %lt3A = arith.constant 16 : i32
      %lt3A_487 = arith.cmpi slt, %add3A_486, %lt3A : i32
      %convert_element_type3A_488 = arith.extui %lt3A_487 : i1 to i32
      %cond3A_489 = arith.constant 0 : i32
      %cond3A_490 = arith.cmpi ne, %convert_element_type3A_488, %cond3A_489 : i32
      scf.if %cond3A_490 {
        %add3A_782 = arith.constant 2 : i32
        %add3A_783 = arith.addi %mul3A_103, %add3A_782 : i32
        %mul3A_784 = arith.constant 5 : i32
        %mul3A_785 = arith.muli %add3A_783, %mul3A_784 : i32
        %add3A_786 = arith.constant 0 : i32
        %add3A_787 = arith.addi %mul3A_785, %add3A_786 : i32
        %dma_start3A_788 = arith.constant 0 : i32
        %dma_start3A_789 = arith.constant 0 : i32
        %dma_start3A_790 = arith.constant 0 : i32
        %dma_start3A_791 = arith.constant 0 : i32
        %dma_start3A_792 = arith.constant 0 : i32
        %dma_start3A_793 = tpu.memref_slice %arg10[%dma_start3A_788, %dma_start3A_789, %dma_start3A_791, %dma_start3A_792] : memref<2x5x128x32xf32, #tpu.memory_space<vmem>> -> memref<1x1x128x32xf32, #tpu.memory_space<vmem>>
        %dma_start3A_794 = tpu.memref_squeeze %dma_start3A_793 : memref<1x1x128x32xf32, #tpu.memory_space<vmem>> -> memref<128x32xf32, #tpu.memory_space<vmem>>
        %dma_start3A_795 = arith.constant 0 : i32
        %dma_start3A_796 = tpu.memref_slice %arg8[%add3A_787, %dma_start3A_795] : memref<80x128xi32, #tpu.memory_space<vmem>> -> memref<1x128xi32, #tpu.memory_space<vmem>>
        %dma_start3A_797 = tpu.memref_squeeze %dma_start3A_796 : memref<1x128xi32, #tpu.memory_space<vmem>> -> memref<128xi32, #tpu.memory_space<vmem>>
        %dma_start3A_798 = arith.constant 0 : i32
        %dma_start3A_799 = arith.constant 0 : i32
        %dma_start3A_800 = tpu.memref_slice %arg12[%dma_start3A_798, %dma_start3A_799] : memref<10240x32xf32, #tpu.memory_space<vmem_shared>> -> memref<10240x32xf32, #tpu.memory_space<vmem_shared>>
        %dma_start3A_801 = tpu.memref_slice %arg13[%dma_start3A_790] : memref<2x!tpu.dma_semaphore, #tpu.memory_space<semaphore_mem>> -> memref<1x!tpu.dma_semaphore, #tpu.memory_space<semaphore_mem>>
        %dma_start3A_802 = tpu.memref_squeeze %dma_start3A_801 : memref<1x!tpu.dma_semaphore, #tpu.memory_space<semaphore_mem>> -> memref<!tpu.dma_semaphore, #tpu.memory_space<semaphore_mem>>
        tpu.enqueue_indirect_dma source(%dma_start3A_800 : memref<10240x32xf32, #tpu.memory_space<vmem_shared>>) target(%dma_start3A_794 : memref<128x32xf32, #tpu.memory_space<vmem>>) offsets(%dma_start3A_797 : memref<128xi32, #tpu.memory_space<vmem>>) semaphore(%dma_start3A_802 : memref<!tpu.dma_semaphore, #tpu.memory_space<semaphore_mem>>)
        %mul3A_803 = arith.constant 5 : i32
        %mul3A_804 = arith.muli %add3A_783, %mul3A_803 : i32
        %add3A_805 = arith.constant 1 : i32
        %add3A_806 = arith.addi %mul3A_804, %add3A_805 : i32
        %dma_start3A_807 = arith.constant 0 : i32
        %dma_start3A_808 = arith.constant 1 : i32
        %dma_start3A_809 = arith.constant 0 : i32
        %dma_start3A_810 = arith.constant 0 : i32
        %dma_start3A_811 = arith.constant 0 : i32
        %dma_start3A_812 = tpu.memref_slice %arg10[%dma_start3A_807, %dma_start3A_808, %dma_start3A_810, %dma_start3A_811] : memref<2x5x128x32xf32, #tpu.memory_space<vmem>> -> memref<1x1x128x32xf32, #tpu.memory_space<vmem>>
        %dma_start3A_813 = tpu.memref_squeeze %dma_start3A_812 : memref<1x1x128x32xf32, #tpu.memory_space<vmem>> -> memref<128x32xf32, #tpu.memory_space<vmem>>
        %dma_start3A_814 = arith.constant 0 : i32
        %dma_start3A_815 = tpu.memref_slice %arg8[%add3A_806, %dma_start3A_814] : memref<80x128xi32, #tpu.memory_space<vmem>> -> memref<1x128xi32, #tpu.memory_space<vmem>>
        %dma_start3A_816 = tpu.memref_squeeze %dma_start3A_815 : memref<1x128xi32, #tpu.memory_space<vmem>> -> memref<128xi32, #tpu.memory_space<vmem>>
        %dma_start3A_817 = arith.constant 0 : i32
        %dma_start3A_818 = arith.constant 0 : i32
        %dma_start3A_819 = tpu.memref_slice %arg12[%dma_start3A_817, %dma_start3A_818] : memref<10240x32xf32, #tpu.memory_space<vmem_shared>> -> memref<10240x32xf32, #tpu.memory_space<vmem_shared>>
        %dma_start3A_820 = tpu.memref_slice %arg13[%dma_start3A_809] : memref<2x!tpu.dma_semaphore, #tpu.memory_space<semaphore_mem>> -> memref<1x!tpu.dma_semaphore, #tpu.memory_space<semaphore_mem>>
        %dma_start3A_821 = tpu.memref_squeeze %dma_start3A_820 : memref<1x!tpu.dma_semaphore, #tpu.memory_space<semaphore_mem>> -> memref<!tpu.dma_semaphore, #tpu.memory_space<semaphore_mem>>
        tpu.enqueue_indirect_dma source(%dma_start3A_819 : memref<10240x32xf32, #tpu.memory_space<vmem_shared>>) target(%dma_start3A_813 : memref<128x32xf32, #tpu.memory_space<vmem>>) offsets(%dma_start3A_816 : memref<128xi32, #tpu.memory_space<vmem>>) semaphore(%dma_start3A_821 : memref<!tpu.dma_semaphore, #tpu.memory_space<semaphore_mem>>)
        %mul3A_822 = arith.constant 5 : i32
        %mul3A_823 = arith.muli %add3A_783, %mul3A_822 : i32
        %add3A_824 = arith.constant 2 : i32
        %add3A_825 = arith.addi %mul3A_823, %add3A_824 : i32
        %dma_start3A_826 = arith.constant 0 : i32
        %dma_start3A_827 = arith.constant 2 : i32
        %dma_start3A_828 = arith.constant 0 : i32
        %dma_start3A_829 = arith.constant 0 : i32
        %dma_start3A_830 = arith.constant 0 : i32
        %dma_start3A_831 = tpu.memref_slice %arg10[%dma_start3A_826, %dma_start3A_827, %dma_start3A_829, %dma_start3A_830] : memref<2x5x128x32xf32, #tpu.memory_space<vmem>> -> memref<1x1x128x32xf32, #tpu.memory_space<vmem>>
        %dma_start3A_832 = tpu.memref_squeeze %dma_start3A_831 : memref<1x1x128x32xf32, #tpu.memory_space<vmem>> -> memref<128x32xf32, #tpu.memory_space<vmem>>
        %dma_start3A_833 = arith.constant 0 : i32
        %dma_start3A_834 = tpu.memref_slice %arg8[%add3A_825, %dma_start3A_833] : memref<80x128xi32, #tpu.memory_space<vmem>> -> memref<1x128xi32, #tpu.memory_space<vmem>>
        %dma_start3A_835 = tpu.memref_squeeze %dma_start3A_834 : memref<1x128xi32, #tpu.memory_space<vmem>> -> memref<128xi32, #tpu.memory_space<vmem>>
        %dma_start3A_836 = arith.constant 0 : i32
        %dma_start3A_837 = arith.constant 0 : i32
        %dma_start3A_838 = tpu.memref_slice %arg12[%dma_start3A_836, %dma_start3A_837] : memref<10240x32xf32, #tpu.memory_space<vmem_shared>> -> memref<10240x32xf32, #tpu.memory_space<vmem_shared>>
        %dma_start3A_839 = tpu.memref_slice %arg13[%dma_start3A_828] : memref<2x!tpu.dma_semaphore, #tpu.memory_space<semaphore_mem>> -> memref<1x!tpu.dma_semaphore, #tpu.memory_space<semaphore_mem>>
        %dma_start3A_840 = tpu.memref_squeeze %dma_start3A_839 : memref<1x!tpu.dma_semaphore, #tpu.memory_space<semaphore_mem>> -> memref<!tpu.dma_semaphore, #tpu.memory_space<semaphore_mem>>
        tpu.enqueue_indirect_dma source(%dma_start3A_838 : memref<10240x32xf32, #tpu.memory_space<vmem_shared>>) target(%dma_start3A_832 : memref<128x32xf32, #tpu.memory_space<vmem>>) offsets(%dma_start3A_835 : memref<128xi32, #tpu.memory_space<vmem>>) semaphore(%dma_start3A_840 : memref<!tpu.dma_semaphore, #tpu.memory_space<semaphore_mem>>)
        %mul3A_841 = arith.constant 5 : i32
        %mul3A_842 = arith.muli %add3A_783, %mul3A_841 : i32
        %add3A_843 = arith.constant 3 : i32
        %add3A_844 = arith.addi %mul3A_842, %add3A_843 : i32
        %dma_start3A_845 = arith.constant 0 : i32
        %dma_start3A_846 = arith.constant 3 : i32
        %dma_start3A_847 = arith.constant 0 : i32
        %dma_start3A_848 = arith.constant 0 : i32
        %dma_start3A_849 = arith.constant 0 : i32
        %dma_start3A_850 = tpu.memref_slice %arg10[%dma_start3A_845, %dma_start3A_846, %dma_start3A_848, %dma_start3A_849] : memref<2x5x128x32xf32, #tpu.memory_space<vmem>> -> memref<1x1x128x32xf32, #tpu.memory_space<vmem>>
        %dma_start3A_851 = tpu.memref_squeeze %dma_start3A_850 : memref<1x1x128x32xf32, #tpu.memory_space<vmem>> -> memref<128x32xf32, #tpu.memory_space<vmem>>
        %dma_start3A_852 = arith.constant 0 : i32
        %dma_start3A_853 = tpu.memref_slice %arg8[%add3A_844, %dma_start3A_852] : memref<80x128xi32, #tpu.memory_space<vmem>> -> memref<1x128xi32, #tpu.memory_space<vmem>>
        %dma_start3A_854 = tpu.memref_squeeze %dma_start3A_853 : memref<1x128xi32, #tpu.memory_space<vmem>> -> memref<128xi32, #tpu.memory_space<vmem>>
        %dma_start3A_855 = arith.constant 0 : i32
        %dma_start3A_856 = arith.constant 0 : i32
        %dma_start3A_857 = tpu.memref_slice %arg12[%dma_start3A_855, %dma_start3A_856] : memref<10240x32xf32, #tpu.memory_space<vmem_shared>> -> memref<10240x32xf32, #tpu.memory_space<vmem_shared>>
        %dma_start3A_858 = tpu.memref_slice %arg13[%dma_start3A_847] : memref<2x!tpu.dma_semaphore, #tpu.memory_space<semaphore_mem>> -> memref<1x!tpu.dma_semaphore, #tpu.memory_space<semaphore_mem>>
        %dma_start3A_859 = tpu.memref_squeeze %dma_start3A_858 : memref<1x!tpu.dma_semaphore, #tpu.memory_space<semaphore_mem>> -> memref<!tpu.dma_semaphore, #tpu.memory_space<semaphore_mem>>
        tpu.enqueue_indirect_dma source(%dma_start3A_857 : memref<10240x32xf32, #tpu.memory_space<vmem_shared>>) target(%dma_start3A_851 : memref<128x32xf32, #tpu.memory_space<vmem>>) offsets(%dma_start3A_854 : memref<128xi32, #tpu.memory_space<vmem>>) semaphore(%dma_start3A_859 : memref<!tpu.dma_semaphore, #tpu.memory_space<semaphore_mem>>)
        %mul3A_860 = arith.constant 5 : i32
        %mul3A_861 = arith.muli %add3A_783, %mul3A_860 : i32
        %add3A_862 = arith.constant 4 : i32
        %add3A_863 = arith.addi %mul3A_861, %add3A_862 : i32
        %dma_start3A_864 = arith.constant 0 : i32
        %dma_start3A_865 = arith.constant 4 : i32
        %dma_start3A_866 = arith.constant 0 : i32
        %dma_start3A_867 = arith.constant 0 : i32
        %dma_start3A_868 = arith.constant 0 : i32
        %dma_start3A_869 = tpu.memref_slice %arg10[%dma_start3A_864, %dma_start3A_865, %dma_start3A_867, %dma_start3A_868] : memref<2x5x128x32xf32, #tpu.memory_space<vmem>> -> memref<1x1x128x32xf32, #tpu.memory_space<vmem>>
        %dma_start3A_870 = tpu.memref_squeeze %dma_start3A_869 : memref<1x1x128x32xf32, #tpu.memory_space<vmem>> -> memref<128x32xf32, #tpu.memory_space<vmem>>
        %dma_start3A_871 = arith.constant 0 : i32
        %dma_start3A_872 = tpu.memref_slice %arg8[%add3A_863, %dma_start3A_871] : memref<80x128xi32, #tpu.memory_space<vmem>> -> memref<1x128xi32, #tpu.memory_space<vmem>>
        %dma_start3A_873 = tpu.memref_squeeze %dma_start3A_872 : memref<1x128xi32, #tpu.memory_space<vmem>> -> memref<128xi32, #tpu.memory_space<vmem>>
        %dma_start3A_874 = arith.constant 0 : i32
        %dma_start3A_875 = arith.constant 0 : i32
        %dma_start3A_876 = tpu.memref_slice %arg12[%dma_start3A_874, %dma_start3A_875] : memref<10240x32xf32, #tpu.memory_space<vmem_shared>> -> memref<10240x32xf32, #tpu.memory_space<vmem_shared>>
        %dma_start3A_877 = tpu.memref_slice %arg13[%dma_start3A_866] : memref<2x!tpu.dma_semaphore, #tpu.memory_space<semaphore_mem>> -> memref<1x!tpu.dma_semaphore, #tpu.memory_space<semaphore_mem>>
        %dma_start3A_878 = tpu.memref_squeeze %dma_start3A_877 : memref<1x!tpu.dma_semaphore, #tpu.memory_space<semaphore_mem>> -> memref<!tpu.dma_semaphore, #tpu.memory_space<semaphore_mem>>
        tpu.enqueue_indirect_dma source(%dma_start3A_876 : memref<10240x32xf32, #tpu.memory_space<vmem_shared>>) target(%dma_start3A_870 : memref<128x32xf32, #tpu.memory_space<vmem>>) offsets(%dma_start3A_873 : memref<128xi32, #tpu.memory_space<vmem>>) semaphore(%dma_start3A_878 : memref<!tpu.dma_semaphore, #tpu.memory_space<semaphore_mem>>)
      } else {
      }
      %add3A_491 = arith.constant 1 : i32
      %add3A_492 = arith.addi %mul3A_103, %add3A_491 : i32
      %mul3A_493 = arith.constant 5 : i32
      %mul3A_494 = arith.muli %add3A_492, %mul3A_493 : i32
      %add3A_495 = arith.constant 0 : i32
      %add3A_496 = arith.addi %mul3A_494, %add3A_495 : i32
      %dma_wait3A_497 = arith.constant 1 : i32
      %dma_wait3A_498 = arith.constant 0 : i32
      %dma_wait3A_499 = arith.constant 1 : i32
      %dma_wait3A_500 = arith.constant 0 : i32
      %dma_wait3A_501 = arith.constant 0 : i32
      %dma_wait3A_502 = tpu.memref_slice %arg10[%dma_wait3A_497, %dma_wait3A_498, %dma_wait3A_500, %dma_wait3A_501] : memref<2x5x128x32xf32, #tpu.memory_space<vmem>> -> memref<1x1x128x32xf32, #tpu.memory_space<vmem>>
      %dma_wait3A_503 = tpu.memref_squeeze %dma_wait3A_502 : memref<1x1x128x32xf32, #tpu.memory_space<vmem>> -> memref<128x32xf32, #tpu.memory_space<vmem>>
      %dma_wait3A_504 = arith.constant 0 : i32
      %dma_wait3A_505 = tpu.memref_slice %arg8[%add3A_496, %dma_wait3A_504] : memref<80x128xi32, #tpu.memory_space<vmem>> -> memref<1x128xi32, #tpu.memory_space<vmem>>
      %dma_wait3A_506 = tpu.memref_squeeze %dma_wait3A_505 : memref<1x128xi32, #tpu.memory_space<vmem>> -> memref<128xi32, #tpu.memory_space<vmem>>
      %dma_wait3A_507 = arith.constant 0 : i32
      %dma_wait3A_508 = arith.constant 0 : i32
      %dma_wait3A_509 = tpu.memref_slice %arg12[%dma_wait3A_507, %dma_wait3A_508] : memref<10240x32xf32, #tpu.memory_space<vmem_shared>> -> memref<10240x32xf32, #tpu.memory_space<vmem_shared>>
      %dma_wait3A_510 = tpu.memref_slice %arg13[%dma_wait3A_499] : memref<2x!tpu.dma_semaphore, #tpu.memory_space<semaphore_mem>> -> memref<1x!tpu.dma_semaphore, #tpu.memory_space<semaphore_mem>>
      %dma_wait3A_511 = tpu.memref_squeeze %dma_wait3A_510 : memref<1x!tpu.dma_semaphore, #tpu.memory_space<semaphore_mem>> -> memref<!tpu.dma_semaphore, #tpu.memory_space<semaphore_mem>>
      tpu.wait_indirect_dma semaphore(%dma_wait3A_511 : memref<!tpu.dma_semaphore, #tpu.memory_space<semaphore_mem>>) src(%dma_wait3A_509 : memref<10240x32xf32, #tpu.memory_space<vmem_shared>>) dst(%dma_wait3A_503 : memref<128x32xf32, #tpu.memory_space<vmem>>)
      %mul3A_512 = arith.constant 5 : i32
      %mul3A_513 = arith.muli %add3A_492, %mul3A_512 : i32
      %add3A_514 = arith.constant 1 : i32
      %add3A_515 = arith.addi %mul3A_513, %add3A_514 : i32
      %dma_wait3A_516 = arith.constant 1 : i32
      %dma_wait3A_517 = arith.constant 1 : i32
      %dma_wait3A_518 = arith.constant 1 : i32
      %dma_wait3A_519 = arith.constant 0 : i32
      %dma_wait3A_520 = arith.constant 0 : i32
      %dma_wait3A_521 = tpu.memref_slice %arg10[%dma_wait3A_516, %dma_wait3A_517, %dma_wait3A_519, %dma_wait3A_520] : memref<2x5x128x32xf32, #tpu.memory_space<vmem>> -> memref<1x1x128x32xf32, #tpu.memory_space<vmem>>
      %dma_wait3A_522 = tpu.memref_squeeze %dma_wait3A_521 : memref<1x1x128x32xf32, #tpu.memory_space<vmem>> -> memref<128x32xf32, #tpu.memory_space<vmem>>
      %dma_wait3A_523 = arith.constant 0 : i32
      %dma_wait3A_524 = tpu.memref_slice %arg8[%add3A_515, %dma_wait3A_523] : memref<80x128xi32, #tpu.memory_space<vmem>> -> memref<1x128xi32, #tpu.memory_space<vmem>>
      %dma_wait3A_525 = tpu.memref_squeeze %dma_wait3A_524 : memref<1x128xi32, #tpu.memory_space<vmem>> -> memref<128xi32, #tpu.memory_space<vmem>>
      %dma_wait3A_526 = arith.constant 0 : i32
      %dma_wait3A_527 = arith.constant 0 : i32
      %dma_wait3A_528 = tpu.memref_slice %arg12[%dma_wait3A_526, %dma_wait3A_527] : memref<10240x32xf32, #tpu.memory_space<vmem_shared>> -> memref<10240x32xf32, #tpu.memory_space<vmem_shared>>
      %dma_wait3A_529 = tpu.memref_slice %arg13[%dma_wait3A_518] : memref<2x!tpu.dma_semaphore, #tpu.memory_space<semaphore_mem>> -> memref<1x!tpu.dma_semaphore, #tpu.memory_space<semaphore_mem>>
      %dma_wait3A_530 = tpu.memref_squeeze %dma_wait3A_529 : memref<1x!tpu.dma_semaphore, #tpu.memory_space<semaphore_mem>> -> memref<!tpu.dma_semaphore, #tpu.memory_space<semaphore_mem>>
      tpu.wait_indirect_dma semaphore(%dma_wait3A_530 : memref<!tpu.dma_semaphore, #tpu.memory_space<semaphore_mem>>) src(%dma_wait3A_528 : memref<10240x32xf32, #tpu.memory_space<vmem_shared>>) dst(%dma_wait3A_522 : memref<128x32xf32, #tpu.memory_space<vmem>>)
      %mul3A_531 = arith.constant 5 : i32
      %mul3A_532 = arith.muli %add3A_492, %mul3A_531 : i32
      %add3A_533 = arith.constant 2 : i32
      %add3A_534 = arith.addi %mul3A_532, %add3A_533 : i32
      %dma_wait3A_535 = arith.constant 1 : i32
      %dma_wait3A_536 = arith.constant 2 : i32
      %dma_wait3A_537 = arith.constant 1 : i32
      %dma_wait3A_538 = arith.constant 0 : i32
      %dma_wait3A_539 = arith.constant 0 : i32
      %dma_wait3A_540 = tpu.memref_slice %arg10[%dma_wait3A_535, %dma_wait3A_536, %dma_wait3A_538, %dma_wait3A_539] : memref<2x5x128x32xf32, #tpu.memory_space<vmem>> -> memref<1x1x128x32xf32, #tpu.memory_space<vmem>>
      %dma_wait3A_541 = tpu.memref_squeeze %dma_wait3A_540 : memref<1x1x128x32xf32, #tpu.memory_space<vmem>> -> memref<128x32xf32, #tpu.memory_space<vmem>>
      %dma_wait3A_542 = arith.constant 0 : i32
      %dma_wait3A_543 = tpu.memref_slice %arg8[%add3A_534, %dma_wait3A_542] : memref<80x128xi32, #tpu.memory_space<vmem>> -> memref<1x128xi32, #tpu.memory_space<vmem>>
      %dma_wait3A_544 = tpu.memref_squeeze %dma_wait3A_543 : memref<1x128xi32, #tpu.memory_space<vmem>> -> memref<128xi32, #tpu.memory_space<vmem>>
      %dma_wait3A_545 = arith.constant 0 : i32
      %dma_wait3A_546 = arith.constant 0 : i32
      %dma_wait3A_547 = tpu.memref_slice %arg12[%dma_wait3A_545, %dma_wait3A_546] : memref<10240x32xf32, #tpu.memory_space<vmem_shared>> -> memref<10240x32xf32, #tpu.memory_space<vmem_shared>>
      %dma_wait3A_548 = tpu.memref_slice %arg13[%dma_wait3A_537] : memref<2x!tpu.dma_semaphore, #tpu.memory_space<semaphore_mem>> -> memref<1x!tpu.dma_semaphore, #tpu.memory_space<semaphore_mem>>
      %dma_wait3A_549 = tpu.memref_squeeze %dma_wait3A_548 : memref<1x!tpu.dma_semaphore, #tpu.memory_space<semaphore_mem>> -> memref<!tpu.dma_semaphore, #tpu.memory_space<semaphore_mem>>
      tpu.wait_indirect_dma semaphore(%dma_wait3A_549 : memref<!tpu.dma_semaphore, #tpu.memory_space<semaphore_mem>>) src(%dma_wait3A_547 : memref<10240x32xf32, #tpu.memory_space<vmem_shared>>) dst(%dma_wait3A_541 : memref<128x32xf32, #tpu.memory_space<vmem>>)
      %mul3A_550 = arith.constant 5 : i32
      %mul3A_551 = arith.muli %add3A_492, %mul3A_550 : i32
      %add3A_552 = arith.constant 3 : i32
      %add3A_553 = arith.addi %mul3A_551, %add3A_552 : i32
      %dma_wait3A_554 = arith.constant 1 : i32
      %dma_wait3A_555 = arith.constant 3 : i32
      %dma_wait3A_556 = arith.constant 1 : i32
      %dma_wait3A_557 = arith.constant 0 : i32
      %dma_wait3A_558 = arith.constant 0 : i32
      %dma_wait3A_559 = tpu.memref_slice %arg10[%dma_wait3A_554, %dma_wait3A_555, %dma_wait3A_557, %dma_wait3A_558] : memref<2x5x128x32xf32, #tpu.memory_space<vmem>> -> memref<1x1x128x32xf32, #tpu.memory_space<vmem>>
      %dma_wait3A_560 = tpu.memref_squeeze %dma_wait3A_559 : memref<1x1x128x32xf32, #tpu.memory_space<vmem>> -> memref<128x32xf32, #tpu.memory_space<vmem>>
      %dma_wait3A_561 = arith.constant 0 : i32
      %dma_wait3A_562 = tpu.memref_slice %arg8[%add3A_553, %dma_wait3A_561] : memref<80x128xi32, #tpu.memory_space<vmem>> -> memref<1x128xi32, #tpu.memory_space<vmem>>
      %dma_wait3A_563 = tpu.memref_squeeze %dma_wait3A_562 : memref<1x128xi32, #tpu.memory_space<vmem>> -> memref<128xi32, #tpu.memory_space<vmem>>
      %dma_wait3A_564 = arith.constant 0 : i32
      %dma_wait3A_565 = arith.constant 0 : i32
      %dma_wait3A_566 = tpu.memref_slice %arg12[%dma_wait3A_564, %dma_wait3A_565] : memref<10240x32xf32, #tpu.memory_space<vmem_shared>> -> memref<10240x32xf32, #tpu.memory_space<vmem_shared>>
      %dma_wait3A_567 = tpu.memref_slice %arg13[%dma_wait3A_556] : memref<2x!tpu.dma_semaphore, #tpu.memory_space<semaphore_mem>> -> memref<1x!tpu.dma_semaphore, #tpu.memory_space<semaphore_mem>>
      %dma_wait3A_568 = tpu.memref_squeeze %dma_wait3A_567 : memref<1x!tpu.dma_semaphore, #tpu.memory_space<semaphore_mem>> -> memref<!tpu.dma_semaphore, #tpu.memory_space<semaphore_mem>>
      tpu.wait_indirect_dma semaphore(%dma_wait3A_568 : memref<!tpu.dma_semaphore, #tpu.memory_space<semaphore_mem>>) src(%dma_wait3A_566 : memref<10240x32xf32, #tpu.memory_space<vmem_shared>>) dst(%dma_wait3A_560 : memref<128x32xf32, #tpu.memory_space<vmem>>)
      %mul3A_569 = arith.constant 5 : i32
      %mul3A_570 = arith.muli %add3A_492, %mul3A_569 : i32
      %add3A_571 = arith.constant 4 : i32
      %add3A_572 = arith.addi %mul3A_570, %add3A_571 : i32
      %dma_wait3A_573 = arith.constant 1 : i32
      %dma_wait3A_574 = arith.constant 4 : i32
      %dma_wait3A_575 = arith.constant 1 : i32
      %dma_wait3A_576 = arith.constant 0 : i32
      %dma_wait3A_577 = arith.constant 0 : i32
      %dma_wait3A_578 = tpu.memref_slice %arg10[%dma_wait3A_573, %dma_wait3A_574, %dma_wait3A_576, %dma_wait3A_577] : memref<2x5x128x32xf32, #tpu.memory_space<vmem>> -> memref<1x1x128x32xf32, #tpu.memory_space<vmem>>
      %dma_wait3A_579 = tpu.memref_squeeze %dma_wait3A_578 : memref<1x1x128x32xf32, #tpu.memory_space<vmem>> -> memref<128x32xf32, #tpu.memory_space<vmem>>
      %dma_wait3A_580 = arith.constant 0 : i32
      %dma_wait3A_581 = tpu.memref_slice %arg8[%add3A_572, %dma_wait3A_580] : memref<80x128xi32, #tpu.memory_space<vmem>> -> memref<1x128xi32, #tpu.memory_space<vmem>>
      %dma_wait3A_582 = tpu.memref_squeeze %dma_wait3A_581 : memref<1x128xi32, #tpu.memory_space<vmem>> -> memref<128xi32, #tpu.memory_space<vmem>>
      %dma_wait3A_583 = arith.constant 0 : i32
      %dma_wait3A_584 = arith.constant 0 : i32
      %dma_wait3A_585 = tpu.memref_slice %arg12[%dma_wait3A_583, %dma_wait3A_584] : memref<10240x32xf32, #tpu.memory_space<vmem_shared>> -> memref<10240x32xf32, #tpu.memory_space<vmem_shared>>
      %dma_wait3A_586 = tpu.memref_slice %arg13[%dma_wait3A_575] : memref<2x!tpu.dma_semaphore, #tpu.memory_space<semaphore_mem>> -> memref<1x!tpu.dma_semaphore, #tpu.memory_space<semaphore_mem>>
      %dma_wait3A_587 = tpu.memref_squeeze %dma_wait3A_586 : memref<1x!tpu.dma_semaphore, #tpu.memory_space<semaphore_mem>> -> memref<!tpu.dma_semaphore, #tpu.memory_space<semaphore_mem>>
      tpu.wait_indirect_dma semaphore(%dma_wait3A_587 : memref<!tpu.dma_semaphore, #tpu.memory_space<semaphore_mem>>) src(%dma_wait3A_585 : memref<10240x32xf32, #tpu.memory_space<vmem_shared>>) dst(%dma_wait3A_579 : memref<128x32xf32, #tpu.memory_space<vmem>>)
      %add3A_588 = arith.constant 1 : i32
      %add3A_589 = arith.addi %mul3A_103, %add3A_588 : i32
      %mul3A_590 = arith.constant 5 : i32
      %mul3A_591 = arith.muli %add3A_589, %mul3A_590 : i32
      %add3A_592 = arith.constant 0 : i32
      %add3A_593 = arith.addi %mul3A_591, %add3A_592 : i32
      %dma_start3A_594 = arith.constant 1 : i32
      %dma_start3A_595 = arith.constant 0 : i32
      %dma_start3A_596 = arith.constant 1 : i32
      %dma_start3A_597 = arith.constant 0 : i32
      %dma_start3A_598 = arith.constant 0 : i32
      %dma_start3A_599 = tpu.memref_slice %arg10[%dma_start3A_594, %dma_start3A_595, %dma_start3A_597, %dma_start3A_598] : memref<2x5x128x32xf32, #tpu.memory_space<vmem>> -> memref<1x1x128x32xf32, #tpu.memory_space<vmem>>
      %dma_start3A_600 = tpu.memref_squeeze %dma_start3A_599 : memref<1x1x128x32xf32, #tpu.memory_space<vmem>> -> memref<128x32xf32, #tpu.memory_space<vmem>>
      %dma_start3A_601 = arith.constant 0 : i32
      %dma_start3A_602 = tpu.memref_slice %arg9[%add3A_593, %dma_start3A_601] : memref<80x128xi32, #tpu.memory_space<vmem>> -> memref<1x128xi32, #tpu.memory_space<vmem>>
      %dma_start3A_603 = tpu.memref_squeeze %dma_start3A_602 : memref<1x128xi32, #tpu.memory_space<vmem>> -> memref<128xi32, #tpu.memory_space<vmem>>
      %dma_start3A_604 = arith.constant 0 : i32
      %dma_start3A_605 = arith.constant 0 : i32
      %dma_start3A_606 = tpu.memref_slice %arg11[%dma_start3A_604, %dma_start3A_605] : memref<10240x32xf32, #tpu.memory_space<vmem_shared>> -> memref<10240x32xf32, #tpu.memory_space<vmem_shared>>
      %dma_start3A_607 = tpu.memref_slice %arg14[%dma_start3A_596] : memref<2x!tpu.dma_semaphore, #tpu.memory_space<semaphore_mem>> -> memref<1x!tpu.dma_semaphore, #tpu.memory_space<semaphore_mem>>
      %dma_start3A_608 = tpu.memref_squeeze %dma_start3A_607 : memref<1x!tpu.dma_semaphore, #tpu.memory_space<semaphore_mem>> -> memref<!tpu.dma_semaphore, #tpu.memory_space<semaphore_mem>>
      tpu.enqueue_indirect_dma source(%dma_start3A_600 : memref<128x32xf32, #tpu.memory_space<vmem>>) target(%dma_start3A_606 : memref<10240x32xf32, #tpu.memory_space<vmem_shared>>) offsets(%dma_start3A_603 : memref<128xi32, #tpu.memory_space<vmem>>) semaphore(%dma_start3A_608 : memref<!tpu.dma_semaphore, #tpu.memory_space<semaphore_mem>>) {add = true}
      %mul3A_609 = arith.constant 5 : i32
      %mul3A_610 = arith.muli %add3A_589, %mul3A_609 : i32
      %add3A_611 = arith.constant 1 : i32
      %add3A_612 = arith.addi %mul3A_610, %add3A_611 : i32
      %dma_start3A_613 = arith.constant 1 : i32
      %dma_start3A_614 = arith.constant 1 : i32
      %dma_start3A_615 = arith.constant 1 : i32
      %dma_start3A_616 = arith.constant 0 : i32
      %dma_start3A_617 = arith.constant 0 : i32
      %dma_start3A_618 = tpu.memref_slice %arg10[%dma_start3A_613, %dma_start3A_614, %dma_start3A_616, %dma_start3A_617] : memref<2x5x128x32xf32, #tpu.memory_space<vmem>> -> memref<1x1x128x32xf32, #tpu.memory_space<vmem>>
      %dma_start3A_619 = tpu.memref_squeeze %dma_start3A_618 : memref<1x1x128x32xf32, #tpu.memory_space<vmem>> -> memref<128x32xf32, #tpu.memory_space<vmem>>
      %dma_start3A_620 = arith.constant 0 : i32
      %dma_start3A_621 = tpu.memref_slice %arg9[%add3A_612, %dma_start3A_620] : memref<80x128xi32, #tpu.memory_space<vmem>> -> memref<1x128xi32, #tpu.memory_space<vmem>>
      %dma_start3A_622 = tpu.memref_squeeze %dma_start3A_621 : memref<1x128xi32, #tpu.memory_space<vmem>> -> memref<128xi32, #tpu.memory_space<vmem>>
      %dma_start3A_623 = arith.constant 0 : i32
      %dma_start3A_624 = arith.constant 0 : i32
      %dma_start3A_625 = tpu.memref_slice %arg11[%dma_start3A_623, %dma_start3A_624] : memref<10240x32xf32, #tpu.memory_space<vmem_shared>> -> memref<10240x32xf32, #tpu.memory_space<vmem_shared>>
      %dma_start3A_626 = tpu.memref_slice %arg14[%dma_start3A_615] : memref<2x!tpu.dma_semaphore, #tpu.memory_space<semaphore_mem>> -> memref<1x!tpu.dma_semaphore, #tpu.memory_space<semaphore_mem>>
      %dma_start3A_627 = tpu.memref_squeeze %dma_start3A_626 : memref<1x!tpu.dma_semaphore, #tpu.memory_space<semaphore_mem>> -> memref<!tpu.dma_semaphore, #tpu.memory_space<semaphore_mem>>
      tpu.enqueue_indirect_dma source(%dma_start3A_619 : memref<128x32xf32, #tpu.memory_space<vmem>>) target(%dma_start3A_625 : memref<10240x32xf32, #tpu.memory_space<vmem_shared>>) offsets(%dma_start3A_622 : memref<128xi32, #tpu.memory_space<vmem>>) semaphore(%dma_start3A_627 : memref<!tpu.dma_semaphore, #tpu.memory_space<semaphore_mem>>) {add = true}
      %mul3A_628 = arith.constant 5 : i32
      %mul3A_629 = arith.muli %add3A_589, %mul3A_628 : i32
      %add3A_630 = arith.constant 2 : i32
      %add3A_631 = arith.addi %mul3A_629, %add3A_630 : i32
      %dma_start3A_632 = arith.constant 1 : i32
      %dma_start3A_633 = arith.constant 2 : i32
      %dma_start3A_634 = arith.constant 1 : i32
      %dma_start3A_635 = arith.constant 0 : i32
      %dma_start3A_636 = arith.constant 0 : i32
      %dma_start3A_637 = tpu.memref_slice %arg10[%dma_start3A_632, %dma_start3A_633, %dma_start3A_635, %dma_start3A_636] : memref<2x5x128x32xf32, #tpu.memory_space<vmem>> -> memref<1x1x128x32xf32, #tpu.memory_space<vmem>>
      %dma_start3A_638 = tpu.memref_squeeze %dma_start3A_637 : memref<1x1x128x32xf32, #tpu.memory_space<vmem>> -> memref<128x32xf32, #tpu.memory_space<vmem>>
      %dma_start3A_639 = arith.constant 0 : i32
      %dma_start3A_640 = tpu.memref_slice %arg9[%add3A_631, %dma_start3A_639] : memref<80x128xi32, #tpu.memory_space<vmem>> -> memref<1x128xi32, #tpu.memory_space<vmem>>
      %dma_start3A_641 = tpu.memref_squeeze %dma_start3A_640 : memref<1x128xi32, #tpu.memory_space<vmem>> -> memref<128xi32, #tpu.memory_space<vmem>>
      %dma_start3A_642 = arith.constant 0 : i32
      %dma_start3A_643 = arith.constant 0 : i32
      %dma_start3A_644 = tpu.memref_slice %arg11[%dma_start3A_642, %dma_start3A_643] : memref<10240x32xf32, #tpu.memory_space<vmem_shared>> -> memref<10240x32xf32, #tpu.memory_space<vmem_shared>>
      %dma_start3A_645 = tpu.memref_slice %arg14[%dma_start3A_634] : memref<2x!tpu.dma_semaphore, #tpu.memory_space<semaphore_mem>> -> memref<1x!tpu.dma_semaphore, #tpu.memory_space<semaphore_mem>>
      %dma_start3A_646 = tpu.memref_squeeze %dma_start3A_645 : memref<1x!tpu.dma_semaphore, #tpu.memory_space<semaphore_mem>> -> memref<!tpu.dma_semaphore, #tpu.memory_space<semaphore_mem>>
      tpu.enqueue_indirect_dma source(%dma_start3A_638 : memref<128x32xf32, #tpu.memory_space<vmem>>) target(%dma_start3A_644 : memref<10240x32xf32, #tpu.memory_space<vmem_shared>>) offsets(%dma_start3A_641 : memref<128xi32, #tpu.memory_space<vmem>>) semaphore(%dma_start3A_646 : memref<!tpu.dma_semaphore, #tpu.memory_space<semaphore_mem>>) {add = true}
      %mul3A_647 = arith.constant 5 : i32
      %mul3A_648 = arith.muli %add3A_589, %mul3A_647 : i32
      %add3A_649 = arith.constant 3 : i32
      %add3A_650 = arith.addi %mul3A_648, %add3A_649 : i32
      %dma_start3A_651 = arith.constant 1 : i32
      %dma_start3A_652 = arith.constant 3 : i32
      %dma_start3A_653 = arith.constant 1 : i32
      %dma_start3A_654 = arith.constant 0 : i32
      %dma_start3A_655 = arith.constant 0 : i32
      %dma_start3A_656 = tpu.memref_slice %arg10[%dma_start3A_651, %dma_start3A_652, %dma_start3A_654, %dma_start3A_655] : memref<2x5x128x32xf32, #tpu.memory_space<vmem>> -> memref<1x1x128x32xf32, #tpu.memory_space<vmem>>
      %dma_start3A_657 = tpu.memref_squeeze %dma_start3A_656 : memref<1x1x128x32xf32, #tpu.memory_space<vmem>> -> memref<128x32xf32, #tpu.memory_space<vmem>>
      %dma_start3A_658 = arith.constant 0 : i32
      %dma_start3A_659 = tpu.memref_slice %arg9[%add3A_650, %dma_start3A_658] : memref<80x128xi32, #tpu.memory_space<vmem>> -> memref<1x128xi32, #tpu.memory_space<vmem>>
      %dma_start3A_660 = tpu.memref_squeeze %dma_start3A_659 : memref<1x128xi32, #tpu.memory_space<vmem>> -> memref<128xi32, #tpu.memory_space<vmem>>
      %dma_start3A_661 = arith.constant 0 : i32
      %dma_start3A_662 = arith.constant 0 : i32
      %dma_start3A_663 = tpu.memref_slice %arg11[%dma_start3A_661, %dma_start3A_662] : memref<10240x32xf32, #tpu.memory_space<vmem_shared>> -> memref<10240x32xf32, #tpu.memory_space<vmem_shared>>
      %dma_start3A_664 = tpu.memref_slice %arg14[%dma_start3A_653] : memref<2x!tpu.dma_semaphore, #tpu.memory_space<semaphore_mem>> -> memref<1x!tpu.dma_semaphore, #tpu.memory_space<semaphore_mem>>
      %dma_start3A_665 = tpu.memref_squeeze %dma_start3A_664 : memref<1x!tpu.dma_semaphore, #tpu.memory_space<semaphore_mem>> -> memref<!tpu.dma_semaphore, #tpu.memory_space<semaphore_mem>>
      tpu.enqueue_indirect_dma source(%dma_start3A_657 : memref<128x32xf32, #tpu.memory_space<vmem>>) target(%dma_start3A_663 : memref<10240x32xf32, #tpu.memory_space<vmem_shared>>) offsets(%dma_start3A_660 : memref<128xi32, #tpu.memory_space<vmem>>) semaphore(%dma_start3A_665 : memref<!tpu.dma_semaphore, #tpu.memory_space<semaphore_mem>>) {add = true}
      %mul3A_666 = arith.constant 5 : i32
      %mul3A_667 = arith.muli %add3A_589, %mul3A_666 : i32
      %add3A_668 = arith.constant 4 : i32
      %add3A_669 = arith.addi %mul3A_667, %add3A_668 : i32
      %dma_start3A_670 = arith.constant 1 : i32
      %dma_start3A_671 = arith.constant 4 : i32
      %dma_start3A_672 = arith.constant 1 : i32
      %dma_start3A_673 = arith.constant 0 : i32
      %dma_start3A_674 = arith.constant 0 : i32
      %dma_start3A_675 = tpu.memref_slice %arg10[%dma_start3A_670, %dma_start3A_671, %dma_start3A_673, %dma_start3A_674] : memref<2x5x128x32xf32, #tpu.memory_space<vmem>> -> memref<1x1x128x32xf32, #tpu.memory_space<vmem>>
      %dma_start3A_676 = tpu.memref_squeeze %dma_start3A_675 : memref<1x1x128x32xf32, #tpu.memory_space<vmem>> -> memref<128x32xf32, #tpu.memory_space<vmem>>
      %dma_start3A_677 = arith.constant 0 : i32
      %dma_start3A_678 = tpu.memref_slice %arg9[%add3A_669, %dma_start3A_677] : memref<80x128xi32, #tpu.memory_space<vmem>> -> memref<1x128xi32, #tpu.memory_space<vmem>>
      %dma_start3A_679 = tpu.memref_squeeze %dma_start3A_678 : memref<1x128xi32, #tpu.memory_space<vmem>> -> memref<128xi32, #tpu.memory_space<vmem>>
      %dma_start3A_680 = arith.constant 0 : i32
      %dma_start3A_681 = arith.constant 0 : i32
      %dma_start3A_682 = tpu.memref_slice %arg11[%dma_start3A_680, %dma_start3A_681] : memref<10240x32xf32, #tpu.memory_space<vmem_shared>> -> memref<10240x32xf32, #tpu.memory_space<vmem_shared>>
      %dma_start3A_683 = tpu.memref_slice %arg14[%dma_start3A_672] : memref<2x!tpu.dma_semaphore, #tpu.memory_space<semaphore_mem>> -> memref<1x!tpu.dma_semaphore, #tpu.memory_space<semaphore_mem>>
      %dma_start3A_684 = tpu.memref_squeeze %dma_start3A_683 : memref<1x!tpu.dma_semaphore, #tpu.memory_space<semaphore_mem>> -> memref<!tpu.dma_semaphore, #tpu.memory_space<semaphore_mem>>
      tpu.enqueue_indirect_dma source(%dma_start3A_676 : memref<128x32xf32, #tpu.memory_space<vmem>>) target(%dma_start3A_682 : memref<10240x32xf32, #tpu.memory_space<vmem_shared>>) offsets(%dma_start3A_679 : memref<128xi32, #tpu.memory_space<vmem>>) semaphore(%dma_start3A_684 : memref<!tpu.dma_semaphore, #tpu.memory_space<semaphore_mem>>) {add = true}
      %add3A_685 = arith.constant 1 : i32
      %add3A_686 = arith.addi %mul3A_103, %add3A_685 : i32
      %mul3A_687 = arith.constant 5 : i32
      %mul3A_688 = arith.muli %add3A_686, %mul3A_687 : i32
      %add3A_689 = arith.constant 0 : i32
      %add3A_690 = arith.addi %mul3A_688, %add3A_689 : i32
      %dma_wait3A_691 = arith.constant 1 : i32
      %dma_wait3A_692 = arith.constant 0 : i32
      %dma_wait3A_693 = arith.constant 1 : i32
      %dma_wait3A_694 = arith.constant 0 : i32
      %dma_wait3A_695 = arith.constant 0 : i32
      %dma_wait3A_696 = tpu.memref_slice %arg10[%dma_wait3A_691, %dma_wait3A_692, %dma_wait3A_694, %dma_wait3A_695] : memref<2x5x128x32xf32, #tpu.memory_space<vmem>> -> memref<1x1x128x32xf32, #tpu.memory_space<vmem>>
      %dma_wait3A_697 = tpu.memref_squeeze %dma_wait3A_696 : memref<1x1x128x32xf32, #tpu.memory_space<vmem>> -> memref<128x32xf32, #tpu.memory_space<vmem>>
      %dma_wait3A_698 = arith.constant 0 : i32
      %dma_wait3A_699 = tpu.memref_slice %arg9[%add3A_690, %dma_wait3A_698] : memref<80x128xi32, #tpu.memory_space<vmem>> -> memref<1x128xi32, #tpu.memory_space<vmem>>
      %dma_wait3A_700 = tpu.memref_squeeze %dma_wait3A_699 : memref<1x128xi32, #tpu.memory_space<vmem>> -> memref<128xi32, #tpu.memory_space<vmem>>
      %dma_wait3A_701 = arith.constant 0 : i32
      %dma_wait3A_702 = arith.constant 0 : i32
      %dma_wait3A_703 = tpu.memref_slice %arg11[%dma_wait3A_701, %dma_wait3A_702] : memref<10240x32xf32, #tpu.memory_space<vmem_shared>> -> memref<10240x32xf32, #tpu.memory_space<vmem_shared>>
      %dma_wait3A_704 = tpu.memref_slice %arg14[%dma_wait3A_693] : memref<2x!tpu.dma_semaphore, #tpu.memory_space<semaphore_mem>> -> memref<1x!tpu.dma_semaphore, #tpu.memory_space<semaphore_mem>>
      %dma_wait3A_705 = tpu.memref_squeeze %dma_wait3A_704 : memref<1x!tpu.dma_semaphore, #tpu.memory_space<semaphore_mem>> -> memref<!tpu.dma_semaphore, #tpu.memory_space<semaphore_mem>>
      tpu.wait_indirect_dma semaphore(%dma_wait3A_705 : memref<!tpu.dma_semaphore, #tpu.memory_space<semaphore_mem>>) src(%dma_wait3A_697 : memref<128x32xf32, #tpu.memory_space<vmem>>) dst(%dma_wait3A_703 : memref<10240x32xf32, #tpu.memory_space<vmem_shared>>)
      %mul3A_706 = arith.constant 5 : i32
      %mul3A_707 = arith.muli %add3A_686, %mul3A_706 : i32
      %add3A_708 = arith.constant 1 : i32
      %add3A_709 = arith.addi %mul3A_707, %add3A_708 : i32
      %dma_wait3A_710 = arith.constant 1 : i32
      %dma_wait3A_711 = arith.constant 1 : i32
      %dma_wait3A_712 = arith.constant 1 : i32
      %dma_wait3A_713 = arith.constant 0 : i32
      %dma_wait3A_714 = arith.constant 0 : i32
      %dma_wait3A_715 = tpu.memref_slice %arg10[%dma_wait3A_710, %dma_wait3A_711, %dma_wait3A_713, %dma_wait3A_714] : memref<2x5x128x32xf32, #tpu.memory_space<vmem>> -> memref<1x1x128x32xf32, #tpu.memory_space<vmem>>
      %dma_wait3A_716 = tpu.memref_squeeze %dma_wait3A_715 : memref<1x1x128x32xf32, #tpu.memory_space<vmem>> -> memref<128x32xf32, #tpu.memory_space<vmem>>
      %dma_wait3A_717 = arith.constant 0 : i32
      %dma_wait3A_718 = tpu.memref_slice %arg9[%add3A_709, %dma_wait3A_717] : memref<80x128xi32, #tpu.memory_space<vmem>> -> memref<1x128xi32, #tpu.memory_space<vmem>>
      %dma_wait3A_719 = tpu.memref_squeeze %dma_wait3A_718 : memref<1x128xi32, #tpu.memory_space<vmem>> -> memref<128xi32, #tpu.memory_space<vmem>>
      %dma_wait3A_720 = arith.constant 0 : i32
      %dma_wait3A_721 = arith.constant 0 : i32
      %dma_wait3A_722 = tpu.memref_slice %arg11[%dma_wait3A_720, %dma_wait3A_721] : memref<10240x32xf32, #tpu.memory_space<vmem_shared>> -> memref<10240x32xf32, #tpu.memory_space<vmem_shared>>
      %dma_wait3A_723 = tpu.memref_slice %arg14[%dma_wait3A_712] : memref<2x!tpu.dma_semaphore, #tpu.memory_space<semaphore_mem>> -> memref<1x!tpu.dma_semaphore, #tpu.memory_space<semaphore_mem>>
      %dma_wait3A_724 = tpu.memref_squeeze %dma_wait3A_723 : memref<1x!tpu.dma_semaphore, #tpu.memory_space<semaphore_mem>> -> memref<!tpu.dma_semaphore, #tpu.memory_space<semaphore_mem>>
      tpu.wait_indirect_dma semaphore(%dma_wait3A_724 : memref<!tpu.dma_semaphore, #tpu.memory_space<semaphore_mem>>) src(%dma_wait3A_716 : memref<128x32xf32, #tpu.memory_space<vmem>>) dst(%dma_wait3A_722 : memref<10240x32xf32, #tpu.memory_space<vmem_shared>>)
      %mul3A_725 = arith.constant 5 : i32
      %mul3A_726 = arith.muli %add3A_686, %mul3A_725 : i32
      %add3A_727 = arith.constant 2 : i32
      %add3A_728 = arith.addi %mul3A_726, %add3A_727 : i32
      %dma_wait3A_729 = arith.constant 1 : i32
      %dma_wait3A_730 = arith.constant 2 : i32
      %dma_wait3A_731 = arith.constant 1 : i32
      %dma_wait3A_732 = arith.constant 0 : i32
      %dma_wait3A_733 = arith.constant 0 : i32
      %dma_wait3A_734 = tpu.memref_slice %arg10[%dma_wait3A_729, %dma_wait3A_730, %dma_wait3A_732, %dma_wait3A_733] : memref<2x5x128x32xf32, #tpu.memory_space<vmem>> -> memref<1x1x128x32xf32, #tpu.memory_space<vmem>>
      %dma_wait3A_735 = tpu.memref_squeeze %dma_wait3A_734 : memref<1x1x128x32xf32, #tpu.memory_space<vmem>> -> memref<128x32xf32, #tpu.memory_space<vmem>>
      %dma_wait3A_736 = arith.constant 0 : i32
      %dma_wait3A_737 = tpu.memref_slice %arg9[%add3A_728, %dma_wait3A_736] : memref<80x128xi32, #tpu.memory_space<vmem>> -> memref<1x128xi32, #tpu.memory_space<vmem>>
      %dma_wait3A_738 = tpu.memref_squeeze %dma_wait3A_737 : memref<1x128xi32, #tpu.memory_space<vmem>> -> memref<128xi32, #tpu.memory_space<vmem>>
      %dma_wait3A_739 = arith.constant 0 : i32
      %dma_wait3A_740 = arith.constant 0 : i32
      %dma_wait3A_741 = tpu.memref_slice %arg11[%dma_wait3A_739, %dma_wait3A_740] : memref<10240x32xf32, #tpu.memory_space<vmem_shared>> -> memref<10240x32xf32, #tpu.memory_space<vmem_shared>>
      %dma_wait3A_742 = tpu.memref_slice %arg14[%dma_wait3A_731] : memref<2x!tpu.dma_semaphore, #tpu.memory_space<semaphore_mem>> -> memref<1x!tpu.dma_semaphore, #tpu.memory_space<semaphore_mem>>
      %dma_wait3A_743 = tpu.memref_squeeze %dma_wait3A_742 : memref<1x!tpu.dma_semaphore, #tpu.memory_space<semaphore_mem>> -> memref<!tpu.dma_semaphore, #tpu.memory_space<semaphore_mem>>
      tpu.wait_indirect_dma semaphore(%dma_wait3A_743 : memref<!tpu.dma_semaphore, #tpu.memory_space<semaphore_mem>>) src(%dma_wait3A_735 : memref<128x32xf32, #tpu.memory_space<vmem>>) dst(%dma_wait3A_741 : memref<10240x32xf32, #tpu.memory_space<vmem_shared>>)
      %mul3A_744 = arith.constant 5 : i32
      %mul3A_745 = arith.muli %add3A_686, %mul3A_744 : i32
      %add3A_746 = arith.constant 3 : i32
      %add3A_747 = arith.addi %mul3A_745, %add3A_746 : i32
      %dma_wait3A_748 = arith.constant 1 : i32
      %dma_wait3A_749 = arith.constant 3 : i32
      %dma_wait3A_750 = arith.constant 1 : i32
      %dma_wait3A_751 = arith.constant 0 : i32
      %dma_wait3A_752 = arith.constant 0 : i32
      %dma_wait3A_753 = tpu.memref_slice %arg10[%dma_wait3A_748, %dma_wait3A_749, %dma_wait3A_751, %dma_wait3A_752] : memref<2x5x128x32xf32, #tpu.memory_space<vmem>> -> memref<1x1x128x32xf32, #tpu.memory_space<vmem>>
      %dma_wait3A_754 = tpu.memref_squeeze %dma_wait3A_753 : memref<1x1x128x32xf32, #tpu.memory_space<vmem>> -> memref<128x32xf32, #tpu.memory_space<vmem>>
      %dma_wait3A_755 = arith.constant 0 : i32
      %dma_wait3A_756 = tpu.memref_slice %arg9[%add3A_747, %dma_wait3A_755] : memref<80x128xi32, #tpu.memory_space<vmem>> -> memref<1x128xi32, #tpu.memory_space<vmem>>
      %dma_wait3A_757 = tpu.memref_squeeze %dma_wait3A_756 : memref<1x128xi32, #tpu.memory_space<vmem>> -> memref<128xi32, #tpu.memory_space<vmem>>
      %dma_wait3A_758 = arith.constant 0 : i32
      %dma_wait3A_759 = arith.constant 0 : i32
      %dma_wait3A_760 = tpu.memref_slice %arg11[%dma_wait3A_758, %dma_wait3A_759] : memref<10240x32xf32, #tpu.memory_space<vmem_shared>> -> memref<10240x32xf32, #tpu.memory_space<vmem_shared>>
      %dma_wait3A_761 = tpu.memref_slice %arg14[%dma_wait3A_750] : memref<2x!tpu.dma_semaphore, #tpu.memory_space<semaphore_mem>> -> memref<1x!tpu.dma_semaphore, #tpu.memory_space<semaphore_mem>>
      %dma_wait3A_762 = tpu.memref_squeeze %dma_wait3A_761 : memref<1x!tpu.dma_semaphore, #tpu.memory_space<semaphore_mem>> -> memref<!tpu.dma_semaphore, #tpu.memory_space<semaphore_mem>>
      tpu.wait_indirect_dma semaphore(%dma_wait3A_762 : memref<!tpu.dma_semaphore, #tpu.memory_space<semaphore_mem>>) src(%dma_wait3A_754 : memref<128x32xf32, #tpu.memory_space<vmem>>) dst(%dma_wait3A_760 : memref<10240x32xf32, #tpu.memory_space<vmem_shared>>)
      %mul3A_763 = arith.constant 5 : i32
      %mul3A_764 = arith.muli %add3A_686, %mul3A_763 : i32
      %add3A_765 = arith.constant 4 : i32
      %add3A_766 = arith.addi %mul3A_764, %add3A_765 : i32
      %dma_wait3A_767 = arith.constant 1 : i32
      %dma_wait3A_768 = arith.constant 4 : i32
      %dma_wait3A_769 = arith.constant 1 : i32
      %dma_wait3A_770 = arith.constant 0 : i32
      %dma_wait3A_771 = arith.constant 0 : i32
      %dma_wait3A_772 = tpu.memref_slice %arg10[%dma_wait3A_767, %dma_wait3A_768, %dma_wait3A_770, %dma_wait3A_771] : memref<2x5x128x32xf32, #tpu.memory_space<vmem>> -> memref<1x1x128x32xf32, #tpu.memory_space<vmem>>
      %dma_wait3A_773 = tpu.memref_squeeze %dma_wait3A_772 : memref<1x1x128x32xf32, #tpu.memory_space<vmem>> -> memref<128x32xf32, #tpu.memory_space<vmem>>
      %dma_wait3A_774 = arith.constant 0 : i32
      %dma_wait3A_775 = tpu.memref_slice %arg9[%add3A_766, %dma_wait3A_774] : memref<80x128xi32, #tpu.memory_space<vmem>> -> memref<1x128xi32, #tpu.memory_space<vmem>>
      %dma_wait3A_776 = tpu.memref_squeeze %dma_wait3A_775 : memref<1x128xi32, #tpu.memory_space<vmem>> -> memref<128xi32, #tpu.memory_space<vmem>>
      %dma_wait3A_777 = arith.constant 0 : i32
      %dma_wait3A_778 = arith.constant 0 : i32
      %dma_wait3A_779 = tpu.memref_slice %arg11[%dma_wait3A_777, %dma_wait3A_778] : memref<10240x32xf32, #tpu.memory_space<vmem_shared>> -> memref<10240x32xf32, #tpu.memory_space<vmem_shared>>
      %dma_wait3A_780 = tpu.memref_slice %arg14[%dma_wait3A_769] : memref<2x!tpu.dma_semaphore, #tpu.memory_space<semaphore_mem>> -> memref<1x!tpu.dma_semaphore, #tpu.memory_space<semaphore_mem>>
      %dma_wait3A_781 = tpu.memref_squeeze %dma_wait3A_780 : memref<1x!tpu.dma_semaphore, #tpu.memory_space<semaphore_mem>> -> memref<!tpu.dma_semaphore, #tpu.memory_space<semaphore_mem>>
      tpu.wait_indirect_dma semaphore(%dma_wait3A_781 : memref<!tpu.dma_semaphore, #tpu.memory_space<semaphore_mem>>) src(%dma_wait3A_773 : memref<128x32xf32, #tpu.memory_space<vmem>>) dst(%dma_wait3A_779 : memref<10240x32xf32, #tpu.memory_space<vmem_shared>>)
    }
    %scan3A_92 = arith.constant 8 : i32
    %barrier3A_93 = arith.constant 0 : index
    tpu.barrier barrier_id(%barrier3A_93)
    %eq3A = arith.constant 0 : i32
    %eq3A_94 = arith.cmpi eq, %arg0, %eq3A : i32
    %convert_element_type3A = arith.extui %eq3A_94 : i1 to i32
    %cond3A = arith.constant 0 : i32
    %cond3A_95 = arith.cmpi ne, %convert_element_type3A, %cond3A : i32
    scf.if %cond3A_95 {
      %mul3A_101 = arith.constant 640 : i32
      %mul3A_102 = arith.muli %arg1, %mul3A_101 : i32
      %mul3A_103 = arith.constant 640 : i32
      %mul3A_104 = arith.muli %arg1, %mul3A_103 : i32
      "tpu.region"() ({
        %run_scoped3A = tpu.sem_alloc : memref<!tpu.dma_semaphore, #tpu.memory_space<semaphore_mem>>
        %dma_start3A_105 = arith.constant 0 : i32
        %dma_start3A_106 = tpu.memref_slice %arg6[%mul3A_104, %dma_start3A_105] : memref<10240x32xf32, #tpu.memory_space<hbm>> -> memref<640x32xf32, #tpu.memory_space<hbm>>
        %dma_start3A_107 = arith.constant 0 : i32
        %dma_start3A_108 = tpu.memref_slice %arg11[%mul3A_102, %dma_start3A_107] : memref<10240x32xf32, #tpu.memory_space<vmem_shared>> -> memref<640x32xf32, #tpu.memory_space<vmem_shared>>
        tpu.enqueue_dma source(%dma_start3A_108 : memref<640x32xf32, #tpu.memory_space<vmem_shared>>) target(%dma_start3A_106 : memref<640x32xf32, #tpu.memory_space<hbm>>) target_semaphore(%run_scoped3A : memref<!tpu.dma_semaphore, #tpu.memory_space<semaphore_mem>>)
        %dma_wait3A = arith.constant 0 : i32
        %dma_wait3A_109 = tpu.memref_slice %arg6[%mul3A_104, %dma_wait3A] : memref<10240x32xf32, #tpu.memory_space<hbm>> -> memref<640x32xf32, #tpu.memory_space<hbm>>
        %dma_wait3A_110 = arith.constant 0 : i32
        %dma_wait3A_111 = tpu.memref_slice %arg11[%mul3A_102, %dma_wait3A_110] : memref<10240x32xf32, #tpu.memory_space<vmem_shared>> -> memref<640x32xf32, #tpu.memory_space<vmem_shared>>
        tpu.wait_dma2 semaphore(%run_scoped3A : memref<!tpu.dma_semaphore, #tpu.memory_space<semaphore_mem>>) src(%dma_wait3A_111 : memref<640x32xf32, #tpu.memory_space<vmem_shared>>) dst(%dma_wait3A_109 : memref<640x32xf32, #tpu.memory_space<hbm>>)
        tpu.yield
      }) : () -> ()
    } else {
    }
    %eq3A_96 = arith.constant 1 : i32
    %eq3A_97 = arith.cmpi eq, %arg0, %eq3A_96 : i32
    %convert_element_type3A_98 = arith.extui %eq3A_97 : i1 to i32
    %cond3A_99 = arith.constant 0 : i32
    %cond3A_100 = arith.cmpi ne, %convert_element_type3A_98, %cond3A_99 : i32
    scf.if %cond3A_100 {
      %mul3A_101 = arith.constant 640 : i32
      %mul3A_102 = arith.muli %arg1, %mul3A_101 : i32
      %mul3A_103 = arith.constant 640 : i32
      %mul3A_104 = arith.muli %arg1, %mul3A_103 : i32
      "tpu.region"() ({
        %run_scoped3A = tpu.sem_alloc : memref<!tpu.dma_semaphore, #tpu.memory_space<semaphore_mem>>
        %dma_start3A_105 = arith.constant 0 : i32
        %dma_start3A_106 = tpu.memref_slice %arg7[%mul3A_104, %dma_start3A_105] : memref<10240x32xf32, #tpu.memory_space<hbm>> -> memref<640x32xf32, #tpu.memory_space<hbm>>
        %dma_start3A_107 = arith.constant 0 : i32
        %dma_start3A_108 = tpu.memref_slice %arg11[%mul3A_102, %dma_start3A_107] : memref<10240x32xf32, #tpu.memory_space<vmem_shared>> -> memref<640x32xf32, #tpu.memory_space<vmem_shared>>
        tpu.enqueue_dma source(%dma_start3A_108 : memref<640x32xf32, #tpu.memory_space<vmem_shared>>) target(%dma_start3A_106 : memref<640x32xf32, #tpu.memory_space<hbm>>) target_semaphore(%run_scoped3A : memref<!tpu.dma_semaphore, #tpu.memory_space<semaphore_mem>>)
        %dma_wait3A = arith.constant 0 : i32
        %dma_wait3A_109 = tpu.memref_slice %arg7[%mul3A_104, %dma_wait3A] : memref<10240x32xf32, #tpu.memory_space<hbm>> -> memref<640x32xf32, #tpu.memory_space<hbm>>
        %dma_wait3A_110 = arith.constant 0 : i32
        %dma_wait3A_111 = tpu.memref_slice %arg11[%mul3A_102, %dma_wait3A_110] : memref<10240x32xf32, #tpu.memory_space<vmem_shared>> -> memref<640x32xf32, #tpu.memory_space<vmem_shared>>
        tpu.wait_dma2 semaphore(%run_scoped3A : memref<!tpu.dma_semaphore, #tpu.memory_space<semaphore_mem>>) src(%dma_wait3A_111 : memref<640x32xf32, #tpu.memory_space<vmem_shared>>) dst(%dma_wait3A_109 : memref<640x32xf32, #tpu.memory_space<hbm>>)
        tpu.yield
      }) : () -> ()
    } else {
    }
    return
  }
}

module attributes {stable_mosaic.version = 14 : i64} {
  func.func @body(%arg0: memref<10000x128xf32, #tpu.memory_space<vmem>>, %arg1: memref<128x32xf32, #tpu.memory_space<vmem>>, %arg2: memref<128x32xf32, #tpu.memory_space<vmem>>, %arg3: memref<2x320000xi32, #tpu.memory_space<vmem>>, %arg4: memref<20480x32xf32, #tpu.memory_space<vmem>>, %arg5: memref<2560x128xi32, #tpu.memory_space<vmem>>, %arg6: memref<2560x128xi32, #tpu.memory_space<vmem>>) attributes {dimension_semantics = [], scalar_prefetch = 0 : i64, scratch_operands = 0 : i64, tpu.core_type = #tpu.core_type<tc>} {
    %get3A = arith.constant 0 : index
    %get3A_0 = arith.constant 0 : index
    %get3A_1 = vector.load %arg0[%get3A, %get3A_0] : memref<10000x128xf32, #tpu.memory_space<vmem>>, vector<10000x128xf32>
    %get3A_2 = arith.constant 0 : index
    %get3A_3 = arith.constant 0 : index
    %get3A_4 = vector.load %arg1[%get3A_2, %get3A_3] : memref<128x32xf32, #tpu.memory_space<vmem>>, vector<128x32xf32>
    %dot_general3A = arith.constant dense<0.000000e+00> : vector<10000x32xf32>
    %dot_general3A_5 = tpu.matmul %get3A_1, %get3A_4, %dot_general3A {dimension_numbers = #tpu.dot_dimension_numbers<[1], [0], [0], [1], [0, 0, 1, 1], [], []>, transpose_lhs_hint = false} : vector<10000x128xf32>, vector<128x32xf32>, vector<10000x32xf32> -> vector<10000x32xf32>
    %swap3A = arith.constant 0 : index
    %swap3A_6 = arith.constant 0 : index
    %swap3A_7 = vector.load %arg4[%swap3A, %swap3A_6] : memref<20480x32xf32, #tpu.memory_space<vmem>>, vector<10000x32xf32>
    tpu.vector_store %arg4[%swap3A, %swap3A_6], %dot_general3A_5 {strides = array<i32>} : memref<20480x32xf32, #tpu.memory_space<vmem>>, vector<10000x32xf32>,
    %get3A_8 = arith.constant 0 : index
    %get3A_9 = arith.constant 0 : index
    %get3A_10 = vector.load %arg0[%get3A_8, %get3A_9] : memref<10000x128xf32, #tpu.memory_space<vmem>>, vector<10000x128xf32>
    %get3A_11 = arith.constant 0 : index
    %get3A_12 = arith.constant 0 : index
    %get3A_13 = vector.load %arg2[%get3A_11, %get3A_12] : memref<128x32xf32, #tpu.memory_space<vmem>>, vector<128x32xf32>
    %dot_general3A_14 = arith.constant dense<0.000000e+00> : vector<10000x32xf32>
    %dot_general3A_15 = tpu.matmul %get3A_10, %get3A_13, %dot_general3A_14 {dimension_numbers = #tpu.dot_dimension_numbers<[1], [0], [0], [1], [0, 0, 1, 1], [], []>, transpose_lhs_hint = false} : vector<10000x128xf32>, vector<128x32xf32>, vector<10000x32xf32> -> vector<10000x32xf32>
    %swap3A_16 = arith.constant 10240 : index
    %swap3A_17 = arith.constant 0 : index
    %swap3A_18 = vector.load %arg4[%swap3A_16, %swap3A_17] : memref<20480x32xf32, #tpu.memory_space<vmem>>, vector<10000x32xf32>
    tpu.vector_store %arg4[%swap3A_16, %swap3A_17], %dot_general3A_15 {strides = array<i32>} : memref<20480x32xf32, #tpu.memory_space<vmem>>, vector<10000x32xf32>,
    %broadcast_in_dim3A = arith.constant 0 : i32
    %broadcast_in_dim3A_19 = vector.broadcast %broadcast_in_dim3A : i32 to vector<64x128xi32>
    %swap3A_20 = arith.constant 2496 : index
    %swap3A_21 = arith.constant 0 : index
    %swap3A_22 = vector.load %arg5[%swap3A_20, %swap3A_21] : memref<2560x128xi32, #tpu.memory_space<vmem>>, vector<64x128xi32>
    tpu.vector_store %arg5[%swap3A_20, %swap3A_21], %broadcast_in_dim3A_19 {strides = array<i32>} : memref<2560x128xi32, #tpu.memory_space<vmem>>, vector<64x128xi32>,
    %broadcast_in_dim3A_23 = arith.constant 10000 : i32
    %broadcast_in_dim3A_24 = vector.broadcast %broadcast_in_dim3A_23 : i32 to vector<64x128xi32>
    %swap3A_25 = arith.constant 2496 : index
    %swap3A_26 = arith.constant 0 : index
    %swap3A_27 = vector.load %arg6[%swap3A_25, %swap3A_26] : memref<2560x128xi32, #tpu.memory_space<vmem>>, vector<64x128xi32>
    tpu.vector_store %arg6[%swap3A_25, %swap3A_26], %broadcast_in_dim3A_24 {strides = array<i32>} : memref<2560x128xi32, #tpu.memory_space<vmem>>, vector<64x128xi32>,
    %get3A_28 = arith.constant 0 : index
    %get3A_29 = arith.constant 0 : index
    %get3A_30 = vector.load %arg3[%get3A_28, %get3A_29] : memref<2x320000xi32, #tpu.memory_space<vmem>>, vector<1x320000xi32>
    %get3A_31 = vector.shape_cast %get3A_30 : vector<1x320000xi32> to vector<320000xi32>
    %reshape3A = vector.shape_cast %get3A_31 : vector<320000xi32> to vector<2500x128xi32>
    %swap3A_32 = arith.constant 0 : index
    %swap3A_33 = arith.constant 0 : index
    %swap3A_34 = vector.load %arg5[%swap3A_32, %swap3A_33] : memref<2560x128xi32, #tpu.memory_space<vmem>>, vector<2500x128xi32>
    tpu.vector_store %arg5[%swap3A_32, %swap3A_33], %reshape3A {strides = array<i32>} : memref<2560x128xi32, #tpu.memory_space<vmem>>, vector<2500x128xi32>,
    %get3A_35 = arith.constant 1 : index
    %get3A_36 = arith.constant 0 : index
    %get3A_37 = vector.load %arg3[%get3A_35, %get3A_36] : memref<2x320000xi32, #tpu.memory_space<vmem>>, vector<1x320000xi32>
    %get3A_38 = vector.shape_cast %get3A_37 : vector<1x320000xi32> to vector<320000xi32>
    %reshape3A_39 = vector.shape_cast %get3A_38 : vector<320000xi32> to vector<2500x128xi32>
    %swap3A_40 = arith.constant 0 : index
    %swap3A_41 = arith.constant 0 : index
    %swap3A_42 = vector.load %arg6[%swap3A_40, %swap3A_41] : memref<2560x128xi32, #tpu.memory_space<vmem>>, vector<2500x128xi32>
    tpu.vector_store %arg6[%swap3A_40, %swap3A_41], %reshape3A_39 {strides = array<i32>} : memref<2560x128xi32, #tpu.memory_space<vmem>>, vector<2500x128xi32>,
    return
  }
}

module attributes {stable_mosaic.version = 14 : i64} {
  func.func @body(%arg0: memref<20480x32xf32, #tpu.memory_space<vmem>>, %arg1: memref<20480x32xf32, #tpu.memory_space<vmem>>, %arg2: memref<10000x1xf32, #tpu.memory_space<vmem>>, %arg3: memref<1x64xf32, #tpu.memory_space<vmem>>, %arg4: memref<64x64xf32, #tpu.memory_space<vmem>>, %arg5: memref<1x64xf32, #tpu.memory_space<vmem>>, %arg6: memref<64x32xf32, #tpu.memory_space<vmem>>, %arg7: memref<10240x32xf32, #tpu.memory_space<vmem>>) attributes {dimension_semantics = [], scalar_prefetch = 0 : i64, scratch_operands = 0 : i64, tpu.core_type = #tpu.core_type<tc>} {
    %get3A = arith.constant 0 : index
    %get3A_0 = arith.constant 0 : index
    %get3A_1 = vector.load %arg0[%get3A, %get3A_0] : memref<20480x32xf32, #tpu.memory_space<vmem>>, vector<10000x32xf32>
    %get3A_2 = arith.constant 0 : index
    %get3A_3 = arith.constant 0 : index
    %get3A_4 = vector.load %arg1[%get3A_2, %get3A_3] : memref<20480x32xf32, #tpu.memory_space<vmem>>, vector<10000x32xf32>
    %add3A = arith.addf %get3A_1, %get3A_4 : vector<10000x32xf32>
    %get3A_5 = arith.constant 10240 : index
    %get3A_6 = arith.constant 0 : index
    %get3A_7 = vector.load %arg0[%get3A_5, %get3A_6] : memref<20480x32xf32, #tpu.memory_space<vmem>>, vector<10000x32xf32>
    %get3A_8 = arith.constant 10240 : index
    %get3A_9 = arith.constant 0 : index
    %get3A_10 = vector.load %arg1[%get3A_8, %get3A_9] : memref<20480x32xf32, #tpu.memory_space<vmem>>, vector<10000x32xf32>
    %add3A_11 = arith.addf %get3A_7, %get3A_10 : vector<10000x32xf32>
    %concatenate3A = tpu.concatenate %add3A, %add3A_11 in 1 : vector<10000x32xf32>, vector<10000x32xf32> -> vector<10000x64xf32>
    %get3A_12 = arith.constant 0 : index
    %get3A_13 = arith.constant 0 : index
    %get3A_14 = vector.load %arg3[%get3A_12, %get3A_13] : memref<1x64xf32, #tpu.memory_space<vmem>>, vector<1x64xf32>
    %add3A_15 = vector.broadcast %get3A_14 : vector<1x64xf32> to vector<10000x64xf32>
    %add3A_16 = arith.addf %concatenate3A, %add3A_15 : vector<10000x64xf32>
    %max3A = arith.constant 0.000000e+00 : f32
    %max3A_17 = vector.broadcast %max3A : f32 to vector<10000x64xf32>
    %max3A_18 = arith.maximumf %add3A_16, %max3A_17 : vector<10000x64xf32>
    %get3A_19 = arith.constant 0 : index
    %get3A_20 = arith.constant 0 : index
    %get3A_21 = vector.load %arg4[%get3A_19, %get3A_20] : memref<64x64xf32, #tpu.memory_space<vmem>>, vector<64x64xf32>
    %dot_general3A = arith.constant dense<0.000000e+00> : vector<10000x64xf32>
    %dot_general3A_22 = tpu.matmul %max3A_18, %get3A_21, %dot_general3A {dimension_numbers = #tpu.dot_dimension_numbers<[1], [0], [0], [1], [0, 0, 1, 1], [], []>, transpose_lhs_hint = false} : vector<10000x64xf32>, vector<64x64xf32>, vector<10000x64xf32> -> vector<10000x64xf32>
    %get3A_23 = arith.constant 0 : index
    %get3A_24 = arith.constant 0 : index
    %get3A_25 = vector.load %arg5[%get3A_23, %get3A_24] : memref<1x64xf32, #tpu.memory_space<vmem>>, vector<1x64xf32>
    %add3A_26 = vector.broadcast %get3A_25 : vector<1x64xf32> to vector<10000x64xf32>
    %add3A_27 = arith.addf %dot_general3A_22, %add3A_26 : vector<10000x64xf32>
    %get3A_28 = arith.constant 0 : index
    %get3A_29 = arith.constant 0 : index
    %get3A_30 = vector.load %arg2[%get3A_28, %get3A_29] : memref<10000x1xf32, #tpu.memory_space<vmem>>, vector<10000x1xf32>
    %mul3A = vector.broadcast %get3A_30 : vector<10000x1xf32> to vector<10000x64xf32>
    %mul3A_31 = arith.mulf %add3A_27, %mul3A : vector<10000x64xf32>
    %get3A_32 = arith.constant 0 : index
    %get3A_33 = arith.constant 0 : index
    %get3A_34 = vector.load %arg6[%get3A_32, %get3A_33] : memref<64x32xf32, #tpu.memory_space<vmem>>, vector<64x32xf32>
    %dot_general3A_35 = arith.constant dense<0.000000e+00> : vector<10000x32xf32>
    %dot_general3A_36 = tpu.matmul %mul3A_31, %get3A_34, %dot_general3A_35 {dimension_numbers = #tpu.dot_dimension_numbers<[1], [0], [0], [1], [0, 0, 1, 1], [], []>, transpose_lhs_hint = false} : vector<10000x64xf32>, vector<64x32xf32>, vector<10000x32xf32> -> vector<10000x32xf32>
    %swap3A = arith.constant 0 : index
    %swap3A_37 = arith.constant 0 : index
    %swap3A_38 = vector.load %arg7[%swap3A, %swap3A_37] : memref<10240x32xf32, #tpu.memory_space<vmem>>, vector<10000x32xf32>
    tpu.vector_store %arg7[%swap3A, %swap3A_37], %dot_general3A_36 {strides = array<i32>} : memref<10240x32xf32, #tpu.memory_space<vmem>>, vector<10000x32xf32>,
    return
  }
}

module attributes {stable_mosaic.version = 14 : i64} {
  func.func @body(%arg0: i32, %arg1: memref<1000x32xf32, #tpu.memory_space<vmem>>, %arg2: memref<1000x32xf32, #tpu.memory_space<vmem>>, %arg3: memref<1000x32xf32, #tpu.memory_space<vmem>>, %arg4: memref<1000x1xf32, #tpu.memory_space<vmem>>, %arg5: memref<1x32xf32, #tpu.memory_space<vmem>>, %arg6: memref<32x32xf32, #tpu.memory_space<vmem>>, %arg7: memref<1x32xf32, #tpu.memory_space<vmem>>, %arg8: memref<32x16xf32, #tpu.memory_space<vmem>>, %arg9: memref<1x16xf32, #tpu.memory_space<vmem>>, %arg10: memref<1x1x16xf32, #tpu.memory_space<vmem>>) attributes {dimension_semantics = [#tpu.dimension_semantics<arbitrary>], iteration_bounds = array<i64: 10>, scalar_prefetch = 0 : i64, scratch_operands = 0 : i64, tpu.core_type = #tpu.core_type<tc>, window_params = [{transform_indices = @transform_0, window_bounds = array<i64: 1000, 32>}, {transform_indices = @transform_1, window_bounds = array<i64: 1000, 32>}, {transform_indices = @transform_2, window_bounds = array<i64: 1000, 32>}, {transform_indices = @transform_3, window_bounds = array<i64: 1000, 1>}, {pipeline_mode = #tpu.pipeline_mode<synchronous>, transform_indices = @transform_4, window_bounds = array<i64: 1, 32>}, {pipeline_mode = #tpu.pipeline_mode<synchronous>, transform_indices = @transform_5, window_bounds = array<i64: 32, 32>}, {pipeline_mode = #tpu.pipeline_mode<synchronous>, transform_indices = @transform_6, window_bounds = array<i64: 1, 32>}, {pipeline_mode = #tpu.pipeline_mode<synchronous>, transform_indices = @transform_7, window_bounds = array<i64: 32, 16>}, {pipeline_mode = #tpu.pipeline_mode<synchronous>, transform_indices = @transform_8, window_bounds = array<i64: 1, 16>}, {transform_indices = @transform_9, window_bounds = array<i64: 1, 1, 16>}]} {
    %get3A = arith.constant 0 : index
    %get3A_0 = arith.constant 0 : index
    %get3A_1 = vector.load %arg1[%get3A, %get3A_0] : memref<1000x32xf32, #tpu.memory_space<vmem>>, vector<1000x32xf32>
    %get3A_2 = arith.constant 0 : index
    %get3A_3 = arith.constant 0 : index
    %get3A_4 = vector.load %arg2[%get3A_2, %get3A_3] : memref<1000x32xf32, #tpu.memory_space<vmem>>, vector<1000x32xf32>
    %add3A = arith.addf %get3A_1, %get3A_4 : vector<1000x32xf32>
    %get3A_5 = arith.constant 0 : index
    %get3A_6 = arith.constant 0 : index
    %get3A_7 = vector.load %arg3[%get3A_5, %get3A_6] : memref<1000x32xf32, #tpu.memory_space<vmem>>, vector<1000x32xf32>
    %add3A_8 = arith.addf %add3A, %get3A_7 : vector<1000x32xf32>
    %get3A_9 = arith.constant 0 : index
    %get3A_10 = arith.constant 0 : index
    %get3A_11 = vector.load %arg5[%get3A_9, %get3A_10] : memref<1x32xf32, #tpu.memory_space<vmem>>, vector<1x32xf32>
    %add3A_12 = vector.broadcast %get3A_11 : vector<1x32xf32> to vector<1000x32xf32>
    %add3A_13 = arith.addf %add3A_8, %add3A_12 : vector<1000x32xf32>
    %max3A = arith.constant 0.000000e+00 : f32
    %max3A_14 = vector.broadcast %max3A : f32 to vector<1000x32xf32>
    %max3A_15 = arith.maximumf %add3A_13, %max3A_14 : vector<1000x32xf32>
    %get3A_16 = arith.constant 0 : index
    %get3A_17 = arith.constant 0 : index
    %get3A_18 = vector.load %arg6[%get3A_16, %get3A_17] : memref<32x32xf32, #tpu.memory_space<vmem>>, vector<32x32xf32>
    %dot_general3A = arith.constant dense<0.000000e+00> : vector<1000x32xf32>
    %dot_general3A_19 = tpu.matmul %max3A_15, %get3A_18, %dot_general3A {dimension_numbers = #tpu.dot_dimension_numbers<[1], [0], [0], [1], [0, 0, 1, 1], [], []>, transpose_lhs_hint = false} : vector<1000x32xf32>, vector<32x32xf32>, vector<1000x32xf32> -> vector<1000x32xf32>
    %get3A_20 = arith.constant 0 : index
    %get3A_21 = arith.constant 0 : index
    %get3A_22 = vector.load %arg7[%get3A_20, %get3A_21] : memref<1x32xf32, #tpu.memory_space<vmem>>, vector<1x32xf32>
    %add3A_23 = vector.broadcast %get3A_22 : vector<1x32xf32> to vector<1000x32xf32>
    %add3A_24 = arith.addf %dot_general3A_19, %add3A_23 : vector<1000x32xf32>
    %get3A_25 = arith.constant 0 : index
    %get3A_26 = arith.constant 0 : index
    %get3A_27 = vector.load %arg4[%get3A_25, %get3A_26] : memref<1000x1xf32, #tpu.memory_space<vmem>>, vector<1000x1xf32>
    %mul3A = vector.broadcast %get3A_27 : vector<1000x1xf32> to vector<1000x32xf32>
    %mul3A_28 = arith.mulf %add3A_24, %mul3A : vector<1000x32xf32>
    %reduce_max3A = arith.constant dense<0xFF800000> : vector<32xf32>
    %reduce_max3A_29 = vector.multi_reduction <maximumf>, %mul3A_28, %reduce_max3A [0] : vector<1000x32xf32> to vector<32xf32>
    %broadcast_in_dim3A = vector.shape_cast %reduce_max3A_29 : vector<32xf32> to vector<1x32xf32>
    %get3A_30 = arith.constant 0 : index
    %get3A_31 = arith.constant 0 : index
    %get3A_32 = vector.load %arg8[%get3A_30, %get3A_31] : memref<32x16xf32, #tpu.memory_space<vmem>>, vector<32x16xf32>
    %dot_general3A_33 = arith.constant dense<0.000000e+00> : vector<1x16xf32>
    %dot_general3A_34 = tpu.matmul %broadcast_in_dim3A, %get3A_32, %dot_general3A_33 {dimension_numbers = #tpu.dot_dimension_numbers<[1], [0], [0], [1], [0, 0, 1, 1], [], []>, transpose_lhs_hint = false} : vector<1x32xf32>, vector<32x16xf32>, vector<1x16xf32> -> vector<1x16xf32>
    %get3A_35 = arith.constant 0 : index
    %get3A_36 = arith.constant 0 : index
    %get3A_37 = vector.load %arg9[%get3A_35, %get3A_36] : memref<1x16xf32, #tpu.memory_space<vmem>>, vector<1x16xf32>
    %add3A_38 = arith.addf %dot_general3A_34, %get3A_37 : vector<1x16xf32>
    %broadcast_in_dim3A_39 = vector.shape_cast %add3A_38 : vector<1x16xf32> to vector<1x1x16xf32>
    %swap3A = arith.constant 0 : index
    %swap3A_40 = arith.constant 0 : index
    %swap3A_41 = arith.constant 0 : index
    %swap3A_42 = vector.load %arg10[%swap3A, %swap3A_40, %swap3A_41] : memref<1x1x16xf32, #tpu.memory_space<vmem>>, vector<1x1x16xf32>
    tpu.vector_store %arg10[%swap3A, %swap3A_40, %swap3A_41], %broadcast_in_dim3A_39 {strides = array<i32>} : memref<1x1x16xf32, #tpu.memory_space<vmem>>, vector<1x1x16xf32>,
    return
  }
  func.func @transform_0(%arg0: i32) -> (i32, i32) {
    %c0_i32 = arith.constant 0 : i32
    %c0_i32_0 = arith.constant 0 : i32
    return %arg0, %c0_i32 : i32, i32
  }
  func.func @transform_1(%arg0: i32) -> (i32, i32) {
    %c0_i32 = arith.constant 0 : i32
    %c0_i32_0 = arith.constant 0 : i32
    return %arg0, %c0_i32 : i32, i32
  }
  func.func @transform_2(%arg0: i32) -> (i32, i32) {
    %c0_i32 = arith.constant 0 : i32
    %c0_i32_0 = arith.constant 0 : i32
    return %arg0, %c0_i32 : i32, i32
  }
  func.func @transform_3(%arg0: i32) -> (i32, i32) {
    %c0_i32 = arith.constant 0 : i32
    %c0_i32_0 = arith.constant 0 : i32
    return %arg0, %c0_i32 : i32, i32
  }
  func.func @transform_4(%arg0: i32) -> (i32, i32) {
    %c0_i32 = arith.constant 0 : i32
    %c0_i32_0 = arith.constant 0 : i32
    %c0_i32_1 = arith.constant 0 : i32
    return %c0_i32, %c0_i32_0 : i32, i32
  }
  func.func @transform_5(%arg0: i32) -> (i32, i32) {
    %c0_i32 = arith.constant 0 : i32
    %c0_i32_0 = arith.constant 0 : i32
    %c0_i32_1 = arith.constant 0 : i32
    return %c0_i32, %c0_i32_0 : i32, i32
  }
  func.func @transform_6(%arg0: i32) -> (i32, i32) {
    %c0_i32 = arith.constant 0 : i32
    %c0_i32_0 = arith.constant 0 : i32
    %c0_i32_1 = arith.constant 0 : i32
    return %c0_i32, %c0_i32_0 : i32, i32
  }
  func.func @transform_7(%arg0: i32) -> (i32, i32) {
    %c0_i32 = arith.constant 0 : i32
    %c0_i32_0 = arith.constant 0 : i32
    %c0_i32_1 = arith.constant 0 : i32
    return %c0_i32, %c0_i32_0 : i32, i32
  }
  func.func @transform_8(%arg0: i32) -> (i32, i32) {
    %c0_i32 = arith.constant 0 : i32
    %c0_i32_0 = arith.constant 0 : i32
    %c0_i32_1 = arith.constant 0 : i32
    return %c0_i32, %c0_i32_0 : i32, i32
  }
  func.func @transform_9(%arg0: i32) -> (i32, i32, i32) {
    %c0_i32 = arith.constant 0 : i32
    %c0_i32_0 = arith.constant 0 : i32
    %c0_i32_1 = arith.constant 0 : i32
    return %arg0, %c0_i32, %c0_i32_0 : i32, i32, i32
  }
}

</mosaic_0001>

<sc_bundles>
// kernel: kernel.10.cloned.1.call-start
scs
__scs_entry_jumppad:
0x0: {  	(pc) =	sbr.rel $0x88, $3  }
0x1: {  	(tag) =	ssettag $0x0;
	lr =	simm.s32 $0x1  }
0x2: {  	[smem:$0x3F94] =	sst lr;
	_ =	strace $0xD0000000  }
0x3: {  	_ = 	snop  }
0x4: {  	_ = 	snop  }
0x5: {  	_ = 	snop  }
0x6: {  	_ = 	snop  }
0x7: {  	_ = 	snop  }
__scs_overlays_trampoline_lowered:
0x8: {  	[smem:$0x3FA3] =	sst s0  }
0x9: {  	[smem:$0x3FA4] =	sst s1  }
0xa: {  	[smem:$0x3FA5] =	sst s2  }
0xb: {  	[smem:$0x3FA6] =	sst s3  }
0xc: {  	[smem:$0x3FA7] =	sst s4  }
0xd: {  	[smem:$0x3FA8] =	sst s5  }
0xe: {  	[smem:$0x3FA9] =	sst s6  }
0xf: {  	[smem:$0x3FAA] =	sst s7  }
0x10: {  	[smem:$0x3FAB] =	sst s8  }
0x11: {  	[smem:$0x3FAC] =	sst s9;
	s0 =	simm.s32 @!p0 $0x0  }
0x12: {  	s1 =	sld [smem:$0x3F92];
	s0 =	simm.s32 @p0 $0x1  }
0x13: {  	[smem:$0x3FAD] =	sst s0;
	s0 =	simm.s32 @!p1 $0x0  }
0x14: {  	s2 =	sld [smem:$0x3F91];
	s0 =	simm.s32 @p1 $0x1  }
0x15: {  	[smem:$0x3FAE] =	sst s0;
	s0 =	simm.s32 @!p2 $0x0  }
0x16: {  	s3 =	sld [smem:$0x3FDB];
	s0 =	simm.s32 @p2 $0x1  }
0x17: {  	s4 =	simm.s32 $0x1BF5;
	[smem:$0x3FB0] =	sst s0  }
0x18: {  	s0 =	sld [smem:$0x3F93];
	_ =	swait.ge [sflag:s4], $0x0  }
0x19: {  	s7 =	sld [smem:$0x3F94]  }
0x1a: {  	s8 =	sadd.s32 $0xFFFFE003, lr  }
0x1b: {  	s9 =	sadd.s32 $0xFFFFFEF7, lr;
	s5 =	simm.s32 $0xFFFFFFFF;
	p2 =	slt.u32 s8, $0xFFFFF086  }
0x1c: {  	p1 =	slt.u32 s9, $0xF7A;
	s5 =	simm.s32 @!p2 $0x0  }
0x1d: {  	s5 =	simm.s32 @p1 $0x1;
	p0 =	seq.s32 s7, s2  }
0x1e: {  	s7 =	smul.u32 @!p0 $0xF7A, s2;
	p2 =	seq.s32 @!p0 s5, $0x0  }
0x1f: {  	s9 =	smul.u32 $0xF7A, s1;
	s8 =	simm.s32 @!p0 $0x1BF5;
	p2 =	por !p2, p0  }
0x20: {  	[sflag:s8] =	ssyncset.s32 @!p0 $0xFFFFF086;
	s6 =	sadd.s32 @!p0 s3, s7;
	s7 =	simm.s32 @!p0 $0x108  }
0x21: {  	s3 =	sadd.s32 s3, s9;
	s6 =	sadd.s32 @!p0 $0x88, s6;
	s7 =	simm.s32 @p2 $0x1082  }
0x22: {  	[simem:s7], [sflag:s8] =	dma.local @!p0 [hbm:s6], $0xF7A  }
0x23: {  	s9 =	sor.u32 $0xD0000000, s2;
	s6 =	simm.s32 $0x108;
	_ =	swait.ge @!p0 [sflag:s8], $0x0  }
0x24: {  	s3 =	sadd.s32 $0x88, s3;
	s6 =	simm.s32 @!p1 $0x1082;
	[sflag:s4] =	ssyncset.s32 $0xFFFFF086  }
0x25: {  	[simem:s6], [sflag:s4] =	dma.local [hbm:s3], $0xF7A  }
0x26: {  	[smem:$0x3F94] =	sst s1;
	(tag) =	ssettag s2;
	_ =	strace s9  }
0x27: {  	s1 =	sld [smem:$0x3FA4]  }
0x28: {  	s2 =	sld [smem:$0x3FA5]  }
0x29: {  	s4 =	sld [smem:$0x3FA7]  }
0x2a: {  	p0 =	seq.s32 s5, $0x0;
	s5 =	sld [smem:$0x3FA8]  }
0x2b: {  	s6 =	sld [smem:$0x3FA9]  }
0x2c: {  	s7 =	sld [smem:$0x3FAA]  }
0x2d: {  	s3 =	simm.s32 $0x108;
	s8 =	sld [smem:$0x3FAB]  }
0x2e: {  	s3 =	simm.s32 @!p0 $0x1082;
	s9 =	sld [smem:$0x3FAC]  }
0x2f: {  	lr =	sadd.s32 s0, s3;
	s0 =	sld [smem:$0x3FA3]  }
0x30: {  	s3 =	sld [smem:$0x3FA6]  }
0x31: {  	[smem:$0x3FAF] =	sst s10  }
0x32: {  	s10 =	sld [smem:$0x3FAD];
	_ =	sdelay $0x3  }
0x33: {  	p0 =	seq.s32 s10, $0x1;
	s10 =	sld [smem:$0x3FAF];
	_ =	sdelay $0x3  }
0x34: {  	[smem:$0x3FAF] =	sst s10  }
0x35: {  	s10 =	sld [smem:$0x3FAE];
	_ =	sdelay $0x3  }
0x36: {  	p1 =	seq.s32 s10, $0x1;
	s10 =	sld [smem:$0x3FAF];
	_ =	sdelay $0x3  }
0x37: {  	[smem:$0x3FAF] =	sst s10  }
0x38: {  	s10 =	sld [smem:$0x3FB0]  }
0x39: {  	_ = 	snop;
	(pc) =	sbr.ind lr, $3  }
0x3a: {  	_ = 	snop  }
0x3b: {  	_ = 	snop  }
0x3c: {  	p2 =	seq.s32 s10, $0x1;
	s10 =	sld [smem:$0x3FAF]  }
0x3d: {  	_ =	shalt  }
0x3e: {  	_ =	shalt  }
0x3f: {  	_ =	shalt  }
0x40: {  	_ =	shalt  }
0x41: {  	_ =	shalt  }
0x42: {  	_ =	shalt  }
0x43: {  	_ =	shalt  }
0x44: {  	_ =	shalt  }
0x45: {  	_ =	shalt  }
0x46: {  	_ =	shalt  }
0x47: {  	_ =	shalt  }
0x48: {  	_ =	shalt  }
0x49: {  	_ =	shalt  }
0x4a: {  	_ =	shalt  }
0x4b: {  	_ =	shalt  }
0x4c: {  	_ =	shalt  }
0x4d: {  	_ =	shalt  }
0x4e: {  	_ =	shalt  }
0x4f: {  	_ =	shalt  }
0x50: {  	_ =	shalt  }
0x51: {  	_ =	shalt  }
0x52: {  	_ =	shalt  }
0x53: {  	_ =	shalt  }
0x54: {  	_ =	shalt  }
0x55: {  	_ =	shalt  }
0x56: {  	_ =	shalt  }
0x57: {  	_ =	shalt  }
0x58: {  	_ =	shalt  }
0x59: {  	_ =	shalt  }
0x5a: {  	_ =	shalt  }
0x5b: {  	_ =	shalt  }
0x5c: {  	_ =	shalt  }
0x5d: {  	_ =	shalt  }
0x5e: {  	_ =	shalt  }
0x5f: {  	_ =	shalt  }
0x60: {  	_ =	shalt  }
0x61: {  	_ =	shalt  }
0x62: {  	_ =	shalt  }
0x63: {  	_ =	shalt  }
0x64: {  	_ =	shalt  }
0x65: {  	_ =	shalt  }
0x66: {  	_ =	shalt  }
0x67: {  	_ =	shalt  }
0x68: {  	_ =	shalt  }
0x69: {  	_ =	shalt  }
0x6a: {  	_ =	shalt  }
0x6b: {  	_ =	shalt  }
0x6c: {  	_ =	shalt  }
0x6d: {  	_ =	shalt  }
0x6e: {  	_ =	shalt  }
0x6f: {  	_ =	shalt  }
0x70: {  	_ =	shalt  }
0x71: {  	_ =	shalt  }
0x72: {  	_ =	shalt  }
0x73: {  	_ =	shalt  }
0x74: {  	_ =	shalt  }
0x75: {  	_ =	shalt  }
0x76: {  	_ =	shalt  }
0x77: {  	_ =	shalt  }
0x78: {  	_ =	shalt  }
0x79: {  	_ =	shalt  }
0x7a: {  	_ =	shalt  }
0x7b: {  	_ =	shalt  }
0x7c: {  	_ =	shalt  }
0x7d: {  	_ =	shalt  }
0x7e: {  	_ =	shalt  }
0x7f: {  	_ =	shalt  }
0x80: {  	_ =	shalt  }
0x81: {  	_ =	shalt  }
0x82: {  	_ =	shalt  }
0x83: {  	_ =	shalt  }
0x84: {  	_ =	shalt  }
0x85: {  	_ =	shalt  }
0x86: {  	_ =	shalt  }
0x87: {  	_ =	shalt  }
.Lfunc_end0:
.L_simem_size_0:
called_computation.1_lowered:
.L_overlay_start_0:
0x88: {  	s2 =	sld [smem:$0x3FD9]  }
0x89: {  	s3 =	sld [smem:$0x3FFE];
	_ =	sdelay $0x1  }
0x8a: {  	s1 =	srdreg.scid  }
0x8b: {  	s0 =	sand.u32 $0x1, s1  }
0x8c: {  	s16 =	sshll.u32 s0, $0xA;
	s2 =	sadd.s32 s3, s2  }
0x8d: {  	s2 =	sadd.s32 s2, s16  }
0x8e: {  	[smem:$0x3FBB] =	sst s2  }
0x8f: {  	_ = 	snop  }
0x90: {  	(tm) =	ssettm $0x1  }
0x91: {  	s17 =	sld [smem:$0x3FFB];
	_ =	sdelay $0x3  }
0x92: {  	_ =	strace s17  }
0x93: {  	s2 =	sld [smem:$0x3FFC];
	_ =	sdelay $0x3  }
0x94: {  	_ =	strace s2  }
0x95: {  	s2 =	sld [smem:$0x3FFD];
	_ =	sdelay $0x3  }
0x96: {  	_ =	strace s2  }
0x97: {  	_ =	strace $0x8FFFFFFF  }
0x98: {  	s18 =	sld [smem:$0x3FDB];
	_ =	sdelay $0x1  }
0x99: {  	s19 =	simm.s32 $_scs_section_size  }
0x9a: {  	s4 =	simm.s32 $_size__tile_overlayer_lowered;
	s5 =	simm.s32 $_tile_overlayer_lowered  }
0x9b: {  	s22 =	simm.s32 $0x1BFF;
	s21 =	sshll.u32 s5, $0x1;
	s2 =	sadd.s32 s19, s18  }
0x9c: {  	s6 =	simm.s32 $0x0;
	s20 =	sshll.u32 s4, $0x1;
	s4 =	sadd.s32 s21, s2  }
0x9d: {  	[timem:s6], [sflag:s22] =	dma.local [hbm:s4], s20  }
0x9e: {  	_ =	swait.ge [sflag:s22], s20  }
0x9f: {  	s3 =	ssub.s32 $0x0, s20;
	[sflag:s22] =	ssyncset.done $0x0  }
0xa0: {  	[sflag:s22] =	ssyncadd.s32 s3;
	_ =	sdelay $0x1  }
0xa1: {  	s23 =	simm.s32 $0x1B8B  }
0xa2: {  	_ =	swait.ge [sflag:s23], $0x1  }
0xa3: {  	[sflag:s23] =	ssyncset.done $0x0  }
0xa4: {  	s25 =	simm.s32 $0x1B8E;
	s24 =	sld [smem:$0x3FFE];
	[sflag:s23] =	ssyncadd.s32 $0xFFFFFFFF  }
0xa5: {  	s26 =	simm.s32 $execute0_lowered;
	[smem:$0x3FD2] =	sst s25  }
0xa6: {  	s4 =	sshll.u32 s26, $0x1;
	_ =	strace $0x80000049;
	[dreg:$0x1] =	wrdreg $0xFFFFFFFF  }
0xa7: {  	s28 =	simm.s32 $_size_execute0_lowered;
	s2 =	sadd.s32 s2, s4;
	[dreg:$0x0] =	wrdreg $0x0  }
0xa8: {  	s4 =	sshll.u32 s28, $0x1;
	[dreg:$0x2] =	wrdreg s2  }
0xa9: {  	[dreg:$0x3] =	wrdreg s4  }
0xaa: {  	[dreg:$0x4] =	wrdreg $0xC0  }
0xab: {  	_ =	task [dreg:s6], $0x5FFFF  }
0xac: {  	[dreg:$0x1] =	wrdreg $0xFFFFFFFF  }
0xad: {  	[dreg:$0x0] =	wrdreg $0x60  }
0xae: {  	[dreg:$0x2] =	wrdreg s24  }
0xaf: {  	[dreg:$0x3] =	wrdreg $0x140000  }
0xb0: {  	[dreg:$0x4] =	wrdreg $0xF0000  }
0xb1: {  	[dreg:$0x5] =	wrdreg $0x9  }
0xb2: {  	_ =	task.clear_ibuf [dreg:s6], $0x6FFFF;
	_ =	strace $0x90000049  }
0xb3: {  	s29 =	simm.s32 $0x9;
	_ =	strace $0x8000004B  }
0xb4: {  	_ =	swait.ge [sflag:s29], $0x1  }
0xb5: {  	[sflag:s29] =	ssyncadd.s32 $0xFFFFFFFF  }
0xb6: {  	_ =	strace $0x9000004B  }
0xb7: {  	_ =	sfence  }
0xb8: {  	s30 =	sld [smem:$0x0];
	_ =	sdelay $0x2  }
0xb9: {  	s31 =	sshll.u32 s1, $0xD;
	s1 =	sshrl.u32 s1, $0x2  }
0xba: {  	s3 =	sand.u32 $0x4000, s31;
	s1 =	sadd.s32 s1, s30  }
0xbb: {  	s0 =	sor.u32 s3, s0;
	s1 =	sshll.u32 s1, $0x11  }
0xbc: {  	s0 =	sor.u32 s1, s0  }
0xbd: {  	s0 =	sadd.s32 $0x8F2B, s0  }
0xbe: {  	[sflag:s0] =	ssyncadd.remote.s32 $0x1  }
0xbf: {  	_ =	sfence.sel $0xFFFF  }
0xc0: {  	[dreg:$0x0] =	wrdreg $0xFFFFFFFF;
	(pc) =	sbr.abs _section_cstart, $3  }
0xc1: {  	[dreg:$0x1] =	wrdreg $0xFFFFFFFF  }
0xc2: {  	_ =	task.clear_ibuf [dreg:s6], $0x2FFFF;
	_ =	strace $0x9FFFFFFF  }
0xc3: {  	(tm) =	ssettm $0x7FFFFFFF  }
tec
execute0_lowered:
.L_overlay_start_1:
0x0: {  	(tag) =	ssettag $0x1  }
0x1: {  	s0 =	rddreg [dreg:$0x0]  }
0x2: {  	s1 =	srdreg.scid;
	s2 =	rddreg [dreg:$0x1]  }
0x3: {  	s9 =	stileid.u32;
	s3 =	rddreg [dreg:$0x2]  }
0x4: {  	s4 =	simm.s32 $0x0;
	s11 =	simm.s32 $0x5;
	s16 =	simm.s32 $0x80  }
0x5: {  	s17 =	simm.s32 $0x5000;
	s18 =	simm.s32 $0x6000;
	s28 =	simm.s32 $0xC000  }
0x6: {  	s29 =	simm.s32 $0xD000;
	s30 =	simm.s32 $0xE000;
	s31 =	simm.s32 $0x1  }
0x7: {  	s12 =	simm.s32 $0x4;
	s1 =	sand.u32 $0x1, s1;
	s6 =	smul.u32 $0x50, s9  }
0x8: {  	[smem:$0x7FF] =	sst s4;
	s19 =	smul.u32 $0x5000, s9;
	s25 =	sshll.u32 s9, $0x6  }
0x9: {  	s5 =	smul.u32 $0x500, s1;
	_ =	strace $0x8000004A;
	s8 =	ssub.s32 $0x2, s1  }
0xa: {  	p0 =	seq.s32 s1, $0x1;
	s1 =	simm.s32 $0x20A00;
	s13 =	sor.u32 $0x1C05, s25  }
0xb: {  	s25 =	simm.s32 $0xA000;
	s7 =	sshrl.u32 s19, $0x3;
	s20 =	sshrl.u32 s8, $0x1  }
0xc: {  	s22 =	sadd.s32 s19, s2;
	s1 =	simm.s32 @!p0 $0x2B400;
	s5 =	sadd.s32 s6, s5  }
0xd: {  	s10 =	sadd.s32 s7, s0;
	s6 =	sadd.s32 s19, s3;
	s26 =	sshrl.u32 s22, $0x3  }
0xe: {  	s22 =	simm.s32 $0x8000;
	s19 =	simm.s32 $0x0;
	s5 =	sshll.u32 s5, $0x4  }
0xf: {  	s23 =	sadd.s32 $0x16A00, s10;
	s24 =	sadd.s32 s1, s10;
	[dreg:$0xa] =	wrdreg s26  }
0x10: {  	s15 =	sshrl.u32 s6, $0x3;
	s26 =	simm.s32 $0xB000;
	[dreg:$0x7] =	wrdreg s23  }
0x11: {  	s5 =	sadd.s32 s5, s0;
	s0 =	sadd.s32 $0x2AA00, s0;
	[dreg:$0x9] =	wrdreg s24  }
0x12: {  	s1 =	simm.s32 $0x3;
	[dreg:$0x4] =	wrdreg s0;
	s21 =	sadd.s32 $0x2A00, s5  }
0x13: {  	s0 =	ssub.s32 s8, s20;
	s5 =	sadd.s32 $0xCA00, s5;
	[dreg:$0x5] =	wrdreg s21  }
0x14: {  	s24 =	simm.s32 $0x9000;
	[dreg:$0x6] =	wrdreg s5;
	s0 =	smax.u32 s0, $0x1  }
0x15: {  	s20 =	simm.s32 $0x7000;
	[dreg:$0x8] =	wrdreg s0;
	s0 =	simm.s32 $0x2  }
.LBB2_1:
0x16: {  	s5 =	rddreg [dreg:$0x5]  }
0x17: {  	[tilespmem:s4], [sflag:$0x5] =	stream.linear.gather [hbm4b:s5+s4], $0x2800, $0x38;
	[tilespmem:$0x19000] =	vst v63  }
0x18: {  	_ =	swait.ge [sflag:s11], $0x2800  }
0x19: {  	[sflag:s11] =	ssyncset.done $0x0  }
0x1a: {  	s6 =	simm.s32 $0x2800;
	s8 =	rddreg [dreg:$0x6];
	[sflag:s11] =	ssyncadd.s32 $0xFFFFD800  }
0x1b: {  	[tilespmem:s6], [sflag:$0x5] =	stream.linear.gather [hbm4b:s8+s4], $0x2800, $0x38;
	[tilespmem:$0x19000] =	vst v63  }
0x1c: {  	_ =	swait.ge [sflag:s11], $0x2800  }
0x1d: {  	[sflag:s11] =	ssyncset.done $0x0;
	s9 =	rddreg [dreg:$0x7]  }
0x1e: {  	s10 =	rddreg [dreg:$0xa];
	[sflag:s11] =	ssyncadd.s32 $0xFFFFD800  }
0x1f: {  	[spmem:s10], [sflag:s13] =	dma.local [hbm:s9], $0xA00  }
0x20: {  	_ =	swait.ge [sflag:s11], $0xA00  }
0x21: {  	[sflag:s11] =	ssyncset.done $0x0  }
0x22: {  	s14 =	rddreg [dreg:$0x4];
	[sflag:s11] =	ssyncadd.s32 $0xFFFFF600  }
0x23: {  	[spmem:s15], [sflag:s13] =	dma.local [hbm:s14], $0xA00  }
0x24: {  	_ =	swait.ge [sflag:s11], $0xA00  }
0x25: {  	[sflag:s11] =	ssyncset.done $0x0  }
0x26: {  	[sflag:s11] =	ssyncadd.s32 $0xFFFFF600  }
0x27: {  	[bflag:$0x0] =	sbarrier.arrive $0xFFFF  }
0x28: {  	[tilespmem:s17], [sflag:$0x1] =	stream.indirect.gather [spmem:s2], $0x20, s4, s16, $0xb8;
	[tilespmem:$0x19000] =	vst v63  }
0x29: {  	_ = 	snop  }
0x2a: {  	[tilespmem:s18], [sflag:$0x1] =	stream.indirect.gather [spmem:s2], $0x20, s16, s16, $0xb8;
	[tilespmem:$0x19000] =	vst v63  }
0x2b: {  	s21 =	simm.s32 $0x100  }
0x2c: {  	[tilespmem:s20], [sflag:$0x1] =	stream.indirect.gather [spmem:s2], $0x20, s21, s16, $0xb8;
	[tilespmem:$0x19000] =	vst v63  }
0x2d: {  	s23 =	simm.s32 $0x180  }
0x2e: {  	[tilespmem:s22], [sflag:$0x1] =	stream.indirect.gather [spmem:s2], $0x20, s23, s16, $0xb8;
	[tilespmem:$0x19000] =	vst v63  }
0x2f: {  	s6 =	simm.s32 $0x200  }
0x30: {  	[tilespmem:s24], [sflag:$0x1] =	stream.indirect.gather [spmem:s2], $0x20, s6, s16, $0xb8;
	[tilespmem:$0x19000] =	vst v63  }
0x31: {  	s7 =	simm.s32 $0x280  }
0x32: {  	[tilespmem:s25], [sflag:$0x2] =	stream.indirect.gather [spmem:s2], $0x20, s7, s16, $0xb8;
	[tilespmem:$0x19000] =	vst v63  }
0x33: {  	s8 =	simm.s32 $0x300  }
0x34: {  	[tilespmem:s26], [sflag:$0x2] =	stream.indirect.gather [spmem:s2], $0x20, s8, s16, $0xb8;
	[tilespmem:$0x19000] =	vst v63  }
0x35: {  	s9 =	simm.s32 $0x380  }
0x36: {  	[tilespmem:s28], [sflag:$0x2] =	stream.indirect.gather [spmem:s2], $0x20, s9, s16, $0xb8;
	[tilespmem:$0x19000] =	vst v63  }
0x37: {  	s10 =	simm.s32 $0x400  }
0x38: {  	[tilespmem:s29], [sflag:$0x2] =	stream.indirect.gather [spmem:s2], $0x20, s10, s16, $0xb8;
	[tilespmem:$0x19000] =	vst v63  }
0x39: {  	s14 =	simm.s32 $0x480  }
0x3a: {  	[tilespmem:s30], [sflag:$0x2] =	stream.indirect.gather [spmem:s2], $0x20, s14, s16, $0xb8;
	[tilespmem:$0x19000] =	vst v63  }
0x3b: {  	_ =	swait.ge [sflag:s31], $0x1000  }
0x3c: {  	[sflag:s31] =	ssyncset.done $0x0  }
0x3d: {  	[sflag:s31] =	ssyncadd.s32 $0xFFFFF000  }
0x3e: {  	_ =	swait.ge [sflag:s31], $0x1000  }
0x3f: {  	[sflag:s31] =	ssyncset.done $0x0  }
0x40: {  	[sflag:s31] =	ssyncadd.s32 $0xFFFFF000  }
0x41: {  	_ =	swait.ge [sflag:s31], $0x1000  }
0x42: {  	[sflag:s31] =	ssyncset.done $0x0  }
0x43: {  	[sflag:s31] =	ssyncadd.s32 $0xFFFFF000  }
0x44: {  	_ =	swait.ge [sflag:s31], $0x1000  }
0x45: {  	[sflag:s31] =	ssyncset.done $0x0  }
0x46: {  	[sflag:s31] =	ssyncadd.s32 $0xFFFFF000  }
0x47: {  	_ =	swait.ge [sflag:s31], $0x1000  }
0x48: {  	[sflag:s31] =	ssyncset.done $0x0  }
0x49: {  	s21 =	simm.s32 $0x2800;
	[sflag:s31] =	ssyncadd.s32 $0xFFFFF000  }
0x4a: {  	[spmem:s3] =	stream.indirect.scatter.add.f32 [tilespmem:s17], [sflag:$0x3], $0x20, s21, s16, $0xb8;
	[tilespmem:$0x19000] =	vst v63  }
0x4b: {  	s23 =	simm.s32 $0x2880  }
0x4c: {  	[spmem:s3] =	stream.indirect.scatter.add.f32 [tilespmem:s18], [sflag:$0x3], $0x20, s23, s16, $0xb8;
	[tilespmem:$0x19000] =	vst v63  }
0x4d: {  	s6 =	simm.s32 $0x2900  }
0x4e: {  	[spmem:s3] =	stream.indirect.scatter.add.f32 [tilespmem:s20], [sflag:$0x3], $0x20, s6, s16, $0xb8;
	[tilespmem:$0x19000] =	vst v63  }
0x4f: {  	s7 =	simm.s32 $0x2980  }
0x50: {  	[spmem:s3] =	stream.indirect.scatter.add.f32 [tilespmem:s22], [sflag:$0x3], $0x20, s7, s16, $0xb8;
	[tilespmem:$0x19000] =	vst v63  }
0x51: {  	s8 =	simm.s32 $0x2A00  }
0x52: {  	[spmem:s3] =	stream.indirect.scatter.add.f32 [tilespmem:s24], [sflag:$0x3], $0x20, s8, s16, $0xb8;
	[tilespmem:$0x19000] =	vst v63  }
0x53: {  	_ =	swait.ge [sflag:s1], $0x1000  }
0x54: {  	[sflag:s1] =	ssyncset.done $0x0  }
0x55: {  	[sflag:s1] =	ssyncadd.s32 $0xFFFFF000  }
0x56: {  	_ =	swait.ge [sflag:s1], $0x1000  }
0x57: {  	[sflag:s1] =	ssyncset.done $0x0  }
0x58: {  	[sflag:s1] =	ssyncadd.s32 $0xFFFFF000  }
0x59: {  	_ =	swait.ge [sflag:s1], $0x1000  }
0x5a: {  	[sflag:s1] =	ssyncset.done $0x0  }
0x5b: {  	[sflag:s1] =	ssyncadd.s32 $0xFFFFF000  }
0x5c: {  	_ =	swait.ge [sflag:s1], $0x1000  }
0x5d: {  	[sflag:s1] =	ssyncset.done $0x0  }
0x5e: {  	[sflag:s1] =	ssyncadd.s32 $0xFFFFF000  }
0x5f: {  	p0 =	por $0x0, $0x0;
	_ =	swait.ge [sflag:s1], $0x1000  }
0x60: {  	s5 =	simm.s32 @!p0 $0x5000;
	[sflag:s1] =	ssyncset.done $0x0  }
0x61: {  	s21 =	simm.s32 @!p0 $0x80;
	s6 =	simm.s32 @!p0 $0x500;
	[sflag:s1] =	ssyncadd.s32 $0xFFFFF000  }
0x62: {  	[tilespmem:s5], [sflag:$0x1] =	stream.indirect.gather @!p0 [spmem:s2], $0x20, s6, s21, $0xb8;
	[tilespmem:$0x19000] =	vst v63  }
0x63: {  	s5 =	simm.s32 @!p0 $0x580;
	s6 =	simm.s32 @!p0 $0x6000  }
0x64: {  	[tilespmem:s6], [sflag:$0x1] =	stream.indirect.gather @!p0 [spmem:s2], $0x20, s5, s21, $0xb8;
	[tilespmem:$0x19000] =	vst v63  }
0x65: {  	s5 =	simm.s32 @!p0 $0x600;
	s6 =	simm.s32 @!p0 $0x7000  }
0x66: {  	[tilespmem:s6], [sflag:$0x1] =	stream.indirect.gather @!p0 [spmem:s2], $0x20, s5, s21, $0xb8;
	[tilespmem:$0x19000] =	vst v63  }
0x67: {  	s5 =	simm.s32 @!p0 $0x680;
	s6 =	simm.s32 @!p0 $0x8000  }
0x68: {  	[tilespmem:s6], [sflag:$0x1] =	stream.indirect.gather @!p0 [spmem:s2], $0x20, s5, s21, $0xb8;
	[tilespmem:$0x19000] =	vst v63  }
0x69: {  	s5 =	simm.s32 @!p0 $0x700;
	s6 =	simm.s32 @!p0 $0x9000  }
0x6a: {  	[tilespmem:s6], [sflag:$0x1] =	stream.indirect.gather @!p0 [spmem:s2], $0x20, s5, s21, $0xb8;
	[tilespmem:$0x19000] =	vst v63  }
0x6b: {  	_ =	swait.ge [sflag:s0], $0x1000  }
0x6c: {  	[sflag:s0] =	ssyncset.done $0x0  }
0x6d: {  	[sflag:s0] =	ssyncadd.s32 $0xFFFFF000  }
0x6e: {  	_ =	swait.ge [sflag:s0], $0x1000  }
0x6f: {  	[sflag:s0] =	ssyncset.done $0x0  }
0x70: {  	[sflag:s0] =	ssyncadd.s32 $0xFFFFF000  }
0x71: {  	_ =	swait.ge [sflag:s0], $0x1000  }
0x72: {  	[sflag:s0] =	ssyncset.done $0x0  }
0x73: {  	[sflag:s0] =	ssyncadd.s32 $0xFFFFF000  }
0x74: {  	_ =	swait.ge [sflag:s0], $0x1000  }
0x75: {  	[sflag:s0] =	ssyncset.done $0x0  }
0x76: {  	[sflag:s0] =	ssyncadd.s32 $0xFFFFF000  }
0x77: {  	_ =	swait.ge [sflag:s0], $0x1000  }
0x78: {  	[sflag:s0] =	ssyncset.done $0x0  }
0x79: {  	s9 =	simm.s32 $0x2A80;
	[sflag:s0] =	ssyncadd.s32 $0xFFFFF000  }
0x7a: {  	[spmem:s3] =	stream.indirect.scatter.add.f32 [tilespmem:s25], [sflag:$0x4], $0x20, s9, s16, $0xb8;
	[tilespmem:$0x19000] =	vst v63  }
0x7b: {  	s10 =	simm.s32 $0x2B00  }
0x7c: {  	[spmem:s3] =	stream.indirect.scatter.add.f32 [tilespmem:s26], [sflag:$0x4], $0x20, s10, s16, $0xb8;
	[tilespmem:$0x19000] =	vst v63  }
0x7d: {  	s14 =	simm.s32 $0x2B80  }
0x7e: {  	[spmem:s3] =	stream.indirect.scatter.add.f32 [tilespmem:s28], [sflag:$0x4], $0x20, s14, s16, $0xb8;
	[tilespmem:$0x19000] =	vst v63  }
0x7f: {  	s21 =	simm.s32 $0x2C00  }
0x80: {  	[spmem:s3] =	stream.indirect.scatter.add.f32 [tilespmem:s29], [sflag:$0x4], $0x20, s21, s16, $0xb8;
	[tilespmem:$0x19000] =	vst v63  }
0x81: {  	s23 =	simm.s32 $0x2C80  }
0x82: {  	[spmem:s3] =	stream.indirect.scatter.add.f32 [tilespmem:s30], [sflag:$0x4], $0x20, s23, s16, $0xb8;
	[tilespmem:$0x19000] =	vst v63  }
0x83: {  	_ =	swait.ge [sflag:s12], $0x1000  }
0x84: {  	[sflag:s12] =	ssyncset.done $0x0  }
0x85: {  	[sflag:s12] =	ssyncadd.s32 $0xFFFFF000  }
0x86: {  	_ =	swait.ge [sflag:s12], $0x1000  }
0x87: {  	[sflag:s12] =	ssyncset.done $0x0  }
0x88: {  	[sflag:s12] =	ssyncadd.s32 $0xFFFFF000  }
0x89: {  	_ =	swait.ge [sflag:s12], $0x1000  }
0x8a: {  	[sflag:s12] =	ssyncset.done $0x0  }
0x8b: {  	[sflag:s12] =	ssyncadd.s32 $0xFFFFF000  }
0x8c: {  	_ =	swait.ge [sflag:s12], $0x1000  }
0x8d: {  	[sflag:s12] =	ssyncset.done $0x0  }
0x8e: {  	[sflag:s12] =	ssyncadd.s32 $0xFFFFF000  }
0x8f: {  	s5 =	simm.s32 $0x2800;
	_ =	swait.ge [sflag:s12], $0x1000  }
0x90: {  	s21 =	simm.s32 $0x500;
	s23 =	simm.s32 $0x1400;
	[sflag:s12] =	ssyncset.done $0x0  }
.LBB2_2:
0x91: {  	s7 =	sadd.s32 $0x280, s21  }
0x92: {  	[sflag:s12] =	ssyncadd.s32 $0xFFFFF000;
	s6 =	smov.u32 s5;
	s5 =	sadd.s32 $0x1400, s5  }
0x93: {  	[tilespmem:s25], [sflag:$0x2] =	stream.indirect.gather [spmem:s2], $0x20, s7, s16, $0xb8;
	[tilespmem:$0x19000] =	vst v63  }
0x94: {  	p0 =	sne.s32 s5, $0xA000;
	s7 =	sadd.s32 $0x300, s21  }
0x95: {  	[tilespmem:s26], [sflag:$0x2] =	stream.indirect.gather [spmem:s2], $0x20, s7, s16, $0xb8;
	[tilespmem:$0x19000] =	vst v63  }
0x96: {  	s7 =	sadd.s32 $0x380, s21  }
0x97: {  	[tilespmem:s28], [sflag:$0x2] =	stream.indirect.gather [spmem:s2], $0x20, s7, s16, $0xb8;
	[tilespmem:$0x19000] =	vst v63  }
0x98: {  	s7 =	sadd.s32 $0x400, s21  }
0x99: {  	[tilespmem:s29], [sflag:$0x2] =	stream.indirect.gather [spmem:s2], $0x20, s7, s16, $0xb8;
	[tilespmem:$0x19000] =	vst v63  }
0x9a: {  	s7 =	sadd.s32 $0x480, s21  }
0x9b: {  	[tilespmem:s30], [sflag:$0x2] =	stream.indirect.gather [spmem:s2], $0x20, s7, s16, $0xb8;
	[tilespmem:$0x19000] =	vst v63  }
0x9c: {  	_ =	swait.ge [sflag:s31], $0x1000  }
0x9d: {  	[sflag:s31] =	ssyncset.done $0x0  }
0x9e: {  	[sflag:s31] =	ssyncadd.s32 $0xFFFFF000  }
0x9f: {  	_ =	swait.ge [sflag:s31], $0x1000  }
0xa0: {  	[sflag:s31] =	ssyncset.done $0x0  }
0xa1: {  	[sflag:s31] =	ssyncadd.s32 $0xFFFFF000  }
0xa2: {  	_ =	swait.ge [sflag:s31], $0x1000  }
0xa3: {  	[sflag:s31] =	ssyncset.done $0x0  }
0xa4: {  	[sflag:s31] =	ssyncadd.s32 $0xFFFFF000  }
0xa5: {  	_ =	swait.ge [sflag:s31], $0x1000  }
0xa6: {  	[sflag:s31] =	ssyncset.done $0x0  }
0xa7: {  	[sflag:s31] =	ssyncadd.s32 $0xFFFFF000  }
0xa8: {  	_ =	swait.ge [sflag:s31], $0x1000  }
0xa9: {  	[sflag:s31] =	ssyncset.done $0x0  }
0xaa: {  	s7 =	sadd.s32 $0x2800, s21;
	[sflag:s31] =	ssyncadd.s32 $0xFFFFF000  }
0xab: {  	[spmem:s3] =	stream.indirect.scatter.add.f32 [tilespmem:s17], [sflag:$0x3], $0x20, s7, s16, $0xb8;
	[tilespmem:$0x19000] =	vst v63  }
0xac: {  	s7 =	sadd.s32 $0x2880, s21  }
0xad: {  	[spmem:s3] =	stream.indirect.scatter.add.f32 [tilespmem:s18], [sflag:$0x3], $0x20, s7, s16, $0xb8;
	[tilespmem:$0x19000] =	vst v63  }
0xae: {  	s7 =	sadd.s32 $0x2900, s21  }
0xaf: {  	[spmem:s3] =	stream.indirect.scatter.add.f32 [tilespmem:s20], [sflag:$0x3], $0x20, s7, s16, $0xb8;
	[tilespmem:$0x19000] =	vst v63  }
0xb0: {  	s7 =	sadd.s32 $0x2980, s21  }
0xb1: {  	[spmem:s3] =	stream.indirect.scatter.add.f32 [tilespmem:s22], [sflag:$0x3], $0x20, s7, s16, $0xb8;
	[tilespmem:$0x19000] =	vst v63  }
0xb2: {  	s7 =	sadd.s32 $0x2A00, s21  }
0xb3: {  	[spmem:s3] =	stream.indirect.scatter.add.f32 [tilespmem:s24], [sflag:$0x3], $0x20, s7, s16, $0xb8;
	[tilespmem:$0x19000] =	vst v63  }
0xb4: {  	_ =	swait.ge [sflag:s1], $0x1000  }
0xb5: {  	[sflag:s1] =	ssyncset.done $0x0  }
0xb6: {  	[sflag:s1] =	ssyncadd.s32 $0xFFFFF000  }
0xb7: {  	_ =	swait.ge [sflag:s1], $0x1000  }
0xb8: {  	[sflag:s1] =	ssyncset.done $0x0  }
0xb9: {  	[sflag:s1] =	ssyncadd.s32 $0xFFFFF000  }
0xba: {  	_ =	swait.ge [sflag:s1], $0x1000  }
0xbb: {  	[sflag:s1] =	ssyncset.done $0x0  }
0xbc: {  	[sflag:s1] =	ssyncadd.s32 $0xFFFFF000  }
0xbd: {  	_ =	swait.ge [sflag:s1], $0x1000  }
0xbe: {  	[sflag:s1] =	ssyncset.done $0x0  }
0xbf: {  	[sflag:s1] =	ssyncadd.s32 $0xFFFFF000  }
0xc0: {  	p1 =	seq.s32 s23, $0x8C00;
	_ =	swait.ge [sflag:s1], $0x1000  }
0xc1: {  	s7 =	sshra.s32 @!p1 s23, $0x2;
	s23 =	simm.s32 @!p1 $0x5000;
	[sflag:s1] =	ssyncset.done $0x0  }
0xc2: {  	s9 =	simm.s32 @!p1 $0x80;
	s8 =	sadd.s32 @!p1 $0x500, s7;
	[sflag:s1] =	ssyncadd.s32 $0xFFFFF000  }
0xc3: {  	[tilespmem:s23], [sflag:$0x1] =	stream.indirect.gather @!p1 [spmem:s2], $0x20, s8, s9, $0xb8;
	[tilespmem:$0x19000] =	vst v63  }
0xc4: {  	s10 =	sadd.s32 @!p1 $0x600, s7;
	s8 =	sadd.s32 @!p1 $0x580, s7;
	s23 =	simm.s32 @!p1 $0x6000  }
0xc5: {  	[tilespmem:s23], [sflag:$0x1] =	stream.indirect.gather @!p1 [spmem:s2], $0x20, s8, s9, $0xb8;
	[tilespmem:$0x19000] =	vst v63  }
0xc6: {  	s14 =	sadd.s32 @!p1 $0x680, s7;
	s7 =	sadd.s32 @!p1 $0x700, s7;
	s8 =	simm.s32 @!p1 $0x7000  }
0xc7: {  	[tilespmem:s8], [sflag:$0x1] =	stream.indirect.gather @!p1 [spmem:s2], $0x20, s10, s9, $0xb8;
	[tilespmem:$0x19000] =	vst v63  }
0xc8: {  	s23 =	smov.u32 s6;
	s8 =	simm.s32 @!p1 $0x8000  }
0xc9: {  	[tilespmem:s8], [sflag:$0x1] =	stream.indirect.gather @!p1 [spmem:s2], $0x20, s14, s9, $0xb8;
	[tilespmem:$0x19000] =	vst v63  }
0xca: {  	s6 =	simm.s32 @!p1 $0x9000  }
0xcb: {  	[tilespmem:s6], [sflag:$0x1] =	stream.indirect.gather @!p1 [spmem:s2], $0x20, s7, s9, $0xb8;
	[tilespmem:$0x19000] =	vst v63  }
0xcc: {  	_ =	swait.ge [sflag:s0], $0x1000  }
0xcd: {  	[sflag:s0] =	ssyncset.done $0x0  }
0xce: {  	[sflag:s0] =	ssyncadd.s32 $0xFFFFF000  }
0xcf: {  	_ =	swait.ge [sflag:s0], $0x1000  }
0xd0: {  	[sflag:s0] =	ssyncset.done $0x0  }
0xd1: {  	[sflag:s0] =	ssyncadd.s32 $0xFFFFF000  }
0xd2: {  	_ =	swait.ge [sflag:s0], $0x1000  }
0xd3: {  	[sflag:s0] =	ssyncset.done $0x0  }
0xd4: {  	[sflag:s0] =	ssyncadd.s32 $0xFFFFF000  }
0xd5: {  	_ =	swait.ge [sflag:s0], $0x1000  }
0xd6: {  	[sflag:s0] =	ssyncset.done $0x0  }
0xd7: {  	[sflag:s0] =	ssyncadd.s32 $0xFFFFF000  }
0xd8: {  	_ =	swait.ge [sflag:s0], $0x1000  }
0xd9: {  	[sflag:s0] =	ssyncset.done $0x0  }
0xda: {  	s6 =	sadd.s32 $0x2A80, s21;
	[sflag:s0] =	ssyncadd.s32 $0xFFFFF000  }
0xdb: {  	[spmem:s3] =	stream.indirect.scatter.add.f32 [tilespmem:s25], [sflag:$0x4], $0x20, s6, s16, $0xb8;
	[tilespmem:$0x19000] =	vst v63  }
0xdc: {  	s6 =	sadd.s32 $0x2B00, s21  }
0xdd: {  	[spmem:s3] =	stream.indirect.scatter.add.f32 [tilespmem:s26], [sflag:$0x4], $0x20, s6, s16, $0xb8;
	[tilespmem:$0x19000] =	vst v63  }
0xde: {  	s6 =	sadd.s32 $0x2B80, s21  }
0xdf: {  	[spmem:s3] =	stream.indirect.scatter.add.f32 [tilespmem:s28], [sflag:$0x4], $0x20, s6, s16, $0xb8;
	[tilespmem:$0x19000] =	vst v63  }
0xe0: {  	s6 =	sadd.s32 $0x2C00, s21  }
0xe1: {  	[spmem:s3] =	stream.indirect.scatter.add.f32 [tilespmem:s29], [sflag:$0x4], $0x20, s6, s16, $0xb8;
	[tilespmem:$0x19000] =	vst v63  }
0xe2: {  	s6 =	sadd.s32 $0x2C80, s21  }
0xe3: {  	[spmem:s3] =	stream.indirect.scatter.add.f32 [tilespmem:s30], [sflag:$0x4], $0x20, s6, s16, $0xb8;
	[tilespmem:$0x19000] =	vst v63  }
0xe4: {  	_ =	swait.ge [sflag:s12], $0x1000  }
0xe5: {  	[sflag:s12] =	ssyncset.done $0x0  }
0xe6: {  	[sflag:s12] =	ssyncadd.s32 $0xFFFFF000  }
0xe7: {  	_ =	swait.ge [sflag:s12], $0x1000  }
0xe8: {  	[sflag:s12] =	ssyncset.done $0x0  }
0xe9: {  	[sflag:s12] =	ssyncadd.s32 $0xFFFFF000  }
0xea: {  	_ =	swait.ge [sflag:s12], $0x1000  }
0xeb: {  	[sflag:s12] =	ssyncset.done $0x0  }
0xec: {  	[sflag:s12] =	ssyncadd.s32 $0xFFFFF000  }
.Ltmp0:
0xed: {  	_ =	swait.ge [sflag:s12], $0x1000;
	(pc) =	sbr.rel @p0 .LBB2_2-.Ltmp0, $4  }
0xee: {  	[sflag:s12] =	ssyncset.done $0x0  }
0xef: {  	[sflag:s12] =	ssyncadd.s32 $0xFFFFF000  }
0xf0: {  	_ =	swait.ge [sflag:s12], $0x1000  }
0xf1: {  	s21 =	sshra.s32 s23, $0x2;
	[sflag:s12] =	ssyncset.done $0x0  }
0xf2: {  	s5 =	sadd.s32 $0x280, s21;
	[sflag:s12] =	ssyncadd.s32 $0xFFFFF000  }
0xf3: {  	[tilespmem:s25], [sflag:$0x2] =	stream.indirect.gather [spmem:s2], $0x20, s5, s16, $0xb8;
	[tilespmem:$0x19000] =	vst v63  }
0xf4: {  	s10 =	sadd.s32 $0x300, s21  }
0xf5: {  	[tilespmem:s26], [sflag:$0x2] =	stream.indirect.gather [spmem:s2], $0x20, s10, s16, $0xb8;
	[tilespmem:$0x19000] =	vst v63  }
0xf6: {  	s14 =	sadd.s32 $0x380, s21  }
0xf7: {  	[tilespmem:s28], [sflag:$0x2] =	stream.indirect.gather [spmem:s2], $0x20, s14, s16, $0xb8;
	[tilespmem:$0x19000] =	vst v63  }
0xf8: {  	s6 =	sadd.s32 $0x400, s21  }
0xf9: {  	[tilespmem:s29], [sflag:$0x2] =	stream.indirect.gather [spmem:s2], $0x20, s6, s16, $0xb8;
	[tilespmem:$0x19000] =	vst v63  }
0xfa: {  	s7 =	sadd.s32 $0x480, s21  }
0xfb: {  	[tilespmem:s30], [sflag:$0x2] =	stream.indirect.gather [spmem:s2], $0x20, s7, s16, $0xb8;
	[tilespmem:$0x19000] =	vst v63  }
0xfc: {  	_ =	swait.ge [sflag:s31], $0x1000  }
0xfd: {  	[sflag:s31] =	ssyncset.done $0x0  }
0xfe: {  	[sflag:s31] =	ssyncadd.s32 $0xFFFFF000  }
0xff: {  	_ =	swait.ge [sflag:s31], $0x1000  }
0x100: {  	[sflag:s31] =	ssyncset.done $0x0  }
0x101: {  	[sflag:s31] =	ssyncadd.s32 $0xFFFFF000  }
0x102: {  	_ =	swait.ge [sflag:s31], $0x1000  }
0x103: {  	[sflag:s31] =	ssyncset.done $0x0  }
0x104: {  	[sflag:s31] =	ssyncadd.s32 $0xFFFFF000  }
0x105: {  	_ =	swait.ge [sflag:s31], $0x1000  }
0x106: {  	[sflag:s31] =	ssyncset.done $0x0  }
0x107: {  	[sflag:s31] =	ssyncadd.s32 $0xFFFFF000  }
0x108: {  	_ =	swait.ge [sflag:s31], $0x1000  }
0x109: {  	[sflag:s31] =	ssyncset.done $0x0  }
0x10a: {  	s8 =	sadd.s32 $0x2800, s21;
	[sflag:s31] =	ssyncadd.s32 $0xFFFFF000  }
0x10b: {  	[spmem:s3] =	stream.indirect.scatter.add.f32 [tilespmem:s17], [sflag:$0x3], $0x20, s8, s16, $0xb8;
	[tilespmem:$0x19000] =	vst v63  }
0x10c: {  	s9 =	sadd.s32 $0x2880, s21  }
0x10d: {  	[spmem:s3] =	stream.indirect.scatter.add.f32 [tilespmem:s18], [sflag:$0x3], $0x20, s9, s16, $0xb8;
	[tilespmem:$0x19000] =	vst v63  }
0x10e: {  	s10 =	sadd.s32 $0x2900, s21  }
0x10f: {  	[spmem:s3] =	stream.indirect.scatter.add.f32 [tilespmem:s20], [sflag:$0x3], $0x20, s10, s16, $0xb8;
	[tilespmem:$0x19000] =	vst v63  }
0x110: {  	s14 =	sadd.s32 $0x2980, s21  }
0x111: {  	[spmem:s3] =	stream.indirect.scatter.add.f32 [tilespmem:s22], [sflag:$0x3], $0x20, s14, s16, $0xb8;
	[tilespmem:$0x19000] =	vst v63  }
0x112: {  	s6 =	sadd.s32 $0x2A00, s21  }
0x113: {  	[spmem:s3] =	stream.indirect.scatter.add.f32 [tilespmem:s24], [sflag:$0x3], $0x20, s6, s16, $0xb8;
	[tilespmem:$0x19000] =	vst v63  }
0x114: {  	_ =	swait.ge [sflag:s1], $0x1000  }
0x115: {  	[sflag:s1] =	ssyncset.done $0x0  }
0x116: {  	[sflag:s1] =	ssyncadd.s32 $0xFFFFF000  }
0x117: {  	_ =	swait.ge [sflag:s1], $0x1000  }
0x118: {  	[sflag:s1] =	ssyncset.done $0x0  }
0x119: {  	[sflag:s1] =	ssyncadd.s32 $0xFFFFF000  }
0x11a: {  	_ =	swait.ge [sflag:s1], $0x1000  }
0x11b: {  	[sflag:s1] =	ssyncset.done $0x0  }
0x11c: {  	[sflag:s1] =	ssyncadd.s32 $0xFFFFF000  }
0x11d: {  	_ =	swait.ge [sflag:s1], $0x1000  }
0x11e: {  	[sflag:s1] =	ssyncset.done $0x0  }
0x11f: {  	p0 =	seq.s32 s23, $0x8C00;
	[sflag:s1] =	ssyncadd.s32 $0xFFFFF000  }
0x120: {  	s5 =	sshra.s32 @!p0 s23, $0x2;
	_ =	swait.ge [sflag:s1], $0x1000  }
0x121: {  	s7 =	sadd.s32 @!p0 $0x500, s5;
	[sflag:s1] =	ssyncset.done $0x0  }
0x122: {  	s8 =	simm.s32 @!p0 $0x80;
	s6 =	simm.s32 @!p0 $0x5000;
	[sflag:s1] =	ssyncadd.s32 $0xFFFFF000  }
0x123: {  	[tilespmem:s6], [sflag:$0x1] =	stream.indirect.gather @!p0 [spmem:s2], $0x20, s7, s8, $0xb8;
	[tilespmem:$0x19000] =	vst v63  }
0x124: {  	s6 =	sadd.s32 @!p0 $0x580, s5;
	s7 =	simm.s32 @!p0 $0x6000  }
0x125: {  	[tilespmem:s7], [sflag:$0x1] =	stream.indirect.gather @!p0 [spmem:s2], $0x20, s6, s8, $0xb8;
	[tilespmem:$0x19000] =	vst v63  }
0x126: {  	s6 =	sadd.s32 @!p0 $0x600, s5;
	s7 =	simm.s32 @!p0 $0x7000  }
0x127: {  	[tilespmem:s7], [sflag:$0x1] =	stream.indirect.gather @!p0 [spmem:s2], $0x20, s6, s8, $0xb8;
	[tilespmem:$0x19000] =	vst v63  }
0x128: {  	s6 =	sadd.s32 @!p0 $0x680, s5;
	s7 =	simm.s32 @!p0 $0x8000  }
0x129: {  	[tilespmem:s7], [sflag:$0x1] =	stream.indirect.gather @!p0 [spmem:s2], $0x20, s6, s8, $0xb8;
	[tilespmem:$0x19000] =	vst v63  }
0x12a: {  	s5 =	sadd.s32 @!p0 $0x700, s5;
	s6 =	simm.s32 @!p0 $0x9000  }
0x12b: {  	[tilespmem:s6], [sflag:$0x1] =	stream.indirect.gather @!p0 [spmem:s2], $0x20, s5, s8, $0xb8;
	[tilespmem:$0x19000] =	vst v63  }
0x12c: {  	_ =	swait.ge [sflag:s0], $0x1000  }
0x12d: {  	[sflag:s0] =	ssyncset.done $0x0  }
0x12e: {  	[sflag:s0] =	ssyncadd.s32 $0xFFFFF000  }
0x12f: {  	_ =	swait.ge [sflag:s0], $0x1000  }
0x130: {  	[sflag:s0] =	ssyncset.done $0x0  }
0x131: {  	[sflag:s0] =	ssyncadd.s32 $0xFFFFF000  }
0x132: {  	_ =	swait.ge [sflag:s0], $0x1000  }
0x133: {  	[sflag:s0] =	ssyncset.done $0x0  }
0x134: {  	[sflag:s0] =	ssyncadd.s32 $0xFFFFF000  }
0x135: {  	_ =	swait.ge [sflag:s0], $0x1000  }
0x136: {  	[sflag:s0] =	ssyncset.done $0x0  }
0x137: {  	[sflag:s0] =	ssyncadd.s32 $0xFFFFF000  }
0x138: {  	_ =	swait.ge [sflag:s0], $0x1000  }
0x139: {  	[sflag:s0] =	ssyncset.done $0x0  }
0x13a: {  	s7 =	sadd.s32 $0x2A80, s21;
	[sflag:s0] =	ssyncadd.s32 $0xFFFFF000  }
0x13b: {  	[spmem:s3] =	stream.indirect.scatter.add.f32 [tilespmem:s25], [sflag:$0x4], $0x20, s7, s16, $0xb8;
	[tilespmem:$0x19000] =	vst v63  }
0x13c: {  	s8 =	sadd.s32 $0x2B00, s21  }
0x13d: {  	[spmem:s3] =	stream.indirect.scatter.add.f32 [tilespmem:s26], [sflag:$0x4], $0x20, s8, s16, $0xb8;
	[tilespmem:$0x19000] =	vst v63  }
0x13e: {  	s9 =	sadd.s32 $0x2B80, s21  }
0x13f: {  	[spmem:s3] =	stream.indirect.scatter.add.f32 [tilespmem:s28], [sflag:$0x4], $0x20, s9, s16, $0xb8;
	[tilespmem:$0x19000] =	vst v63  }
0x140: {  	s10 =	sadd.s32 $0x2C00, s21  }
0x141: {  	[spmem:s3] =	stream.indirect.scatter.add.f32 [tilespmem:s29], [sflag:$0x4], $0x20, s10, s16, $0xb8;
	[tilespmem:$0x19000] =	vst v63  }
0x142: {  	s14 =	sadd.s32 $0x2C80, s21  }
0x143: {  	[spmem:s3] =	stream.indirect.scatter.add.f32 [tilespmem:s30], [sflag:$0x4], $0x20, s14, s16, $0xb8;
	[tilespmem:$0x19000] =	vst v63  }
0x144: {  	_ =	swait.ge [sflag:s12], $0x1000  }
0x145: {  	[sflag:s12] =	ssyncset.done $0x0  }
0x146: {  	[sflag:s12] =	ssyncadd.s32 $0xFFFFF000  }
0x147: {  	_ =	swait.ge [sflag:s12], $0x1000  }
0x148: {  	[sflag:s12] =	ssyncset.done $0x0  }
0x149: {  	[sflag:s12] =	ssyncadd.s32 $0xFFFFF000  }
0x14a: {  	_ =	swait.ge [sflag:s12], $0x1000  }
0x14b: {  	[sflag:s12] =	ssyncset.done $0x0  }
0x14c: {  	[sflag:s12] =	ssyncadd.s32 $0xFFFFF000  }
0x14d: {  	_ =	swait.ge [sflag:s12], $0x1000  }
0x14e: {  	[sflag:s12] =	ssyncset.done $0x0  }
0x14f: {  	[sflag:s12] =	ssyncadd.s32 $0xFFFFF000  }
0x150: {  	_ =	swait.ge [sflag:s12], $0x1000  }
0x151: {  	[sflag:s12] =	ssyncset.done $0x0  }
0x152: {  	[sflag:s12] =	ssyncadd.s32 $0xFFFFF000  }
0x153: {  	[bflag:$0x0] =	sbarrier.arrive $0xFFFF  }
0x154: {  	s21 =	rddreg [dreg:$0x9]  }
0x155: {  	[hbm:s21], [sflag:s13] =	dma.local [spmem:s15], $0xA00  }
0x156: {  	_ =	swait.ge [sflag:s11], $0xA00  }
0x157: {  	s19 =	sadd.s32 $0x1, s19;
	s23 =	rddreg [dreg:$0x8]  }
0x158: {  	p0 =	sne.s32 s19, s23  }
.Ltmp1:
0x159: {  	_ = 	snop;
	(pc) =	sbr.rel @p0 .LBB2_1-.Ltmp1, $3  }
0x15a: {  	_ =	sdelay $0x1  }
0x15b: {  	[sflag:s11] =	ssyncset.done $0x0  }
0x15c: {  	[sflag:s11] =	ssyncadd.s32 $0xFFFFF600  }
0x15d: {  	_ =	sfence.sel $0x180000  }
0x15e: {  	[bflag:$0x0] =	sbarrier.arrive $0xFFFF  }
0x15f: {  	_ =	strace $0x9000004A  }
0x160: {  	s0 =	stileid.u32;
	[bflag:$0x2] =	sbarrier.arrive $0xFFFF  }
0x161: {  	p0 =	sne.s32 s0, $0x0;
	s0 =	rddreg [dreg:$0x3]  }
0x162: {  	s0 =	sadd.s32 @!p0 $0x100000, s0  }
0x163: {  	[sflag:s0] =	ssyncadd.tile.s32 @!p0 $0x1;
	_ =	shalt  }
.Lfunc_end2:
_tile_overlayer_lowered:
.L_overlay_start_2:
0x164: {  	(tag) =	ssettag $0x2  }
0x165: {  	s0 =	rddreg [dreg:$0x0];
	s2 =	stileid.u32  }
0x166: {  	s1 =	rddreg [dreg:$0x1];
	p0 =	sne.s32 s2, $0x0  }
0x167: {  	s3 =	rddreg [dreg:$0x2];
	[bflag:$0x3] =	sbarrier.arrive $0xFFFF;
	s2 =	simm.s32 @!p0 $0x1C05  }
0x168: {  	[timem:s3], [sflag:s2] =	dma.local @!p0 [hbm:s0], s1  }
0x169: {  	s0 =	simm.s32 @!p0 $0x5  }
0x16a: {  	_ =	swait.ge @!p0 [sflag:s0], s1  }
0x16b: {  	s1 =	ssub.s32 @!p0 $0x0, s1;
	[sflag:s0] =	ssyncset.done @!p0 $0x0  }
0x16c: {  	[sflag:s0] =	ssyncadd.s32 @!p0 s1  }
0x16d: {  	[bflag:$0x3] =	sbarrier.arrive $0xFFFF  }
0x16e: {  	_ =	shalt  }

// kernel: kernel.7.cloned.1.call-start
scs
__scs_entry_jumppad:
0x0: {  	(pc) =	sbr.rel $0x88, $3  }
0x1: {  	(tag) =	ssettag $0x0;
	lr =	simm.s32 $0x1  }
0x2: {  	[smem:$0x3F94] =	sst lr;
	_ =	strace $0xD0000000  }
0x3: {  	_ = 	snop  }
0x4: {  	_ = 	snop  }
0x5: {  	_ = 	snop  }
0x6: {  	_ = 	snop  }
0x7: {  	_ = 	snop  }
__scs_overlays_trampoline_lowered:
0x8: {  	[smem:$0x3FA3] =	sst s0  }
0x9: {  	[smem:$0x3FA4] =	sst s1  }
0xa: {  	[smem:$0x3FA5] =	sst s2  }
0xb: {  	[smem:$0x3FA6] =	sst s3  }
0xc: {  	[smem:$0x3FA7] =	sst s4  }
0xd: {  	[smem:$0x3FA8] =	sst s5  }
0xe: {  	[smem:$0x3FA9] =	sst s6  }
0xf: {  	[smem:$0x3FAA] =	sst s7  }
0x10: {  	[smem:$0x3FAB] =	sst s8  }
0x11: {  	[smem:$0x3FAC] =	sst s9;
	s0 =	simm.s32 @!p0 $0x0  }
0x12: {  	s1 =	sld [smem:$0x3F92];
	s0 =	simm.s32 @p0 $0x1  }
0x13: {  	[smem:$0x3FAD] =	sst s0;
	s0 =	simm.s32 @!p1 $0x0  }
0x14: {  	s2 =	sld [smem:$0x3F91];
	s0 =	simm.s32 @p1 $0x1  }
0x15: {  	[smem:$0x3FAE] =	sst s0;
	s0 =	simm.s32 @!p2 $0x0  }
0x16: {  	s3 =	sld [smem:$0x3FDB];
	s0 =	simm.s32 @p2 $0x1  }
0x17: {  	s4 =	simm.s32 $0x1BF5;
	[smem:$0x3FB0] =	sst s0  }
0x18: {  	s0 =	sld [smem:$0x3F93];
	_ =	swait.ge [sflag:s4], $0x0  }
0x19: {  	s7 =	sld [smem:$0x3F94]  }
0x1a: {  	s8 =	sadd.s32 $0xFFFFE003, lr  }
0x1b: {  	s9 =	sadd.s32 $0xFFFFFEF7, lr;
	s5 =	simm.s32 $0xFFFFFFFF;
	p2 =	slt.u32 s8, $0xFFFFF086  }
0x1c: {  	p1 =	slt.u32 s9, $0xF7A;
	s5 =	simm.s32 @!p2 $0x0  }
0x1d: {  	s5 =	simm.s32 @p1 $0x1;
	p0 =	seq.s32 s7, s2  }
0x1e: {  	s7 =	smul.u32 @!p0 $0xF7A, s2;
	p2 =	seq.s32 @!p0 s5, $0x0  }
0x1f: {  	s9 =	smul.u32 $0xF7A, s1;
	s8 =	simm.s32 @!p0 $0x1BF5;
	p2 =	por !p2, p0  }
0x20: {  	[sflag:s8] =	ssyncset.s32 @!p0 $0xFFFFF086;
	s6 =	sadd.s32 @!p0 s3, s7;
	s7 =	simm.s32 @!p0 $0x108  }
0x21: {  	s3 =	sadd.s32 s3, s9;
	s6 =	sadd.s32 @!p0 $0x88, s6;
	s7 =	simm.s32 @p2 $0x1082  }
0x22: {  	[simem:s7], [sflag:s8] =	dma.local @!p0 [hbm:s6], $0xF7A  }
0x23: {  	s9 =	sor.u32 $0xD0000000, s2;
	s6 =	simm.s32 $0x108;
	_ =	swait.ge @!p0 [sflag:s8], $0x0  }
0x24: {  	s3 =	sadd.s32 $0x88, s3;
	s6 =	simm.s32 @!p1 $0x1082;
	[sflag:s4] =	ssyncset.s32 $0xFFFFF086  }
0x25: {  	[simem:s6], [sflag:s4] =	dma.local [hbm:s3], $0xF7A  }
0x26: {  	[smem:$0x3F94] =	sst s1;
	(tag) =	ssettag s2;
	_ =	strace s9  }
0x27: {  	s1 =	sld [smem:$0x3FA4]  }
0x28: {  	s2 =	sld [smem:$0x3FA5]  }
0x29: {  	s4 =	sld [smem:$0x3FA7]  }
0x2a: {  	p0 =	seq.s32 s5, $0x0;
	s5 =	sld [smem:$0x3FA8]  }
0x2b: {  	s6 =	sld [smem:$0x3FA9]  }
0x2c: {  	s7 =	sld [smem:$0x3FAA]  }
0x2d: {  	s3 =	simm.s32 $0x108;
	s8 =	sld [smem:$0x3FAB]  }
0x2e: {  	s3 =	simm.s32 @!p0 $0x1082;
	s9 =	sld [smem:$0x3FAC]  }
0x2f: {  	lr =	sadd.s32 s0, s3;
	s0 =	sld [smem:$0x3FA3]  }
0x30: {  	s3 =	sld [smem:$0x3FA6]  }
0x31: {  	[smem:$0x3FAF] =	sst s10  }
0x32: {  	s10 =	sld [smem:$0x3FAD];
	_ =	sdelay $0x3  }
0x33: {  	p0 =	seq.s32 s10, $0x1;
	s10 =	sld [smem:$0x3FAF];
	_ =	sdelay $0x3  }
0x34: {  	[smem:$0x3FAF] =	sst s10  }
0x35: {  	s10 =	sld [smem:$0x3FAE];
	_ =	sdelay $0x3  }
0x36: {  	p1 =	seq.s32 s10, $0x1;
	s10 =	sld [smem:$0x3FAF];
	_ =	sdelay $0x3  }
0x37: {  	[smem:$0x3FAF] =	sst s10  }
0x38: {  	s10 =	sld [smem:$0x3FB0]  }
0x39: {  	_ = 	snop;
	(pc) =	sbr.ind lr, $3  }
0x3a: {  	_ = 	snop  }
0x3b: {  	_ = 	snop  }
0x3c: {  	p2 =	seq.s32 s10, $0x1;
	s10 =	sld [smem:$0x3FAF]  }
0x3d: {  	_ =	shalt  }
0x3e: {  	_ =	shalt  }
0x3f: {  	_ =	shalt  }
0x40: {  	_ =	shalt  }
0x41: {  	_ =	shalt  }
0x42: {  	_ =	shalt  }
0x43: {  	_ =	shalt  }
0x44: {  	_ =	shalt  }
0x45: {  	_ =	shalt  }
0x46: {  	_ =	shalt  }
0x47: {  	_ =	shalt  }
0x48: {  	_ =	shalt  }
0x49: {  	_ =	shalt  }
0x4a: {  	_ =	shalt  }
0x4b: {  	_ =	shalt  }
0x4c: {  	_ =	shalt  }
0x4d: {  	_ =	shalt  }
0x4e: {  	_ =	shalt  }
0x4f: {  	_ =	shalt  }
0x50: {  	_ =	shalt  }
0x51: {  	_ =	shalt  }
0x52: {  	_ =	shalt  }
0x53: {  	_ =	shalt  }
0x54: {  	_ =	shalt  }
0x55: {  	_ =	shalt  }
0x56: {  	_ =	shalt  }
0x57: {  	_ =	shalt  }
0x58: {  	_ =	shalt  }
0x59: {  	_ =	shalt  }
0x5a: {  	_ =	shalt  }
0x5b: {  	_ =	shalt  }
0x5c: {  	_ =	shalt  }
0x5d: {  	_ =	shalt  }
0x5e: {  	_ =	shalt  }
0x5f: {  	_ =	shalt  }
0x60: {  	_ =	shalt  }
0x61: {  	_ =	shalt  }
0x62: {  	_ =	shalt  }
0x63: {  	_ =	shalt  }
0x64: {  	_ =	shalt  }
0x65: {  	_ =	shalt  }
0x66: {  	_ =	shalt  }
0x67: {  	_ =	shalt  }
0x68: {  	_ =	shalt  }
0x69: {  	_ =	shalt  }
0x6a: {  	_ =	shalt  }
0x6b: {  	_ =	shalt  }
0x6c: {  	_ =	shalt  }
0x6d: {  	_ =	shalt  }
0x6e: {  	_ =	shalt  }
0x6f: {  	_ =	shalt  }
0x70: {  	_ =	shalt  }
0x71: {  	_ =	shalt  }
0x72: {  	_ =	shalt  }
0x73: {  	_ =	shalt  }
0x74: {  	_ =	shalt  }
0x75: {  	_ =	shalt  }
0x76: {  	_ =	shalt  }
0x77: {  	_ =	shalt  }
0x78: {  	_ =	shalt  }
0x79: {  	_ =	shalt  }
0x7a: {  	_ =	shalt  }
0x7b: {  	_ =	shalt  }
0x7c: {  	_ =	shalt  }
0x7d: {  	_ =	shalt  }
0x7e: {  	_ =	shalt  }
0x7f: {  	_ =	shalt  }
0x80: {  	_ =	shalt  }
0x81: {  	_ =	shalt  }
0x82: {  	_ =	shalt  }
0x83: {  	_ =	shalt  }
0x84: {  	_ =	shalt  }
0x85: {  	_ =	shalt  }
0x86: {  	_ =	shalt  }
0x87: {  	_ =	shalt  }
.Lfunc_end0:
.L_simem_size_0:
called_computation_lowered:
.L_overlay_start_0:
0x88: {  	s2 =	sld [smem:$0x3FD9]  }
0x89: {  	s3 =	sld [smem:$0x3FFE];
	_ =	sdelay $0x1  }
0x8a: {  	s1 =	srdreg.scid  }
0x8b: {  	s0 =	sand.u32 $0x1, s1  }
0x8c: {  	s16 =	sshll.u32 s0, $0xA;
	s2 =	sadd.s32 s3, s2  }
0x8d: {  	s2 =	sadd.s32 s2, s16  }
0x8e: {  	[smem:$0x3FBB] =	sst s2  }
0x8f: {  	_ = 	snop  }
0x90: {  	(tm) =	ssettm $0x1  }
0x91: {  	s17 =	sld [smem:$0x3FFB];
	_ =	sdelay $0x3  }
0x92: {  	_ =	strace s17  }
0x93: {  	s2 =	sld [smem:$0x3FFC];
	_ =	sdelay $0x3  }
0x94: {  	_ =	strace s2  }
0x95: {  	s2 =	sld [smem:$0x3FFD];
	_ =	sdelay $0x3  }
0x96: {  	_ =	strace s2  }
0x97: {  	_ =	strace $0x8FFFFFFF  }
0x98: {  	s18 =	sld [smem:$0x3FDB];
	_ =	sdelay $0x1  }
0x99: {  	s19 =	simm.s32 $_scs_section_size  }
0x9a: {  	s4 =	simm.s32 $_size__tile_overlayer_lowered;
	s5 =	simm.s32 $_tile_overlayer_lowered  }
0x9b: {  	s22 =	simm.s32 $0x1BFF;
	s21 =	sshll.u32 s5, $0x1;
	s2 =	sadd.s32 s19, s18  }
0x9c: {  	s6 =	simm.s32 $0x0;
	s20 =	sshll.u32 s4, $0x1;
	s4 =	sadd.s32 s21, s2  }
0x9d: {  	[timem:s6], [sflag:s22] =	dma.local [hbm:s4], s20  }
0x9e: {  	_ =	swait.ge [sflag:s22], s20  }
0x9f: {  	s3 =	ssub.s32 $0x0, s20;
	[sflag:s22] =	ssyncset.done $0x0  }
0xa0: {  	[sflag:s22] =	ssyncadd.s32 s3;
	_ =	sdelay $0x1  }
0xa1: {  	s23 =	simm.s32 $0x1B8B  }
0xa2: {  	_ =	swait.ge [sflag:s23], $0x1  }
0xa3: {  	[sflag:s23] =	ssyncset.done $0x0  }
0xa4: {  	s25 =	simm.s32 $0x1B8E;
	s24 =	sld [smem:$0x3FFE];
	[sflag:s23] =	ssyncadd.s32 $0xFFFFFFFF  }
0xa5: {  	s26 =	simm.s32 $execute0_lowered;
	[smem:$0x3FD2] =	sst s25  }
0xa6: {  	s4 =	sshll.u32 s26, $0x1;
	_ =	strace $0x80000046;
	[dreg:$0x1] =	wrdreg $0xFFFFFFFF  }
0xa7: {  	s28 =	simm.s32 $_size_execute0_lowered;
	s2 =	sadd.s32 s2, s4;
	[dreg:$0x0] =	wrdreg $0x0  }
0xa8: {  	s4 =	sshll.u32 s28, $0x1;
	[dreg:$0x2] =	wrdreg s2  }
0xa9: {  	[dreg:$0x3] =	wrdreg s4  }
0xaa: {  	[dreg:$0x4] =	wrdreg $0xC0  }
0xab: {  	_ =	task [dreg:s6], $0x5FFFF  }
0xac: {  	[dreg:$0x1] =	wrdreg $0xFFFFFFFF  }
0xad: {  	[dreg:$0x0] =	wrdreg $0x60  }
0xae: {  	[dreg:$0x2] =	wrdreg s24  }
0xaf: {  	[dreg:$0x3] =	wrdreg $0x190000  }
0xb0: {  	[dreg:$0x4] =	wrdreg $0x140000  }
0xb1: {  	[dreg:$0x5] =	wrdreg $0x9  }
0xb2: {  	_ =	task.clear_ibuf [dreg:s6], $0x6FFFF;
	_ =	strace $0x90000046  }
0xb3: {  	s29 =	simm.s32 $0x9;
	_ =	strace $0x80000048  }
0xb4: {  	_ =	swait.ge [sflag:s29], $0x1  }
0xb5: {  	[sflag:s29] =	ssyncadd.s32 $0xFFFFFFFF  }
0xb6: {  	_ =	strace $0x90000048  }
0xb7: {  	_ =	sfence  }
0xb8: {  	s30 =	sld [smem:$0x0];
	_ =	sdelay $0x2  }
0xb9: {  	s31 =	sshll.u32 s1, $0xD;
	s1 =	sshrl.u32 s1, $0x2  }
0xba: {  	s3 =	sand.u32 $0x4000, s31;
	s1 =	sadd.s32 s1, s30  }
0xbb: {  	s0 =	sor.u32 s3, s0;
	s1 =	sshll.u32 s1, $0x11  }
0xbc: {  	s0 =	sor.u32 s1, s0  }
0xbd: {  	s0 =	sadd.s32 $0x8F2B, s0  }
0xbe: {  	[sflag:s0] =	ssyncadd.remote.s32 $0x1  }
0xbf: {  	_ =	sfence.sel $0xFFFF  }
0xc0: {  	[dreg:$0x0] =	wrdreg $0xFFFFFFFF;
	(pc) =	sbr.abs _section_cstart, $3  }
0xc1: {  	[dreg:$0x1] =	wrdreg $0xFFFFFFFF  }
0xc2: {  	_ =	task.clear_ibuf [dreg:s6], $0x2FFFF;
	_ =	strace $0x9FFFFFFF  }
0xc3: {  	(tm) =	ssettm $0x7FFFFFFF  }
tec
execute0_lowered:
.L_overlay_start_1:
0x0: {  	(tag) =	ssettag $0x1  }
0x1: {  	s0 =	rddreg [dreg:$0x0]  }
0x2: {  	s8 =	stileid.u32;
	s2 =	rddreg [dreg:$0x1]  }
0x3: {  	s1 =	srdreg.scid;
	s3 =	rddreg [dreg:$0x2]  }
0x4: {  	s4 =	simm.s32 $0x0;
	s11 =	simm.s32 $0x5;
	s16 =	simm.s32 $0x80  }
0x5: {  	s17 =	simm.s32 $0xA000;
	s28 =	simm.s32 $0x11000;
	s29 =	simm.s32 $0x12000  }
0x6: {  	s30 =	simm.s32 $0x13000;
	s31 =	simm.s32 $0x1;
	s5 =	smul.u32 $0xA00, s8  }
0x7: {  	s12 =	simm.s32 $0x4;
	s1 =	sand.u32 $0x1, s1;
	s7 =	smul.u32 $0x280, s8  }
0x8: {  	[smem:$0x7FF] =	sst s4;
	s18 =	sadd.s32 $0x2AA00, s0;
	s9 =	smul.u32 $0x5000, s8  }
0x9: {  	s25 =	sshll.u32 s8, $0x6;
	s6 =	smul.u32 $0x2800, s1;
	_ =	strace $0x80000047  }
0xa: {  	[dreg:$0x4] =	wrdreg s18;
	s1 =	ssub.s32 $0x2, s1;
	s13 =	sor.u32 $0x1C05, s25  }
0xb: {  	s18 =	simm.s32 $0xB000;
	s25 =	simm.s32 $0xF000;
	s5 =	sadd.s32 s5, s0  }
0xc: {  	s19 =	sshrl.u32 s1, $0x1;
	s21 =	sadd.s32 s9, s2;
	s23 =	sadd.s32 s9, s3  }
0xd: {  	s6 =	sadd.s32 s7, s6;
	s1 =	ssub.s32 s1, s19;
	s20 =	sadd.s32 $0x2A00, s5  }
0xe: {  	s5 =	sadd.s32 $0xCA00, s5;
	s26 =	sshrl.u32 s21, $0x3;
	[dreg:$0x5] =	wrdreg s20  }
0xf: {  	s15 =	sshrl.u32 s23, $0x3;
	s19 =	simm.s32 $0x0;
	[dreg:$0x6] =	wrdreg s5  }
0x10: {  	s6 =	sshll.u32 s6, $0x2;
	s24 =	smax.u32 s1, $0x1;
	[dreg:$0xa] =	wrdreg s26  }
0x11: {  	s20 =	simm.s32 $0xC000;
	s26 =	simm.s32 $0x10000;
	s0 =	sadd.s32 s6, s0  }
0x12: {  	s1 =	simm.s32 $0x3;
	[dreg:$0x9] =	wrdreg s24;
	s22 =	sadd.s32 $0x16A00, s0  }
0x13: {  	s24 =	simm.s32 $0xE000;
	s0 =	sadd.s32 $0x2B400, s0;
	[dreg:$0x7] =	wrdreg s22  }
0x14: {  	[dreg:$0x8] =	wrdreg s0;
	s22 =	simm.s32 $0xD000;
	s0 =	simm.s32 $0x2  }
.LBB2_1:
0x15: {  	s5 =	rddreg [dreg:$0x5]  }
0x16: {  	[tilespmem:s4], [sflag:$0x5] =	stream.linear.gather [hbm4b:s5+s4], $0x5000, $0x38;
	[tilespmem:$0x1E000] =	vst v63  }
0x17: {  	_ =	swait.ge [sflag:s11], $0x5000  }
0x18: {  	[sflag:s11] =	ssyncset.done $0x0  }
0x19: {  	s6 =	simm.s32 $0x5000;
	s8 =	rddreg [dreg:$0x6];
	[sflag:s11] =	ssyncadd.s32 $0xFFFFB000  }
0x1a: {  	[tilespmem:s6], [sflag:$0x5] =	stream.linear.gather [hbm4b:s8+s4], $0x5000, $0x38;
	[tilespmem:$0x1E000] =	vst v63  }
0x1b: {  	_ =	swait.ge [sflag:s11], $0x5000  }
0x1c: {  	[sflag:s11] =	ssyncset.done $0x0;
	s9 =	rddreg [dreg:$0x7]  }
0x1d: {  	s10 =	rddreg [dreg:$0xa];
	[sflag:s11] =	ssyncadd.s32 $0xFFFFB000  }
0x1e: {  	[spmem:s10], [sflag:s13] =	dma.local [hbm:s9], $0xA00  }
0x1f: {  	_ =	swait.ge [sflag:s11], $0xA00  }
0x20: {  	[sflag:s11] =	ssyncset.done $0x0  }
0x21: {  	s14 =	rddreg [dreg:$0x4];
	[sflag:s11] =	ssyncadd.s32 $0xFFFFF600  }
0x22: {  	[spmem:s15], [sflag:s13] =	dma.local [hbm:s14], $0xA00  }
0x23: {  	_ =	swait.ge [sflag:s11], $0xA00  }
0x24: {  	[sflag:s11] =	ssyncset.done $0x0  }
0x25: {  	[sflag:s11] =	ssyncadd.s32 $0xFFFFF600  }
0x26: {  	[bflag:$0x0] =	sbarrier.arrive $0xFFFF  }
0x27: {  	[tilespmem:s17], [sflag:$0x1] =	stream.indirect.gather [spmem:s2], $0x20, s4, s16, $0xb8;
	[tilespmem:$0x1E000] =	vst v63  }
0x28: {  	_ = 	snop  }
0x29: {  	[tilespmem:s18], [sflag:$0x1] =	stream.indirect.gather [spmem:s2], $0x20, s16, s16, $0xb8;
	[tilespmem:$0x1E000] =	vst v63  }
0x2a: {  	s21 =	simm.s32 $0x100  }
0x2b: {  	[tilespmem:s20], [sflag:$0x1] =	stream.indirect.gather [spmem:s2], $0x20, s21, s16, $0xb8;
	[tilespmem:$0x1E000] =	vst v63  }
0x2c: {  	s23 =	simm.s32 $0x180  }
0x2d: {  	[tilespmem:s22], [sflag:$0x1] =	stream.indirect.gather [spmem:s2], $0x20, s23, s16, $0xb8;
	[tilespmem:$0x1E000] =	vst v63  }
0x2e: {  	s6 =	simm.s32 $0x200  }
0x2f: {  	[tilespmem:s24], [sflag:$0x1] =	stream.indirect.gather [spmem:s2], $0x20, s6, s16, $0xb8;
	[tilespmem:$0x1E000] =	vst v63  }
0x30: {  	s7 =	simm.s32 $0x280  }
0x31: {  	[tilespmem:s25], [sflag:$0x2] =	stream.indirect.gather [spmem:s2], $0x20, s7, s16, $0xb8;
	[tilespmem:$0x1E000] =	vst v63  }
0x32: {  	s8 =	simm.s32 $0x300  }
0x33: {  	[tilespmem:s26], [sflag:$0x2] =	stream.indirect.gather [spmem:s2], $0x20, s8, s16, $0xb8;
	[tilespmem:$0x1E000] =	vst v63  }
0x34: {  	s9 =	simm.s32 $0x380  }
0x35: {  	[tilespmem:s28], [sflag:$0x2] =	stream.indirect.gather [spmem:s2], $0x20, s9, s16, $0xb8;
	[tilespmem:$0x1E000] =	vst v63  }
0x36: {  	s10 =	simm.s32 $0x400  }
0x37: {  	[tilespmem:s29], [sflag:$0x2] =	stream.indirect.gather [spmem:s2], $0x20, s10, s16, $0xb8;
	[tilespmem:$0x1E000] =	vst v63  }
0x38: {  	s14 =	simm.s32 $0x480  }
0x39: {  	[tilespmem:s30], [sflag:$0x2] =	stream.indirect.gather [spmem:s2], $0x20, s14, s16, $0xb8;
	[tilespmem:$0x1E000] =	vst v63  }
0x3a: {  	_ =	swait.ge [sflag:s31], $0x1000  }
0x3b: {  	[sflag:s31] =	ssyncset.done $0x0  }
0x3c: {  	[sflag:s31] =	ssyncadd.s32 $0xFFFFF000  }
0x3d: {  	_ =	swait.ge [sflag:s31], $0x1000  }
0x3e: {  	[sflag:s31] =	ssyncset.done $0x0  }
0x3f: {  	[sflag:s31] =	ssyncadd.s32 $0xFFFFF000  }
0x40: {  	_ =	swait.ge [sflag:s31], $0x1000  }
0x41: {  	[sflag:s31] =	ssyncset.done $0x0  }
0x42: {  	[sflag:s31] =	ssyncadd.s32 $0xFFFFF000  }
0x43: {  	_ =	swait.ge [sflag:s31], $0x1000  }
0x44: {  	[sflag:s31] =	ssyncset.done $0x0  }
0x45: {  	[sflag:s31] =	ssyncadd.s32 $0xFFFFF000  }
0x46: {  	_ =	swait.ge [sflag:s31], $0x1000  }
0x47: {  	[sflag:s31] =	ssyncset.done $0x0  }
0x48: {  	s21 =	simm.s32 $0x5000;
	[sflag:s31] =	ssyncadd.s32 $0xFFFFF000  }
0x49: {  	[spmem:s3] =	stream.indirect.scatter.add.f32 [tilespmem:s17], [sflag:$0x3], $0x20, s21, s16, $0xb8;
	[tilespmem:$0x1E000] =	vst v63  }
0x4a: {  	s23 =	simm.s32 $0x5080  }
0x4b: {  	[spmem:s3] =	stream.indirect.scatter.add.f32 [tilespmem:s18], [sflag:$0x3], $0x20, s23, s16, $0xb8;
	[tilespmem:$0x1E000] =	vst v63  }
0x4c: {  	s6 =	simm.s32 $0x5100  }
0x4d: {  	[spmem:s3] =	stream.indirect.scatter.add.f32 [tilespmem:s20], [sflag:$0x3], $0x20, s6, s16, $0xb8;
	[tilespmem:$0x1E000] =	vst v63  }
0x4e: {  	s7 =	simm.s32 $0x5180  }
0x4f: {  	[spmem:s3] =	stream.indirect.scatter.add.f32 [tilespmem:s22], [sflag:$0x3], $0x20, s7, s16, $0xb8;
	[tilespmem:$0x1E000] =	vst v63  }
0x50: {  	s8 =	simm.s32 $0x5200  }
0x51: {  	[spmem:s3] =	stream.indirect.scatter.add.f32 [tilespmem:s24], [sflag:$0x3], $0x20, s8, s16, $0xb8;
	[tilespmem:$0x1E000] =	vst v63  }
0x52: {  	_ =	swait.ge [sflag:s1], $0x1000  }
0x53: {  	[sflag:s1] =	ssyncset.done $0x0  }
0x54: {  	[sflag:s1] =	ssyncadd.s32 $0xFFFFF000  }
0x55: {  	_ =	swait.ge [sflag:s1], $0x1000  }
0x56: {  	[sflag:s1] =	ssyncset.done $0x0  }
0x57: {  	[sflag:s1] =	ssyncadd.s32 $0xFFFFF000  }
0x58: {  	_ =	swait.ge [sflag:s1], $0x1000  }
0x59: {  	[sflag:s1] =	ssyncset.done $0x0  }
0x5a: {  	[sflag:s1] =	ssyncadd.s32 $0xFFFFF000  }
0x5b: {  	_ =	swait.ge [sflag:s1], $0x1000  }
0x5c: {  	[sflag:s1] =	ssyncset.done $0x0  }
0x5d: {  	[sflag:s1] =	ssyncadd.s32 $0xFFFFF000  }
0x5e: {  	p0 =	por $0x0, $0x0;
	_ =	swait.ge [sflag:s1], $0x1000  }
0x5f: {  	s5 =	simm.s32 @!p0 $0xA000;
	[sflag:s1] =	ssyncset.done $0x0  }
0x60: {  	s21 =	simm.s32 @!p0 $0x80;
	s6 =	simm.s32 @!p0 $0x500;
	[sflag:s1] =	ssyncadd.s32 $0xFFFFF000  }
0x61: {  	[tilespmem:s5], [sflag:$0x1] =	stream.indirect.gather @!p0 [spmem:s2], $0x20, s6, s21, $0xb8;
	[tilespmem:$0x1E000] =	vst v63  }
0x62: {  	s5 =	simm.s32 @!p0 $0x580;
	s6 =	simm.s32 @!p0 $0xB000  }
0x63: {  	[tilespmem:s6], [sflag:$0x1] =	stream.indirect.gather @!p0 [spmem:s2], $0x20, s5, s21, $0xb8;
	[tilespmem:$0x1E000] =	vst v63  }
0x64: {  	s5 =	simm.s32 @!p0 $0x600;
	s6 =	simm.s32 @!p0 $0xC000  }
0x65: {  	[tilespmem:s6], [sflag:$0x1] =	stream.indirect.gather @!p0 [spmem:s2], $0x20, s5, s21, $0xb8;
	[tilespmem:$0x1E000] =	vst v63  }
0x66: {  	s5 =	simm.s32 @!p0 $0x680;
	s6 =	simm.s32 @!p0 $0xD000  }
0x67: {  	[tilespmem:s6], [sflag:$0x1] =	stream.indirect.gather @!p0 [spmem:s2], $0x20, s5, s21, $0xb8;
	[tilespmem:$0x1E000] =	vst v63  }
0x68: {  	s5 =	simm.s32 @!p0 $0x700;
	s6 =	simm.s32 @!p0 $0xE000  }
0x69: {  	[tilespmem:s6], [sflag:$0x1] =	stream.indirect.gather @!p0 [spmem:s2], $0x20, s5, s21, $0xb8;
	[tilespmem:$0x1E000] =	vst v63  }
0x6a: {  	_ =	swait.ge [sflag:s0], $0x1000  }
0x6b: {  	[sflag:s0] =	ssyncset.done $0x0  }
0x6c: {  	[sflag:s0] =	ssyncadd.s32 $0xFFFFF000  }
0x6d: {  	_ =	swait.ge [sflag:s0], $0x1000  }
0x6e: {  	[sflag:s0] =	ssyncset.done $0x0  }
0x6f: {  	[sflag:s0] =	ssyncadd.s32 $0xFFFFF000  }
0x70: {  	_ =	swait.ge [sflag:s0], $0x1000  }
0x71: {  	[sflag:s0] =	ssyncset.done $0x0  }
0x72: {  	[sflag:s0] =	ssyncadd.s32 $0xFFFFF000  }
0x73: {  	_ =	swait.ge [sflag:s0], $0x1000  }
0x74: {  	[sflag:s0] =	ssyncset.done $0x0  }
0x75: {  	[sflag:s0] =	ssyncadd.s32 $0xFFFFF000  }
0x76: {  	_ =	swait.ge [sflag:s0], $0x1000  }
0x77: {  	[sflag:s0] =	ssyncset.done $0x0  }
0x78: {  	s9 =	simm.s32 $0x5280;
	[sflag:s0] =	ssyncadd.s32 $0xFFFFF000  }
0x79: {  	[spmem:s3] =	stream.indirect.scatter.add.f32 [tilespmem:s25], [sflag:$0x4], $0x20, s9, s16, $0xb8;
	[tilespmem:$0x1E000] =	vst v63  }
0x7a: {  	s10 =	simm.s32 $0x5300  }
0x7b: {  	[spmem:s3] =	stream.indirect.scatter.add.f32 [tilespmem:s26], [sflag:$0x4], $0x20, s10, s16, $0xb8;
	[tilespmem:$0x1E000] =	vst v63  }
0x7c: {  	s14 =	simm.s32 $0x5380  }
0x7d: {  	[spmem:s3] =	stream.indirect.scatter.add.f32 [tilespmem:s28], [sflag:$0x4], $0x20, s14, s16, $0xb8;
	[tilespmem:$0x1E000] =	vst v63  }
0x7e: {  	s21 =	simm.s32 $0x5400  }
0x7f: {  	[spmem:s3] =	stream.indirect.scatter.add.f32 [tilespmem:s29], [sflag:$0x4], $0x20, s21, s16, $0xb8;
	[tilespmem:$0x1E000] =	vst v63  }
0x80: {  	s23 =	simm.s32 $0x5480  }
0x81: {  	[spmem:s3] =	stream.indirect.scatter.add.f32 [tilespmem:s30], [sflag:$0x4], $0x20, s23, s16, $0xb8;
	[tilespmem:$0x1E000] =	vst v63  }
0x82: {  	_ =	swait.ge [sflag:s12], $0x1000  }
0x83: {  	[sflag:s12] =	ssyncset.done $0x0  }
0x84: {  	[sflag:s12] =	ssyncadd.s32 $0xFFFFF000  }
0x85: {  	_ =	swait.ge [sflag:s12], $0x1000  }
0x86: {  	[sflag:s12] =	ssyncset.done $0x0  }
0x87: {  	[sflag:s12] =	ssyncadd.s32 $0xFFFFF000  }
0x88: {  	_ =	swait.ge [sflag:s12], $0x1000  }
0x89: {  	[sflag:s12] =	ssyncset.done $0x0  }
0x8a: {  	[sflag:s12] =	ssyncadd.s32 $0xFFFFF000  }
0x8b: {  	_ =	swait.ge [sflag:s12], $0x1000  }
0x8c: {  	[sflag:s12] =	ssyncset.done $0x0  }
0x8d: {  	[sflag:s12] =	ssyncadd.s32 $0xFFFFF000  }
0x8e: {  	s5 =	simm.s32 $0x2800;
	_ =	swait.ge [sflag:s12], $0x1000  }
0x8f: {  	s21 =	simm.s32 $0x500;
	s23 =	simm.s32 $0x1400;
	[sflag:s12] =	ssyncset.done $0x0  }
.LBB2_2:
0x90: {  	s7 =	sadd.s32 $0x280, s21  }
0x91: {  	[sflag:s12] =	ssyncadd.s32 $0xFFFFF000;
	s6 =	smov.u32 s5;
	s5 =	sadd.s32 $0x1400, s5  }
0x92: {  	[tilespmem:s25], [sflag:$0x2] =	stream.indirect.gather [spmem:s2], $0x20, s7, s16, $0xb8;
	[tilespmem:$0x1E000] =	vst v63  }
0x93: {  	p0 =	sne.s32 s5, $0x14000;
	s7 =	sadd.s32 $0x300, s21  }
0x94: {  	[tilespmem:s26], [sflag:$0x2] =	stream.indirect.gather [spmem:s2], $0x20, s7, s16, $0xb8;
	[tilespmem:$0x1E000] =	vst v63  }
0x95: {  	s7 =	sadd.s32 $0x380, s21  }
0x96: {  	[tilespmem:s28], [sflag:$0x2] =	stream.indirect.gather [spmem:s2], $0x20, s7, s16, $0xb8;
	[tilespmem:$0x1E000] =	vst v63  }
0x97: {  	s7 =	sadd.s32 $0x400, s21  }
0x98: {  	[tilespmem:s29], [sflag:$0x2] =	stream.indirect.gather [spmem:s2], $0x20, s7, s16, $0xb8;
	[tilespmem:$0x1E000] =	vst v63  }
0x99: {  	s7 =	sadd.s32 $0x480, s21  }
0x9a: {  	[tilespmem:s30], [sflag:$0x2] =	stream.indirect.gather [spmem:s2], $0x20, s7, s16, $0xb8;
	[tilespmem:$0x1E000] =	vst v63  }
0x9b: {  	_ =	swait.ge [sflag:s31], $0x1000  }
0x9c: {  	[sflag:s31] =	ssyncset.done $0x0  }
0x9d: {  	[sflag:s31] =	ssyncadd.s32 $0xFFFFF000  }
0x9e: {  	_ =	swait.ge [sflag:s31], $0x1000  }
0x9f: {  	[sflag:s31] =	ssyncset.done $0x0  }
0xa0: {  	[sflag:s31] =	ssyncadd.s32 $0xFFFFF000  }
0xa1: {  	_ =	swait.ge [sflag:s31], $0x1000  }
0xa2: {  	[sflag:s31] =	ssyncset.done $0x0  }
0xa3: {  	[sflag:s31] =	ssyncadd.s32 $0xFFFFF000  }
0xa4: {  	_ =	swait.ge [sflag:s31], $0x1000  }
0xa5: {  	[sflag:s31] =	ssyncset.done $0x0  }
0xa6: {  	[sflag:s31] =	ssyncadd.s32 $0xFFFFF000  }
0xa7: {  	_ =	swait.ge [sflag:s31], $0x1000  }
0xa8: {  	[sflag:s31] =	ssyncset.done $0x0  }
0xa9: {  	s7 =	sadd.s32 $0x5000, s21;
	[sflag:s31] =	ssyncadd.s32 $0xFFFFF000  }
0xaa: {  	[spmem:s3] =	stream.indirect.scatter.add.f32 [tilespmem:s17], [sflag:$0x3], $0x20, s7, s16, $0xb8;
	[tilespmem:$0x1E000] =	vst v63  }
0xab: {  	s7 =	sadd.s32 $0x5080, s21  }
0xac: {  	[spmem:s3] =	stream.indirect.scatter.add.f32 [tilespmem:s18], [sflag:$0x3], $0x20, s7, s16, $0xb8;
	[tilespmem:$0x1E000] =	vst v63  }
0xad: {  	s7 =	sadd.s32 $0x5100, s21  }
0xae: {  	[spmem:s3] =	stream.indirect.scatter.add.f32 [tilespmem:s20], [sflag:$0x3], $0x20, s7, s16, $0xb8;
	[tilespmem:$0x1E000] =	vst v63  }
0xaf: {  	s7 =	sadd.s32 $0x5180, s21  }
0xb0: {  	[spmem:s3] =	stream.indirect.scatter.add.f32 [tilespmem:s22], [sflag:$0x3], $0x20, s7, s16, $0xb8;
	[tilespmem:$0x1E000] =	vst v63  }
0xb1: {  	s7 =	sadd.s32 $0x5200, s21  }
0xb2: {  	[spmem:s3] =	stream.indirect.scatter.add.f32 [tilespmem:s24], [sflag:$0x3], $0x20, s7, s16, $0xb8;
	[tilespmem:$0x1E000] =	vst v63  }
0xb3: {  	_ =	swait.ge [sflag:s1], $0x1000  }
0xb4: {  	[sflag:s1] =	ssyncset.done $0x0  }
0xb5: {  	[sflag:s1] =	ssyncadd.s32 $0xFFFFF000  }
0xb6: {  	_ =	swait.ge [sflag:s1], $0x1000  }
0xb7: {  	[sflag:s1] =	ssyncset.done $0x0  }
0xb8: {  	[sflag:s1] =	ssyncadd.s32 $0xFFFFF000  }
0xb9: {  	_ =	swait.ge [sflag:s1], $0x1000  }
0xba: {  	[sflag:s1] =	ssyncset.done $0x0  }
0xbb: {  	[sflag:s1] =	ssyncadd.s32 $0xFFFFF000  }
0xbc: {  	_ =	swait.ge [sflag:s1], $0x1000  }
0xbd: {  	[sflag:s1] =	ssyncset.done $0x0  }
0xbe: {  	[sflag:s1] =	ssyncadd.s32 $0xFFFFF000  }
0xbf: {  	p1 =	seq.s32 s23, $0x12C00;
	_ =	swait.ge [sflag:s1], $0x1000  }
0xc0: {  	s7 =	sshra.s32 @!p1 s23, $0x2;
	s23 =	simm.s32 @!p1 $0xA000;
	[sflag:s1] =	ssyncset.done $0x0  }
0xc1: {  	s9 =	simm.s32 @!p1 $0x80;
	s8 =	sadd.s32 @!p1 $0x500, s7;
	[sflag:s1] =	ssyncadd.s32 $0xFFFFF000  }
0xc2: {  	[tilespmem:s23], [sflag:$0x1] =	stream.indirect.gather @!p1 [spmem:s2], $0x20, s8, s9, $0xb8;
	[tilespmem:$0x1E000] =	vst v63  }
0xc3: {  	s10 =	sadd.s32 @!p1 $0x600, s7;
	s8 =	sadd.s32 @!p1 $0x580, s7;
	s23 =	simm.s32 @!p1 $0xB000  }
0xc4: {  	[tilespmem:s23], [sflag:$0x1] =	stream.indirect.gather @!p1 [spmem:s2], $0x20, s8, s9, $0xb8;
	[tilespmem:$0x1E000] =	vst v63  }
0xc5: {  	s14 =	sadd.s32 @!p1 $0x680, s7;
	s7 =	sadd.s32 @!p1 $0x700, s7;
	s8 =	simm.s32 @!p1 $0xC000  }
0xc6: {  	[tilespmem:s8], [sflag:$0x1] =	stream.indirect.gather @!p1 [spmem:s2], $0x20, s10, s9, $0xb8;
	[tilespmem:$0x1E000] =	vst v63  }
0xc7: {  	s23 =	smov.u32 s6;
	s8 =	simm.s32 @!p1 $0xD000  }
0xc8: {  	[tilespmem:s8], [sflag:$0x1] =	stream.indirect.gather @!p1 [spmem:s2], $0x20, s14, s9, $0xb8;
	[tilespmem:$0x1E000] =	vst v63  }
0xc9: {  	s6 =	simm.s32 @!p1 $0xE000  }
0xca: {  	[tilespmem:s6], [sflag:$0x1] =	stream.indirect.gather @!p1 [spmem:s2], $0x20, s7, s9, $0xb8;
	[tilespmem:$0x1E000] =	vst v63  }
0xcb: {  	_ =	swait.ge [sflag:s0], $0x1000  }
0xcc: {  	[sflag:s0] =	ssyncset.done $0x0  }
0xcd: {  	[sflag:s0] =	ssyncadd.s32 $0xFFFFF000  }
0xce: {  	_ =	swait.ge [sflag:s0], $0x1000  }
0xcf: {  	[sflag:s0] =	ssyncset.done $0x0  }
0xd0: {  	[sflag:s0] =	ssyncadd.s32 $0xFFFFF000  }
0xd1: {  	_ =	swait.ge [sflag:s0], $0x1000  }
0xd2: {  	[sflag:s0] =	ssyncset.done $0x0  }
0xd3: {  	[sflag:s0] =	ssyncadd.s32 $0xFFFFF000  }
0xd4: {  	_ =	swait.ge [sflag:s0], $0x1000  }
0xd5: {  	[sflag:s0] =	ssyncset.done $0x0  }
0xd6: {  	[sflag:s0] =	ssyncadd.s32 $0xFFFFF000  }
0xd7: {  	_ =	swait.ge [sflag:s0], $0x1000  }
0xd8: {  	[sflag:s0] =	ssyncset.done $0x0  }
0xd9: {  	s6 =	sadd.s32 $0x5280, s21;
	[sflag:s0] =	ssyncadd.s32 $0xFFFFF000  }
0xda: {  	[spmem:s3] =	stream.indirect.scatter.add.f32 [tilespmem:s25], [sflag:$0x4], $0x20, s6, s16, $0xb8;
	[tilespmem:$0x1E000] =	vst v63  }
0xdb: {  	s6 =	sadd.s32 $0x5300, s21  }
0xdc: {  	[spmem:s3] =	stream.indirect.scatter.add.f32 [tilespmem:s26], [sflag:$0x4], $0x20, s6, s16, $0xb8;
	[tilespmem:$0x1E000] =	vst v63  }
0xdd: {  	s6 =	sadd.s32 $0x5380, s21  }
0xde: {  	[spmem:s3] =	stream.indirect.scatter.add.f32 [tilespmem:s28], [sflag:$0x4], $0x20, s6, s16, $0xb8;
	[tilespmem:$0x1E000] =	vst v63  }
0xdf: {  	s6 =	sadd.s32 $0x5400, s21  }
0xe0: {  	[spmem:s3] =	stream.indirect.scatter.add.f32 [tilespmem:s29], [sflag:$0x4], $0x20, s6, s16, $0xb8;
	[tilespmem:$0x1E000] =	vst v63  }
0xe1: {  	s6 =	sadd.s32 $0x5480, s21  }
0xe2: {  	[spmem:s3] =	stream.indirect.scatter.add.f32 [tilespmem:s30], [sflag:$0x4], $0x20, s6, s16, $0xb8;
	[tilespmem:$0x1E000] =	vst v63  }
0xe3: {  	_ =	swait.ge [sflag:s12], $0x1000  }
0xe4: {  	[sflag:s12] =	ssyncset.done $0x0  }
0xe5: {  	[sflag:s12] =	ssyncadd.s32 $0xFFFFF000  }
0xe6: {  	_ =	swait.ge [sflag:s12], $0x1000  }
0xe7: {  	[sflag:s12] =	ssyncset.done $0x0  }
0xe8: {  	[sflag:s12] =	ssyncadd.s32 $0xFFFFF000  }
0xe9: {  	_ =	swait.ge [sflag:s12], $0x1000  }
0xea: {  	[sflag:s12] =	ssyncset.done $0x0  }
0xeb: {  	[sflag:s12] =	ssyncadd.s32 $0xFFFFF000  }
.Ltmp0:
0xec: {  	_ =	swait.ge [sflag:s12], $0x1000;
	(pc) =	sbr.rel @p0 .LBB2_2-.Ltmp0, $4  }
0xed: {  	[sflag:s12] =	ssyncset.done $0x0  }
0xee: {  	[sflag:s12] =	ssyncadd.s32 $0xFFFFF000  }
0xef: {  	_ =	swait.ge [sflag:s12], $0x1000  }
0xf0: {  	s21 =	sshra.s32 s23, $0x2;
	[sflag:s12] =	ssyncset.done $0x0  }
0xf1: {  	s5 =	sadd.s32 $0x280, s21;
	[sflag:s12] =	ssyncadd.s32 $0xFFFFF000  }
0xf2: {  	[tilespmem:s25], [sflag:$0x2] =	stream.indirect.gather [spmem:s2], $0x20, s5, s16, $0xb8;
	[tilespmem:$0x1E000] =	vst v63  }
0xf3: {  	s10 =	sadd.s32 $0x300, s21  }
0xf4: {  	[tilespmem:s26], [sflag:$0x2] =	stream.indirect.gather [spmem:s2], $0x20, s10, s16, $0xb8;
	[tilespmem:$0x1E000] =	vst v63  }
0xf5: {  	s14 =	sadd.s32 $0x380, s21  }
0xf6: {  	[tilespmem:s28], [sflag:$0x2] =	stream.indirect.gather [spmem:s2], $0x20, s14, s16, $0xb8;
	[tilespmem:$0x1E000] =	vst v63  }
0xf7: {  	s6 =	sadd.s32 $0x400, s21  }
0xf8: {  	[tilespmem:s29], [sflag:$0x2] =	stream.indirect.gather [spmem:s2], $0x20, s6, s16, $0xb8;
	[tilespmem:$0x1E000] =	vst v63  }
0xf9: {  	s7 =	sadd.s32 $0x480, s21  }
0xfa: {  	[tilespmem:s30], [sflag:$0x2] =	stream.indirect.gather [spmem:s2], $0x20, s7, s16, $0xb8;
	[tilespmem:$0x1E000] =	vst v63  }
0xfb: {  	_ =	swait.ge [sflag:s31], $0x1000  }
0xfc: {  	[sflag:s31] =	ssyncset.done $0x0  }
0xfd: {  	[sflag:s31] =	ssyncadd.s32 $0xFFFFF000  }
0xfe: {  	_ =	swait.ge [sflag:s31], $0x1000  }
0xff: {  	[sflag:s31] =	ssyncset.done $0x0  }
0x100: {  	[sflag:s31] =	ssyncadd.s32 $0xFFFFF000  }
0x101: {  	_ =	swait.ge [sflag:s31], $0x1000  }
0x102: {  	[sflag:s31] =	ssyncset.done $0x0  }
0x103: {  	[sflag:s31] =	ssyncadd.s32 $0xFFFFF000  }
0x104: {  	_ =	swait.ge [sflag:s31], $0x1000  }
0x105: {  	[sflag:s31] =	ssyncset.done $0x0  }
0x106: {  	[sflag:s31] =	ssyncadd.s32 $0xFFFFF000  }
0x107: {  	_ =	swait.ge [sflag:s31], $0x1000  }
0x108: {  	[sflag:s31] =	ssyncset.done $0x0  }
0x109: {  	s8 =	sadd.s32 $0x5000, s21;
	[sflag:s31] =	ssyncadd.s32 $0xFFFFF000  }
0x10a: {  	[spmem:s3] =	stream.indirect.scatter.add.f32 [tilespmem:s17], [sflag:$0x3], $0x20, s8, s16, $0xb8;
	[tilespmem:$0x1E000] =	vst v63  }
0x10b: {  	s9 =	sadd.s32 $0x5080, s21  }
0x10c: {  	[spmem:s3] =	stream.indirect.scatter.add.f32 [tilespmem:s18], [sflag:$0x3], $0x20, s9, s16, $0xb8;
	[tilespmem:$0x1E000] =	vst v63  }
0x10d: {  	s10 =	sadd.s32 $0x5100, s21  }
0x10e: {  	[spmem:s3] =	stream.indirect.scatter.add.f32 [tilespmem:s20], [sflag:$0x3], $0x20, s10, s16, $0xb8;
	[tilespmem:$0x1E000] =	vst v63  }
0x10f: {  	s14 =	sadd.s32 $0x5180, s21  }
0x110: {  	[spmem:s3] =	stream.indirect.scatter.add.f32 [tilespmem:s22], [sflag:$0x3], $0x20, s14, s16, $0xb8;
	[tilespmem:$0x1E000] =	vst v63  }
0x111: {  	s6 =	sadd.s32 $0x5200, s21  }
0x112: {  	[spmem:s3] =	stream.indirect.scatter.add.f32 [tilespmem:s24], [sflag:$0x3], $0x20, s6, s16, $0xb8;
	[tilespmem:$0x1E000] =	vst v63  }
0x113: {  	_ =	swait.ge [sflag:s1], $0x1000  }
0x114: {  	[sflag:s1] =	ssyncset.done $0x0  }
0x115: {  	[sflag:s1] =	ssyncadd.s32 $0xFFFFF000  }
0x116: {  	_ =	swait.ge [sflag:s1], $0x1000  }
0x117: {  	[sflag:s1] =	ssyncset.done $0x0  }
0x118: {  	[sflag:s1] =	ssyncadd.s32 $0xFFFFF000  }
0x119: {  	_ =	swait.ge [sflag:s1], $0x1000  }
0x11a: {  	[sflag:s1] =	ssyncset.done $0x0  }
0x11b: {  	[sflag:s1] =	ssyncadd.s32 $0xFFFFF000  }
0x11c: {  	_ =	swait.ge [sflag:s1], $0x1000  }
0x11d: {  	[sflag:s1] =	ssyncset.done $0x0  }
0x11e: {  	p0 =	seq.s32 s23, $0x12C00;
	[sflag:s1] =	ssyncadd.s32 $0xFFFFF000  }
0x11f: {  	s5 =	sshra.s32 @!p0 s23, $0x2;
	_ =	swait.ge [sflag:s1], $0x1000  }
0x120: {  	s7 =	sadd.s32 @!p0 $0x500, s5;
	[sflag:s1] =	ssyncset.done $0x0  }
0x121: {  	s8 =	simm.s32 @!p0 $0x80;
	s6 =	simm.s32 @!p0 $0xA000;
	[sflag:s1] =	ssyncadd.s32 $0xFFFFF000  }
0x122: {  	[tilespmem:s6], [sflag:$0x1] =	stream.indirect.gather @!p0 [spmem:s2], $0x20, s7, s8, $0xb8;
	[tilespmem:$0x1E000] =	vst v63  }
0x123: {  	s6 =	sadd.s32 @!p0 $0x580, s5;
	s7 =	simm.s32 @!p0 $0xB000  }
0x124: {  	[tilespmem:s7], [sflag:$0x1] =	stream.indirect.gather @!p0 [spmem:s2], $0x20, s6, s8, $0xb8;
	[tilespmem:$0x1E000] =	vst v63  }
0x125: {  	s6 =	sadd.s32 @!p0 $0x600, s5;
	s7 =	simm.s32 @!p0 $0xC000  }
0x126: {  	[tilespmem:s7], [sflag:$0x1] =	stream.indirect.gather @!p0 [spmem:s2], $0x20, s6, s8, $0xb8;
	[tilespmem:$0x1E000] =	vst v63  }
0x127: {  	s6 =	sadd.s32 @!p0 $0x680, s5;
	s7 =	simm.s32 @!p0 $0xD000  }
0x128: {  	[tilespmem:s7], [sflag:$0x1] =	stream.indirect.gather @!p0 [spmem:s2], $0x20, s6, s8, $0xb8;
	[tilespmem:$0x1E000] =	vst v63  }
0x129: {  	s5 =	sadd.s32 @!p0 $0x700, s5;
	s6 =	simm.s32 @!p0 $0xE000  }
0x12a: {  	[tilespmem:s6], [sflag:$0x1] =	stream.indirect.gather @!p0 [spmem:s2], $0x20, s5, s8, $0xb8;
	[tilespmem:$0x1E000] =	vst v63  }
0x12b: {  	_ =	swait.ge [sflag:s0], $0x1000  }
0x12c: {  	[sflag:s0] =	ssyncset.done $0x0  }
0x12d: {  	[sflag:s0] =	ssyncadd.s32 $0xFFFFF000  }
0x12e: {  	_ =	swait.ge [sflag:s0], $0x1000  }
0x12f: {  	[sflag:s0] =	ssyncset.done $0x0  }
0x130: {  	[sflag:s0] =	ssyncadd.s32 $0xFFFFF000  }
0x131: {  	_ =	swait.ge [sflag:s0], $0x1000  }
0x132: {  	[sflag:s0] =	ssyncset.done $0x0  }
0x133: {  	[sflag:s0] =	ssyncadd.s32 $0xFFFFF000  }
0x134: {  	_ =	swait.ge [sflag:s0], $0x1000  }
0x135: {  	[sflag:s0] =	ssyncset.done $0x0  }
0x136: {  	[sflag:s0] =	ssyncadd.s32 $0xFFFFF000  }
0x137: {  	_ =	swait.ge [sflag:s0], $0x1000  }
0x138: {  	[sflag:s0] =	ssyncset.done $0x0  }
0x139: {  	s7 =	sadd.s32 $0x5280, s21;
	[sflag:s0] =	ssyncadd.s32 $0xFFFFF000  }
0x13a: {  	[spmem:s3] =	stream.indirect.scatter.add.f32 [tilespmem:s25], [sflag:$0x4], $0x20, s7, s16, $0xb8;
	[tilespmem:$0x1E000] =	vst v63  }
0x13b: {  	s8 =	sadd.s32 $0x5300, s21  }
0x13c: {  	[spmem:s3] =	stream.indirect.scatter.add.f32 [tilespmem:s26], [sflag:$0x4], $0x20, s8, s16, $0xb8;
	[tilespmem:$0x1E000] =	vst v63  }
0x13d: {  	s9 =	sadd.s32 $0x5380, s21  }
0x13e: {  	[spmem:s3] =	stream.indirect.scatter.add.f32 [tilespmem:s28], [sflag:$0x4], $0x20, s9, s16, $0xb8;
	[tilespmem:$0x1E000] =	vst v63  }
0x13f: {  	s10 =	sadd.s32 $0x5400, s21  }
0x140: {  	[spmem:s3] =	stream.indirect.scatter.add.f32 [tilespmem:s29], [sflag:$0x4], $0x20, s10, s16, $0xb8;
	[tilespmem:$0x1E000] =	vst v63  }
0x141: {  	s14 =	sadd.s32 $0x5480, s21  }
0x142: {  	[spmem:s3] =	stream.indirect.scatter.add.f32 [tilespmem:s30], [sflag:$0x4], $0x20, s14, s16, $0xb8;
	[tilespmem:$0x1E000] =	vst v63  }
0x143: {  	_ =	swait.ge [sflag:s12], $0x1000  }
0x144: {  	[sflag:s12] =	ssyncset.done $0x0  }
0x145: {  	[sflag:s12] =	ssyncadd.s32 $0xFFFFF000  }
0x146: {  	_ =	swait.ge [sflag:s12], $0x1000  }
0x147: {  	[sflag:s12] =	ssyncset.done $0x0  }
0x148: {  	[sflag:s12] =	ssyncadd.s32 $0xFFFFF000  }
0x149: {  	_ =	swait.ge [sflag:s12], $0x1000  }
0x14a: {  	[sflag:s12] =	ssyncset.done $0x0  }
0x14b: {  	[sflag:s12] =	ssyncadd.s32 $0xFFFFF000  }
0x14c: {  	_ =	swait.ge [sflag:s12], $0x1000  }
0x14d: {  	[sflag:s12] =	ssyncset.done $0x0  }
0x14e: {  	[sflag:s12] =	ssyncadd.s32 $0xFFFFF000  }
0x14f: {  	_ =	swait.ge [sflag:s12], $0x1000  }
0x150: {  	[sflag:s12] =	ssyncset.done $0x0  }
0x151: {  	[sflag:s12] =	ssyncadd.s32 $0xFFFFF000  }
0x152: {  	[bflag:$0x0] =	sbarrier.arrive $0xFFFF  }
0x153: {  	s21 =	rddreg [dreg:$0x8]  }
0x154: {  	[hbm:s21], [sflag:s13] =	dma.local [spmem:s15], $0xA00  }
0x155: {  	_ =	swait.ge [sflag:s11], $0xA00  }
0x156: {  	s19 =	sadd.s32 $0x1, s19;
	s23 =	rddreg [dreg:$0x9]  }
0x157: {  	p0 =	sne.s32 s19, s23  }
.Ltmp1:
0x158: {  	_ = 	snop;
	(pc) =	sbr.rel @p0 .LBB2_1-.Ltmp1, $3  }
0x159: {  	_ =	sdelay $0x1  }
0x15a: {  	[sflag:s11] =	ssyncset.done $0x0  }
0x15b: {  	[sflag:s11] =	ssyncadd.s32 $0xFFFFF600  }
0x15c: {  	_ =	sfence.sel $0x180000  }
0x15d: {  	[bflag:$0x0] =	sbarrier.arrive $0xFFFF  }
0x15e: {  	_ =	strace $0x90000047  }
0x15f: {  	s0 =	stileid.u32;
	[bflag:$0x2] =	sbarrier.arrive $0xFFFF  }
0x160: {  	p0 =	sne.s32 s0, $0x0;
	s0 =	rddreg [dreg:$0x3]  }
0x161: {  	s0 =	sadd.s32 @!p0 $0x100000, s0  }
0x162: {  	[sflag:s0] =	ssyncadd.tile.s32 @!p0 $0x1;
	_ =	shalt  }
.Lfunc_end2:
_tile_overlayer_lowered:
.L_overlay_start_2:
0x163: {  	(tag) =	ssettag $0x2  }
0x164: {  	s0 =	rddreg [dreg:$0x0];
	s2 =	stileid.u32  }
0x165: {  	s1 =	rddreg [dreg:$0x1];
	p0 =	sne.s32 s2, $0x0  }
0x166: {  	s3 =	rddreg [dreg:$0x2];
	[bflag:$0x3] =	sbarrier.arrive $0xFFFF;
	s2 =	simm.s32 @!p0 $0x1C05  }
0x167: {  	[timem:s3], [sflag:s2] =	dma.local @!p0 [hbm:s0], s1  }
0x168: {  	s0 =	simm.s32 @!p0 $0x5  }
0x169: {  	_ =	swait.ge @!p0 [sflag:s0], s1  }
0x16a: {  	s1 =	ssub.s32 @!p0 $0x0, s1;
	[sflag:s0] =	ssyncset.done @!p0 $0x0  }
0x16b: {  	[sflag:s0] =	ssyncadd.s32 @!p0 s1  }
0x16c: {  	[bflag:$0x3] =	sbarrier.arrive $0xFFFF  }
0x16d: {  	_ =	shalt  }

</sc_bundles>
